<compile_context>
chip_gen: v7x
topology: tpu7x:2x2x1
jax: 0.10.2.dev20260603
libtpu: 0.0.44.dev20260713+nightly
codegen_flags: <defaults>
</compile_context>

<pallas_src>
import jax
import jax.numpy as jnp
from jax import lax
from jax.experimental import pallas as pl
from jax.experimental.pallas import tpu as pltpu
from jax.experimental.pallas import tpu_sc as plsc

N = 10000
E = 320000
HID = 128
OUT = 64
MAX_ITERS = 10
KAPPA = 0.9

NC, NS = 2, 16
NW = NC * NS
CHUNK = 64
CPW = 158
EPW = CPW * CHUNK
E_PAD = NW * EPW
N_ACC = N + 16
R_PT = 632
R_LAST_ACC = N_ACC - (NS - 1) * R_PT
R_LAST_OUT = N - (NS - 1) * R_PT

EPT = E_PAD // NS
PCH = EPT // 16
PN = 10240
PCHN = PN // 16
STRIPE = PN // NS
SCH = STRIPE // 16
NCH_REAL = N // 16

ZR = 128
M_BLK = 2000


def _bias_body(x_ref, ut_ref, b_ref, o_ref):
    o_ref[...] = (
        jnp.dot(x_ref[...], ut_ref[...], preferred_element_type=jnp.float32)
        + b_ref[...]
    )


def _final_body(h_ref, wpt_ref, bp_ref, o_ref):
    o_ref[...] = (
        jnp.dot(h_ref[...], wpt_ref[...], preferred_element_type=jnp.float32)
        + bp_ref[...]
    )


def _update_body(p0_ref, p1_ref, wt_ref, bias_ref, o_ref):
    agg = p0_ref[...] + p1_ref[...]
    o_ref[...] = jnp.maximum(
        jnp.dot(agg, wt_ref[...], preferred_element_type=jnp.float32)
        + bias_ref[...],
        0.0,
    )


def _mm(body, a, w, b, out_cols):
    m = a.shape[0]
    return pl.pallas_call(
        body,
        grid=(m // M_BLK,),
        in_specs=[
            pl.BlockSpec((M_BLK, a.shape[1]), lambda i: (i, 0)),
            pl.BlockSpec((w.shape[0], w.shape[1]), lambda i: (0, 0)),
            pl.BlockSpec((1, out_cols), lambda i: (0, 0)),
        ],
        out_specs=pl.BlockSpec((M_BLK, out_cols), lambda i: (i, 0)),
        out_shape=jax.ShapeDtypeStruct((m, out_cols), jnp.float32),
    )(a, w, b)


def _update(p0, p1, wt, bias):
    return pl.pallas_call(
        _update_body,
        grid=(N // M_BLK,),
        in_specs=[
            pl.BlockSpec((M_BLK, HID), lambda i: (i, 0)),
            pl.BlockSpec((M_BLK, HID), lambda i: (i, 0)),
            pl.BlockSpec((HID, HID), lambda i: (0, 0)),
            pl.BlockSpec((M_BLK, HID), lambda i: (i, 0)),
        ],
        out_specs=pl.BlockSpec((M_BLK, HID), lambda i: (i, 0)),
        out_shape=jax.ShapeDtypeStruct((N, HID), jnp.float32),
    )(p0, p1, wt, bias)


def _power_body(src_hbm, dst_hbm, s1_hbm, s2_hbm,
                srcv, dstv, vv, accv, rdv, sbuf, strip, s1v, s2v,
                parts, shres):
    c = lax.axis_index("c")
    s = lax.axis_index("s")
    base = s * EPT
    pltpu.sync_copy(src_hbm.at[pl.ds(base, EPT)], srcv)
    pltpu.sync_copy(dst_hbm.at[pl.ds(base, EPT)], dstv)

    @plsc.parallel_loop(0, PCHN, unroll=4)
    def initv(i):
        vv[pl.ds(i * 16, 16)] = jnp.full((16,), 0.01, jnp.float32)

    def seg(vsrc, vdst):
        @plsc.parallel_loop(0, PCHN, unroll=4)
        def z(i):
            accv[pl.ds(i * 16, 16)] = jnp.zeros((16,), jnp.float32)

        @plsc.parallel_loop(0, PCH, unroll=8)
        def e(i):
            si = srcv[pl.ds(i * 16, 16)]
            di = dstv[pl.ds(i * 16, 16)]
            plsc.addupdate_scatter(accv, [di], plsc.load_gather(vsrc, [si]))
        pltpu.sync_copy(accv, parts.at[s])
        plsc.subcore_barrier()

        pltpu.sync_copy(parts.at[pl.ds(0, NS), pl.ds(s * STRIPE, STRIPE)],
                        sbuf)

        @plsc.parallel_loop(0, SCH, unroll=2)
        def red(j):
            v = sbuf[0, pl.ds(j * 16, 16)]
            for k in range(1, NS):
                v = v + sbuf[k, pl.ds(j * 16, 16)]
            strip[pl.ds(j * 16, 16)] = v
        pltpu.sync_copy(strip, shres.at[pl.ds(s * STRIPE, STRIPE)])
        plsc.subcore_barrier()
        pltpu.sync_copy(shres, vdst)

    def power_group(i, _):
        seg(vv, rdv)
        seg(rdv, vv)
        seg(vv, rdv)
        seg(rdv, vv)
        seg(vv, rdv)
        seg(rdv, vv)
        def mx(j, m):
            return jnp.maximum(m, vv[pl.ds(j * 16, 16)])
        mvec = lax.fori_loop(0, PCHN, mx, jnp.zeros((16,), jnp.float32))
        mfull = jnp.full((16,), jnp.max(mvec)) + 1e-30

        @plsc.parallel_loop(0, PCHN, unroll=4)
        def nrm(j):
            vv[pl.ds(j * 16, 16)] = vv[pl.ds(j * 16, 16)] / mfull
        return 0
    lax.fori_loop(0, 5, power_group, 0)

    seg(vv, rdv)

    def dots(j, carry):
        s1, s2 = carry
        w = vv[pl.ds(j * 16, 16)]
        aw = rdv[pl.ds(j * 16, 16)]
        return (s1 + w * aw, s2 + w * w)
    zero16 = jnp.zeros((16,), jnp.float32)
    s1, s2 = lax.fori_loop(0, NCH_REAL, dots, (zero16, zero16))
    s1v[...] = s1
    s2v[...] = s2

    @pl.when(jnp.logical_and(c == 0, s == 0))
    def _():
        pltpu.sync_copy(s1v, s1_hbm)
        pltpu.sync_copy(s2v, s2_hbm)


_power = pl.kernel(
    _power_body,
    out_type=[jax.ShapeDtypeStruct((16,), jnp.float32),
              jax.ShapeDtypeStruct((16,), jnp.float32)],
    mesh=plsc.VectorSubcoreMesh(core_axis_name="c", subcore_axis_name="s"),
    compiler_params=pltpu.CompilerParams(needs_layout_passes=False),
    scratch_types=[
        pltpu.VMEM((EPT,), jnp.int32),
        pltpu.VMEM((EPT,), jnp.int32),
        pltpu.VMEM((PN,), jnp.float32),
        pltpu.VMEM((PN,), jnp.float32),
        pltpu.VMEM((PN,), jnp.float32),
        pltpu.VMEM((NS, STRIPE), jnp.float32),
        pltpu.VMEM((STRIPE,), jnp.float32),
        pltpu.VMEM((16,), jnp.float32),
        pltpu.VMEM((16,), jnp.float32),
        pltpu.VMEM_SHARED((NS, PN), jnp.float32),
        pltpu.VMEM_SHARED((PN,), jnp.float32),
    ],
)


def _segsum_body(h_hbm, src_hbm, dst_hbm, zrows_hbm, p0_hbm, p1_hbm,
                 srcb, dstb, rb0, rb1, gs0, gs1, acc):
    c = lax.axis_index("c")
    s = lax.axis_index("s")
    w = c * NS + s
    pltpu.sync_copy(src_hbm.at[w], srcb)
    pltpu.sync_copy(dst_hbm.at[w], dstb)
    pltpu.async_copy(h_hbm.at[srcb.at[pl.ds(0, CHUNK)]], rb0, gs0)

    base = s * R_PT
    for k in range(4):
        pltpu.sync_copy(zrows_hbm, acc.at[pl.ds(base + k * ZR, ZR)])

    @pl.when(s < NS - 1)
    def _():
        pltpu.sync_copy(zrows_hbm.at[pl.ds(0, R_PT - 4 * ZR)],
                        acc.at[pl.ds(base + 4 * ZR, R_PT - 4 * ZR)])

    @pl.when(s == NS - 1)
    def _():
        pltpu.sync_copy(zrows_hbm.at[pl.ds(0, R_LAST_ACC - 4 * ZR)],
                        acc.at[pl.ds(base + 4 * ZR, R_LAST_ACC - 4 * ZR)])
    plsc.subcore_barrier()

    def grp(g, _):
        j0 = 2 * g
        pltpu.async_copy(h_hbm.at[srcb.at[pl.ds((j0 + 1) * CHUNK, CHUNK)]],
                         rb1, gs1)
        pltpu.make_async_copy(h_hbm.at[srcb.at[pl.ds(j0 * CHUNK, CHUNK)]],
                              rb0, gs0).wait()
        pltpu.sync_copy(rb0, acc.at[dstb.at[j0]], add=True)

        @pl.when(g < CPW // 2 - 1)
        def _():
            pltpu.async_copy(
                h_hbm.at[srcb.at[pl.ds((j0 + 2) * CHUNK, CHUNK)]], rb0, gs0)
        pltpu.make_async_copy(h_hbm.at[srcb.at[pl.ds((j0 + 1) * CHUNK, CHUNK)]],
                              rb1, gs1).wait()
        pltpu.sync_copy(rb1, acc.at[dstb.at[j0 + 1]], add=True)
        return 0
    lax.fori_loop(0, CPW // 2, grp, 0)
    plsc.subcore_barrier()

    @pl.when(s < NS - 1)
    def _():
        @pl.when(c == 0)
        def _():
            pltpu.sync_copy(acc.at[pl.ds(s * R_PT, R_PT)],
                            p0_hbm.at[pl.ds(s * R_PT, R_PT)])

        @pl.when(c == 1)
        def _():
            pltpu.sync_copy(acc.at[pl.ds(s * R_PT, R_PT)],
                            p1_hbm.at[pl.ds(s * R_PT, R_PT)])

    @pl.when(s == NS - 1)
    def _():
        @pl.when(c == 0)
        def _():
            pltpu.sync_copy(acc.at[pl.ds((NS - 1) * R_PT, R_LAST_OUT)],
                            p0_hbm.at[pl.ds((NS - 1) * R_PT, R_LAST_OUT)])

        @pl.when(c == 1)
        def _():
            pltpu.sync_copy(acc.at[pl.ds((NS - 1) * R_PT, R_LAST_OUT)],
                            p1_hbm.at[pl.ds((NS - 1) * R_PT, R_LAST_OUT)])


_segsum = pl.kernel(
    _segsum_body,
    out_type=[jax.ShapeDtypeStruct((N, HID), jnp.float32),
              jax.ShapeDtypeStruct((N, HID), jnp.float32)],
    mesh=plsc.VectorSubcoreMesh(core_axis_name="c", subcore_axis_name="s"),
    scratch_types=[
        pltpu.VMEM((EPW,), jnp.int32),
        pltpu.VMEM((CPW, CHUNK), jnp.int32),
        pltpu.VMEM((CHUNK, HID), jnp.float32),
        pltpu.VMEM((CHUNK, HID), jnp.float32),
        pltpu.SemaphoreType.DMA,
        pltpu.SemaphoreType.DMA,
        pltpu.VMEM_SHARED((N_ACC, HID), jnp.float32),
    ],
)


def kernel(node_index, x, edge_index, embedding, W, U, b, Wp, bp):
    src = edge_index[0]
    dst = edge_index[1]
    npad = E_PAD - E
    ar = jnp.arange(npad, dtype=jnp.int32)
    src_p = jnp.concatenate([src, (ar * 7) % N])
    dst_p = jnp.concatenate([dst, N + (ar % 16)])
    src3 = src_p.reshape(NW, EPW)
    dst3 = dst_p.reshape(NW, CPW, CHUNK)
    zrows = jnp.zeros((ZR, HID), jnp.float32)

    s1, s2 = _power(src_p, dst_p)
    s1s = jnp.sum(s1)
    s2s = jnp.sum(s2)
    sr = jnp.where(s2s > 0, jnp.abs(s1s) / s2s, 0.0)

    k = KAPPA / jnp.maximum(sr, 1e-6)
    row = jnp.sum(jnp.abs(W), axis=1)
    scale = jnp.minimum(1.0, k / (row + 1e-12))
    WprojT = (W * scale[:, None]).T

    bias = _mm(_bias_body, x, U.T, b.reshape(1, HID), HID)
    h = embedding

    def body(i, h):
        p0, p1 = _segsum(h, src3, dst3, zrows)
        return _update(p0, p1, WprojT, bias)
    h = lax.fori_loop(0, MAX_ITERS, body, h)

    return _mm(_final_body, h, Wp.T, bp.reshape(1, OUT), OUT)

# --- scband reference (transcript-rebuilt; emitter-appended) ---
"""Pipeline reference for scband-implicit-graph-neural-net-80968723464744 (READ-ONLY COPY).

The authoritative reference and input builder live on the scoring server;
editing this copy changes nothing except your own understanding.
"""

import jax, jax.numpy as jnp
import numpy as np

N = 10000
E = 320000
D_FEAT = 128
HID = 128
OUT = 64
MAX_ITERS = 10
KAPPA = 0.9


def setup_inputs(seed: int = 0) -> dict:
    key = jax.random.key(seed)
    ks = jax.random.split(key, 8)
    node_index = jnp.arange(N, dtype=jnp.int32)
    x = jax.random.normal(ks[0], (N, D_FEAT), dtype=jnp.float32)
    edge_index = jax.random.randint(ks[1], (2, E), 0, N, dtype=jnp.int32)
    embedding = jax.random.normal(ks[2], (N, HID), dtype=jnp.float32) * 0.1
    W = jax.random.normal(ks[3], (HID, HID), dtype=jnp.float32) / np.sqrt(HID)
    U = jax.random.normal(ks[4], (HID, D_FEAT), dtype=jnp.float32) / np.sqrt(D_FEAT)
    b = jnp.zeros((HID,), dtype=jnp.float32)
    Wp = jax.random.normal(ks[5], (OUT, HID), dtype=jnp.float32) / np.sqrt(HID)
    bp = jnp.zeros((OUT,), dtype=jnp.float32)
    return {"node_index": node_index, "x": x, "edge_index": edge_index,
            "embedding": embedding, "W": W, "U": U, "b": b, "Wp": Wp, "bp": bp}


def _spectral_radius(edge_index, n):
    # Power iteration on the (unweighted) adjacency matrix defined by edge_index.
    src = edge_index[0]
    dst = edge_index[1]
    v = jnp.ones((n,), dtype=jnp.float32) / np.sqrt(n)

    def body(i, v):
        Av = jax.ops.segment_sum(v[src], dst, num_segments=n)
        return Av / (jnp.linalg.norm(Av) + 1e-12)

    v = jax.lax.fori_loop(0, 30, body, v)
    Av = jax.ops.segment_sum(v[src], dst, num_segments=n)
    return jnp.abs(jnp.vdot(v, Av))


def _projection_norm_inf(W, k):
    # Project rows of W so that the infinity norm ||W||_inf <= k.
    row = jnp.sum(jnp.abs(W), axis=1)
    scale = jnp.minimum(1.0, k / (row + 1e-12))
    return W * scale[:, None]


def reference(node_index, x, edge_index, embedding, W, U, b, Wp, bp):
    sr = _spectral_radius(edge_index, N)
    Wproj = _projection_norm_inf(W, KAPPA / jnp.maximum(sr, 1e-6))
    src = edge_index[0]
    dst = edge_index[1]
    h = jnp.take(embedding, node_index, axis=0)
    bias = x @ U.T + b  # affine map of node features (b_Omega(U) term)

    def body(i, h):
        agg = jax.ops.segment_sum(h[src], dst, num_segments=N)
        return jax.nn.relu(agg @ Wproj.T + bias)

    h = jax.lax.fori_loop(0, MAX_ITERS, body, h)
    # dropout is identity in eval mode
    return h @ Wp.T + bp

if __name__ == "__main__":
    import jax
    _d = setup_inputs()
    print(jax.jit(kernel)(*tuple(_d.values())))

</pallas_src>

<mosaic_0001>
#map = affine_map<(d0, d1) -> (0, 0)>
#map1 = affine_map<(d0, d1) -> (0, 0, 0)>
module attributes {stable_mosaic.version = 14 : i64} {
  func.func @_segsum_body(%arg0: i32, %arg1: i32, %arg2: memref<10000x128xf32, #tpu.memory_space<hbm>>, %arg3: memref<32x10112xi32, #tpu.memory_space<hbm>>, %arg4: memref<32x158x64xi32, #tpu.memory_space<hbm>>, %arg5: memref<128x128xf32, #tpu.memory_space<hbm>>, %arg6: memref<10000x128xf32, #tpu.memory_space<hbm>>, %arg7: memref<10000x128xf32, #tpu.memory_space<hbm>>, %arg8: memref<10112xi32, #tpu.memory_space<vmem>>, %arg9: memref<158x64xi32, #tpu.memory_space<vmem>>, %arg10: memref<64x128xf32, #tpu.memory_space<vmem>>, %arg11: memref<64x128xf32, #tpu.memory_space<vmem>>, %arg12: memref<!tpu.dma_semaphore, #tpu.memory_space<semaphore_mem>>, %arg13: memref<!tpu.dma_semaphore, #tpu.memory_space<semaphore_mem>>, %arg14: memref<10016x128xf32, #tpu.memory_space<vmem_shared>>) attributes {dimension_semantics = [#tpu.dimension_semantics<core_parallel>, #tpu.dimension_semantics<subcore_parallel>], iteration_bounds = array<i64: 2, 16>, scalar_prefetch = 0 : i64, scratch_operands = 7 : i64, tpu.core_type = #tpu.core_type<sc_vector_subcore>, window_params = [{transform_indices = #map}, {transform_indices = #map}, {transform_indices = #map1}, {transform_indices = #map}, {transform_indices = #map}, {transform_indices = #map}]} {
    %mul3A = arith.constant 16 : i32
    %mul3A_0 = arith.muli %arg0, %mul3A : i32
    %add3A = arith.addi %mul3A_0, %arg1 : i32
    "tpu.region"() ({
      %run_scoped3A = tpu.sem_alloc : memref<!tpu.dma_semaphore, #tpu.memory_space<semaphore_mem>>
      %dma_start3A_38 = arith.constant 0 : i32
      %dma_start3A_39 = tpu.memref_slice %arg3[%add3A, %dma_start3A_38] : memref<32x10112xi32, #tpu.memory_space<hbm>> -> memref<1x10112xi32, #tpu.memory_space<hbm>>
      %dma_start3A_40 = tpu.memref_squeeze %dma_start3A_39 : memref<1x10112xi32, #tpu.memory_space<hbm>> -> memref<10112xi32, #tpu.memory_space<hbm>>
      %dma_start3A_41 = arith.constant 0 : i32
      %dma_start3A_42 = tpu.memref_slice %arg3[%add3A, %dma_start3A_41] : memref<32x10112xi32, #tpu.memory_space<hbm>> -> memref<1x10112xi32, #tpu.memory_space<hbm>>
      %dma_start3A_43 = tpu.memref_squeeze %dma_start3A_42 : memref<1x10112xi32, #tpu.memory_space<hbm>> -> memref<10112xi32, #tpu.memory_space<hbm>>
      tpu.enqueue_dma source(%dma_start3A_43 : memref<10112xi32, #tpu.memory_space<hbm>>) target(%arg8 : memref<10112xi32, #tpu.memory_space<vmem>>) target_semaphore(%run_scoped3A : memref<!tpu.dma_semaphore, #tpu.memory_space<semaphore_mem>>)
      %dma_wait3A = arith.constant 0 : i32
      %dma_wait3A_44 = tpu.memref_slice %arg3[%add3A, %dma_wait3A] : memref<32x10112xi32, #tpu.memory_space<hbm>> -> memref<1x10112xi32, #tpu.memory_space<hbm>>
      %dma_wait3A_45 = tpu.memref_squeeze %dma_wait3A_44 : memref<1x10112xi32, #tpu.memory_space<hbm>> -> memref<10112xi32, #tpu.memory_space<hbm>>
      %dma_wait3A_46 = arith.constant 0 : i32
      %dma_wait3A_47 = tpu.memref_slice %arg3[%add3A, %dma_wait3A_46] : memref<32x10112xi32, #tpu.memory_space<hbm>> -> memref<1x10112xi32, #tpu.memory_space<hbm>>
      %dma_wait3A_48 = tpu.memref_squeeze %dma_wait3A_47 : memref<1x10112xi32, #tpu.memory_space<hbm>> -> memref<10112xi32, #tpu.memory_space<hbm>>
      tpu.wait_dma2 semaphore(%run_scoped3A : memref<!tpu.dma_semaphore, #tpu.memory_space<semaphore_mem>>) src(%dma_wait3A_48 : memref<10112xi32, #tpu.memory_space<hbm>>) dst(%arg8 : memref<10112xi32, #tpu.memory_space<vmem>>)
      tpu.yield
    }) : () -> ()
    "tpu.region"() ({
      %run_scoped3A = tpu.sem_alloc : memref<!tpu.dma_semaphore, #tpu.memory_space<semaphore_mem>>
      %dma_start3A_38 = arith.constant 0 : i32
      %dma_start3A_39 = arith.constant 0 : i32
      %dma_start3A_40 = tpu.memref_slice %arg4[%add3A, %dma_start3A_38, %dma_start3A_39] : memref<32x158x64xi32, #tpu.memory_space<hbm>> -> memref<1x158x64xi32, #tpu.memory_space<hbm>>
      %dma_start3A_41 = tpu.memref_squeeze %dma_start3A_40 : memref<1x158x64xi32, #tpu.memory_space<hbm>> -> memref<158x64xi32, #tpu.memory_space<hbm>>
      %dma_start3A_42 = arith.constant 0 : i32
      %dma_start3A_43 = arith.constant 0 : i32
      %dma_start3A_44 = tpu.memref_slice %arg4[%add3A, %dma_start3A_42, %dma_start3A_43] : memref<32x158x64xi32, #tpu.memory_space<hbm>> -> memref<1x158x64xi32, #tpu.memory_space<hbm>>
      %dma_start3A_45 = tpu.memref_squeeze %dma_start3A_44 : memref<1x158x64xi32, #tpu.memory_space<hbm>> -> memref<158x64xi32, #tpu.memory_space<hbm>>
      tpu.enqueue_dma source(%dma_start3A_45 : memref<158x64xi32, #tpu.memory_space<hbm>>) target(%arg9 : memref<158x64xi32, #tpu.memory_space<vmem>>) target_semaphore(%run_scoped3A : memref<!tpu.dma_semaphore, #tpu.memory_space<semaphore_mem>>)
      %dma_wait3A = arith.constant 0 : i32
      %dma_wait3A_46 = arith.constant 0 : i32
      %dma_wait3A_47 = tpu.memref_slice %arg4[%add3A, %dma_wait3A, %dma_wait3A_46] : memref<32x158x64xi32, #tpu.memory_space<hbm>> -> memref<1x158x64xi32, #tpu.memory_space<hbm>>
      %dma_wait3A_48 = tpu.memref_squeeze %dma_wait3A_47 : memref<1x158x64xi32, #tpu.memory_space<hbm>> -> memref<158x64xi32, #tpu.memory_space<hbm>>
      %dma_wait3A_49 = arith.constant 0 : i32
      %dma_wait3A_50 = arith.constant 0 : i32
      %dma_wait3A_51 = tpu.memref_slice %arg4[%add3A, %dma_wait3A_49, %dma_wait3A_50] : memref<32x158x64xi32, #tpu.memory_space<hbm>> -> memref<1x158x64xi32, #tpu.memory_space<hbm>>
      %dma_wait3A_52 = tpu.memref_squeeze %dma_wait3A_51 : memref<1x158x64xi32, #tpu.memory_space<hbm>> -> memref<158x64xi32, #tpu.memory_space<hbm>>
      tpu.wait_dma2 semaphore(%run_scoped3A : memref<!tpu.dma_semaphore, #tpu.memory_space<semaphore_mem>>) src(%dma_wait3A_52 : memref<158x64xi32, #tpu.memory_space<hbm>>) dst(%arg9 : memref<158x64xi32, #tpu.memory_space<vmem>>)
      tpu.yield
    }) : () -> ()
    %dma_start3A = arith.constant 0 : i32
    %dma_start3A_1 = tpu.memref_slice %arg8[%dma_start3A] : memref<10112xi32, #tpu.memory_space<vmem>> -> memref<64xi32, #tpu.memory_space<vmem>>
    %dma_start3A_2 = arith.constant 0 : i32
    %dma_start3A_3 = arith.constant 0 : i32
    %dma_start3A_4 = tpu.memref_slice %arg2[%dma_start3A_2, %dma_start3A_3] : memref<10000x128xf32, #tpu.memory_space<hbm>> -> memref<10000x128xf32, #tpu.memory_space<hbm>>
    tpu.enqueue_indirect_dma source(%dma_start3A_4 : memref<10000x128xf32, #tpu.memory_space<hbm>>) target(%arg10 : memref<64x128xf32, #tpu.memory_space<vmem>>) offsets(%dma_start3A_1 : memref<64xi32, #tpu.memory_space<vmem>>) semaphore(%arg12 : memref<!tpu.dma_semaphore, #tpu.memory_space<semaphore_mem>>)
    %mul3A_5 = arith.constant 632 : i32
    %mul3A_6 = arith.muli %arg1, %mul3A_5 : i32
    %add3A_7 = arith.constant 0 : i32
    %add3A_8 = arith.addi %mul3A_6, %add3A_7 : i32
    "tpu.region"() ({
      %run_scoped3A = tpu.sem_alloc : memref<!tpu.dma_semaphore, #tpu.memory_space<semaphore_mem>>
      %dma_start3A_38 = arith.constant 0 : i32
      %dma_start3A_39 = tpu.memref_slice %arg14[%add3A_8, %dma_start3A_38] : memref<10016x128xf32, #tpu.memory_space<vmem_shared>> -> memref<128x128xf32, #tpu.memory_space<vmem_shared>>
      tpu.enqueue_dma source(%arg5 : memref<128x128xf32, #tpu.memory_space<hbm>>) target(%dma_start3A_39 : memref<128x128xf32, #tpu.memory_space<vmem_shared>>) target_semaphore(%run_scoped3A : memref<!tpu.dma_semaphore, #tpu.memory_space<semaphore_mem>>)
      %dma_wait3A = arith.constant 0 : i32
      %dma_wait3A_40 = tpu.memref_slice %arg14[%add3A_8, %dma_wait3A] : memref<10016x128xf32, #tpu.memory_space<vmem_shared>> -> memref<128x128xf32, #tpu.memory_space<vmem_shared>>
      tpu.wait_dma2 semaphore(%run_scoped3A : memref<!tpu.dma_semaphore, #tpu.memory_space<semaphore_mem>>) src(%arg5 : memref<128x128xf32, #tpu.memory_space<hbm>>) dst(%dma_wait3A_40 : memref<128x128xf32, #tpu.memory_space<vmem_shared>>)
      tpu.yield
    }) : () -> ()
    %add3A_9 = arith.constant 128 : i32
    %add3A_10 = arith.addi %mul3A_6, %add3A_9 : i32
    "tpu.region"() ({
      %run_scoped3A = tpu.sem_alloc : memref<!tpu.dma_semaphore, #tpu.memory_space<semaphore_mem>>
      %dma_start3A_38 = arith.constant 0 : i32
      %dma_start3A_39 = tpu.memref_slice %arg14[%add3A_10, %dma_start3A_38] : memref<10016x128xf32, #tpu.memory_space<vmem_shared>> -> memref<128x128xf32, #tpu.memory_space<vmem_shared>>
      tpu.enqueue_dma source(%arg5 : memref<128x128xf32, #tpu.memory_space<hbm>>) target(%dma_start3A_39 : memref<128x128xf32, #tpu.memory_space<vmem_shared>>) target_semaphore(%run_scoped3A : memref<!tpu.dma_semaphore, #tpu.memory_space<semaphore_mem>>)
      %dma_wait3A = arith.constant 0 : i32
      %dma_wait3A_40 = tpu.memref_slice %arg14[%add3A_10, %dma_wait3A] : memref<10016x128xf32, #tpu.memory_space<vmem_shared>> -> memref<128x128xf32, #tpu.memory_space<vmem_shared>>
      tpu.wait_dma2 semaphore(%run_scoped3A : memref<!tpu.dma_semaphore, #tpu.memory_space<semaphore_mem>>) src(%arg5 : memref<128x128xf32, #tpu.memory_space<hbm>>) dst(%dma_wait3A_40 : memref<128x128xf32, #tpu.memory_space<vmem_shared>>)
      tpu.yield
    }) : () -> ()
    %add3A_11 = arith.constant 256 : i32
    %add3A_12 = arith.addi %mul3A_6, %add3A_11 : i32
    "tpu.region"() ({
      %run_scoped3A = tpu.sem_alloc : memref<!tpu.dma_semaphore, #tpu.memory_space<semaphore_mem>>
      %dma_start3A_38 = arith.constant 0 : i32
      %dma_start3A_39 = tpu.memref_slice %arg14[%add3A_12, %dma_start3A_38] : memref<10016x128xf32, #tpu.memory_space<vmem_shared>> -> memref<128x128xf32, #tpu.memory_space<vmem_shared>>
      tpu.enqueue_dma source(%arg5 : memref<128x128xf32, #tpu.memory_space<hbm>>) target(%dma_start3A_39 : memref<128x128xf32, #tpu.memory_space<vmem_shared>>) target_semaphore(%run_scoped3A : memref<!tpu.dma_semaphore, #tpu.memory_space<semaphore_mem>>)
      %dma_wait3A = arith.constant 0 : i32
      %dma_wait3A_40 = tpu.memref_slice %arg14[%add3A_12, %dma_wait3A] : memref<10016x128xf32, #tpu.memory_space<vmem_shared>> -> memref<128x128xf32, #tpu.memory_space<vmem_shared>>
      tpu.wait_dma2 semaphore(%run_scoped3A : memref<!tpu.dma_semaphore, #tpu.memory_space<semaphore_mem>>) src(%arg5 : memref<128x128xf32, #tpu.memory_space<hbm>>) dst(%dma_wait3A_40 : memref<128x128xf32, #tpu.memory_space<vmem_shared>>)
      tpu.yield
    }) : () -> ()
    %add3A_13 = arith.constant 384 : i32
    %add3A_14 = arith.addi %mul3A_6, %add3A_13 : i32
    "tpu.region"() ({
      %run_scoped3A = tpu.sem_alloc : memref<!tpu.dma_semaphore, #tpu.memory_space<semaphore_mem>>
      %dma_start3A_38 = arith.constant 0 : i32
      %dma_start3A_39 = tpu.memref_slice %arg14[%add3A_14, %dma_start3A_38] : memref<10016x128xf32, #tpu.memory_space<vmem_shared>> -> memref<128x128xf32, #tpu.memory_space<vmem_shared>>
      tpu.enqueue_dma source(%arg5 : memref<128x128xf32, #tpu.memory_space<hbm>>) target(%dma_start3A_39 : memref<128x128xf32, #tpu.memory_space<vmem_shared>>) target_semaphore(%run_scoped3A : memref<!tpu.dma_semaphore, #tpu.memory_space<semaphore_mem>>)
      %dma_wait3A = arith.constant 0 : i32
      %dma_wait3A_40 = tpu.memref_slice %arg14[%add3A_14, %dma_wait3A] : memref<10016x128xf32, #tpu.memory_space<vmem_shared>> -> memref<128x128xf32, #tpu.memory_space<vmem_shared>>
      tpu.wait_dma2 semaphore(%run_scoped3A : memref<!tpu.dma_semaphore, #tpu.memory_space<semaphore_mem>>) src(%arg5 : memref<128x128xf32, #tpu.memory_space<hbm>>) dst(%dma_wait3A_40 : memref<128x128xf32, #tpu.memory_space<vmem_shared>>)
      tpu.yield
    }) : () -> ()
    %lt3A = arith.constant 15 : i32
    %lt3A_15 = arith.cmpi slt, %arg1, %lt3A : i32
    %convert_element_type3A = arith.extui %lt3A_15 : i1 to i32
    %cond3A = arith.constant 0 : i32
    %cond3A_16 = arith.cmpi ne, %convert_element_type3A, %cond3A : i32
    scf.if %cond3A_16 {
      %add3A_38 = arith.constant 512 : i32
      %add3A_39 = arith.addi %mul3A_6, %add3A_38 : i32
      "tpu.region"() ({
        %run_scoped3A = tpu.sem_alloc : memref<!tpu.dma_semaphore, #tpu.memory_space<semaphore_mem>>
        %dma_start3A_40 = arith.constant 0 : i32
        %dma_start3A_41 = tpu.memref_slice %arg14[%add3A_39, %dma_start3A_40] : memref<10016x128xf32, #tpu.memory_space<vmem_shared>> -> memref<120x128xf32, #tpu.memory_space<vmem_shared>>
        %dma_start3A_42 = arith.constant 0 : i32
        %dma_start3A_43 = arith.constant 0 : i32
        %dma_start3A_44 = tpu.memref_slice %arg5[%dma_start3A_42, %dma_start3A_43] : memref<128x128xf32, #tpu.memory_space<hbm>> -> memref<120x128xf32, #tpu.memory_space<hbm>>
        tpu.enqueue_dma source(%dma_start3A_44 : memref<120x128xf32, #tpu.memory_space<hbm>>) target(%dma_start3A_41 : memref<120x128xf32, #tpu.memory_space<vmem_shared>>) target_semaphore(%run_scoped3A : memref<!tpu.dma_semaphore, #tpu.memory_space<semaphore_mem>>)
        %dma_wait3A = arith.constant 0 : i32
        %dma_wait3A_45 = tpu.memref_slice %arg14[%add3A_39, %dma_wait3A] : memref<10016x128xf32, #tpu.memory_space<vmem_shared>> -> memref<120x128xf32, #tpu.memory_space<vmem_shared>>
        %dma_wait3A_46 = arith.constant 0 : i32
        %dma_wait3A_47 = arith.constant 0 : i32
        %dma_wait3A_48 = tpu.memref_slice %arg5[%dma_wait3A_46, %dma_wait3A_47] : memref<128x128xf32, #tpu.memory_space<hbm>> -> memref<120x128xf32, #tpu.memory_space<hbm>>
        tpu.wait_dma2 semaphore(%run_scoped3A : memref<!tpu.dma_semaphore, #tpu.memory_space<semaphore_mem>>) src(%dma_wait3A_48 : memref<120x128xf32, #tpu.memory_space<hbm>>) dst(%dma_wait3A_45 : memref<120x128xf32, #tpu.memory_space<vmem_shared>>)
        tpu.yield
      }) : () -> ()
    } else {
    }
    %eq3A = arith.constant 15 : i32
    %eq3A_17 = arith.cmpi eq, %arg1, %eq3A : i32
    %convert_element_type3A_18 = arith.extui %eq3A_17 : i1 to i32
    %cond3A_19 = arith.constant 0 : i32
    %cond3A_20 = arith.cmpi ne, %convert_element_type3A_18, %cond3A_19 : i32
    scf.if %cond3A_20 {
      %add3A_38 = arith.constant 512 : i32
      %add3A_39 = arith.addi %mul3A_6, %add3A_38 : i32
      "tpu.region"() ({
        %run_scoped3A = tpu.sem_alloc : memref<!tpu.dma_semaphore, #tpu.memory_space<semaphore_mem>>
        %dma_start3A_40 = arith.constant 0 : i32
        %dma_start3A_41 = tpu.memref_slice %arg14[%add3A_39, %dma_start3A_40] : memref<10016x128xf32, #tpu.memory_space<vmem_shared>> -> memref<24x128xf32, #tpu.memory_space<vmem_shared>>
        %dma_start3A_42 = arith.constant 0 : i32
        %dma_start3A_43 = arith.constant 0 : i32
        %dma_start3A_44 = tpu.memref_slice %arg5[%dma_start3A_42, %dma_start3A_43] : memref<128x128xf32, #tpu.memory_space<hbm>> -> memref<24x128xf32, #tpu.memory_space<hbm>>
        tpu.enqueue_dma source(%dma_start3A_44 : memref<24x128xf32, #tpu.memory_space<hbm>>) target(%dma_start3A_41 : memref<24x128xf32, #tpu.memory_space<vmem_shared>>) target_semaphore(%run_scoped3A : memref<!tpu.dma_semaphore, #tpu.memory_space<semaphore_mem>>)
        %dma_wait3A = arith.constant 0 : i32
        %dma_wait3A_45 = tpu.memref_slice %arg14[%add3A_39, %dma_wait3A] : memref<10016x128xf32, #tpu.memory_space<vmem_shared>> -> memref<24x128xf32, #tpu.memory_space<vmem_shared>>
        %dma_wait3A_46 = arith.constant 0 : i32
        %dma_wait3A_47 = arith.constant 0 : i32
        %dma_wait3A_48 = tpu.memref_slice %arg5[%dma_wait3A_46, %dma_wait3A_47] : memref<128x128xf32, #tpu.memory_space<hbm>> -> memref<24x128xf32, #tpu.memory_space<hbm>>
        tpu.wait_dma2 semaphore(%run_scoped3A : memref<!tpu.dma_semaphore, #tpu.memory_space<semaphore_mem>>) src(%dma_wait3A_48 : memref<24x128xf32, #tpu.memory_space<hbm>>) dst(%dma_wait3A_45 : memref<24x128xf32, #tpu.memory_space<vmem_shared>>)
        tpu.yield
      }) : () -> ()
    } else {
    }
    %barrier3A = arith.constant 0 : index
    tpu.barrier barrier_id(%barrier3A)
    %scan3A = arith.constant 0 : i32
    %scan3A_21 = arith.constant 0 : i32
    %scan3A_22 = arith.constant 79 : i32
    %scan3A_23 = arith.addi %scan3A_21, %scan3A_22 : i32
    %scan3A_24 = arith.constant 1 : i32
    %scan3A_25 = scf.for %scan3A_38 = %scan3A_21 to %scan3A_23 step %scan3A_24 iter_args(%scan3A_39 = %scan3A) -> (i32)  : i32 {
      %mul3A_40 = arith.constant 2 : i32
      %mul3A_41 = arith.muli %mul3A_40, %scan3A_38 : i32
      %add3A_42 = arith.constant 1 : i32
      %add3A_43 = arith.addi %mul3A_41, %add3A_42 : i32
      %mul3A_44 = arith.constant 64 : i32
      %mul3A_45 = arith.muli %add3A_43, %mul3A_44 : i32
      %dma_start3A_46 = tpu.memref_slice %arg8[%mul3A_45] : memref<10112xi32, #tpu.memory_space<vmem>> -> memref<64xi32, #tpu.memory_space<vmem>>
      %dma_start3A_47 = arith.constant 0 : i32
      %dma_start3A_48 = arith.constant 0 : i32
      %dma_start3A_49 = tpu.memref_slice %arg2[%dma_start3A_47, %dma_start3A_48] : memref<10000x128xf32, #tpu.memory_space<hbm>> -> memref<10000x128xf32, #tpu.memory_space<hbm>>
      tpu.enqueue_indirect_dma source(%dma_start3A_49 : memref<10000x128xf32, #tpu.memory_space<hbm>>) target(%arg11 : memref<64x128xf32, #tpu.memory_space<vmem>>) offsets(%dma_start3A_46 : memref<64xi32, #tpu.memory_space<vmem>>) semaphore(%arg13 : memref<!tpu.dma_semaphore, #tpu.memory_space<semaphore_mem>>)
      %mul3A_50 = arith.constant 64 : i32
      %mul3A_51 = arith.muli %mul3A_41, %mul3A_50 : i32
      %dma_wait3A = tpu.memref_slice %arg8[%mul3A_51] : memref<10112xi32, #tpu.memory_space<vmem>> -> memref<64xi32, #tpu.memory_space<vmem>>
      %dma_wait3A_52 = arith.constant 0 : i32
      %dma_wait3A_53 = arith.constant 0 : i32
      %dma_wait3A_54 = tpu.memref_slice %arg2[%dma_wait3A_52, %dma_wait3A_53] : memref<10000x128xf32, #tpu.memory_space<hbm>> -> memref<10000x128xf32, #tpu.memory_space<hbm>>
      tpu.wait_indirect_dma semaphore(%arg12 : memref<!tpu.dma_semaphore, #tpu.memory_space<semaphore_mem>>) src(%dma_wait3A_54 : memref<10000x128xf32, #tpu.memory_space<hbm>>) dst(%arg10 : memref<64x128xf32, #tpu.memory_space<vmem>>)
      "tpu.region"() ({
        %run_scoped3A = tpu.sem_alloc : memref<!tpu.dma_semaphore, #tpu.memory_space<semaphore_mem>>
        %dma_start3A_71 = arith.constant 0 : i32
        %dma_start3A_72 = tpu.memref_slice %arg9[%mul3A_41, %dma_start3A_71] : memref<158x64xi32, #tpu.memory_space<vmem>> -> memref<1x64xi32, #tpu.memory_space<vmem>>
        %dma_start3A_73 = tpu.memref_squeeze %dma_start3A_72 : memref<1x64xi32, #tpu.memory_space<vmem>> -> memref<64xi32, #tpu.memory_space<vmem>>
        %dma_start3A_74 = arith.constant 0 : i32
        %dma_start3A_75 = arith.constant 0 : i32
        %dma_start3A_76 = tpu.memref_slice %arg14[%dma_start3A_74, %dma_start3A_75] : memref<10016x128xf32, #tpu.memory_space<vmem_shared>> -> memref<10016x128xf32, #tpu.memory_space<vmem_shared>>
        tpu.enqueue_indirect_dma source(%arg10 : memref<64x128xf32, #tpu.memory_space<vmem>>) target(%dma_start3A_76 : memref<10016x128xf32, #tpu.memory_space<vmem_shared>>) offsets(%dma_start3A_73 : memref<64xi32, #tpu.memory_space<vmem>>) semaphore(%run_scoped3A : memref<!tpu.dma_semaphore, #tpu.memory_space<semaphore_mem>>) {add = true}
        %dma_wait3A_77 = arith.constant 0 : i32
        %dma_wait3A_78 = tpu.memref_slice %arg9[%mul3A_41, %dma_wait3A_77] : memref<158x64xi32, #tpu.memory_space<vmem>> -> memref<1x64xi32, #tpu.memory_space<vmem>>
        %dma_wait3A_79 = tpu.memref_squeeze %dma_wait3A_78 : memref<1x64xi32, #tpu.memory_space<vmem>> -> memref<64xi32, #tpu.memory_space<vmem>>
        %dma_wait3A_80 = arith.constant 0 : i32
        %dma_wait3A_81 = arith.constant 0 : i32
        %dma_wait3A_82 = tpu.memref_slice %arg14[%dma_wait3A_80, %dma_wait3A_81] : memref<10016x128xf32, #tpu.memory_space<vmem_shared>> -> memref<10016x128xf32, #tpu.memory_space<vmem_shared>>
        tpu.wait_indirect_dma semaphore(%run_scoped3A : memref<!tpu.dma_semaphore, #tpu.memory_space<semaphore_mem>>) src(%arg10 : memref<64x128xf32, #tpu.memory_space<vmem>>) dst(%dma_wait3A_82 : memref<10016x128xf32, #tpu.memory_space<vmem_shared>>)
        tpu.yield
      }) : () -> ()
      %lt3A_55 = arith.constant 78 : i32
      %lt3A_56 = arith.cmpi slt, %scan3A_38, %lt3A_55 : i32
      %convert_element_type3A_57 = arith.extui %lt3A_56 : i1 to i32
      %cond3A_58 = arith.constant 0 : i32
      %cond3A_59 = arith.cmpi ne, %convert_element_type3A_57, %cond3A_58 : i32
      scf.if %cond3A_59 {
        %add3A_71 = arith.constant 2 : i32
        %add3A_72 = arith.addi %mul3A_41, %add3A_71 : i32
        %mul3A_73 = arith.constant 64 : i32
        %mul3A_74 = arith.muli %add3A_72, %mul3A_73 : i32
        %dma_start3A_75 = tpu.memref_slice %arg8[%mul3A_74] : memref<10112xi32, #tpu.memory_space<vmem>> -> memref<64xi32, #tpu.memory_space<vmem>>
        %dma_start3A_76 = arith.constant 0 : i32
        %dma_start3A_77 = arith.constant 0 : i32
        %dma_start3A_78 = tpu.memref_slice %arg2[%dma_start3A_76, %dma_start3A_77] : memref<10000x128xf32, #tpu.memory_space<hbm>> -> memref<10000x128xf32, #tpu.memory_space<hbm>>
        tpu.enqueue_indirect_dma source(%dma_start3A_78 : memref<10000x128xf32, #tpu.memory_space<hbm>>) target(%arg10 : memref<64x128xf32, #tpu.memory_space<vmem>>) offsets(%dma_start3A_75 : memref<64xi32, #tpu.memory_space<vmem>>) semaphore(%arg12 : memref<!tpu.dma_semaphore, #tpu.memory_space<semaphore_mem>>)
      } else {
      }
      %add3A_60 = arith.constant 1 : i32
      %add3A_61 = arith.addi %mul3A_41, %add3A_60 : i32
      %mul3A_62 = arith.constant 64 : i32
      %mul3A_63 = arith.muli %add3A_61, %mul3A_62 : i32
      %dma_wait3A_64 = tpu.memref_slice %arg8[%mul3A_63] : memref<10112xi32, #tpu.memory_space<vmem>> -> memref<64xi32, #tpu.memory_space<vmem>>
      %dma_wait3A_65 = arith.constant 0 : i32
      %dma_wait3A_66 = arith.constant 0 : i32
      %dma_wait3A_67 = tpu.memref_slice %arg2[%dma_wait3A_65, %dma_wait3A_66] : memref<10000x128xf32, #tpu.memory_space<hbm>> -> memref<10000x128xf32, #tpu.memory_space<hbm>>
      tpu.wait_indirect_dma semaphore(%arg13 : memref<!tpu.dma_semaphore, #tpu.memory_space<semaphore_mem>>) src(%dma_wait3A_67 : memref<10000x128xf32, #tpu.memory_space<hbm>>) dst(%arg11 : memref<64x128xf32, #tpu.memory_space<vmem>>)
      %add3A_68 = arith.constant 1 : i32
      %add3A_69 = arith.addi %mul3A_41, %add3A_68 : i32
      "tpu.region"() ({
        %run_scoped3A = tpu.sem_alloc : memref<!tpu.dma_semaphore, #tpu.memory_space<semaphore_mem>>
        %dma_start3A_71 = arith.constant 0 : i32
        %dma_start3A_72 = tpu.memref_slice %arg9[%add3A_69, %dma_start3A_71] : memref<158x64xi32, #tpu.memory_space<vmem>> -> memref<1x64xi32, #tpu.memory_space<vmem>>
        %dma_start3A_73 = tpu.memref_squeeze %dma_start3A_72 : memref<1x64xi32, #tpu.memory_space<vmem>> -> memref<64xi32, #tpu.memory_space<vmem>>
        %dma_start3A_74 = arith.constant 0 : i32
        %dma_start3A_75 = arith.constant 0 : i32
        %dma_start3A_76 = tpu.memref_slice %arg14[%dma_start3A_74, %dma_start3A_75] : memref<10016x128xf32, #tpu.memory_space<vmem_shared>> -> memref<10016x128xf32, #tpu.memory_space<vmem_shared>>
        tpu.enqueue_indirect_dma source(%arg11 : memref<64x128xf32, #tpu.memory_space<vmem>>) target(%dma_start3A_76 : memref<10016x128xf32, #tpu.memory_space<vmem_shared>>) offsets(%dma_start3A_73 : memref<64xi32, #tpu.memory_space<vmem>>) semaphore(%run_scoped3A : memref<!tpu.dma_semaphore, #tpu.memory_space<semaphore_mem>>) {add = true}
        %dma_wait3A_77 = arith.constant 0 : i32
        %dma_wait3A_78 = tpu.memref_slice %arg9[%add3A_69, %dma_wait3A_77] : memref<158x64xi32, #tpu.memory_space<vmem>> -> memref<1x64xi32, #tpu.memory_space<vmem>>
        %dma_wait3A_79 = tpu.memref_squeeze %dma_wait3A_78 : memref<1x64xi32, #tpu.memory_space<vmem>> -> memref<64xi32, #tpu.memory_space<vmem>>
        %dma_wait3A_80 = arith.constant 0 : i32
        %dma_wait3A_81 = arith.constant 0 : i32
        %dma_wait3A_82 = tpu.memref_slice %arg14[%dma_wait3A_80, %dma_wait3A_81] : memref<10016x128xf32, #tpu.memory_space<vmem_shared>> -> memref<10016x128xf32, #tpu.memory_space<vmem_shared>>
        tpu.wait_indirect_dma semaphore(%run_scoped3A : memref<!tpu.dma_semaphore, #tpu.memory_space<semaphore_mem>>) src(%arg11 : memref<64x128xf32, #tpu.memory_space<vmem>>) dst(%dma_wait3A_82 : memref<10016x128xf32, #tpu.memory_space<vmem_shared>>)
        tpu.yield
      }) : () -> ()
      %scan3A_70 = arith.constant 0 : i32
      scf.yield %scan3A_70 : i32
    }
    %scan3A_26 = arith.constant 79 : i32
    %barrier3A_27 = arith.constant 0 : index
    tpu.barrier barrier_id(%barrier3A_27)
    %lt3A_28 = arith.constant 15 : i32
    %lt3A_29 = arith.cmpi slt, %arg1, %lt3A_28 : i32
    %convert_element_type3A_30 = arith.extui %lt3A_29 : i1 to i32
    %cond3A_31 = arith.constant 0 : i32
    %cond3A_32 = arith.cmpi ne, %convert_element_type3A_30, %cond3A_31 : i32
    scf.if %cond3A_32 {
      %eq3A_38 = arith.constant 0 : i32
      %eq3A_39 = arith.cmpi eq, %arg0, %eq3A_38 : i32
      %convert_element_type3A_40 = arith.extui %eq3A_39 : i1 to i32
      %cond3A_41 = arith.constant 0 : i32
      %cond3A_42 = arith.cmpi ne, %convert_element_type3A_40, %cond3A_41 : i32
      scf.if %cond3A_42 {
        %mul3A_48 = arith.constant 632 : i32
        %mul3A_49 = arith.muli %arg1, %mul3A_48 : i32
        %mul3A_50 = arith.constant 632 : i32
        %mul3A_51 = arith.muli %arg1, %mul3A_50 : i32
        "tpu.region"() ({
          %run_scoped3A = tpu.sem_alloc : memref<!tpu.dma_semaphore, #tpu.memory_space<semaphore_mem>>
          %dma_start3A_52 = arith.constant 0 : i32
          %dma_start3A_53 = tpu.memref_slice %arg6[%mul3A_51, %dma_start3A_52] : memref<10000x128xf32, #tpu.memory_space<hbm>> -> memref<632x128xf32, #tpu.memory_space<hbm>>
          %dma_start3A_54 = arith.constant 0 : i32
          %dma_start3A_55 = tpu.memref_slice %arg14[%mul3A_49, %dma_start3A_54] : memref<10016x128xf32, #tpu.memory_space<vmem_shared>> -> memref<632x128xf32, #tpu.memory_space<vmem_shared>>
          tpu.enqueue_dma source(%dma_start3A_55 : memref<632x128xf32, #tpu.memory_space<vmem_shared>>) target(%dma_start3A_53 : memref<632x128xf32, #tpu.memory_space<hbm>>) target_semaphore(%run_scoped3A : memref<!tpu.dma_semaphore, #tpu.memory_space<semaphore_mem>>)
          %dma_wait3A = arith.constant 0 : i32
          %dma_wait3A_56 = tpu.memref_slice %arg6[%mul3A_51, %dma_wait3A] : memref<10000x128xf32, #tpu.memory_space<hbm>> -> memref<632x128xf32, #tpu.memory_space<hbm>>
          %dma_wait3A_57 = arith.constant 0 : i32
          %dma_wait3A_58 = tpu.memref_slice %arg14[%mul3A_49, %dma_wait3A_57] : memref<10016x128xf32, #tpu.memory_space<vmem_shared>> -> memref<632x128xf32, #tpu.memory_space<vmem_shared>>
          tpu.wait_dma2 semaphore(%run_scoped3A : memref<!tpu.dma_semaphore, #tpu.memory_space<semaphore_mem>>) src(%dma_wait3A_58 : memref<632x128xf32, #tpu.memory_space<vmem_shared>>) dst(%dma_wait3A_56 : memref<632x128xf32, #tpu.memory_space<hbm>>)
          tpu.yield
        }) : () -> ()
      } else {
      }
      %eq3A_43 = arith.constant 1 : i32
      %eq3A_44 = arith.cmpi eq, %arg0, %eq3A_43 : i32
      %convert_element_type3A_45 = arith.extui %eq3A_44 : i1 to i32
      %cond3A_46 = arith.constant 0 : i32
      %cond3A_47 = arith.cmpi ne, %convert_element_type3A_45, %cond3A_46 : i32
      scf.if %cond3A_47 {
        %mul3A_48 = arith.constant 632 : i32
        %mul3A_49 = arith.muli %arg1, %mul3A_48 : i32
        %mul3A_50 = arith.constant 632 : i32
        %mul3A_51 = arith.muli %arg1, %mul3A_50 : i32
        "tpu.region"() ({
          %run_scoped3A = tpu.sem_alloc : memref<!tpu.dma_semaphore, #tpu.memory_space<semaphore_mem>>
          %dma_start3A_52 = arith.constant 0 : i32
          %dma_start3A_53 = tpu.memref_slice %arg7[%mul3A_51, %dma_start3A_52] : memref<10000x128xf32, #tpu.memory_space<hbm>> -> memref<632x128xf32, #tpu.memory_space<hbm>>
          %dma_start3A_54 = arith.constant 0 : i32
          %dma_start3A_55 = tpu.memref_slice %arg14[%mul3A_49, %dma_start3A_54] : memref<10016x128xf32, #tpu.memory_space<vmem_shared>> -> memref<632x128xf32, #tpu.memory_space<vmem_shared>>
          tpu.enqueue_dma source(%dma_start3A_55 : memref<632x128xf32, #tpu.memory_space<vmem_shared>>) target(%dma_start3A_53 : memref<632x128xf32, #tpu.memory_space<hbm>>) target_semaphore(%run_scoped3A : memref<!tpu.dma_semaphore, #tpu.memory_space<semaphore_mem>>)
          %dma_wait3A = arith.constant 0 : i32
          %dma_wait3A_56 = tpu.memref_slice %arg7[%mul3A_51, %dma_wait3A] : memref<10000x128xf32, #tpu.memory_space<hbm>> -> memref<632x128xf32, #tpu.memory_space<hbm>>
          %dma_wait3A_57 = arith.constant 0 : i32
          %dma_wait3A_58 = tpu.memref_slice %arg14[%mul3A_49, %dma_wait3A_57] : memref<10016x128xf32, #tpu.memory_space<vmem_shared>> -> memref<632x128xf32, #tpu.memory_space<vmem_shared>>
          tpu.wait_dma2 semaphore(%run_scoped3A : memref<!tpu.dma_semaphore, #tpu.memory_space<semaphore_mem>>) src(%dma_wait3A_58 : memref<632x128xf32, #tpu.memory_space<vmem_shared>>) dst(%dma_wait3A_56 : memref<632x128xf32, #tpu.memory_space<hbm>>)
          tpu.yield
        }) : () -> ()
      } else {
      }
    } else {
    }
    %eq3A_33 = arith.constant 15 : i32
    %eq3A_34 = arith.cmpi eq, %arg1, %eq3A_33 : i32
    %convert_element_type3A_35 = arith.extui %eq3A_34 : i1 to i32
    %cond3A_36 = arith.constant 0 : i32
    %cond3A_37 = arith.cmpi ne, %convert_element_type3A_35, %cond3A_36 : i32
    scf.if %cond3A_37 {
      %eq3A_38 = arith.constant 0 : i32
      %eq3A_39 = arith.cmpi eq, %arg0, %eq3A_38 : i32
      %convert_element_type3A_40 = arith.extui %eq3A_39 : i1 to i32
      %cond3A_41 = arith.constant 0 : i32
      %cond3A_42 = arith.cmpi ne, %convert_element_type3A_40, %cond3A_41 : i32
      scf.if %cond3A_42 {
        "tpu.region"() ({
          %run_scoped3A = tpu.sem_alloc : memref<!tpu.dma_semaphore, #tpu.memory_space<semaphore_mem>>
          %dma_start3A_48 = arith.constant 9480 : i32
          %dma_start3A_49 = arith.constant 0 : i32
          %dma_start3A_50 = tpu.memref_slice %arg6[%dma_start3A_48, %dma_start3A_49] : memref<10000x128xf32, #tpu.memory_space<hbm>> -> memref<520x128xf32, #tpu.memory_space<hbm>>
          %dma_start3A_51 = arith.constant 9480 : i32
          %dma_start3A_52 = arith.constant 0 : i32
          %dma_start3A_53 = tpu.memref_slice %arg14[%dma_start3A_51, %dma_start3A_52] : memref<10016x128xf32, #tpu.memory_space<vmem_shared>> -> memref<520x128xf32, #tpu.memory_space<vmem_shared>>
          tpu.enqueue_dma source(%dma_start3A_53 : memref<520x128xf32, #tpu.memory_space<vmem_shared>>) target(%dma_start3A_50 : memref<520x128xf32, #tpu.memory_space<hbm>>) target_semaphore(%run_scoped3A : memref<!tpu.dma_semaphore, #tpu.memory_space<semaphore_mem>>)
          %dma_wait3A = arith.constant 9480 : i32
          %dma_wait3A_54 = arith.constant 0 : i32
          %dma_wait3A_55 = tpu.memref_slice %arg6[%dma_wait3A, %dma_wait3A_54] : memref<10000x128xf32, #tpu.memory_space<hbm>> -> memref<520x128xf32, #tpu.memory_space<hbm>>
          %dma_wait3A_56 = arith.constant 9480 : i32
          %dma_wait3A_57 = arith.constant 0 : i32
          %dma_wait3A_58 = tpu.memref_slice %arg14[%dma_wait3A_56, %dma_wait3A_57] : memref<10016x128xf32, #tpu.memory_space<vmem_shared>> -> memref<520x128xf32, #tpu.memory_space<vmem_shared>>
          tpu.wait_dma2 semaphore(%run_scoped3A : memref<!tpu.dma_semaphore, #tpu.memory_space<semaphore_mem>>) src(%dma_wait3A_58 : memref<520x128xf32, #tpu.memory_space<vmem_shared>>) dst(%dma_wait3A_55 : memref<520x128xf32, #tpu.memory_space<hbm>>)
          tpu.yield
        }) : () -> ()
      } else {
      }
      %eq3A_43 = arith.constant 1 : i32
      %eq3A_44 = arith.cmpi eq, %arg0, %eq3A_43 : i32
      %convert_element_type3A_45 = arith.extui %eq3A_44 : i1 to i32
      %cond3A_46 = arith.constant 0 : i32
      %cond3A_47 = arith.cmpi ne, %convert_element_type3A_45, %cond3A_46 : i32
      scf.if %cond3A_47 {
        "tpu.region"() ({
          %run_scoped3A = tpu.sem_alloc : memref<!tpu.dma_semaphore, #tpu.memory_space<semaphore_mem>>
          %dma_start3A_48 = arith.constant 9480 : i32
          %dma_start3A_49 = arith.constant 0 : i32
          %dma_start3A_50 = tpu.memref_slice %arg7[%dma_start3A_48, %dma_start3A_49] : memref<10000x128xf32, #tpu.memory_space<hbm>> -> memref<520x128xf32, #tpu.memory_space<hbm>>
          %dma_start3A_51 = arith.constant 9480 : i32
          %dma_start3A_52 = arith.constant 0 : i32
          %dma_start3A_53 = tpu.memref_slice %arg14[%dma_start3A_51, %dma_start3A_52] : memref<10016x128xf32, #tpu.memory_space<vmem_shared>> -> memref<520x128xf32, #tpu.memory_space<vmem_shared>>
          tpu.enqueue_dma source(%dma_start3A_53 : memref<520x128xf32, #tpu.memory_space<vmem_shared>>) target(%dma_start3A_50 : memref<520x128xf32, #tpu.memory_space<hbm>>) target_semaphore(%run_scoped3A : memref<!tpu.dma_semaphore, #tpu.memory_space<semaphore_mem>>)
          %dma_wait3A = arith.constant 9480 : i32
          %dma_wait3A_54 = arith.constant 0 : i32
          %dma_wait3A_55 = tpu.memref_slice %arg7[%dma_wait3A, %dma_wait3A_54] : memref<10000x128xf32, #tpu.memory_space<hbm>> -> memref<520x128xf32, #tpu.memory_space<hbm>>
          %dma_wait3A_56 = arith.constant 9480 : i32
          %dma_wait3A_57 = arith.constant 0 : i32
          %dma_wait3A_58 = tpu.memref_slice %arg14[%dma_wait3A_56, %dma_wait3A_57] : memref<10016x128xf32, #tpu.memory_space<vmem_shared>> -> memref<520x128xf32, #tpu.memory_space<vmem_shared>>
          tpu.wait_dma2 semaphore(%run_scoped3A : memref<!tpu.dma_semaphore, #tpu.memory_space<semaphore_mem>>) src(%dma_wait3A_58 : memref<520x128xf32, #tpu.memory_space<vmem_shared>>) dst(%dma_wait3A_55 : memref<520x128xf32, #tpu.memory_space<hbm>>)
          tpu.yield
        }) : () -> ()
      } else {
      }
    } else {
    }
    return
  }
}

#map = affine_map<(d0, d1) -> (0)>
module attributes {stable_mosaic.version = 14 : i64} {
  func.func @_power_body(%arg0: i32, %arg1: i32, %arg2: memref<323584xi32, #tpu.memory_space<hbm>>, %arg3: memref<323584xi32, #tpu.memory_space<hbm>>, %arg4: memref<16xf32, #tpu.memory_space<hbm>>, %arg5: memref<16xf32, #tpu.memory_space<hbm>>, %arg6: memref<20224xi32, #tpu.memory_space<vmem>>, %arg7: memref<20224xi32, #tpu.memory_space<vmem>>, %arg8: memref<10240xf32, #tpu.memory_space<vmem>>, %arg9: memref<10240xf32, #tpu.memory_space<vmem>>, %arg10: memref<10240xf32, #tpu.memory_space<vmem>>, %arg11: memref<16x640xf32, #tpu.memory_space<vmem>>, %arg12: memref<640xf32, #tpu.memory_space<vmem>>, %arg13: memref<16xf32, #tpu.memory_space<vmem>>, %arg14: memref<16xf32, #tpu.memory_space<vmem>>, %arg15: memref<16x10240xf32, #tpu.memory_space<vmem_shared>>, %arg16: memref<10240xf32, #tpu.memory_space<vmem_shared>>) attributes {dimension_semantics = [#tpu.dimension_semantics<core_parallel>, #tpu.dimension_semantics<subcore_parallel>], iteration_bounds = array<i64: 2, 16>, scalar_prefetch = 0 : i64, scratch_operands = 11 : i64, tpu.core_type = #tpu.core_type<sc_vector_subcore>, window_params = [{transform_indices = #map}, {transform_indices = #map}, {transform_indices = #map}, {transform_indices = #map}]} {
    %mul3A = arith.constant 20224 : i32
    %mul3A_0 = arith.muli %arg1, %mul3A : i32
    "tpu.region"() ({
      %run_scoped3A = tpu.sem_alloc : memref<!tpu.dma_semaphore, #tpu.memory_space<semaphore_mem>>
      %dma_start3A = tpu.memref_slice %arg2[%mul3A_0] : memref<323584xi32, #tpu.memory_space<hbm>> -> memref<20224xi32, #tpu.memory_space<hbm>>
      %dma_start3A_37 = tpu.memref_slice %arg2[%mul3A_0] : memref<323584xi32, #tpu.memory_space<hbm>> -> memref<20224xi32, #tpu.memory_space<hbm>>
      tpu.enqueue_dma source(%dma_start3A_37 : memref<20224xi32, #tpu.memory_space<hbm>>) target(%arg6 : memref<20224xi32, #tpu.memory_space<vmem>>) target_semaphore(%run_scoped3A : memref<!tpu.dma_semaphore, #tpu.memory_space<semaphore_mem>>)
      %dma_wait3A = tpu.memref_slice %arg2[%mul3A_0] : memref<323584xi32, #tpu.memory_space<hbm>> -> memref<20224xi32, #tpu.memory_space<hbm>>
      %dma_wait3A_38 = tpu.memref_slice %arg2[%mul3A_0] : memref<323584xi32, #tpu.memory_space<hbm>> -> memref<20224xi32, #tpu.memory_space<hbm>>
      tpu.wait_dma2 semaphore(%run_scoped3A : memref<!tpu.dma_semaphore, #tpu.memory_space<semaphore_mem>>) src(%dma_wait3A_38 : memref<20224xi32, #tpu.memory_space<hbm>>) dst(%arg6 : memref<20224xi32, #tpu.memory_space<vmem>>)
      tpu.yield
    }) : () -> ()
    "tpu.region"() ({
      %run_scoped3A = tpu.sem_alloc : memref<!tpu.dma_semaphore, #tpu.memory_space<semaphore_mem>>
      %dma_start3A = tpu.memref_slice %arg3[%mul3A_0] : memref<323584xi32, #tpu.memory_space<hbm>> -> memref<20224xi32, #tpu.memory_space<hbm>>
      %dma_start3A_37 = tpu.memref_slice %arg3[%mul3A_0] : memref<323584xi32, #tpu.memory_space<hbm>> -> memref<20224xi32, #tpu.memory_space<hbm>>
      tpu.enqueue_dma source(%dma_start3A_37 : memref<20224xi32, #tpu.memory_space<hbm>>) target(%arg7 : memref<20224xi32, #tpu.memory_space<vmem>>) target_semaphore(%run_scoped3A : memref<!tpu.dma_semaphore, #tpu.memory_space<semaphore_mem>>)
      %dma_wait3A = tpu.memref_slice %arg3[%mul3A_0] : memref<323584xi32, #tpu.memory_space<hbm>> -> memref<20224xi32, #tpu.memory_space<hbm>>
      %dma_wait3A_38 = tpu.memref_slice %arg3[%mul3A_0] : memref<323584xi32, #tpu.memory_space<hbm>> -> memref<20224xi32, #tpu.memory_space<hbm>>
      tpu.wait_dma2 semaphore(%run_scoped3A : memref<!tpu.dma_semaphore, #tpu.memory_space<semaphore_mem>>) src(%dma_wait3A_38 : memref<20224xi32, #tpu.memory_space<hbm>>) dst(%arg7 : memref<20224xi32, #tpu.memory_space<vmem>>)
      tpu.yield
    }) : () -> ()
    %parallel_loop3A = arith.constant 0 : i32
    %parallel_loop3A_1 = arith.constant 640 : i32
    %parallel_loop3A_2 = arith.constant 1 : i32
    scf.for %parallel_loop3A_37 = %parallel_loop3A to %parallel_loop3A_1 step %parallel_loop3A_2  : i32 {
      %parallel_loop3A_38 = arith.constant 0.00999999977 : f32
      %parallel_loop3A_39 = vector.broadcast %parallel_loop3A_38 : f32 to vector<16xf32>
      %parallel_loop3A_40 = arith.constant 16 : i32
      %parallel_loop3A_41 = arith.muli %parallel_loop3A_37, %parallel_loop3A_40 : i32
      %parallel_loop3A_42 = arith.index_cast %parallel_loop3A_41 : i32 to index
      %parallel_loop3A_43 = tpu.vector_load %arg8[%parallel_loop3A_42] {strides = array<i32>} : memref<10240xf32, #tpu.memory_space<vmem>>, vector<16xf32>,
      tpu.vector_store %arg8[%parallel_loop3A_42], %parallel_loop3A_39 {strides = array<i32>} : memref<10240xf32, #tpu.memory_space<vmem>>, vector<16xf32>,
    } {sc.loop_unroll_factor = 4 : i64, sc.parallel_access}
    %scan3A = arith.constant 0 : i32
    %scan3A_3 = arith.constant 0 : i32
    %scan3A_4 = arith.constant 5 : i32
    %scan3A_5 = arith.addi %scan3A_3, %scan3A_4 : i32
    %scan3A_6 = arith.constant 1 : i32
    %scan3A_7 = scf.for %scan3A_37 = %scan3A_3 to %scan3A_5 step %scan3A_6 iter_args(%scan3A_38 = %scan3A) -> (i32)  : i32 {
      %parallel_loop3A_39 = arith.constant 0 : i32
      %parallel_loop3A_40 = arith.constant 640 : i32
      %parallel_loop3A_41 = arith.constant 1 : i32
      scf.for %parallel_loop3A_147 = %parallel_loop3A_39 to %parallel_loop3A_40 step %parallel_loop3A_41  : i32 {
        %parallel_loop3A_148 = arith.constant 0.000000e+00 : f32
        %parallel_loop3A_149 = vector.broadcast %parallel_loop3A_148 : f32 to vector<16xf32>
        %parallel_loop3A_150 = arith.constant 16 : i32
        %parallel_loop3A_151 = arith.muli %parallel_loop3A_147, %parallel_loop3A_150 : i32
        %parallel_loop3A_152 = arith.index_cast %parallel_loop3A_151 : i32 to index
        %parallel_loop3A_153 = tpu.vector_load %arg9[%parallel_loop3A_152] {strides = array<i32>} : memref<10240xf32, #tpu.memory_space<vmem>>, vector<16xf32>,
        tpu.vector_store %arg9[%parallel_loop3A_152], %parallel_loop3A_149 {strides = array<i32>} : memref<10240xf32, #tpu.memory_space<vmem>>, vector<16xf32>,
      } {sc.loop_unroll_factor = 4 : i64, sc.parallel_access}
      %parallel_loop3A_42 = arith.constant 0 : i32
      %parallel_loop3A_43 = arith.constant 1264 : i32
      %parallel_loop3A_44 = arith.constant 1 : i32
      scf.for %parallel_loop3A_147 = %parallel_loop3A_42 to %parallel_loop3A_43 step %parallel_loop3A_44  : i32 {
        %parallel_loop3A_148 = arith.constant 16 : i32
        %parallel_loop3A_149 = arith.muli %parallel_loop3A_147, %parallel_loop3A_148 : i32
        %parallel_loop3A_150 = arith.index_cast %parallel_loop3A_149 : i32 to index
        %parallel_loop3A_151 = tpu.vector_load %arg6[%parallel_loop3A_150] {strides = array<i32>} : memref<20224xi32, #tpu.memory_space<vmem>>, vector<16xi32>,
        %parallel_loop3A_152 = arith.constant 16 : i32
        %parallel_loop3A_153 = arith.muli %parallel_loop3A_147, %parallel_loop3A_152 : i32
        %parallel_loop3A_154 = arith.index_cast %parallel_loop3A_153 : i32 to index
        %parallel_loop3A_155 = tpu.vector_load %arg7[%parallel_loop3A_154] {strides = array<i32>} : memref<20224xi32, #tpu.memory_space<vmem>>, vector<16xi32>,
        %parallel_loop3A_156 = tpu.vector_load_idx %arg8[%parallel_loop3A_151] : memref<10240xf32, #tpu.memory_space<vmem>>[vector<16xi32>], vector<16xf32>,
        tpu.vector_store_idx %arg9[%parallel_loop3A_155], %parallel_loop3A_156 {add = true} : memref<10240xf32, #tpu.memory_space<vmem>>[vector<16xi32>], vector<16xf32>,
      } {sc.loop_unroll_factor = 8 : i64, sc.parallel_access}
      "tpu.region"() ({
        %run_scoped3A = tpu.sem_alloc : memref<!tpu.dma_semaphore, #tpu.memory_space<semaphore_mem>>
        %dma_start3A = arith.constant 0 : i32
        %dma_start3A_147 = tpu.memref_slice %arg15[%arg1, %dma_start3A] : memref<16x10240xf32, #tpu.memory_space<vmem_shared>> -> memref<1x10240xf32, #tpu.memory_space<vmem_shared>>
        %dma_start3A_148 = tpu.memref_squeeze %dma_start3A_147 : memref<1x10240xf32, #tpu.memory_space<vmem_shared>> -> memref<10240xf32, #tpu.memory_space<vmem_shared>>
        %dma_start3A_149 = arith.constant 0 : i32
        %dma_start3A_150 = tpu.memref_slice %arg15[%arg1, %dma_start3A_149] : memref<16x10240xf32, #tpu.memory_space<vmem_shared>> -> memref<1x10240xf32, #tpu.memory_space<vmem_shared>>
        %dma_start3A_151 = tpu.memref_squeeze %dma_start3A_150 : memref<1x10240xf32, #tpu.memory_space<vmem_shared>> -> memref<10240xf32, #tpu.memory_space<vmem_shared>>
        tpu.enqueue_dma source(%arg9 : memref<10240xf32, #tpu.memory_space<vmem>>) target(%dma_start3A_151 : memref<10240xf32, #tpu.memory_space<vmem_shared>>) target_semaphore(%run_scoped3A : memref<!tpu.dma_semaphore, #tpu.memory_space<semaphore_mem>>)
        %dma_wait3A = arith.constant 0 : i32
        %dma_wait3A_152 = tpu.memref_slice %arg15[%arg1, %dma_wait3A] : memref<16x10240xf32, #tpu.memory_space<vmem_shared>> -> memref<1x10240xf32, #tpu.memory_space<vmem_shared>>
        %dma_wait3A_153 = tpu.memref_squeeze %dma_wait3A_152 : memref<1x10240xf32, #tpu.memory_space<vmem_shared>> -> memref<10240xf32, #tpu.memory_space<vmem_shared>>
        %dma_wait3A_154 = arith.constant 0 : i32
        %dma_wait3A_155 = tpu.memref_slice %arg15[%arg1, %dma_wait3A_154] : memref<16x10240xf32, #tpu.memory_space<vmem_shared>> -> memref<1x10240xf32, #tpu.memory_space<vmem_shared>>
        %dma_wait3A_156 = tpu.memref_squeeze %dma_wait3A_155 : memref<1x10240xf32, #tpu.memory_space<vmem_shared>> -> memref<10240xf32, #tpu.memory_space<vmem_shared>>
        tpu.wait_dma2 semaphore(%run_scoped3A : memref<!tpu.dma_semaphore, #tpu.memory_space<semaphore_mem>>) src(%arg9 : memref<10240xf32, #tpu.memory_space<vmem>>) dst(%dma_wait3A_156 : memref<10240xf32, #tpu.memory_space<vmem_shared>>)
        tpu.yield
      }) : () -> ()
      %barrier3A_45 = arith.constant 0 : index
      tpu.barrier barrier_id(%barrier3A_45)
      %mul3A_46 = arith.constant 640 : i32
      %mul3A_47 = arith.muli %arg1, %mul3A_46 : i32
      "tpu.region"() ({
        %run_scoped3A = tpu.sem_alloc : memref<!tpu.dma_semaphore, #tpu.memory_space<semaphore_mem>>
        %dma_start3A = arith.constant 0 : i32
        %dma_start3A_147 = tpu.memref_slice %arg15[%dma_start3A, %mul3A_47] : memref<16x10240xf32, #tpu.memory_space<vmem_shared>> -> memref<16x640xf32, #tpu.memory_space<vmem_shared>>
        %dma_start3A_148 = arith.constant 0 : i32
        %dma_start3A_149 = tpu.memref_slice %arg15[%dma_start3A_148, %mul3A_47] : memref<16x10240xf32, #tpu.memory_space<vmem_shared>> -> memref<16x640xf32, #tpu.memory_space<vmem_shared>>
        tpu.enqueue_dma source(%dma_start3A_149 : memref<16x640xf32, #tpu.memory_space<vmem_shared>>) target(%arg11 : memref<16x640xf32, #tpu.memory_space<vmem>>) target_semaphore(%run_scoped3A : memref<!tpu.dma_semaphore, #tpu.memory_space<semaphore_mem>>)
        %dma_wait3A = arith.constant 0 : i32
        %dma_wait3A_150 = tpu.memref_slice %arg15[%dma_wait3A, %mul3A_47] : memref<16x10240xf32, #tpu.memory_space<vmem_shared>> -> memref<16x640xf32, #tpu.memory_space<vmem_shared>>
        %dma_wait3A_151 = arith.constant 0 : i32
        %dma_wait3A_152 = tpu.memref_slice %arg15[%dma_wait3A_151, %mul3A_47] : memref<16x10240xf32, #tpu.memory_space<vmem_shared>> -> memref<16x640xf32, #tpu.memory_space<vmem_shared>>
        tpu.wait_dma2 semaphore(%run_scoped3A : memref<!tpu.dma_semaphore, #tpu.memory_space<semaphore_mem>>) src(%dma_wait3A_152 : memref<16x640xf32, #tpu.memory_space<vmem_shared>>) dst(%arg11 : memref<16x640xf32, #tpu.memory_space<vmem>>)
        tpu.yield
      }) : () -> ()
      %parallel_loop3A_48 = arith.constant 0 : i32
      %parallel_loop3A_49 = arith.constant 40 : i32
      %parallel_loop3A_50 = arith.constant 1 : i32
      scf.for %parallel_loop3A_147 = %parallel_loop3A_48 to %parallel_loop3A_49 step %parallel_loop3A_50  : i32 {
        %parallel_loop3A_148 = arith.constant 16 : i32
        %parallel_loop3A_149 = arith.muli %parallel_loop3A_147, %parallel_loop3A_148 : i32
        %parallel_loop3A_150 = arith.constant 0 : i32
        %parallel_loop3A_151 = arith.index_cast %parallel_loop3A_150 : i32 to index
        %parallel_loop3A_152 = arith.index_cast %parallel_loop3A_149 : i32 to index
        %parallel_loop3A_153 = tpu.vector_load %arg11[%parallel_loop3A_151, %parallel_loop3A_152] {strides = array<i32>} : memref<16x640xf32, #tpu.memory_space<vmem>>, vector<16xf32>,
        %parallel_loop3A_154 = arith.constant 16 : i32
        %parallel_loop3A_155 = arith.muli %parallel_loop3A_147, %parallel_loop3A_154 : i32
        %parallel_loop3A_156 = arith.constant 1 : i32
        %parallel_loop3A_157 = arith.index_cast %parallel_loop3A_156 : i32 to index
        %parallel_loop3A_158 = arith.index_cast %parallel_loop3A_155 : i32 to index
        %parallel_loop3A_159 = tpu.vector_load %arg11[%parallel_loop3A_157, %parallel_loop3A_158] {strides = array<i32>} : memref<16x640xf32, #tpu.memory_space<vmem>>, vector<16xf32>,
        %parallel_loop3A_160 = arith.addf %parallel_loop3A_153, %parallel_loop3A_159 : vector<16xf32>
        %parallel_loop3A_161 = arith.constant 16 : i32
        %parallel_loop3A_162 = arith.muli %parallel_loop3A_147, %parallel_loop3A_161 : i32
        %parallel_loop3A_163 = arith.constant 2 : i32
        %parallel_loop3A_164 = arith.index_cast %parallel_loop3A_163 : i32 to index
        %parallel_loop3A_165 = arith.index_cast %parallel_loop3A_162 : i32 to index
        %parallel_loop3A_166 = tpu.vector_load %arg11[%parallel_loop3A_164, %parallel_loop3A_165] {strides = array<i32>} : memref<16x640xf32, #tpu.memory_space<vmem>>, vector<16xf32>,
        %parallel_loop3A_167 = arith.addf %parallel_loop3A_160, %parallel_loop3A_166 : vector<16xf32>
        %parallel_loop3A_168 = arith.constant 16 : i32
        %parallel_loop3A_169 = arith.muli %parallel_loop3A_147, %parallel_loop3A_168 : i32
        %parallel_loop3A_170 = arith.constant 3 : i32
        %parallel_loop3A_171 = arith.index_cast %parallel_loop3A_170 : i32 to index
        %parallel_loop3A_172 = arith.index_cast %parallel_loop3A_169 : i32 to index
        %parallel_loop3A_173 = tpu.vector_load %arg11[%parallel_loop3A_171, %parallel_loop3A_172] {strides = array<i32>} : memref<16x640xf32, #tpu.memory_space<vmem>>, vector<16xf32>,
        %parallel_loop3A_174 = arith.addf %parallel_loop3A_167, %parallel_loop3A_173 : vector<16xf32>
        %parallel_loop3A_175 = arith.constant 16 : i32
        %parallel_loop3A_176 = arith.muli %parallel_loop3A_147, %parallel_loop3A_175 : i32
        %parallel_loop3A_177 = arith.constant 4 : i32
        %parallel_loop3A_178 = arith.index_cast %parallel_loop3A_177 : i32 to index
        %parallel_loop3A_179 = arith.index_cast %parallel_loop3A_176 : i32 to index
        %parallel_loop3A_180 = tpu.vector_load %arg11[%parallel_loop3A_178, %parallel_loop3A_179] {strides = array<i32>} : memref<16x640xf32, #tpu.memory_space<vmem>>, vector<16xf32>,
        %parallel_loop3A_181 = arith.addf %parallel_loop3A_174, %parallel_loop3A_180 : vector<16xf32>
        %parallel_loop3A_182 = arith.constant 16 : i32
        %parallel_loop3A_183 = arith.muli %parallel_loop3A_147, %parallel_loop3A_182 : i32
        %parallel_loop3A_184 = arith.constant 5 : i32
        %parallel_loop3A_185 = arith.index_cast %parallel_loop3A_184 : i32 to index
        %parallel_loop3A_186 = arith.index_cast %parallel_loop3A_183 : i32 to index
        %parallel_loop3A_187 = tpu.vector_load %arg11[%parallel_loop3A_185, %parallel_loop3A_186] {strides = array<i32>} : memref<16x640xf32, #tpu.memory_space<vmem>>, vector<16xf32>,
        %parallel_loop3A_188 = arith.addf %parallel_loop3A_181, %parallel_loop3A_187 : vector<16xf32>
        %parallel_loop3A_189 = arith.constant 16 : i32
        %parallel_loop3A_190 = arith.muli %parallel_loop3A_147, %parallel_loop3A_189 : i32
        %parallel_loop3A_191 = arith.constant 6 : i32
        %parallel_loop3A_192 = arith.index_cast %parallel_loop3A_191 : i32 to index
        %parallel_loop3A_193 = arith.index_cast %parallel_loop3A_190 : i32 to index
        %parallel_loop3A_194 = tpu.vector_load %arg11[%parallel_loop3A_192, %parallel_loop3A_193] {strides = array<i32>} : memref<16x640xf32, #tpu.memory_space<vmem>>, vector<16xf32>,
        %parallel_loop3A_195 = arith.addf %parallel_loop3A_188, %parallel_loop3A_194 : vector<16xf32>
        %parallel_loop3A_196 = arith.constant 16 : i32
        %parallel_loop3A_197 = arith.muli %parallel_loop3A_147, %parallel_loop3A_196 : i32
        %parallel_loop3A_198 = arith.constant 7 : i32
        %parallel_loop3A_199 = arith.index_cast %parallel_loop3A_198 : i32 to index
        %parallel_loop3A_200 = arith.index_cast %parallel_loop3A_197 : i32 to index
        %parallel_loop3A_201 = tpu.vector_load %arg11[%parallel_loop3A_199, %parallel_loop3A_200] {strides = array<i32>} : memref<16x640xf32, #tpu.memory_space<vmem>>, vector<16xf32>,
        %parallel_loop3A_202 = arith.addf %parallel_loop3A_195, %parallel_loop3A_201 : vector<16xf32>
        %parallel_loop3A_203 = arith.constant 16 : i32
        %parallel_loop3A_204 = arith.muli %parallel_loop3A_147, %parallel_loop3A_203 : i32
        %parallel_loop3A_205 = arith.constant 8 : i32
        %parallel_loop3A_206 = arith.index_cast %parallel_loop3A_205 : i32 to index
        %parallel_loop3A_207 = arith.index_cast %parallel_loop3A_204 : i32 to index
        %parallel_loop3A_208 = tpu.vector_load %arg11[%parallel_loop3A_206, %parallel_loop3A_207] {strides = array<i32>} : memref<16x640xf32, #tpu.memory_space<vmem>>, vector<16xf32>,
        %parallel_loop3A_209 = arith.addf %parallel_loop3A_202, %parallel_loop3A_208 : vector<16xf32>
        %parallel_loop3A_210 = arith.constant 16 : i32
        %parallel_loop3A_211 = arith.muli %parallel_loop3A_147, %parallel_loop3A_210 : i32
        %parallel_loop3A_212 = arith.constant 9 : i32
        %parallel_loop3A_213 = arith.index_cast %parallel_loop3A_212 : i32 to index
        %parallel_loop3A_214 = arith.index_cast %parallel_loop3A_211 : i32 to index
        %parallel_loop3A_215 = tpu.vector_load %arg11[%parallel_loop3A_213, %parallel_loop3A_214] {strides = array<i32>} : memref<16x640xf32, #tpu.memory_space<vmem>>, vector<16xf32>,
        %parallel_loop3A_216 = arith.addf %parallel_loop3A_209, %parallel_loop3A_215 : vector<16xf32>
        %parallel_loop3A_217 = arith.constant 16 : i32
        %parallel_loop3A_218 = arith.muli %parallel_loop3A_147, %parallel_loop3A_217 : i32
        %parallel_loop3A_219 = arith.constant 10 : i32
        %parallel_loop3A_220 = arith.index_cast %parallel_loop3A_219 : i32 to index
        %parallel_loop3A_221 = arith.index_cast %parallel_loop3A_218 : i32 to index
        %parallel_loop3A_222 = tpu.vector_load %arg11[%parallel_loop3A_220, %parallel_loop3A_221] {strides = array<i32>} : memref<16x640xf32, #tpu.memory_space<vmem>>, vector<16xf32>,
        %parallel_loop3A_223 = arith.addf %parallel_loop3A_216, %parallel_loop3A_222 : vector<16xf32>
        %parallel_loop3A_224 = arith.constant 16 : i32
        %parallel_loop3A_225 = arith.muli %parallel_loop3A_147, %parallel_loop3A_224 : i32
        %parallel_loop3A_226 = arith.constant 11 : i32
        %parallel_loop3A_227 = arith.index_cast %parallel_loop3A_226 : i32 to index
        %parallel_loop3A_228 = arith.index_cast %parallel_loop3A_225 : i32 to index
        %parallel_loop3A_229 = tpu.vector_load %arg11[%parallel_loop3A_227, %parallel_loop3A_228] {strides = array<i32>} : memref<16x640xf32, #tpu.memory_space<vmem>>, vector<16xf32>,
        %parallel_loop3A_230 = arith.addf %parallel_loop3A_223, %parallel_loop3A_229 : vector<16xf32>
        %parallel_loop3A_231 = arith.constant 16 : i32
        %parallel_loop3A_232 = arith.muli %parallel_loop3A_147, %parallel_loop3A_231 : i32
        %parallel_loop3A_233 = arith.constant 12 : i32
        %parallel_loop3A_234 = arith.index_cast %parallel_loop3A_233 : i32 to index
        %parallel_loop3A_235 = arith.index_cast %parallel_loop3A_232 : i32 to index
        %parallel_loop3A_236 = tpu.vector_load %arg11[%parallel_loop3A_234, %parallel_loop3A_235] {strides = array<i32>} : memref<16x640xf32, #tpu.memory_space<vmem>>, vector<16xf32>,
        %parallel_loop3A_237 = arith.addf %parallel_loop3A_230, %parallel_loop3A_236 : vector<16xf32>
        %parallel_loop3A_238 = arith.constant 16 : i32
        %parallel_loop3A_239 = arith.muli %parallel_loop3A_147, %parallel_loop3A_238 : i32
        %parallel_loop3A_240 = arith.constant 13 : i32
        %parallel_loop3A_241 = arith.index_cast %parallel_loop3A_240 : i32 to index
        %parallel_loop3A_242 = arith.index_cast %parallel_loop3A_239 : i32 to index
        %parallel_loop3A_243 = tpu.vector_load %arg11[%parallel_loop3A_241, %parallel_loop3A_242] {strides = array<i32>} : memref<16x640xf32, #tpu.memory_space<vmem>>, vector<16xf32>,
        %parallel_loop3A_244 = arith.addf %parallel_loop3A_237, %parallel_loop3A_243 : vector<16xf32>
        %parallel_loop3A_245 = arith.constant 16 : i32
        %parallel_loop3A_246 = arith.muli %parallel_loop3A_147, %parallel_loop3A_245 : i32
        %parallel_loop3A_247 = arith.constant 14 : i32
        %parallel_loop3A_248 = arith.index_cast %parallel_loop3A_247 : i32 to index
        %parallel_loop3A_249 = arith.index_cast %parallel_loop3A_246 : i32 to index
        %parallel_loop3A_250 = tpu.vector_load %arg11[%parallel_loop3A_248, %parallel_loop3A_249] {strides = array<i32>} : memref<16x640xf32, #tpu.memory_space<vmem>>, vector<16xf32>,
        %parallel_loop3A_251 = arith.addf %parallel_loop3A_244, %parallel_loop3A_250 : vector<16xf32>
        %parallel_loop3A_252 = arith.constant 16 : i32
        %parallel_loop3A_253 = arith.muli %parallel_loop3A_147, %parallel_loop3A_252 : i32
        %parallel_loop3A_254 = arith.constant 15 : i32
        %parallel_loop3A_255 = arith.index_cast %parallel_loop3A_254 : i32 to index
        %parallel_loop3A_256 = arith.index_cast %parallel_loop3A_253 : i32 to index
        %parallel_loop3A_257 = tpu.vector_load %arg11[%parallel_loop3A_255, %parallel_loop3A_256] {strides = array<i32>} : memref<16x640xf32, #tpu.memory_space<vmem>>, vector<16xf32>,
        %parallel_loop3A_258 = arith.addf %parallel_loop3A_251, %parallel_loop3A_257 : vector<16xf32>
        %parallel_loop3A_259 = arith.constant 16 : i32
        %parallel_loop3A_260 = arith.muli %parallel_loop3A_147, %parallel_loop3A_259 : i32
        %parallel_loop3A_261 = arith.index_cast %parallel_loop3A_260 : i32 to index
        %parallel_loop3A_262 = tpu.vector_load %arg12[%parallel_loop3A_261] {strides = array<i32>} : memref<640xf32, #tpu.memory_space<vmem>>, vector<16xf32>,
        tpu.vector_store %arg12[%parallel_loop3A_261], %parallel_loop3A_258 {strides = array<i32>} : memref<640xf32, #tpu.memory_space<vmem>>, vector<16xf32>,
      } {sc.loop_unroll_factor = 2 : i64, sc.parallel_access}
      %mul3A_51 = arith.constant 640 : i32
      %mul3A_52 = arith.muli %arg1, %mul3A_51 : i32
      "tpu.region"() ({
        %run_scoped3A = tpu.sem_alloc : memref<!tpu.dma_semaphore, #tpu.memory_space<semaphore_mem>>
        %dma_start3A = tpu.memref_slice %arg16[%mul3A_52] : memref<10240xf32, #tpu.memory_space<vmem_shared>> -> memref<640xf32, #tpu.memory_space<vmem_shared>>
        %dma_start3A_147 = tpu.memref_slice %arg16[%mul3A_52] : memref<10240xf32, #tpu.memory_space<vmem_shared>> -> memref<640xf32, #tpu.memory_space<vmem_shared>>
        tpu.enqueue_dma source(%arg12 : memref<640xf32, #tpu.memory_space<vmem>>) target(%dma_start3A_147 : memref<640xf32, #tpu.memory_space<vmem_shared>>) target_semaphore(%run_scoped3A : memref<!tpu.dma_semaphore, #tpu.memory_space<semaphore_mem>>)
        %dma_wait3A = tpu.memref_slice %arg16[%mul3A_52] : memref<10240xf32, #tpu.memory_space<vmem_shared>> -> memref<640xf32, #tpu.memory_space<vmem_shared>>
        %dma_wait3A_148 = tpu.memref_slice %arg16[%mul3A_52] : memref<10240xf32, #tpu.memory_space<vmem_shared>> -> memref<640xf32, #tpu.memory_space<vmem_shared>>
        tpu.wait_dma2 semaphore(%run_scoped3A : memref<!tpu.dma_semaphore, #tpu.memory_space<semaphore_mem>>) src(%arg12 : memref<640xf32, #tpu.memory_space<vmem>>) dst(%dma_wait3A_148 : memref<640xf32, #tpu.memory_space<vmem_shared>>)
        tpu.yield
      }) : () -> ()
      %barrier3A_53 = arith.constant 0 : index
      tpu.barrier barrier_id(%barrier3A_53)
      "tpu.region"() ({
        %run_scoped3A = tpu.sem_alloc : memref<!tpu.dma_semaphore, #tpu.memory_space<semaphore_mem>>
        tpu.enqueue_dma source(%arg16 : memref<10240xf32, #tpu.memory_space<vmem_shared>>) target(%arg10 : memref<10240xf32, #tpu.memory_space<vmem>>) target_semaphore(%run_scoped3A : memref<!tpu.dma_semaphore, #tpu.memory_space<semaphore_mem>>)
        tpu.wait_dma2 semaphore(%run_scoped3A : memref<!tpu.dma_semaphore, #tpu.memory_space<semaphore_mem>>) src(%arg16 : memref<10240xf32, #tpu.memory_space<vmem_shared>>) dst(%arg10 : memref<10240xf32, #tpu.memory_space<vmem>>)
        tpu.yield
      }) : () -> ()
      %parallel_loop3A_54 = arith.constant 0 : i32
      %parallel_loop3A_55 = arith.constant 640 : i32
      %parallel_loop3A_56 = arith.constant 1 : i32
      scf.for %parallel_loop3A_147 = %parallel_loop3A_54 to %parallel_loop3A_55 step %parallel_loop3A_56  : i32 {
        %parallel_loop3A_148 = arith.constant 0.000000e+00 : f32
        %parallel_loop3A_149 = vector.broadcast %parallel_loop3A_148 : f32 to vector<16xf32>
        %parallel_loop3A_150 = arith.constant 16 : i32
        %parallel_loop3A_151 = arith.muli %parallel_loop3A_147, %parallel_loop3A_150 : i32
        %parallel_loop3A_152 = arith.index_cast %parallel_loop3A_151 : i32 to index
        %parallel_loop3A_153 = tpu.vector_load %arg9[%parallel_loop3A_152] {strides = array<i32>} : memref<10240xf32, #tpu.memory_space<vmem>>, vector<16xf32>,
        tpu.vector_store %arg9[%parallel_loop3A_152], %parallel_loop3A_149 {strides = array<i32>} : memref<10240xf32, #tpu.memory_space<vmem>>, vector<16xf32>,
      } {sc.loop_unroll_factor = 4 : i64, sc.parallel_access}
      %parallel_loop3A_57 = arith.constant 0 : i32
      %parallel_loop3A_58 = arith.constant 1264 : i32
      %parallel_loop3A_59 = arith.constant 1 : i32
      scf.for %parallel_loop3A_147 = %parallel_loop3A_57 to %parallel_loop3A_58 step %parallel_loop3A_59  : i32 {
        %parallel_loop3A_148 = arith.constant 16 : i32
        %parallel_loop3A_149 = arith.muli %parallel_loop3A_147, %parallel_loop3A_148 : i32
        %parallel_loop3A_150 = arith.index_cast %parallel_loop3A_149 : i32 to index
        %parallel_loop3A_151 = tpu.vector_load %arg6[%parallel_loop3A_150] {strides = array<i32>} : memref<20224xi32, #tpu.memory_space<vmem>>, vector<16xi32>,
        %parallel_loop3A_152 = arith.constant 16 : i32
        %parallel_loop3A_153 = arith.muli %parallel_loop3A_147, %parallel_loop3A_152 : i32
        %parallel_loop3A_154 = arith.index_cast %parallel_loop3A_153 : i32 to index
        %parallel_loop3A_155 = tpu.vector_load %arg7[%parallel_loop3A_154] {strides = array<i32>} : memref<20224xi32, #tpu.memory_space<vmem>>, vector<16xi32>,
        %parallel_loop3A_156 = tpu.vector_load_idx %arg10[%parallel_loop3A_151] : memref<10240xf32, #tpu.memory_space<vmem>>[vector<16xi32>], vector<16xf32>,
        tpu.vector_store_idx %arg9[%parallel_loop3A_155], %parallel_loop3A_156 {add = true} : memref<10240xf32, #tpu.memory_space<vmem>>[vector<16xi32>], vector<16xf32>,
      } {sc.loop_unroll_factor = 8 : i64, sc.parallel_access}
      "tpu.region"() ({
        %run_scoped3A = tpu.sem_alloc : memref<!tpu.dma_semaphore, #tpu.memory_space<semaphore_mem>>
        %dma_start3A = arith.constant 0 : i32
        %dma_start3A_147 = tpu.memref_slice %arg15[%arg1, %dma_start3A] : memref<16x10240xf32, #tpu.memory_space<vmem_shared>> -> memref<1x10240xf32, #tpu.memory_space<vmem_shared>>
        %dma_start3A_148 = tpu.memref_squeeze %dma_start3A_147 : memref<1x10240xf32, #tpu.memory_space<vmem_shared>> -> memref<10240xf32, #tpu.memory_space<vmem_shared>>
        %dma_start3A_149 = arith.constant 0 : i32
        %dma_start3A_150 = tpu.memref_slice %arg15[%arg1, %dma_start3A_149] : memref<16x10240xf32, #tpu.memory_space<vmem_shared>> -> memref<1x10240xf32, #tpu.memory_space<vmem_shared>>
        %dma_start3A_151 = tpu.memref_squeeze %dma_start3A_150 : memref<1x10240xf32, #tpu.memory_space<vmem_shared>> -> memref<10240xf32, #tpu.memory_space<vmem_shared>>
        tpu.enqueue_dma source(%arg9 : memref<10240xf32, #tpu.memory_space<vmem>>) target(%dma_start3A_151 : memref<10240xf32, #tpu.memory_space<vmem_shared>>) target_semaphore(%run_scoped3A : memref<!tpu.dma_semaphore, #tpu.memory_space<semaphore_mem>>)
        %dma_wait3A = arith.constant 0 : i32
        %dma_wait3A_152 = tpu.memref_slice %arg15[%arg1, %dma_wait3A] : memref<16x10240xf32, #tpu.memory_space<vmem_shared>> -> memref<1x10240xf32, #tpu.memory_space<vmem_shared>>
        %dma_wait3A_153 = tpu.memref_squeeze %dma_wait3A_152 : memref<1x10240xf32, #tpu.memory_space<vmem_shared>> -> memref<10240xf32, #tpu.memory_space<vmem_shared>>
        %dma_wait3A_154 = arith.constant 0 : i32
        %dma_wait3A_155 = tpu.memref_slice %arg15[%arg1, %dma_wait3A_154] : memref<16x10240xf32, #tpu.memory_space<vmem_shared>> -> memref<1x10240xf32, #tpu.memory_space<vmem_shared>>
        %dma_wait3A_156 = tpu.memref_squeeze %dma_wait3A_155 : memref<1x10240xf32, #tpu.memory_space<vmem_shared>> -> memref<10240xf32, #tpu.memory_space<vmem_shared>>
        tpu.wait_dma2 semaphore(%run_scoped3A : memref<!tpu.dma_semaphore, #tpu.memory_space<semaphore_mem>>) src(%arg9 : memref<10240xf32, #tpu.memory_space<vmem>>) dst(%dma_wait3A_156 : memref<10240xf32, #tpu.memory_space<vmem_shared>>)
        tpu.yield
      }) : () -> ()
      %barrier3A_60 = arith.constant 0 : index
      tpu.barrier barrier_id(%barrier3A_60)
      %mul3A_61 = arith.constant 640 : i32
      %mul3A_62 = arith.muli %arg1, %mul3A_61 : i32
      "tpu.region"() ({
        %run_scoped3A = tpu.sem_alloc : memref<!tpu.dma_semaphore, #tpu.memory_space<semaphore_mem>>
        %dma_start3A = arith.constant 0 : i32
        %dma_start3A_147 = tpu.memref_slice %arg15[%dma_start3A, %mul3A_62] : memref<16x10240xf32, #tpu.memory_space<vmem_shared>> -> memref<16x640xf32, #tpu.memory_space<vmem_shared>>
        %dma_start3A_148 = arith.constant 0 : i32
        %dma_start3A_149 = tpu.memref_slice %arg15[%dma_start3A_148, %mul3A_62] : memref<16x10240xf32, #tpu.memory_space<vmem_shared>> -> memref<16x640xf32, #tpu.memory_space<vmem_shared>>
        tpu.enqueue_dma source(%dma_start3A_149 : memref<16x640xf32, #tpu.memory_space<vmem_shared>>) target(%arg11 : memref<16x640xf32, #tpu.memory_space<vmem>>) target_semaphore(%run_scoped3A : memref<!tpu.dma_semaphore, #tpu.memory_space<semaphore_mem>>)
        %dma_wait3A = arith.constant 0 : i32
        %dma_wait3A_150 = tpu.memref_slice %arg15[%dma_wait3A, %mul3A_62] : memref<16x10240xf32, #tpu.memory_space<vmem_shared>> -> memref<16x640xf32, #tpu.memory_space<vmem_shared>>
        %dma_wait3A_151 = arith.constant 0 : i32
        %dma_wait3A_152 = tpu.memref_slice %arg15[%dma_wait3A_151, %mul3A_62] : memref<16x10240xf32, #tpu.memory_space<vmem_shared>> -> memref<16x640xf32, #tpu.memory_space<vmem_shared>>
        tpu.wait_dma2 semaphore(%run_scoped3A : memref<!tpu.dma_semaphore, #tpu.memory_space<semaphore_mem>>) src(%dma_wait3A_152 : memref<16x640xf32, #tpu.memory_space<vmem_shared>>) dst(%arg11 : memref<16x640xf32, #tpu.memory_space<vmem>>)
        tpu.yield
      }) : () -> ()
      %parallel_loop3A_63 = arith.constant 0 : i32
      %parallel_loop3A_64 = arith.constant 40 : i32
      %parallel_loop3A_65 = arith.constant 1 : i32
      scf.for %parallel_loop3A_147 = %parallel_loop3A_63 to %parallel_loop3A_64 step %parallel_loop3A_65  : i32 {
        %parallel_loop3A_148 = arith.constant 16 : i32
        %parallel_loop3A_149 = arith.muli %parallel_loop3A_147, %parallel_loop3A_148 : i32
        %parallel_loop3A_150 = arith.constant 0 : i32
        %parallel_loop3A_151 = arith.index_cast %parallel_loop3A_150 : i32 to index
        %parallel_loop3A_152 = arith.index_cast %parallel_loop3A_149 : i32 to index
        %parallel_loop3A_153 = tpu.vector_load %arg11[%parallel_loop3A_151, %parallel_loop3A_152] {strides = array<i32>} : memref<16x640xf32, #tpu.memory_space<vmem>>, vector<16xf32>,
        %parallel_loop3A_154 = arith.constant 16 : i32
        %parallel_loop3A_155 = arith.muli %parallel_loop3A_147, %parallel_loop3A_154 : i32
        %parallel_loop3A_156 = arith.constant 1 : i32
        %parallel_loop3A_157 = arith.index_cast %parallel_loop3A_156 : i32 to index
        %parallel_loop3A_158 = arith.index_cast %parallel_loop3A_155 : i32 to index
        %parallel_loop3A_159 = tpu.vector_load %arg11[%parallel_loop3A_157, %parallel_loop3A_158] {strides = array<i32>} : memref<16x640xf32, #tpu.memory_space<vmem>>, vector<16xf32>,
        %parallel_loop3A_160 = arith.addf %parallel_loop3A_153, %parallel_loop3A_159 : vector<16xf32>
        %parallel_loop3A_161 = arith.constant 16 : i32
        %parallel_loop3A_162 = arith.muli %parallel_loop3A_147, %parallel_loop3A_161 : i32
        %parallel_loop3A_163 = arith.constant 2 : i32
        %parallel_loop3A_164 = arith.index_cast %parallel_loop3A_163 : i32 to index
        %parallel_loop3A_165 = arith.index_cast %parallel_loop3A_162 : i32 to index
        %parallel_loop3A_166 = tpu.vector_load %arg11[%parallel_loop3A_164, %parallel_loop3A_165] {strides = array<i32>} : memref<16x640xf32, #tpu.memory_space<vmem>>, vector<16xf32>,
        %parallel_loop3A_167 = arith.addf %parallel_loop3A_160, %parallel_loop3A_166 : vector<16xf32>
        %parallel_loop3A_168 = arith.constant 16 : i32
        %parallel_loop3A_169 = arith.muli %parallel_loop3A_147, %parallel_loop3A_168 : i32
        %parallel_loop3A_170 = arith.constant 3 : i32
        %parallel_loop3A_171 = arith.index_cast %parallel_loop3A_170 : i32 to index
        %parallel_loop3A_172 = arith.index_cast %parallel_loop3A_169 : i32 to index
        %parallel_loop3A_173 = tpu.vector_load %arg11[%parallel_loop3A_171, %parallel_loop3A_172] {strides = array<i32>} : memref<16x640xf32, #tpu.memory_space<vmem>>, vector<16xf32>,
        %parallel_loop3A_174 = arith.addf %parallel_loop3A_167, %parallel_loop3A_173 : vector<16xf32>
        %parallel_loop3A_175 = arith.constant 16 : i32
        %parallel_loop3A_176 = arith.muli %parallel_loop3A_147, %parallel_loop3A_175 : i32
        %parallel_loop3A_177 = arith.constant 4 : i32
        %parallel_loop3A_178 = arith.index_cast %parallel_loop3A_177 : i32 to index
        %parallel_loop3A_179 = arith.index_cast %parallel_loop3A_176 : i32 to index
        %parallel_loop3A_180 = tpu.vector_load %arg11[%parallel_loop3A_178, %parallel_loop3A_179] {strides = array<i32>} : memref<16x640xf32, #tpu.memory_space<vmem>>, vector<16xf32>,
        %parallel_loop3A_181 = arith.addf %parallel_loop3A_174, %parallel_loop3A_180 : vector<16xf32>
        %parallel_loop3A_182 = arith.constant 16 : i32
        %parallel_loop3A_183 = arith.muli %parallel_loop3A_147, %parallel_loop3A_182 : i32
        %parallel_loop3A_184 = arith.constant 5 : i32
        %parallel_loop3A_185 = arith.index_cast %parallel_loop3A_184 : i32 to index
        %parallel_loop3A_186 = arith.index_cast %parallel_loop3A_183 : i32 to index
        %parallel_loop3A_187 = tpu.vector_load %arg11[%parallel_loop3A_185, %parallel_loop3A_186] {strides = array<i32>} : memref<16x640xf32, #tpu.memory_space<vmem>>, vector<16xf32>,
        %parallel_loop3A_188 = arith.addf %parallel_loop3A_181, %parallel_loop3A_187 : vector<16xf32>
        %parallel_loop3A_189 = arith.constant 16 : i32
        %parallel_loop3A_190 = arith.muli %parallel_loop3A_147, %parallel_loop3A_189 : i32
        %parallel_loop3A_191 = arith.constant 6 : i32
        %parallel_loop3A_192 = arith.index_cast %parallel_loop3A_191 : i32 to index
        %parallel_loop3A_193 = arith.index_cast %parallel_loop3A_190 : i32 to index
        %parallel_loop3A_194 = tpu.vector_load %arg11[%parallel_loop3A_192, %parallel_loop3A_193] {strides = array<i32>} : memref<16x640xf32, #tpu.memory_space<vmem>>, vector<16xf32>,
        %parallel_loop3A_195 = arith.addf %parallel_loop3A_188, %parallel_loop3A_194 : vector<16xf32>
        %parallel_loop3A_196 = arith.constant 16 : i32
        %parallel_loop3A_197 = arith.muli %parallel_loop3A_147, %parallel_loop3A_196 : i32
        %parallel_loop3A_198 = arith.constant 7 : i32
        %parallel_loop3A_199 = arith.index_cast %parallel_loop3A_198 : i32 to index
        %parallel_loop3A_200 = arith.index_cast %parallel_loop3A_197 : i32 to index
        %parallel_loop3A_201 = tpu.vector_load %arg11[%parallel_loop3A_199, %parallel_loop3A_200] {strides = array<i32>} : memref<16x640xf32, #tpu.memory_space<vmem>>, vector<16xf32>,
        %parallel_loop3A_202 = arith.addf %parallel_loop3A_195, %parallel_loop3A_201 : vector<16xf32>
        %parallel_loop3A_203 = arith.constant 16 : i32
        %parallel_loop3A_204 = arith.muli %parallel_loop3A_147, %parallel_loop3A_203 : i32
        %parallel_loop3A_205 = arith.constant 8 : i32
        %parallel_loop3A_206 = arith.index_cast %parallel_loop3A_205 : i32 to index
        %parallel_loop3A_207 = arith.index_cast %parallel_loop3A_204 : i32 to index
        %parallel_loop3A_208 = tpu.vector_load %arg11[%parallel_loop3A_206, %parallel_loop3A_207] {strides = array<i32>} : memref<16x640xf32, #tpu.memory_space<vmem>>, vector<16xf32>,
        %parallel_loop3A_209 = arith.addf %parallel_loop3A_202, %parallel_loop3A_208 : vector<16xf32>
        %parallel_loop3A_210 = arith.constant 16 : i32
        %parallel_loop3A_211 = arith.muli %parallel_loop3A_147, %parallel_loop3A_210 : i32
        %parallel_loop3A_212 = arith.constant 9 : i32
        %parallel_loop3A_213 = arith.index_cast %parallel_loop3A_212 : i32 to index
        %parallel_loop3A_214 = arith.index_cast %parallel_loop3A_211 : i32 to index
        %parallel_loop3A_215 = tpu.vector_load %arg11[%parallel_loop3A_213, %parallel_loop3A_214] {strides = array<i32>} : memref<16x640xf32, #tpu.memory_space<vmem>>, vector<16xf32>,
        %parallel_loop3A_216 = arith.addf %parallel_loop3A_209, %parallel_loop3A_215 : vector<16xf32>
        %parallel_loop3A_217 = arith.constant 16 : i32
        %parallel_loop3A_218 = arith.muli %parallel_loop3A_147, %parallel_loop3A_217 : i32
        %parallel_loop3A_219 = arith.constant 10 : i32
        %parallel_loop3A_220 = arith.index_cast %parallel_loop3A_219 : i32 to index
        %parallel_loop3A_221 = arith.index_cast %parallel_loop3A_218 : i32 to index
        %parallel_loop3A_222 = tpu.vector_load %arg11[%parallel_loop3A_220, %parallel_loop3A_221] {strides = array<i32>} : memref<16x640xf32, #tpu.memory_space<vmem>>, vector<16xf32>,
        %parallel_loop3A_223 = arith.addf %parallel_loop3A_216, %parallel_loop3A_222 : vector<16xf32>
        %parallel_loop3A_224 = arith.constant 16 : i32
        %parallel_loop3A_225 = arith.muli %parallel_loop3A_147, %parallel_loop3A_224 : i32
        %parallel_loop3A_226 = arith.constant 11 : i32
        %parallel_loop3A_227 = arith.index_cast %parallel_loop3A_226 : i32 to index
        %parallel_loop3A_228 = arith.index_cast %parallel_loop3A_225 : i32 to index
        %parallel_loop3A_229 = tpu.vector_load %arg11[%parallel_loop3A_227, %parallel_loop3A_228] {strides = array<i32>} : memref<16x640xf32, #tpu.memory_space<vmem>>, vector<16xf32>,
        %parallel_loop3A_230 = arith.addf %parallel_loop3A_223, %parallel_loop3A_229 : vector<16xf32>
        %parallel_loop3A_231 = arith.constant 16 : i32
        %parallel_loop3A_232 = arith.muli %parallel_loop3A_147, %parallel_loop3A_231 : i32
        %parallel_loop3A_233 = arith.constant 12 : i32
        %parallel_loop3A_234 = arith.index_cast %parallel_loop3A_233 : i32 to index
        %parallel_loop3A_235 = arith.index_cast %parallel_loop3A_232 : i32 to index
        %parallel_loop3A_236 = tpu.vector_load %arg11[%parallel_loop3A_234, %parallel_loop3A_235] {strides = array<i32>} : memref<16x640xf32, #tpu.memory_space<vmem>>, vector<16xf32>,
        %parallel_loop3A_237 = arith.addf %parallel_loop3A_230, %parallel_loop3A_236 : vector<16xf32>
        %parallel_loop3A_238 = arith.constant 16 : i32
        %parallel_loop3A_239 = arith.muli %parallel_loop3A_147, %parallel_loop3A_238 : i32
        %parallel_loop3A_240 = arith.constant 13 : i32
        %parallel_loop3A_241 = arith.index_cast %parallel_loop3A_240 : i32 to index
        %parallel_loop3A_242 = arith.index_cast %parallel_loop3A_239 : i32 to index
        %parallel_loop3A_243 = tpu.vector_load %arg11[%parallel_loop3A_241, %parallel_loop3A_242] {strides = array<i32>} : memref<16x640xf32, #tpu.memory_space<vmem>>, vector<16xf32>,
        %parallel_loop3A_244 = arith.addf %parallel_loop3A_237, %parallel_loop3A_243 : vector<16xf32>
        %parallel_loop3A_245 = arith.constant 16 : i32
        %parallel_loop3A_246 = arith.muli %parallel_loop3A_147, %parallel_loop3A_245 : i32
        %parallel_loop3A_247 = arith.constant 14 : i32
        %parallel_loop3A_248 = arith.index_cast %parallel_loop3A_247 : i32 to index
        %parallel_loop3A_249 = arith.index_cast %parallel_loop3A_246 : i32 to index
        %parallel_loop3A_250 = tpu.vector_load %arg11[%parallel_loop3A_248, %parallel_loop3A_249] {strides = array<i32>} : memref<16x640xf32, #tpu.memory_space<vmem>>, vector<16xf32>,
        %parallel_loop3A_251 = arith.addf %parallel_loop3A_244, %parallel_loop3A_250 : vector<16xf32>
        %parallel_loop3A_252 = arith.constant 16 : i32
        %parallel_loop3A_253 = arith.muli %parallel_loop3A_147, %parallel_loop3A_252 : i32
        %parallel_loop3A_254 = arith.constant 15 : i32
        %parallel_loop3A_255 = arith.index_cast %parallel_loop3A_254 : i32 to index
        %parallel_loop3A_256 = arith.index_cast %parallel_loop3A_253 : i32 to index
        %parallel_loop3A_257 = tpu.vector_load %arg11[%parallel_loop3A_255, %parallel_loop3A_256] {strides = array<i32>} : memref<16x640xf32, #tpu.memory_space<vmem>>, vector<16xf32>,
        %parallel_loop3A_258 = arith.addf %parallel_loop3A_251, %parallel_loop3A_257 : vector<16xf32>
        %parallel_loop3A_259 = arith.constant 16 : i32
        %parallel_loop3A_260 = arith.muli %parallel_loop3A_147, %parallel_loop3A_259 : i32
        %parallel_loop3A_261 = arith.index_cast %parallel_loop3A_260 : i32 to index
        %parallel_loop3A_262 = tpu.vector_load %arg12[%parallel_loop3A_261] {strides = array<i32>} : memref<640xf32, #tpu.memory_space<vmem>>, vector<16xf32>,
        tpu.vector_store %arg12[%parallel_loop3A_261], %parallel_loop3A_258 {strides = array<i32>} : memref<640xf32, #tpu.memory_space<vmem>>, vector<16xf32>,
      } {sc.loop_unroll_factor = 2 : i64, sc.parallel_access}
      %mul3A_66 = arith.constant 640 : i32
      %mul3A_67 = arith.muli %arg1, %mul3A_66 : i32
      "tpu.region"() ({
        %run_scoped3A = tpu.sem_alloc : memref<!tpu.dma_semaphore, #tpu.memory_space<semaphore_mem>>
        %dma_start3A = tpu.memref_slice %arg16[%mul3A_67] : memref<10240xf32, #tpu.memory_space<vmem_shared>> -> memref<640xf32, #tpu.memory_space<vmem_shared>>
        %dma_start3A_147 = tpu.memref_slice %arg16[%mul3A_67] : memref<10240xf32, #tpu.memory_space<vmem_shared>> -> memref<640xf32, #tpu.memory_space<vmem_shared>>
        tpu.enqueue_dma source(%arg12 : memref<640xf32, #tpu.memory_space<vmem>>) target(%dma_start3A_147 : memref<640xf32, #tpu.memory_space<vmem_shared>>) target_semaphore(%run_scoped3A : memref<!tpu.dma_semaphore, #tpu.memory_space<semaphore_mem>>)
        %dma_wait3A = tpu.memref_slice %arg16[%mul3A_67] : memref<10240xf32, #tpu.memory_space<vmem_shared>> -> memref<640xf32, #tpu.memory_space<vmem_shared>>
        %dma_wait3A_148 = tpu.memref_slice %arg16[%mul3A_67] : memref<10240xf32, #tpu.memory_space<vmem_shared>> -> memref<640xf32, #tpu.memory_space<vmem_shared>>
        tpu.wait_dma2 semaphore(%run_scoped3A : memref<!tpu.dma_semaphore, #tpu.memory_space<semaphore_mem>>) src(%arg12 : memref<640xf32, #tpu.memory_space<vmem>>) dst(%dma_wait3A_148 : memref<640xf32, #tpu.memory_space<vmem_shared>>)
        tpu.yield
      }) : () -> ()
      %barrier3A_68 = arith.constant 0 : index
      tpu.barrier barrier_id(%barrier3A_68)
      "tpu.region"() ({
        %run_scoped3A = tpu.sem_alloc : memref<!tpu.dma_semaphore, #tpu.memory_space<semaphore_mem>>
        tpu.enqueue_dma source(%arg16 : memref<10240xf32, #tpu.memory_space<vmem_shared>>) target(%arg8 : memref<10240xf32, #tpu.memory_space<vmem>>) target_semaphore(%run_scoped3A : memref<!tpu.dma_semaphore, #tpu.memory_space<semaphore_mem>>)
        tpu.wait_dma2 semaphore(%run_scoped3A : memref<!tpu.dma_semaphore, #tpu.memory_space<semaphore_mem>>) src(%arg16 : memref<10240xf32, #tpu.memory_space<vmem_shared>>) dst(%arg8 : memref<10240xf32, #tpu.memory_space<vmem>>)
        tpu.yield
      }) : () -> ()
      %parallel_loop3A_69 = arith.constant 0 : i32
      %parallel_loop3A_70 = arith.constant 640 : i32
      %parallel_loop3A_71 = arith.constant 1 : i32
      scf.for %parallel_loop3A_147 = %parallel_loop3A_69 to %parallel_loop3A_70 step %parallel_loop3A_71  : i32 {
        %parallel_loop3A_148 = arith.constant 0.000000e+00 : f32
        %parallel_loop3A_149 = vector.broadcast %parallel_loop3A_148 : f32 to vector<16xf32>
        %parallel_loop3A_150 = arith.constant 16 : i32
        %parallel_loop3A_151 = arith.muli %parallel_loop3A_147, %parallel_loop3A_150 : i32
        %parallel_loop3A_152 = arith.index_cast %parallel_loop3A_151 : i32 to index
        %parallel_loop3A_153 = tpu.vector_load %arg9[%parallel_loop3A_152] {strides = array<i32>} : memref<10240xf32, #tpu.memory_space<vmem>>, vector<16xf32>,
        tpu.vector_store %arg9[%parallel_loop3A_152], %parallel_loop3A_149 {strides = array<i32>} : memref<10240xf32, #tpu.memory_space<vmem>>, vector<16xf32>,
      } {sc.loop_unroll_factor = 4 : i64, sc.parallel_access}
      %parallel_loop3A_72 = arith.constant 0 : i32
      %parallel_loop3A_73 = arith.constant 1264 : i32
      %parallel_loop3A_74 = arith.constant 1 : i32
      scf.for %parallel_loop3A_147 = %parallel_loop3A_72 to %parallel_loop3A_73 step %parallel_loop3A_74  : i32 {
        %parallel_loop3A_148 = arith.constant 16 : i32
        %parallel_loop3A_149 = arith.muli %parallel_loop3A_147, %parallel_loop3A_148 : i32
        %parallel_loop3A_150 = arith.index_cast %parallel_loop3A_149 : i32 to index
        %parallel_loop3A_151 = tpu.vector_load %arg6[%parallel_loop3A_150] {strides = array<i32>} : memref<20224xi32, #tpu.memory_space<vmem>>, vector<16xi32>,
        %parallel_loop3A_152 = arith.constant 16 : i32
        %parallel_loop3A_153 = arith.muli %parallel_loop3A_147, %parallel_loop3A_152 : i32
        %parallel_loop3A_154 = arith.index_cast %parallel_loop3A_153 : i32 to index
        %parallel_loop3A_155 = tpu.vector_load %arg7[%parallel_loop3A_154] {strides = array<i32>} : memref<20224xi32, #tpu.memory_space<vmem>>, vector<16xi32>,
        %parallel_loop3A_156 = tpu.vector_load_idx %arg8[%parallel_loop3A_151] : memref<10240xf32, #tpu.memory_space<vmem>>[vector<16xi32>], vector<16xf32>,
        tpu.vector_store_idx %arg9[%parallel_loop3A_155], %parallel_loop3A_156 {add = true} : memref<10240xf32, #tpu.memory_space<vmem>>[vector<16xi32>], vector<16xf32>,
      } {sc.loop_unroll_factor = 8 : i64, sc.parallel_access}
      "tpu.region"() ({
        %run_scoped3A = tpu.sem_alloc : memref<!tpu.dma_semaphore, #tpu.memory_space<semaphore_mem>>
        %dma_start3A = arith.constant 0 : i32
        %dma_start3A_147 = tpu.memref_slice %arg15[%arg1, %dma_start3A] : memref<16x10240xf32, #tpu.memory_space<vmem_shared>> -> memref<1x10240xf32, #tpu.memory_space<vmem_shared>>
        %dma_start3A_148 = tpu.memref_squeeze %dma_start3A_147 : memref<1x10240xf32, #tpu.memory_space<vmem_shared>> -> memref<10240xf32, #tpu.memory_space<vmem_shared>>
        %dma_start3A_149 = arith.constant 0 : i32
        %dma_start3A_150 = tpu.memref_slice %arg15[%arg1, %dma_start3A_149] : memref<16x10240xf32, #tpu.memory_space<vmem_shared>> -> memref<1x10240xf32, #tpu.memory_space<vmem_shared>>
        %dma_start3A_151 = tpu.memref_squeeze %dma_start3A_150 : memref<1x10240xf32, #tpu.memory_space<vmem_shared>> -> memref<10240xf32, #tpu.memory_space<vmem_shared>>
        tpu.enqueue_dma source(%arg9 : memref<10240xf32, #tpu.memory_space<vmem>>) target(%dma_start3A_151 : memref<10240xf32, #tpu.memory_space<vmem_shared>>) target_semaphore(%run_scoped3A : memref<!tpu.dma_semaphore, #tpu.memory_space<semaphore_mem>>)
        %dma_wait3A = arith.constant 0 : i32
        %dma_wait3A_152 = tpu.memref_slice %arg15[%arg1, %dma_wait3A] : memref<16x10240xf32, #tpu.memory_space<vmem_shared>> -> memref<1x10240xf32, #tpu.memory_space<vmem_shared>>
        %dma_wait3A_153 = tpu.memref_squeeze %dma_wait3A_152 : memref<1x10240xf32, #tpu.memory_space<vmem_shared>> -> memref<10240xf32, #tpu.memory_space<vmem_shared>>
        %dma_wait3A_154 = arith.constant 0 : i32
        %dma_wait3A_155 = tpu.memref_slice %arg15[%arg1, %dma_wait3A_154] : memref<16x10240xf32, #tpu.memory_space<vmem_shared>> -> memref<1x10240xf32, #tpu.memory_space<vmem_shared>>
        %dma_wait3A_156 = tpu.memref_squeeze %dma_wait3A_155 : memref<1x10240xf32, #tpu.memory_space<vmem_shared>> -> memref<10240xf32, #tpu.memory_space<vmem_shared>>
        tpu.wait_dma2 semaphore(%run_scoped3A : memref<!tpu.dma_semaphore, #tpu.memory_space<semaphore_mem>>) src(%arg9 : memref<10240xf32, #tpu.memory_space<vmem>>) dst(%dma_wait3A_156 : memref<10240xf32, #tpu.memory_space<vmem_shared>>)
        tpu.yield
      }) : () -> ()
      %barrier3A_75 = arith.constant 0 : index
      tpu.barrier barrier_id(%barrier3A_75)
      %mul3A_76 = arith.constant 640 : i32
      %mul3A_77 = arith.muli %arg1, %mul3A_76 : i32
      "tpu.region"() ({
        %run_scoped3A = tpu.sem_alloc : memref<!tpu.dma_semaphore, #tpu.memory_space<semaphore_mem>>
        %dma_start3A = arith.constant 0 : i32
        %dma_start3A_147 = tpu.memref_slice %arg15[%dma_start3A, %mul3A_77] : memref<16x10240xf32, #tpu.memory_space<vmem_shared>> -> memref<16x640xf32, #tpu.memory_space<vmem_shared>>
        %dma_start3A_148 = arith.constant 0 : i32
        %dma_start3A_149 = tpu.memref_slice %arg15[%dma_start3A_148, %mul3A_77] : memref<16x10240xf32, #tpu.memory_space<vmem_shared>> -> memref<16x640xf32, #tpu.memory_space<vmem_shared>>
        tpu.enqueue_dma source(%dma_start3A_149 : memref<16x640xf32, #tpu.memory_space<vmem_shared>>) target(%arg11 : memref<16x640xf32, #tpu.memory_space<vmem>>) target_semaphore(%run_scoped3A : memref<!tpu.dma_semaphore, #tpu.memory_space<semaphore_mem>>)
        %dma_wait3A = arith.constant 0 : i32
        %dma_wait3A_150 = tpu.memref_slice %arg15[%dma_wait3A, %mul3A_77] : memref<16x10240xf32, #tpu.memory_space<vmem_shared>> -> memref<16x640xf32, #tpu.memory_space<vmem_shared>>
        %dma_wait3A_151 = arith.constant 0 : i32
        %dma_wait3A_152 = tpu.memref_slice %arg15[%dma_wait3A_151, %mul3A_77] : memref<16x10240xf32, #tpu.memory_space<vmem_shared>> -> memref<16x640xf32, #tpu.memory_space<vmem_shared>>
        tpu.wait_dma2 semaphore(%run_scoped3A : memref<!tpu.dma_semaphore, #tpu.memory_space<semaphore_mem>>) src(%dma_wait3A_152 : memref<16x640xf32, #tpu.memory_space<vmem_shared>>) dst(%arg11 : memref<16x640xf32, #tpu.memory_space<vmem>>)
        tpu.yield
      }) : () -> ()
      %parallel_loop3A_78 = arith.constant 0 : i32
      %parallel_loop3A_79 = arith.constant 40 : i32
      %parallel_loop3A_80 = arith.constant 1 : i32
      scf.for %parallel_loop3A_147 = %parallel_loop3A_78 to %parallel_loop3A_79 step %parallel_loop3A_80  : i32 {
        %parallel_loop3A_148 = arith.constant 16 : i32
        %parallel_loop3A_149 = arith.muli %parallel_loop3A_147, %parallel_loop3A_148 : i32
        %parallel_loop3A_150 = arith.constant 0 : i32
        %parallel_loop3A_151 = arith.index_cast %parallel_loop3A_150 : i32 to index
        %parallel_loop3A_152 = arith.index_cast %parallel_loop3A_149 : i32 to index
        %parallel_loop3A_153 = tpu.vector_load %arg11[%parallel_loop3A_151, %parallel_loop3A_152] {strides = array<i32>} : memref<16x640xf32, #tpu.memory_space<vmem>>, vector<16xf32>,
        %parallel_loop3A_154 = arith.constant 16 : i32
        %parallel_loop3A_155 = arith.muli %parallel_loop3A_147, %parallel_loop3A_154 : i32
        %parallel_loop3A_156 = arith.constant 1 : i32
        %parallel_loop3A_157 = arith.index_cast %parallel_loop3A_156 : i32 to index
        %parallel_loop3A_158 = arith.index_cast %parallel_loop3A_155 : i32 to index
        %parallel_loop3A_159 = tpu.vector_load %arg11[%parallel_loop3A_157, %parallel_loop3A_158] {strides = array<i32>} : memref<16x640xf32, #tpu.memory_space<vmem>>, vector<16xf32>,
        %parallel_loop3A_160 = arith.addf %parallel_loop3A_153, %parallel_loop3A_159 : vector<16xf32>
        %parallel_loop3A_161 = arith.constant 16 : i32
        %parallel_loop3A_162 = arith.muli %parallel_loop3A_147, %parallel_loop3A_161 : i32
        %parallel_loop3A_163 = arith.constant 2 : i32
        %parallel_loop3A_164 = arith.index_cast %parallel_loop3A_163 : i32 to index
        %parallel_loop3A_165 = arith.index_cast %parallel_loop3A_162 : i32 to index
        %parallel_loop3A_166 = tpu.vector_load %arg11[%parallel_loop3A_164, %parallel_loop3A_165] {strides = array<i32>} : memref<16x640xf32, #tpu.memory_space<vmem>>, vector<16xf32>,
        %parallel_loop3A_167 = arith.addf %parallel_loop3A_160, %parallel_loop3A_166 : vector<16xf32>
        %parallel_loop3A_168 = arith.constant 16 : i32
        %parallel_loop3A_169 = arith.muli %parallel_loop3A_147, %parallel_loop3A_168 : i32
        %parallel_loop3A_170 = arith.constant 3 : i32
        %parallel_loop3A_171 = arith.index_cast %parallel_loop3A_170 : i32 to index
        %parallel_loop3A_172 = arith.index_cast %parallel_loop3A_169 : i32 to index
        %parallel_loop3A_173 = tpu.vector_load %arg11[%parallel_loop3A_171, %parallel_loop3A_172] {strides = array<i32>} : memref<16x640xf32, #tpu.memory_space<vmem>>, vector<16xf32>,
        %parallel_loop3A_174 = arith.addf %parallel_loop3A_167, %parallel_loop3A_173 : vector<16xf32>
        %parallel_loop3A_175 = arith.constant 16 : i32
        %parallel_loop3A_176 = arith.muli %parallel_loop3A_147, %parallel_loop3A_175 : i32
        %parallel_loop3A_177 = arith.constant 4 : i32
        %parallel_loop3A_178 = arith.index_cast %parallel_loop3A_177 : i32 to index
        %parallel_loop3A_179 = arith.index_cast %parallel_loop3A_176 : i32 to index
        %parallel_loop3A_180 = tpu.vector_load %arg11[%parallel_loop3A_178, %parallel_loop3A_179] {strides = array<i32>} : memref<16x640xf32, #tpu.memory_space<vmem>>, vector<16xf32>,
        %parallel_loop3A_181 = arith.addf %parallel_loop3A_174, %parallel_loop3A_180 : vector<16xf32>
        %parallel_loop3A_182 = arith.constant 16 : i32
        %parallel_loop3A_183 = arith.muli %parallel_loop3A_147, %parallel_loop3A_182 : i32
        %parallel_loop3A_184 = arith.constant 5 : i32
        %parallel_loop3A_185 = arith.index_cast %parallel_loop3A_184 : i32 to index
        %parallel_loop3A_186 = arith.index_cast %parallel_loop3A_183 : i32 to index
        %parallel_loop3A_187 = tpu.vector_load %arg11[%parallel_loop3A_185, %parallel_loop3A_186] {strides = array<i32>} : memref<16x640xf32, #tpu.memory_space<vmem>>, vector<16xf32>,
        %parallel_loop3A_188 = arith.addf %parallel_loop3A_181, %parallel_loop3A_187 : vector<16xf32>
        %parallel_loop3A_189 = arith.constant 16 : i32
        %parallel_loop3A_190 = arith.muli %parallel_loop3A_147, %parallel_loop3A_189 : i32
        %parallel_loop3A_191 = arith.constant 6 : i32
        %parallel_loop3A_192 = arith.index_cast %parallel_loop3A_191 : i32 to index
        %parallel_loop3A_193 = arith.index_cast %parallel_loop3A_190 : i32 to index
        %parallel_loop3A_194 = tpu.vector_load %arg11[%parallel_loop3A_192, %parallel_loop3A_193] {strides = array<i32>} : memref<16x640xf32, #tpu.memory_space<vmem>>, vector<16xf32>,
        %parallel_loop3A_195 = arith.addf %parallel_loop3A_188, %parallel_loop3A_194 : vector<16xf32>
        %parallel_loop3A_196 = arith.constant 16 : i32
        %parallel_loop3A_197 = arith.muli %parallel_loop3A_147, %parallel_loop3A_196 : i32
        %parallel_loop3A_198 = arith.constant 7 : i32
        %parallel_loop3A_199 = arith.index_cast %parallel_loop3A_198 : i32 to index
        %parallel_loop3A_200 = arith.index_cast %parallel_loop3A_197 : i32 to index
        %parallel_loop3A_201 = tpu.vector_load %arg11[%parallel_loop3A_199, %parallel_loop3A_200] {strides = array<i32>} : memref<16x640xf32, #tpu.memory_space<vmem>>, vector<16xf32>,
        %parallel_loop3A_202 = arith.addf %parallel_loop3A_195, %parallel_loop3A_201 : vector<16xf32>
        %parallel_loop3A_203 = arith.constant 16 : i32
        %parallel_loop3A_204 = arith.muli %parallel_loop3A_147, %parallel_loop3A_203 : i32
        %parallel_loop3A_205 = arith.constant 8 : i32
        %parallel_loop3A_206 = arith.index_cast %parallel_loop3A_205 : i32 to index
        %parallel_loop3A_207 = arith.index_cast %parallel_loop3A_204 : i32 to index
        %parallel_loop3A_208 = tpu.vector_load %arg11[%parallel_loop3A_206, %parallel_loop3A_207] {strides = array<i32>} : memref<16x640xf32, #tpu.memory_space<vmem>>, vector<16xf32>,
        %parallel_loop3A_209 = arith.addf %parallel_loop3A_202, %parallel_loop3A_208 : vector<16xf32>
        %parallel_loop3A_210 = arith.constant 16 : i32
        %parallel_loop3A_211 = arith.muli %parallel_loop3A_147, %parallel_loop3A_210 : i32
        %parallel_loop3A_212 = arith.constant 9 : i32
        %parallel_loop3A_213 = arith.index_cast %parallel_loop3A_212 : i32 to index
        %parallel_loop3A_214 = arith.index_cast %parallel_loop3A_211 : i32 to index
        %parallel_loop3A_215 = tpu.vector_load %arg11[%parallel_loop3A_213, %parallel_loop3A_214] {strides = array<i32>} : memref<16x640xf32, #tpu.memory_space<vmem>>, vector<16xf32>,
        %parallel_loop3A_216 = arith.addf %parallel_loop3A_209, %parallel_loop3A_215 : vector<16xf32>
        %parallel_loop3A_217 = arith.constant 16 : i32
        %parallel_loop3A_218 = arith.muli %parallel_loop3A_147, %parallel_loop3A_217 : i32
        %parallel_loop3A_219 = arith.constant 10 : i32
        %parallel_loop3A_220 = arith.index_cast %parallel_loop3A_219 : i32 to index
        %parallel_loop3A_221 = arith.index_cast %parallel_loop3A_218 : i32 to index
        %parallel_loop3A_222 = tpu.vector_load %arg11[%parallel_loop3A_220, %parallel_loop3A_221] {strides = array<i32>} : memref<16x640xf32, #tpu.memory_space<vmem>>, vector<16xf32>,
        %parallel_loop3A_223 = arith.addf %parallel_loop3A_216, %parallel_loop3A_222 : vector<16xf32>
        %parallel_loop3A_224 = arith.constant 16 : i32
        %parallel_loop3A_225 = arith.muli %parallel_loop3A_147, %parallel_loop3A_224 : i32
        %parallel_loop3A_226 = arith.constant 11 : i32
        %parallel_loop3A_227 = arith.index_cast %parallel_loop3A_226 : i32 to index
        %parallel_loop3A_228 = arith.index_cast %parallel_loop3A_225 : i32 to index
        %parallel_loop3A_229 = tpu.vector_load %arg11[%parallel_loop3A_227, %parallel_loop3A_228] {strides = array<i32>} : memref<16x640xf32, #tpu.memory_space<vmem>>, vector<16xf32>,
        %parallel_loop3A_230 = arith.addf %parallel_loop3A_223, %parallel_loop3A_229 : vector<16xf32>
        %parallel_loop3A_231 = arith.constant 16 : i32
        %parallel_loop3A_232 = arith.muli %parallel_loop3A_147, %parallel_loop3A_231 : i32
        %parallel_loop3A_233 = arith.constant 12 : i32
        %parallel_loop3A_234 = arith.index_cast %parallel_loop3A_233 : i32 to index
        %parallel_loop3A_235 = arith.index_cast %parallel_loop3A_232 : i32 to index
        %parallel_loop3A_236 = tpu.vector_load %arg11[%parallel_loop3A_234, %parallel_loop3A_235] {strides = array<i32>} : memref<16x640xf32, #tpu.memory_space<vmem>>, vector<16xf32>,
        %parallel_loop3A_237 = arith.addf %parallel_loop3A_230, %parallel_loop3A_236 : vector<16xf32>
        %parallel_loop3A_238 = arith.constant 16 : i32
        %parallel_loop3A_239 = arith.muli %parallel_loop3A_147, %parallel_loop3A_238 : i32
        %parallel_loop3A_240 = arith.constant 13 : i32
        %parallel_loop3A_241 = arith.index_cast %parallel_loop3A_240 : i32 to index
        %parallel_loop3A_242 = arith.index_cast %parallel_loop3A_239 : i32 to index
        %parallel_loop3A_243 = tpu.vector_load %arg11[%parallel_loop3A_241, %parallel_loop3A_242] {strides = array<i32>} : memref<16x640xf32, #tpu.memory_space<vmem>>, vector<16xf32>,
        %parallel_loop3A_244 = arith.addf %parallel_loop3A_237, %parallel_loop3A_243 : vector<16xf32>
        %parallel_loop3A_245 = arith.constant 16 : i32
        %parallel_loop3A_246 = arith.muli %parallel_loop3A_147, %parallel_loop3A_245 : i32
        %parallel_loop3A_247 = arith.constant 14 : i32
        %parallel_loop3A_248 = arith.index_cast %parallel_loop3A_247 : i32 to index
        %parallel_loop3A_249 = arith.index_cast %parallel_loop3A_246 : i32 to index
        %parallel_loop3A_250 = tpu.vector_load %arg11[%parallel_loop3A_248, %parallel_loop3A_249] {strides = array<i32>} : memref<16x640xf32, #tpu.memory_space<vmem>>, vector<16xf32>,
        %parallel_loop3A_251 = arith.addf %parallel_loop3A_244, %parallel_loop3A_250 : vector<16xf32>
        %parallel_loop3A_252 = arith.constant 16 : i32
        %parallel_loop3A_253 = arith.muli %parallel_loop3A_147, %parallel_loop3A_252 : i32
        %parallel_loop3A_254 = arith.constant 15 : i32
        %parallel_loop3A_255 = arith.index_cast %parallel_loop3A_254 : i32 to index
        %parallel_loop3A_256 = arith.index_cast %parallel_loop3A_253 : i32 to index
        %parallel_loop3A_257 = tpu.vector_load %arg11[%parallel_loop3A_255, %parallel_loop3A_256] {strides = array<i32>} : memref<16x640xf32, #tpu.memory_space<vmem>>, vector<16xf32>,
        %parallel_loop3A_258 = arith.addf %parallel_loop3A_251, %parallel_loop3A_257 : vector<16xf32>
        %parallel_loop3A_259 = arith.constant 16 : i32
        %parallel_loop3A_260 = arith.muli %parallel_loop3A_147, %parallel_loop3A_259 : i32
        %parallel_loop3A_261 = arith.index_cast %parallel_loop3A_260 : i32 to index
        %parallel_loop3A_262 = tpu.vector_load %arg12[%parallel_loop3A_261] {strides = array<i32>} : memref<640xf32, #tpu.memory_space<vmem>>, vector<16xf32>,
        tpu.vector_store %arg12[%parallel_loop3A_261], %parallel_loop3A_258 {strides = array<i32>} : memref<640xf32, #tpu.memory_space<vmem>>, vector<16xf32>,
      } {sc.loop_unroll_factor = 2 : i64, sc.parallel_access}
      %mul3A_81 = arith.constant 640 : i32
      %mul3A_82 = arith.muli %arg1, %mul3A_81 : i32
      "tpu.region"() ({
        %run_scoped3A = tpu.sem_alloc : memref<!tpu.dma_semaphore, #tpu.memory_space<semaphore_mem>>
        %dma_start3A = tpu.memref_slice %arg16[%mul3A_82] : memref<10240xf32, #tpu.memory_space<vmem_shared>> -> memref<640xf32, #tpu.memory_space<vmem_shared>>
        %dma_start3A_147 = tpu.memref_slice %arg16[%mul3A_82] : memref<10240xf32, #tpu.memory_space<vmem_shared>> -> memref<640xf32, #tpu.memory_space<vmem_shared>>
        tpu.enqueue_dma source(%arg12 : memref<640xf32, #tpu.memory_space<vmem>>) target(%dma_start3A_147 : memref<640xf32, #tpu.memory_space<vmem_shared>>) target_semaphore(%run_scoped3A : memref<!tpu.dma_semaphore, #tpu.memory_space<semaphore_mem>>)
        %dma_wait3A = tpu.memref_slice %arg16[%mul3A_82] : memref<10240xf32, #tpu.memory_space<vmem_shared>> -> memref<640xf32, #tpu.memory_space<vmem_shared>>
        %dma_wait3A_148 = tpu.memref_slice %arg16[%mul3A_82] : memref<10240xf32, #tpu.memory_space<vmem_shared>> -> memref<640xf32, #tpu.memory_space<vmem_shared>>
        tpu.wait_dma2 semaphore(%run_scoped3A : memref<!tpu.dma_semaphore, #tpu.memory_space<semaphore_mem>>) src(%arg12 : memref<640xf32, #tpu.memory_space<vmem>>) dst(%dma_wait3A_148 : memref<640xf32, #tpu.memory_space<vmem_shared>>)
        tpu.yield
      }) : () -> ()
      %barrier3A_83 = arith.constant 0 : index
      tpu.barrier barrier_id(%barrier3A_83)
      "tpu.region"() ({
        %run_scoped3A = tpu.sem_alloc : memref<!tpu.dma_semaphore, #tpu.memory_space<semaphore_mem>>
        tpu.enqueue_dma source(%arg16 : memref<10240xf32, #tpu.memory_space<vmem_shared>>) target(%arg10 : memref<10240xf32, #tpu.memory_space<vmem>>) target_semaphore(%run_scoped3A : memref<!tpu.dma_semaphore, #tpu.memory_space<semaphore_mem>>)
        tpu.wait_dma2 semaphore(%run_scoped3A : memref<!tpu.dma_semaphore, #tpu.memory_space<semaphore_mem>>) src(%arg16 : memref<10240xf32, #tpu.memory_space<vmem_shared>>) dst(%arg10 : memref<10240xf32, #tpu.memory_space<vmem>>)
        tpu.yield
      }) : () -> ()
      %parallel_loop3A_84 = arith.constant 0 : i32
      %parallel_loop3A_85 = arith.constant 640 : i32
      %parallel_loop3A_86 = arith.constant 1 : i32
      scf.for %parallel_loop3A_147 = %parallel_loop3A_84 to %parallel_loop3A_85 step %parallel_loop3A_86  : i32 {
        %parallel_loop3A_148 = arith.constant 0.000000e+00 : f32
        %parallel_loop3A_149 = vector.broadcast %parallel_loop3A_148 : f32 to vector<16xf32>
        %parallel_loop3A_150 = arith.constant 16 : i32
        %parallel_loop3A_151 = arith.muli %parallel_loop3A_147, %parallel_loop3A_150 : i32
        %parallel_loop3A_152 = arith.index_cast %parallel_loop3A_151 : i32 to index
        %parallel_loop3A_153 = tpu.vector_load %arg9[%parallel_loop3A_152] {strides = array<i32>} : memref<10240xf32, #tpu.memory_space<vmem>>, vector<16xf32>,
        tpu.vector_store %arg9[%parallel_loop3A_152], %parallel_loop3A_149 {strides = array<i32>} : memref<10240xf32, #tpu.memory_space<vmem>>, vector<16xf32>,
      } {sc.loop_unroll_factor = 4 : i64, sc.parallel_access}
      %parallel_loop3A_87 = arith.constant 0 : i32
      %parallel_loop3A_88 = arith.constant 1264 : i32
      %parallel_loop3A_89 = arith.constant 1 : i32
      scf.for %parallel_loop3A_147 = %parallel_loop3A_87 to %parallel_loop3A_88 step %parallel_loop3A_89  : i32 {
        %parallel_loop3A_148 = arith.constant 16 : i32
        %parallel_loop3A_149 = arith.muli %parallel_loop3A_147, %parallel_loop3A_148 : i32
        %parallel_loop3A_150 = arith.index_cast %parallel_loop3A_149 : i32 to index
        %parallel_loop3A_151 = tpu.vector_load %arg6[%parallel_loop3A_150] {strides = array<i32>} : memref<20224xi32, #tpu.memory_space<vmem>>, vector<16xi32>,
        %parallel_loop3A_152 = arith.constant 16 : i32
        %parallel_loop3A_153 = arith.muli %parallel_loop3A_147, %parallel_loop3A_152 : i32
        %parallel_loop3A_154 = arith.index_cast %parallel_loop3A_153 : i32 to index
        %parallel_loop3A_155 = tpu.vector_load %arg7[%parallel_loop3A_154] {strides = array<i32>} : memref<20224xi32, #tpu.memory_space<vmem>>, vector<16xi32>,
        %parallel_loop3A_156 = tpu.vector_load_idx %arg10[%parallel_loop3A_151] : memref<10240xf32, #tpu.memory_space<vmem>>[vector<16xi32>], vector<16xf32>,
        tpu.vector_store_idx %arg9[%parallel_loop3A_155], %parallel_loop3A_156 {add = true} : memref<10240xf32, #tpu.memory_space<vmem>>[vector<16xi32>], vector<16xf32>,
      } {sc.loop_unroll_factor = 8 : i64, sc.parallel_access}
      "tpu.region"() ({
        %run_scoped3A = tpu.sem_alloc : memref<!tpu.dma_semaphore, #tpu.memory_space<semaphore_mem>>
        %dma_start3A = arith.constant 0 : i32
        %dma_start3A_147 = tpu.memref_slice %arg15[%arg1, %dma_start3A] : memref<16x10240xf32, #tpu.memory_space<vmem_shared>> -> memref<1x10240xf32, #tpu.memory_space<vmem_shared>>
        %dma_start3A_148 = tpu.memref_squeeze %dma_start3A_147 : memref<1x10240xf32, #tpu.memory_space<vmem_shared>> -> memref<10240xf32, #tpu.memory_space<vmem_shared>>
        %dma_start3A_149 = arith.constant 0 : i32
        %dma_start3A_150 = tpu.memref_slice %arg15[%arg1, %dma_start3A_149] : memref<16x10240xf32, #tpu.memory_space<vmem_shared>> -> memref<1x10240xf32, #tpu.memory_space<vmem_shared>>
        %dma_start3A_151 = tpu.memref_squeeze %dma_start3A_150 : memref<1x10240xf32, #tpu.memory_space<vmem_shared>> -> memref<10240xf32, #tpu.memory_space<vmem_shared>>
        tpu.enqueue_dma source(%arg9 : memref<10240xf32, #tpu.memory_space<vmem>>) target(%dma_start3A_151 : memref<10240xf32, #tpu.memory_space<vmem_shared>>) target_semaphore(%run_scoped3A : memref<!tpu.dma_semaphore, #tpu.memory_space<semaphore_mem>>)
        %dma_wait3A = arith.constant 0 : i32
        %dma_wait3A_152 = tpu.memref_slice %arg15[%arg1, %dma_wait3A] : memref<16x10240xf32, #tpu.memory_space<vmem_shared>> -> memref<1x10240xf32, #tpu.memory_space<vmem_shared>>
        %dma_wait3A_153 = tpu.memref_squeeze %dma_wait3A_152 : memref<1x10240xf32, #tpu.memory_space<vmem_shared>> -> memref<10240xf32, #tpu.memory_space<vmem_shared>>
        %dma_wait3A_154 = arith.constant 0 : i32
        %dma_wait3A_155 = tpu.memref_slice %arg15[%arg1, %dma_wait3A_154] : memref<16x10240xf32, #tpu.memory_space<vmem_shared>> -> memref<1x10240xf32, #tpu.memory_space<vmem_shared>>
        %dma_wait3A_156 = tpu.memref_squeeze %dma_wait3A_155 : memref<1x10240xf32, #tpu.memory_space<vmem_shared>> -> memref<10240xf32, #tpu.memory_space<vmem_shared>>
        tpu.wait_dma2 semaphore(%run_scoped3A : memref<!tpu.dma_semaphore, #tpu.memory_space<semaphore_mem>>) src(%arg9 : memref<10240xf32, #tpu.memory_space<vmem>>) dst(%dma_wait3A_156 : memref<10240xf32, #tpu.memory_space<vmem_shared>>)
        tpu.yield
      }) : () -> ()
      %barrier3A_90 = arith.constant 0 : index
      tpu.barrier barrier_id(%barrier3A_90)
      %mul3A_91 = arith.constant 640 : i32
      %mul3A_92 = arith.muli %arg1, %mul3A_91 : i32
      "tpu.region"() ({
        %run_scoped3A = tpu.sem_alloc : memref<!tpu.dma_semaphore, #tpu.memory_space<semaphore_mem>>
        %dma_start3A = arith.constant 0 : i32
        %dma_start3A_147 = tpu.memref_slice %arg15[%dma_start3A, %mul3A_92] : memref<16x10240xf32, #tpu.memory_space<vmem_shared>> -> memref<16x640xf32, #tpu.memory_space<vmem_shared>>
        %dma_start3A_148 = arith.constant 0 : i32
        %dma_start3A_149 = tpu.memref_slice %arg15[%dma_start3A_148, %mul3A_92] : memref<16x10240xf32, #tpu.memory_space<vmem_shared>> -> memref<16x640xf32, #tpu.memory_space<vmem_shared>>
        tpu.enqueue_dma source(%dma_start3A_149 : memref<16x640xf32, #tpu.memory_space<vmem_shared>>) target(%arg11 : memref<16x640xf32, #tpu.memory_space<vmem>>) target_semaphore(%run_scoped3A : memref<!tpu.dma_semaphore, #tpu.memory_space<semaphore_mem>>)
        %dma_wait3A = arith.constant 0 : i32
        %dma_wait3A_150 = tpu.memref_slice %arg15[%dma_wait3A, %mul3A_92] : memref<16x10240xf32, #tpu.memory_space<vmem_shared>> -> memref<16x640xf32, #tpu.memory_space<vmem_shared>>
        %dma_wait3A_151 = arith.constant 0 : i32
        %dma_wait3A_152 = tpu.memref_slice %arg15[%dma_wait3A_151, %mul3A_92] : memref<16x10240xf32, #tpu.memory_space<vmem_shared>> -> memref<16x640xf32, #tpu.memory_space<vmem_shared>>
        tpu.wait_dma2 semaphore(%run_scoped3A : memref<!tpu.dma_semaphore, #tpu.memory_space<semaphore_mem>>) src(%dma_wait3A_152 : memref<16x640xf32, #tpu.memory_space<vmem_shared>>) dst(%arg11 : memref<16x640xf32, #tpu.memory_space<vmem>>)
        tpu.yield
      }) : () -> ()
      %parallel_loop3A_93 = arith.constant 0 : i32
      %parallel_loop3A_94 = arith.constant 40 : i32
      %parallel_loop3A_95 = arith.constant 1 : i32
      scf.for %parallel_loop3A_147 = %parallel_loop3A_93 to %parallel_loop3A_94 step %parallel_loop3A_95  : i32 {
        %parallel_loop3A_148 = arith.constant 16 : i32
        %parallel_loop3A_149 = arith.muli %parallel_loop3A_147, %parallel_loop3A_148 : i32
        %parallel_loop3A_150 = arith.constant 0 : i32
        %parallel_loop3A_151 = arith.index_cast %parallel_loop3A_150 : i32 to index
        %parallel_loop3A_152 = arith.index_cast %parallel_loop3A_149 : i32 to index
        %parallel_loop3A_153 = tpu.vector_load %arg11[%parallel_loop3A_151, %parallel_loop3A_152] {strides = array<i32>} : memref<16x640xf32, #tpu.memory_space<vmem>>, vector<16xf32>,
        %parallel_loop3A_154 = arith.constant 16 : i32
        %parallel_loop3A_155 = arith.muli %parallel_loop3A_147, %parallel_loop3A_154 : i32
        %parallel_loop3A_156 = arith.constant 1 : i32
        %parallel_loop3A_157 = arith.index_cast %parallel_loop3A_156 : i32 to index
        %parallel_loop3A_158 = arith.index_cast %parallel_loop3A_155 : i32 to index
        %parallel_loop3A_159 = tpu.vector_load %arg11[%parallel_loop3A_157, %parallel_loop3A_158] {strides = array<i32>} : memref<16x640xf32, #tpu.memory_space<vmem>>, vector<16xf32>,
        %parallel_loop3A_160 = arith.addf %parallel_loop3A_153, %parallel_loop3A_159 : vector<16xf32>
        %parallel_loop3A_161 = arith.constant 16 : i32
        %parallel_loop3A_162 = arith.muli %parallel_loop3A_147, %parallel_loop3A_161 : i32
        %parallel_loop3A_163 = arith.constant 2 : i32
        %parallel_loop3A_164 = arith.index_cast %parallel_loop3A_163 : i32 to index
        %parallel_loop3A_165 = arith.index_cast %parallel_loop3A_162 : i32 to index
        %parallel_loop3A_166 = tpu.vector_load %arg11[%parallel_loop3A_164, %parallel_loop3A_165] {strides = array<i32>} : memref<16x640xf32, #tpu.memory_space<vmem>>, vector<16xf32>,
        %parallel_loop3A_167 = arith.addf %parallel_loop3A_160, %parallel_loop3A_166 : vector<16xf32>
        %parallel_loop3A_168 = arith.constant 16 : i32
        %parallel_loop3A_169 = arith.muli %parallel_loop3A_147, %parallel_loop3A_168 : i32
        %parallel_loop3A_170 = arith.constant 3 : i32
        %parallel_loop3A_171 = arith.index_cast %parallel_loop3A_170 : i32 to index
        %parallel_loop3A_172 = arith.index_cast %parallel_loop3A_169 : i32 to index
        %parallel_loop3A_173 = tpu.vector_load %arg11[%parallel_loop3A_171, %parallel_loop3A_172] {strides = array<i32>} : memref<16x640xf32, #tpu.memory_space<vmem>>, vector<16xf32>,
        %parallel_loop3A_174 = arith.addf %parallel_loop3A_167, %parallel_loop3A_173 : vector<16xf32>
        %parallel_loop3A_175 = arith.constant 16 : i32
        %parallel_loop3A_176 = arith.muli %parallel_loop3A_147, %parallel_loop3A_175 : i32
        %parallel_loop3A_177 = arith.constant 4 : i32
        %parallel_loop3A_178 = arith.index_cast %parallel_loop3A_177 : i32 to index
        %parallel_loop3A_179 = arith.index_cast %parallel_loop3A_176 : i32 to index
        %parallel_loop3A_180 = tpu.vector_load %arg11[%parallel_loop3A_178, %parallel_loop3A_179] {strides = array<i32>} : memref<16x640xf32, #tpu.memory_space<vmem>>, vector<16xf32>,
        %parallel_loop3A_181 = arith.addf %parallel_loop3A_174, %parallel_loop3A_180 : vector<16xf32>
        %parallel_loop3A_182 = arith.constant 16 : i32
        %parallel_loop3A_183 = arith.muli %parallel_loop3A_147, %parallel_loop3A_182 : i32
        %parallel_loop3A_184 = arith.constant 5 : i32
        %parallel_loop3A_185 = arith.index_cast %parallel_loop3A_184 : i32 to index
        %parallel_loop3A_186 = arith.index_cast %parallel_loop3A_183 : i32 to index
        %parallel_loop3A_187 = tpu.vector_load %arg11[%parallel_loop3A_185, %parallel_loop3A_186] {strides = array<i32>} : memref<16x640xf32, #tpu.memory_space<vmem>>, vector<16xf32>,
        %parallel_loop3A_188 = arith.addf %parallel_loop3A_181, %parallel_loop3A_187 : vector<16xf32>
        %parallel_loop3A_189 = arith.constant 16 : i32
        %parallel_loop3A_190 = arith.muli %parallel_loop3A_147, %parallel_loop3A_189 : i32
        %parallel_loop3A_191 = arith.constant 6 : i32
        %parallel_loop3A_192 = arith.index_cast %parallel_loop3A_191 : i32 to index
        %parallel_loop3A_193 = arith.index_cast %parallel_loop3A_190 : i32 to index
        %parallel_loop3A_194 = tpu.vector_load %arg11[%parallel_loop3A_192, %parallel_loop3A_193] {strides = array<i32>} : memref<16x640xf32, #tpu.memory_space<vmem>>, vector<16xf32>,
        %parallel_loop3A_195 = arith.addf %parallel_loop3A_188, %parallel_loop3A_194 : vector<16xf32>
        %parallel_loop3A_196 = arith.constant 16 : i32
        %parallel_loop3A_197 = arith.muli %parallel_loop3A_147, %parallel_loop3A_196 : i32
        %parallel_loop3A_198 = arith.constant 7 : i32
        %parallel_loop3A_199 = arith.index_cast %parallel_loop3A_198 : i32 to index
        %parallel_loop3A_200 = arith.index_cast %parallel_loop3A_197 : i32 to index
        %parallel_loop3A_201 = tpu.vector_load %arg11[%parallel_loop3A_199, %parallel_loop3A_200] {strides = array<i32>} : memref<16x640xf32, #tpu.memory_space<vmem>>, vector<16xf32>,
        %parallel_loop3A_202 = arith.addf %parallel_loop3A_195, %parallel_loop3A_201 : vector<16xf32>
        %parallel_loop3A_203 = arith.constant 16 : i32
        %parallel_loop3A_204 = arith.muli %parallel_loop3A_147, %parallel_loop3A_203 : i32
        %parallel_loop3A_205 = arith.constant 8 : i32
        %parallel_loop3A_206 = arith.index_cast %parallel_loop3A_205 : i32 to index
        %parallel_loop3A_207 = arith.index_cast %parallel_loop3A_204 : i32 to index
        %parallel_loop3A_208 = tpu.vector_load %arg11[%parallel_loop3A_206, %parallel_loop3A_207] {strides = array<i32>} : memref<16x640xf32, #tpu.memory_space<vmem>>, vector<16xf32>,
        %parallel_loop3A_209 = arith.addf %parallel_loop3A_202, %parallel_loop3A_208 : vector<16xf32>
        %parallel_loop3A_210 = arith.constant 16 : i32
        %parallel_loop3A_211 = arith.muli %parallel_loop3A_147, %parallel_loop3A_210 : i32
        %parallel_loop3A_212 = arith.constant 9 : i32
        %parallel_loop3A_213 = arith.index_cast %parallel_loop3A_212 : i32 to index
        %parallel_loop3A_214 = arith.index_cast %parallel_loop3A_211 : i32 to index
        %parallel_loop3A_215 = tpu.vector_load %arg11[%parallel_loop3A_213, %parallel_loop3A_214] {strides = array<i32>} : memref<16x640xf32, #tpu.memory_space<vmem>>, vector<16xf32>,
        %parallel_loop3A_216 = arith.addf %parallel_loop3A_209, %parallel_loop3A_215 : vector<16xf32>
        %parallel_loop3A_217 = arith.constant 16 : i32
        %parallel_loop3A_218 = arith.muli %parallel_loop3A_147, %parallel_loop3A_217 : i32
        %parallel_loop3A_219 = arith.constant 10 : i32
        %parallel_loop3A_220 = arith.index_cast %parallel_loop3A_219 : i32 to index
        %parallel_loop3A_221 = arith.index_cast %parallel_loop3A_218 : i32 to index
        %parallel_loop3A_222 = tpu.vector_load %arg11[%parallel_loop3A_220, %parallel_loop3A_221] {strides = array<i32>} : memref<16x640xf32, #tpu.memory_space<vmem>>, vector<16xf32>,
        %parallel_loop3A_223 = arith.addf %parallel_loop3A_216, %parallel_loop3A_222 : vector<16xf32>
        %parallel_loop3A_224 = arith.constant 16 : i32
        %parallel_loop3A_225 = arith.muli %parallel_loop3A_147, %parallel_loop3A_224 : i32
        %parallel_loop3A_226 = arith.constant 11 : i32
        %parallel_loop3A_227 = arith.index_cast %parallel_loop3A_226 : i32 to index
        %parallel_loop3A_228 = arith.index_cast %parallel_loop3A_225 : i32 to index
        %parallel_loop3A_229 = tpu.vector_load %arg11[%parallel_loop3A_227, %parallel_loop3A_228] {strides = array<i32>} : memref<16x640xf32, #tpu.memory_space<vmem>>, vector<16xf32>,
        %parallel_loop3A_230 = arith.addf %parallel_loop3A_223, %parallel_loop3A_229 : vector<16xf32>
        %parallel_loop3A_231 = arith.constant 16 : i32
        %parallel_loop3A_232 = arith.muli %parallel_loop3A_147, %parallel_loop3A_231 : i32
        %parallel_loop3A_233 = arith.constant 12 : i32
        %parallel_loop3A_234 = arith.index_cast %parallel_loop3A_233 : i32 to index
        %parallel_loop3A_235 = arith.index_cast %parallel_loop3A_232 : i32 to index
        %parallel_loop3A_236 = tpu.vector_load %arg11[%parallel_loop3A_234, %parallel_loop3A_235] {strides = array<i32>} : memref<16x640xf32, #tpu.memory_space<vmem>>, vector<16xf32>,
        %parallel_loop3A_237 = arith.addf %parallel_loop3A_230, %parallel_loop3A_236 : vector<16xf32>
        %parallel_loop3A_238 = arith.constant 16 : i32
        %parallel_loop3A_239 = arith.muli %parallel_loop3A_147, %parallel_loop3A_238 : i32
        %parallel_loop3A_240 = arith.constant 13 : i32
        %parallel_loop3A_241 = arith.index_cast %parallel_loop3A_240 : i32 to index
        %parallel_loop3A_242 = arith.index_cast %parallel_loop3A_239 : i32 to index
        %parallel_loop3A_243 = tpu.vector_load %arg11[%parallel_loop3A_241, %parallel_loop3A_242] {strides = array<i32>} : memref<16x640xf32, #tpu.memory_space<vmem>>, vector<16xf32>,
        %parallel_loop3A_244 = arith.addf %parallel_loop3A_237, %parallel_loop3A_243 : vector<16xf32>
        %parallel_loop3A_245 = arith.constant 16 : i32
        %parallel_loop3A_246 = arith.muli %parallel_loop3A_147, %parallel_loop3A_245 : i32
        %parallel_loop3A_247 = arith.constant 14 : i32
        %parallel_loop3A_248 = arith.index_cast %parallel_loop3A_247 : i32 to index
        %parallel_loop3A_249 = arith.index_cast %parallel_loop3A_246 : i32 to index
        %parallel_loop3A_250 = tpu.vector_load %arg11[%parallel_loop3A_248, %parallel_loop3A_249] {strides = array<i32>} : memref<16x640xf32, #tpu.memory_space<vmem>>, vector<16xf32>,
        %parallel_loop3A_251 = arith.addf %parallel_loop3A_244, %parallel_loop3A_250 : vector<16xf32>
        %parallel_loop3A_252 = arith.constant 16 : i32
        %parallel_loop3A_253 = arith.muli %parallel_loop3A_147, %parallel_loop3A_252 : i32
        %parallel_loop3A_254 = arith.constant 15 : i32
        %parallel_loop3A_255 = arith.index_cast %parallel_loop3A_254 : i32 to index
        %parallel_loop3A_256 = arith.index_cast %parallel_loop3A_253 : i32 to index
        %parallel_loop3A_257 = tpu.vector_load %arg11[%parallel_loop3A_255, %parallel_loop3A_256] {strides = array<i32>} : memref<16x640xf32, #tpu.memory_space<vmem>>, vector<16xf32>,
        %parallel_loop3A_258 = arith.addf %parallel_loop3A_251, %parallel_loop3A_257 : vector<16xf32>
        %parallel_loop3A_259 = arith.constant 16 : i32
        %parallel_loop3A_260 = arith.muli %parallel_loop3A_147, %parallel_loop3A_259 : i32
        %parallel_loop3A_261 = arith.index_cast %parallel_loop3A_260 : i32 to index
        %parallel_loop3A_262 = tpu.vector_load %arg12[%parallel_loop3A_261] {strides = array<i32>} : memref<640xf32, #tpu.memory_space<vmem>>, vector<16xf32>,
        tpu.vector_store %arg12[%parallel_loop3A_261], %parallel_loop3A_258 {strides = array<i32>} : memref<640xf32, #tpu.memory_space<vmem>>, vector<16xf32>,
      } {sc.loop_unroll_factor = 2 : i64, sc.parallel_access}
      %mul3A_96 = arith.constant 640 : i32
      %mul3A_97 = arith.muli %arg1, %mul3A_96 : i32
      "tpu.region"() ({
        %run_scoped3A = tpu.sem_alloc : memref<!tpu.dma_semaphore, #tpu.memory_space<semaphore_mem>>
        %dma_start3A = tpu.memref_slice %arg16[%mul3A_97] : memref<10240xf32, #tpu.memory_space<vmem_shared>> -> memref<640xf32, #tpu.memory_space<vmem_shared>>
        %dma_start3A_147 = tpu.memref_slice %arg16[%mul3A_97] : memref<10240xf32, #tpu.memory_space<vmem_shared>> -> memref<640xf32, #tpu.memory_space<vmem_shared>>
        tpu.enqueue_dma source(%arg12 : memref<640xf32, #tpu.memory_space<vmem>>) target(%dma_start3A_147 : memref<640xf32, #tpu.memory_space<vmem_shared>>) target_semaphore(%run_scoped3A : memref<!tpu.dma_semaphore, #tpu.memory_space<semaphore_mem>>)
        %dma_wait3A = tpu.memref_slice %arg16[%mul3A_97] : memref<10240xf32, #tpu.memory_space<vmem_shared>> -> memref<640xf32, #tpu.memory_space<vmem_shared>>
        %dma_wait3A_148 = tpu.memref_slice %arg16[%mul3A_97] : memref<10240xf32, #tpu.memory_space<vmem_shared>> -> memref<640xf32, #tpu.memory_space<vmem_shared>>
        tpu.wait_dma2 semaphore(%run_scoped3A : memref<!tpu.dma_semaphore, #tpu.memory_space<semaphore_mem>>) src(%arg12 : memref<640xf32, #tpu.memory_space<vmem>>) dst(%dma_wait3A_148 : memref<640xf32, #tpu.memory_space<vmem_shared>>)
        tpu.yield
      }) : () -> ()
      %barrier3A_98 = arith.constant 0 : index
      tpu.barrier barrier_id(%barrier3A_98)
      "tpu.region"() ({
        %run_scoped3A = tpu.sem_alloc : memref<!tpu.dma_semaphore, #tpu.memory_space<semaphore_mem>>
        tpu.enqueue_dma source(%arg16 : memref<10240xf32, #tpu.memory_space<vmem_shared>>) target(%arg8 : memref<10240xf32, #tpu.memory_space<vmem>>) target_semaphore(%run_scoped3A : memref<!tpu.dma_semaphore, #tpu.memory_space<semaphore_mem>>)
        tpu.wait_dma2 semaphore(%run_scoped3A : memref<!tpu.dma_semaphore, #tpu.memory_space<semaphore_mem>>) src(%arg16 : memref<10240xf32, #tpu.memory_space<vmem_shared>>) dst(%arg8 : memref<10240xf32, #tpu.memory_space<vmem>>)
        tpu.yield
      }) : () -> ()
      %parallel_loop3A_99 = arith.constant 0 : i32
      %parallel_loop3A_100 = arith.constant 640 : i32
      %parallel_loop3A_101 = arith.constant 1 : i32
      scf.for %parallel_loop3A_147 = %parallel_loop3A_99 to %parallel_loop3A_100 step %parallel_loop3A_101  : i32 {
        %parallel_loop3A_148 = arith.constant 0.000000e+00 : f32
        %parallel_loop3A_149 = vector.broadcast %parallel_loop3A_148 : f32 to vector<16xf32>
        %parallel_loop3A_150 = arith.constant 16 : i32
        %parallel_loop3A_151 = arith.muli %parallel_loop3A_147, %parallel_loop3A_150 : i32
        %parallel_loop3A_152 = arith.index_cast %parallel_loop3A_151 : i32 to index
        %parallel_loop3A_153 = tpu.vector_load %arg9[%parallel_loop3A_152] {strides = array<i32>} : memref<10240xf32, #tpu.memory_space<vmem>>, vector<16xf32>,
        tpu.vector_store %arg9[%parallel_loop3A_152], %parallel_loop3A_149 {strides = array<i32>} : memref<10240xf32, #tpu.memory_space<vmem>>, vector<16xf32>,
      } {sc.loop_unroll_factor = 4 : i64, sc.parallel_access}
      %parallel_loop3A_102 = arith.constant 0 : i32
      %parallel_loop3A_103 = arith.constant 1264 : i32
      %parallel_loop3A_104 = arith.constant 1 : i32
      scf.for %parallel_loop3A_147 = %parallel_loop3A_102 to %parallel_loop3A_103 step %parallel_loop3A_104  : i32 {
        %parallel_loop3A_148 = arith.constant 16 : i32
        %parallel_loop3A_149 = arith.muli %parallel_loop3A_147, %parallel_loop3A_148 : i32
        %parallel_loop3A_150 = arith.index_cast %parallel_loop3A_149 : i32 to index
        %parallel_loop3A_151 = tpu.vector_load %arg6[%parallel_loop3A_150] {strides = array<i32>} : memref<20224xi32, #tpu.memory_space<vmem>>, vector<16xi32>,
        %parallel_loop3A_152 = arith.constant 16 : i32
        %parallel_loop3A_153 = arith.muli %parallel_loop3A_147, %parallel_loop3A_152 : i32
        %parallel_loop3A_154 = arith.index_cast %parallel_loop3A_153 : i32 to index
        %parallel_loop3A_155 = tpu.vector_load %arg7[%parallel_loop3A_154] {strides = array<i32>} : memref<20224xi32, #tpu.memory_space<vmem>>, vector<16xi32>,
        %parallel_loop3A_156 = tpu.vector_load_idx %arg8[%parallel_loop3A_151] : memref<10240xf32, #tpu.memory_space<vmem>>[vector<16xi32>], vector<16xf32>,
        tpu.vector_store_idx %arg9[%parallel_loop3A_155], %parallel_loop3A_156 {add = true} : memref<10240xf32, #tpu.memory_space<vmem>>[vector<16xi32>], vector<16xf32>,
      } {sc.loop_unroll_factor = 8 : i64, sc.parallel_access}
      "tpu.region"() ({
        %run_scoped3A = tpu.sem_alloc : memref<!tpu.dma_semaphore, #tpu.memory_space<semaphore_mem>>
        %dma_start3A = arith.constant 0 : i32
        %dma_start3A_147 = tpu.memref_slice %arg15[%arg1, %dma_start3A] : memref<16x10240xf32, #tpu.memory_space<vmem_shared>> -> memref<1x10240xf32, #tpu.memory_space<vmem_shared>>
        %dma_start3A_148 = tpu.memref_squeeze %dma_start3A_147 : memref<1x10240xf32, #tpu.memory_space<vmem_shared>> -> memref<10240xf32, #tpu.memory_space<vmem_shared>>
        %dma_start3A_149 = arith.constant 0 : i32
        %dma_start3A_150 = tpu.memref_slice %arg15[%arg1, %dma_start3A_149] : memref<16x10240xf32, #tpu.memory_space<vmem_shared>> -> memref<1x10240xf32, #tpu.memory_space<vmem_shared>>
        %dma_start3A_151 = tpu.memref_squeeze %dma_start3A_150 : memref<1x10240xf32, #tpu.memory_space<vmem_shared>> -> memref<10240xf32, #tpu.memory_space<vmem_shared>>
        tpu.enqueue_dma source(%arg9 : memref<10240xf32, #tpu.memory_space<vmem>>) target(%dma_start3A_151 : memref<10240xf32, #tpu.memory_space<vmem_shared>>) target_semaphore(%run_scoped3A : memref<!tpu.dma_semaphore, #tpu.memory_space<semaphore_mem>>)
        %dma_wait3A = arith.constant 0 : i32
        %dma_wait3A_152 = tpu.memref_slice %arg15[%arg1, %dma_wait3A] : memref<16x10240xf32, #tpu.memory_space<vmem_shared>> -> memref<1x10240xf32, #tpu.memory_space<vmem_shared>>
        %dma_wait3A_153 = tpu.memref_squeeze %dma_wait3A_152 : memref<1x10240xf32, #tpu.memory_space<vmem_shared>> -> memref<10240xf32, #tpu.memory_space<vmem_shared>>
        %dma_wait3A_154 = arith.constant 0 : i32
        %dma_wait3A_155 = tpu.memref_slice %arg15[%arg1, %dma_wait3A_154] : memref<16x10240xf32, #tpu.memory_space<vmem_shared>> -> memref<1x10240xf32, #tpu.memory_space<vmem_shared>>
        %dma_wait3A_156 = tpu.memref_squeeze %dma_wait3A_155 : memref<1x10240xf32, #tpu.memory_space<vmem_shared>> -> memref<10240xf32, #tpu.memory_space<vmem_shared>>
        tpu.wait_dma2 semaphore(%run_scoped3A : memref<!tpu.dma_semaphore, #tpu.memory_space<semaphore_mem>>) src(%arg9 : memref<10240xf32, #tpu.memory_space<vmem>>) dst(%dma_wait3A_156 : memref<10240xf32, #tpu.memory_space<vmem_shared>>)
        tpu.yield
      }) : () -> ()
      %barrier3A_105 = arith.constant 0 : index
      tpu.barrier barrier_id(%barrier3A_105)
      %mul3A_106 = arith.constant 640 : i32
      %mul3A_107 = arith.muli %arg1, %mul3A_106 : i32
      "tpu.region"() ({
        %run_scoped3A = tpu.sem_alloc : memref<!tpu.dma_semaphore, #tpu.memory_space<semaphore_mem>>
        %dma_start3A = arith.constant 0 : i32
        %dma_start3A_147 = tpu.memref_slice %arg15[%dma_start3A, %mul3A_107] : memref<16x10240xf32, #tpu.memory_space<vmem_shared>> -> memref<16x640xf32, #tpu.memory_space<vmem_shared>>
        %dma_start3A_148 = arith.constant 0 : i32
        %dma_start3A_149 = tpu.memref_slice %arg15[%dma_start3A_148, %mul3A_107] : memref<16x10240xf32, #tpu.memory_space<vmem_shared>> -> memref<16x640xf32, #tpu.memory_space<vmem_shared>>
        tpu.enqueue_dma source(%dma_start3A_149 : memref<16x640xf32, #tpu.memory_space<vmem_shared>>) target(%arg11 : memref<16x640xf32, #tpu.memory_space<vmem>>) target_semaphore(%run_scoped3A : memref<!tpu.dma_semaphore, #tpu.memory_space<semaphore_mem>>)
        %dma_wait3A = arith.constant 0 : i32
        %dma_wait3A_150 = tpu.memref_slice %arg15[%dma_wait3A, %mul3A_107] : memref<16x10240xf32, #tpu.memory_space<vmem_shared>> -> memref<16x640xf32, #tpu.memory_space<vmem_shared>>
        %dma_wait3A_151 = arith.constant 0 : i32
        %dma_wait3A_152 = tpu.memref_slice %arg15[%dma_wait3A_151, %mul3A_107] : memref<16x10240xf32, #tpu.memory_space<vmem_shared>> -> memref<16x640xf32, #tpu.memory_space<vmem_shared>>
        tpu.wait_dma2 semaphore(%run_scoped3A : memref<!tpu.dma_semaphore, #tpu.memory_space<semaphore_mem>>) src(%dma_wait3A_152 : memref<16x640xf32, #tpu.memory_space<vmem_shared>>) dst(%arg11 : memref<16x640xf32, #tpu.memory_space<vmem>>)
        tpu.yield
      }) : () -> ()
      %parallel_loop3A_108 = arith.constant 0 : i32
      %parallel_loop3A_109 = arith.constant 40 : i32
      %parallel_loop3A_110 = arith.constant 1 : i32
      scf.for %parallel_loop3A_147 = %parallel_loop3A_108 to %parallel_loop3A_109 step %parallel_loop3A_110  : i32 {
        %parallel_loop3A_148 = arith.constant 16 : i32
        %parallel_loop3A_149 = arith.muli %parallel_loop3A_147, %parallel_loop3A_148 : i32
        %parallel_loop3A_150 = arith.constant 0 : i32
        %parallel_loop3A_151 = arith.index_cast %parallel_loop3A_150 : i32 to index
        %parallel_loop3A_152 = arith.index_cast %parallel_loop3A_149 : i32 to index
        %parallel_loop3A_153 = tpu.vector_load %arg11[%parallel_loop3A_151, %parallel_loop3A_152] {strides = array<i32>} : memref<16x640xf32, #tpu.memory_space<vmem>>, vector<16xf32>,
        %parallel_loop3A_154 = arith.constant 16 : i32
        %parallel_loop3A_155 = arith.muli %parallel_loop3A_147, %parallel_loop3A_154 : i32
        %parallel_loop3A_156 = arith.constant 1 : i32
        %parallel_loop3A_157 = arith.index_cast %parallel_loop3A_156 : i32 to index
        %parallel_loop3A_158 = arith.index_cast %parallel_loop3A_155 : i32 to index
        %parallel_loop3A_159 = tpu.vector_load %arg11[%parallel_loop3A_157, %parallel_loop3A_158] {strides = array<i32>} : memref<16x640xf32, #tpu.memory_space<vmem>>, vector<16xf32>,
        %parallel_loop3A_160 = arith.addf %parallel_loop3A_153, %parallel_loop3A_159 : vector<16xf32>
        %parallel_loop3A_161 = arith.constant 16 : i32
        %parallel_loop3A_162 = arith.muli %parallel_loop3A_147, %parallel_loop3A_161 : i32
        %parallel_loop3A_163 = arith.constant 2 : i32
        %parallel_loop3A_164 = arith.index_cast %parallel_loop3A_163 : i32 to index
        %parallel_loop3A_165 = arith.index_cast %parallel_loop3A_162 : i32 to index
        %parallel_loop3A_166 = tpu.vector_load %arg11[%parallel_loop3A_164, %parallel_loop3A_165] {strides = array<i32>} : memref<16x640xf32, #tpu.memory_space<vmem>>, vector<16xf32>,
        %parallel_loop3A_167 = arith.addf %parallel_loop3A_160, %parallel_loop3A_166 : vector<16xf32>
        %parallel_loop3A_168 = arith.constant 16 : i32
        %parallel_loop3A_169 = arith.muli %parallel_loop3A_147, %parallel_loop3A_168 : i32
        %parallel_loop3A_170 = arith.constant 3 : i32
        %parallel_loop3A_171 = arith.index_cast %parallel_loop3A_170 : i32 to index
        %parallel_loop3A_172 = arith.index_cast %parallel_loop3A_169 : i32 to index
        %parallel_loop3A_173 = tpu.vector_load %arg11[%parallel_loop3A_171, %parallel_loop3A_172] {strides = array<i32>} : memref<16x640xf32, #tpu.memory_space<vmem>>, vector<16xf32>,
        %parallel_loop3A_174 = arith.addf %parallel_loop3A_167, %parallel_loop3A_173 : vector<16xf32>
        %parallel_loop3A_175 = arith.constant 16 : i32
        %parallel_loop3A_176 = arith.muli %parallel_loop3A_147, %parallel_loop3A_175 : i32
        %parallel_loop3A_177 = arith.constant 4 : i32
        %parallel_loop3A_178 = arith.index_cast %parallel_loop3A_177 : i32 to index
        %parallel_loop3A_179 = arith.index_cast %parallel_loop3A_176 : i32 to index
        %parallel_loop3A_180 = tpu.vector_load %arg11[%parallel_loop3A_178, %parallel_loop3A_179] {strides = array<i32>} : memref<16x640xf32, #tpu.memory_space<vmem>>, vector<16xf32>,
        %parallel_loop3A_181 = arith.addf %parallel_loop3A_174, %parallel_loop3A_180 : vector<16xf32>
        %parallel_loop3A_182 = arith.constant 16 : i32
        %parallel_loop3A_183 = arith.muli %parallel_loop3A_147, %parallel_loop3A_182 : i32
        %parallel_loop3A_184 = arith.constant 5 : i32
        %parallel_loop3A_185 = arith.index_cast %parallel_loop3A_184 : i32 to index
        %parallel_loop3A_186 = arith.index_cast %parallel_loop3A_183 : i32 to index
        %parallel_loop3A_187 = tpu.vector_load %arg11[%parallel_loop3A_185, %parallel_loop3A_186] {strides = array<i32>} : memref<16x640xf32, #tpu.memory_space<vmem>>, vector<16xf32>,
        %parallel_loop3A_188 = arith.addf %parallel_loop3A_181, %parallel_loop3A_187 : vector<16xf32>
        %parallel_loop3A_189 = arith.constant 16 : i32
        %parallel_loop3A_190 = arith.muli %parallel_loop3A_147, %parallel_loop3A_189 : i32
        %parallel_loop3A_191 = arith.constant 6 : i32
        %parallel_loop3A_192 = arith.index_cast %parallel_loop3A_191 : i32 to index
        %parallel_loop3A_193 = arith.index_cast %parallel_loop3A_190 : i32 to index
        %parallel_loop3A_194 = tpu.vector_load %arg11[%parallel_loop3A_192, %parallel_loop3A_193] {strides = array<i32>} : memref<16x640xf32, #tpu.memory_space<vmem>>, vector<16xf32>,
        %parallel_loop3A_195 = arith.addf %parallel_loop3A_188, %parallel_loop3A_194 : vector<16xf32>
        %parallel_loop3A_196 = arith.constant 16 : i32
        %parallel_loop3A_197 = arith.muli %parallel_loop3A_147, %parallel_loop3A_196 : i32
        %parallel_loop3A_198 = arith.constant 7 : i32
        %parallel_loop3A_199 = arith.index_cast %parallel_loop3A_198 : i32 to index
        %parallel_loop3A_200 = arith.index_cast %parallel_loop3A_197 : i32 to index
        %parallel_loop3A_201 = tpu.vector_load %arg11[%parallel_loop3A_199, %parallel_loop3A_200] {strides = array<i32>} : memref<16x640xf32, #tpu.memory_space<vmem>>, vector<16xf32>,
        %parallel_loop3A_202 = arith.addf %parallel_loop3A_195, %parallel_loop3A_201 : vector<16xf32>
        %parallel_loop3A_203 = arith.constant 16 : i32
        %parallel_loop3A_204 = arith.muli %parallel_loop3A_147, %parallel_loop3A_203 : i32
        %parallel_loop3A_205 = arith.constant 8 : i32
        %parallel_loop3A_206 = arith.index_cast %parallel_loop3A_205 : i32 to index
        %parallel_loop3A_207 = arith.index_cast %parallel_loop3A_204 : i32 to index
        %parallel_loop3A_208 = tpu.vector_load %arg11[%parallel_loop3A_206, %parallel_loop3A_207] {strides = array<i32>} : memref<16x640xf32, #tpu.memory_space<vmem>>, vector<16xf32>,
        %parallel_loop3A_209 = arith.addf %parallel_loop3A_202, %parallel_loop3A_208 : vector<16xf32>
        %parallel_loop3A_210 = arith.constant 16 : i32
        %parallel_loop3A_211 = arith.muli %parallel_loop3A_147, %parallel_loop3A_210 : i32
        %parallel_loop3A_212 = arith.constant 9 : i32
        %parallel_loop3A_213 = arith.index_cast %parallel_loop3A_212 : i32 to index
        %parallel_loop3A_214 = arith.index_cast %parallel_loop3A_211 : i32 to index
        %parallel_loop3A_215 = tpu.vector_load %arg11[%parallel_loop3A_213, %parallel_loop3A_214] {strides = array<i32>} : memref<16x640xf32, #tpu.memory_space<vmem>>, vector<16xf32>,
        %parallel_loop3A_216 = arith.addf %parallel_loop3A_209, %parallel_loop3A_215 : vector<16xf32>
        %parallel_loop3A_217 = arith.constant 16 : i32
        %parallel_loop3A_218 = arith.muli %parallel_loop3A_147, %parallel_loop3A_217 : i32
        %parallel_loop3A_219 = arith.constant 10 : i32
        %parallel_loop3A_220 = arith.index_cast %parallel_loop3A_219 : i32 to index
        %parallel_loop3A_221 = arith.index_cast %parallel_loop3A_218 : i32 to index
        %parallel_loop3A_222 = tpu.vector_load %arg11[%parallel_loop3A_220, %parallel_loop3A_221] {strides = array<i32>} : memref<16x640xf32, #tpu.memory_space<vmem>>, vector<16xf32>,
        %parallel_loop3A_223 = arith.addf %parallel_loop3A_216, %parallel_loop3A_222 : vector<16xf32>
        %parallel_loop3A_224 = arith.constant 16 : i32
        %parallel_loop3A_225 = arith.muli %parallel_loop3A_147, %parallel_loop3A_224 : i32
        %parallel_loop3A_226 = arith.constant 11 : i32
        %parallel_loop3A_227 = arith.index_cast %parallel_loop3A_226 : i32 to index
        %parallel_loop3A_228 = arith.index_cast %parallel_loop3A_225 : i32 to index
        %parallel_loop3A_229 = tpu.vector_load %arg11[%parallel_loop3A_227, %parallel_loop3A_228] {strides = array<i32>} : memref<16x640xf32, #tpu.memory_space<vmem>>, vector<16xf32>,
        %parallel_loop3A_230 = arith.addf %parallel_loop3A_223, %parallel_loop3A_229 : vector<16xf32>
        %parallel_loop3A_231 = arith.constant 16 : i32
        %parallel_loop3A_232 = arith.muli %parallel_loop3A_147, %parallel_loop3A_231 : i32
        %parallel_loop3A_233 = arith.constant 12 : i32
        %parallel_loop3A_234 = arith.index_cast %parallel_loop3A_233 : i32 to index
        %parallel_loop3A_235 = arith.index_cast %parallel_loop3A_232 : i32 to index
        %parallel_loop3A_236 = tpu.vector_load %arg11[%parallel_loop3A_234, %parallel_loop3A_235] {strides = array<i32>} : memref<16x640xf32, #tpu.memory_space<vmem>>, vector<16xf32>,
        %parallel_loop3A_237 = arith.addf %parallel_loop3A_230, %parallel_loop3A_236 : vector<16xf32>
        %parallel_loop3A_238 = arith.constant 16 : i32
        %parallel_loop3A_239 = arith.muli %parallel_loop3A_147, %parallel_loop3A_238 : i32
        %parallel_loop3A_240 = arith.constant 13 : i32
        %parallel_loop3A_241 = arith.index_cast %parallel_loop3A_240 : i32 to index
        %parallel_loop3A_242 = arith.index_cast %parallel_loop3A_239 : i32 to index
        %parallel_loop3A_243 = tpu.vector_load %arg11[%parallel_loop3A_241, %parallel_loop3A_242] {strides = array<i32>} : memref<16x640xf32, #tpu.memory_space<vmem>>, vector<16xf32>,
        %parallel_loop3A_244 = arith.addf %parallel_loop3A_237, %parallel_loop3A_243 : vector<16xf32>
        %parallel_loop3A_245 = arith.constant 16 : i32
        %parallel_loop3A_246 = arith.muli %parallel_loop3A_147, %parallel_loop3A_245 : i32
        %parallel_loop3A_247 = arith.constant 14 : i32
        %parallel_loop3A_248 = arith.index_cast %parallel_loop3A_247 : i32 to index
        %parallel_loop3A_249 = arith.index_cast %parallel_loop3A_246 : i32 to index
        %parallel_loop3A_250 = tpu.vector_load %arg11[%parallel_loop3A_248, %parallel_loop3A_249] {strides = array<i32>} : memref<16x640xf32, #tpu.memory_space<vmem>>, vector<16xf32>,
        %parallel_loop3A_251 = arith.addf %parallel_loop3A_244, %parallel_loop3A_250 : vector<16xf32>
        %parallel_loop3A_252 = arith.constant 16 : i32
        %parallel_loop3A_253 = arith.muli %parallel_loop3A_147, %parallel_loop3A_252 : i32
        %parallel_loop3A_254 = arith.constant 15 : i32
        %parallel_loop3A_255 = arith.index_cast %parallel_loop3A_254 : i32 to index
        %parallel_loop3A_256 = arith.index_cast %parallel_loop3A_253 : i32 to index
        %parallel_loop3A_257 = tpu.vector_load %arg11[%parallel_loop3A_255, %parallel_loop3A_256] {strides = array<i32>} : memref<16x640xf32, #tpu.memory_space<vmem>>, vector<16xf32>,
        %parallel_loop3A_258 = arith.addf %parallel_loop3A_251, %parallel_loop3A_257 : vector<16xf32>
        %parallel_loop3A_259 = arith.constant 16 : i32
        %parallel_loop3A_260 = arith.muli %parallel_loop3A_147, %parallel_loop3A_259 : i32
        %parallel_loop3A_261 = arith.index_cast %parallel_loop3A_260 : i32 to index
        %parallel_loop3A_262 = tpu.vector_load %arg12[%parallel_loop3A_261] {strides = array<i32>} : memref<640xf32, #tpu.memory_space<vmem>>, vector<16xf32>,
        tpu.vector_store %arg12[%parallel_loop3A_261], %parallel_loop3A_258 {strides = array<i32>} : memref<640xf32, #tpu.memory_space<vmem>>, vector<16xf32>,
      } {sc.loop_unroll_factor = 2 : i64, sc.parallel_access}
      %mul3A_111 = arith.constant 640 : i32
      %mul3A_112 = arith.muli %arg1, %mul3A_111 : i32
      "tpu.region"() ({
        %run_scoped3A = tpu.sem_alloc : memref<!tpu.dma_semaphore, #tpu.memory_space<semaphore_mem>>
        %dma_start3A = tpu.memref_slice %arg16[%mul3A_112] : memref<10240xf32, #tpu.memory_space<vmem_shared>> -> memref<640xf32, #tpu.memory_space<vmem_shared>>
        %dma_start3A_147 = tpu.memref_slice %arg16[%mul3A_112] : memref<10240xf32, #tpu.memory_space<vmem_shared>> -> memref<640xf32, #tpu.memory_space<vmem_shared>>
        tpu.enqueue_dma source(%arg12 : memref<640xf32, #tpu.memory_space<vmem>>) target(%dma_start3A_147 : memref<640xf32, #tpu.memory_space<vmem_shared>>) target_semaphore(%run_scoped3A : memref<!tpu.dma_semaphore, #tpu.memory_space<semaphore_mem>>)
        %dma_wait3A = tpu.memref_slice %arg16[%mul3A_112] : memref<10240xf32, #tpu.memory_space<vmem_shared>> -> memref<640xf32, #tpu.memory_space<vmem_shared>>
        %dma_wait3A_148 = tpu.memref_slice %arg16[%mul3A_112] : memref<10240xf32, #tpu.memory_space<vmem_shared>> -> memref<640xf32, #tpu.memory_space<vmem_shared>>
        tpu.wait_dma2 semaphore(%run_scoped3A : memref<!tpu.dma_semaphore, #tpu.memory_space<semaphore_mem>>) src(%arg12 : memref<640xf32, #tpu.memory_space<vmem>>) dst(%dma_wait3A_148 : memref<640xf32, #tpu.memory_space<vmem_shared>>)
        tpu.yield
      }) : () -> ()
      %barrier3A_113 = arith.constant 0 : index
      tpu.barrier barrier_id(%barrier3A_113)
      "tpu.region"() ({
        %run_scoped3A = tpu.sem_alloc : memref<!tpu.dma_semaphore, #tpu.memory_space<semaphore_mem>>
        tpu.enqueue_dma source(%arg16 : memref<10240xf32, #tpu.memory_space<vmem_shared>>) target(%arg10 : memref<10240xf32, #tpu.memory_space<vmem>>) target_semaphore(%run_scoped3A : memref<!tpu.dma_semaphore, #tpu.memory_space<semaphore_mem>>)
        tpu.wait_dma2 semaphore(%run_scoped3A : memref<!tpu.dma_semaphore, #tpu.memory_space<semaphore_mem>>) src(%arg16 : memref<10240xf32, #tpu.memory_space<vmem_shared>>) dst(%arg10 : memref<10240xf32, #tpu.memory_space<vmem>>)
        tpu.yield
      }) : () -> ()
      %parallel_loop3A_114 = arith.constant 0 : i32
      %parallel_loop3A_115 = arith.constant 640 : i32
      %parallel_loop3A_116 = arith.constant 1 : i32
      scf.for %parallel_loop3A_147 = %parallel_loop3A_114 to %parallel_loop3A_115 step %parallel_loop3A_116  : i32 {
        %parallel_loop3A_148 = arith.constant 0.000000e+00 : f32
        %parallel_loop3A_149 = vector.broadcast %parallel_loop3A_148 : f32 to vector<16xf32>
        %parallel_loop3A_150 = arith.constant 16 : i32
        %parallel_loop3A_151 = arith.muli %parallel_loop3A_147, %parallel_loop3A_150 : i32
        %parallel_loop3A_152 = arith.index_cast %parallel_loop3A_151 : i32 to index
        %parallel_loop3A_153 = tpu.vector_load %arg9[%parallel_loop3A_152] {strides = array<i32>} : memref<10240xf32, #tpu.memory_space<vmem>>, vector<16xf32>,
        tpu.vector_store %arg9[%parallel_loop3A_152], %parallel_loop3A_149 {strides = array<i32>} : memref<10240xf32, #tpu.memory_space<vmem>>, vector<16xf32>,
      } {sc.loop_unroll_factor = 4 : i64, sc.parallel_access}
      %parallel_loop3A_117 = arith.constant 0 : i32
      %parallel_loop3A_118 = arith.constant 1264 : i32
      %parallel_loop3A_119 = arith.constant 1 : i32
      scf.for %parallel_loop3A_147 = %parallel_loop3A_117 to %parallel_loop3A_118 step %parallel_loop3A_119  : i32 {
        %parallel_loop3A_148 = arith.constant 16 : i32
        %parallel_loop3A_149 = arith.muli %parallel_loop3A_147, %parallel_loop3A_148 : i32
        %parallel_loop3A_150 = arith.index_cast %parallel_loop3A_149 : i32 to index
        %parallel_loop3A_151 = tpu.vector_load %arg6[%parallel_loop3A_150] {strides = array<i32>} : memref<20224xi32, #tpu.memory_space<vmem>>, vector<16xi32>,
        %parallel_loop3A_152 = arith.constant 16 : i32
        %parallel_loop3A_153 = arith.muli %parallel_loop3A_147, %parallel_loop3A_152 : i32
        %parallel_loop3A_154 = arith.index_cast %parallel_loop3A_153 : i32 to index
        %parallel_loop3A_155 = tpu.vector_load %arg7[%parallel_loop3A_154] {strides = array<i32>} : memref<20224xi32, #tpu.memory_space<vmem>>, vector<16xi32>,
        %parallel_loop3A_156 = tpu.vector_load_idx %arg10[%parallel_loop3A_151] : memref<10240xf32, #tpu.memory_space<vmem>>[vector<16xi32>], vector<16xf32>,
        tpu.vector_store_idx %arg9[%parallel_loop3A_155], %parallel_loop3A_156 {add = true} : memref<10240xf32, #tpu.memory_space<vmem>>[vector<16xi32>], vector<16xf32>,
      } {sc.loop_unroll_factor = 8 : i64, sc.parallel_access}
      "tpu.region"() ({
        %run_scoped3A = tpu.sem_alloc : memref<!tpu.dma_semaphore, #tpu.memory_space<semaphore_mem>>
        %dma_start3A = arith.constant 0 : i32
        %dma_start3A_147 = tpu.memref_slice %arg15[%arg1, %dma_start3A] : memref<16x10240xf32, #tpu.memory_space<vmem_shared>> -> memref<1x10240xf32, #tpu.memory_space<vmem_shared>>
        %dma_start3A_148 = tpu.memref_squeeze %dma_start3A_147 : memref<1x10240xf32, #tpu.memory_space<vmem_shared>> -> memref<10240xf32, #tpu.memory_space<vmem_shared>>
        %dma_start3A_149 = arith.constant 0 : i32
        %dma_start3A_150 = tpu.memref_slice %arg15[%arg1, %dma_start3A_149] : memref<16x10240xf32, #tpu.memory_space<vmem_shared>> -> memref<1x10240xf32, #tpu.memory_space<vmem_shared>>
        %dma_start3A_151 = tpu.memref_squeeze %dma_start3A_150 : memref<1x10240xf32, #tpu.memory_space<vmem_shared>> -> memref<10240xf32, #tpu.memory_space<vmem_shared>>
        tpu.enqueue_dma source(%arg9 : memref<10240xf32, #tpu.memory_space<vmem>>) target(%dma_start3A_151 : memref<10240xf32, #tpu.memory_space<vmem_shared>>) target_semaphore(%run_scoped3A : memref<!tpu.dma_semaphore, #tpu.memory_space<semaphore_mem>>)
        %dma_wait3A = arith.constant 0 : i32
        %dma_wait3A_152 = tpu.memref_slice %arg15[%arg1, %dma_wait3A] : memref<16x10240xf32, #tpu.memory_space<vmem_shared>> -> memref<1x10240xf32, #tpu.memory_space<vmem_shared>>
        %dma_wait3A_153 = tpu.memref_squeeze %dma_wait3A_152 : memref<1x10240xf32, #tpu.memory_space<vmem_shared>> -> memref<10240xf32, #tpu.memory_space<vmem_shared>>
        %dma_wait3A_154 = arith.constant 0 : i32
        %dma_wait3A_155 = tpu.memref_slice %arg15[%arg1, %dma_wait3A_154] : memref<16x10240xf32, #tpu.memory_space<vmem_shared>> -> memref<1x10240xf32, #tpu.memory_space<vmem_shared>>
        %dma_wait3A_156 = tpu.memref_squeeze %dma_wait3A_155 : memref<1x10240xf32, #tpu.memory_space<vmem_shared>> -> memref<10240xf32, #tpu.memory_space<vmem_shared>>
        tpu.wait_dma2 semaphore(%run_scoped3A : memref<!tpu.dma_semaphore, #tpu.memory_space<semaphore_mem>>) src(%arg9 : memref<10240xf32, #tpu.memory_space<vmem>>) dst(%dma_wait3A_156 : memref<10240xf32, #tpu.memory_space<vmem_shared>>)
        tpu.yield
      }) : () -> ()
      %barrier3A_120 = arith.constant 0 : index
      tpu.barrier barrier_id(%barrier3A_120)
      %mul3A_121 = arith.constant 640 : i32
      %mul3A_122 = arith.muli %arg1, %mul3A_121 : i32
      "tpu.region"() ({
        %run_scoped3A = tpu.sem_alloc : memref<!tpu.dma_semaphore, #tpu.memory_space<semaphore_mem>>
        %dma_start3A = arith.constant 0 : i32
        %dma_start3A_147 = tpu.memref_slice %arg15[%dma_start3A, %mul3A_122] : memref<16x10240xf32, #tpu.memory_space<vmem_shared>> -> memref<16x640xf32, #tpu.memory_space<vmem_shared>>
        %dma_start3A_148 = arith.constant 0 : i32
        %dma_start3A_149 = tpu.memref_slice %arg15[%dma_start3A_148, %mul3A_122] : memref<16x10240xf32, #tpu.memory_space<vmem_shared>> -> memref<16x640xf32, #tpu.memory_space<vmem_shared>>
        tpu.enqueue_dma source(%dma_start3A_149 : memref<16x640xf32, #tpu.memory_space<vmem_shared>>) target(%arg11 : memref<16x640xf32, #tpu.memory_space<vmem>>) target_semaphore(%run_scoped3A : memref<!tpu.dma_semaphore, #tpu.memory_space<semaphore_mem>>)
        %dma_wait3A = arith.constant 0 : i32
        %dma_wait3A_150 = tpu.memref_slice %arg15[%dma_wait3A, %mul3A_122] : memref<16x10240xf32, #tpu.memory_space<vmem_shared>> -> memref<16x640xf32, #tpu.memory_space<vmem_shared>>
        %dma_wait3A_151 = arith.constant 0 : i32
        %dma_wait3A_152 = tpu.memref_slice %arg15[%dma_wait3A_151, %mul3A_122] : memref<16x10240xf32, #tpu.memory_space<vmem_shared>> -> memref<16x640xf32, #tpu.memory_space<vmem_shared>>
        tpu.wait_dma2 semaphore(%run_scoped3A : memref<!tpu.dma_semaphore, #tpu.memory_space<semaphore_mem>>) src(%dma_wait3A_152 : memref<16x640xf32, #tpu.memory_space<vmem_shared>>) dst(%arg11 : memref<16x640xf32, #tpu.memory_space<vmem>>)
        tpu.yield
      }) : () -> ()
      %parallel_loop3A_123 = arith.constant 0 : i32
      %parallel_loop3A_124 = arith.constant 40 : i32
      %parallel_loop3A_125 = arith.constant 1 : i32
      scf.for %parallel_loop3A_147 = %parallel_loop3A_123 to %parallel_loop3A_124 step %parallel_loop3A_125  : i32 {
        %parallel_loop3A_148 = arith.constant 16 : i32
        %parallel_loop3A_149 = arith.muli %parallel_loop3A_147, %parallel_loop3A_148 : i32
        %parallel_loop3A_150 = arith.constant 0 : i32
        %parallel_loop3A_151 = arith.index_cast %parallel_loop3A_150 : i32 to index
        %parallel_loop3A_152 = arith.index_cast %parallel_loop3A_149 : i32 to index
        %parallel_loop3A_153 = tpu.vector_load %arg11[%parallel_loop3A_151, %parallel_loop3A_152] {strides = array<i32>} : memref<16x640xf32, #tpu.memory_space<vmem>>, vector<16xf32>,
        %parallel_loop3A_154 = arith.constant 16 : i32
        %parallel_loop3A_155 = arith.muli %parallel_loop3A_147, %parallel_loop3A_154 : i32
        %parallel_loop3A_156 = arith.constant 1 : i32
        %parallel_loop3A_157 = arith.index_cast %parallel_loop3A_156 : i32 to index
        %parallel_loop3A_158 = arith.index_cast %parallel_loop3A_155 : i32 to index
        %parallel_loop3A_159 = tpu.vector_load %arg11[%parallel_loop3A_157, %parallel_loop3A_158] {strides = array<i32>} : memref<16x640xf32, #tpu.memory_space<vmem>>, vector<16xf32>,
        %parallel_loop3A_160 = arith.addf %parallel_loop3A_153, %parallel_loop3A_159 : vector<16xf32>
        %parallel_loop3A_161 = arith.constant 16 : i32
        %parallel_loop3A_162 = arith.muli %parallel_loop3A_147, %parallel_loop3A_161 : i32
        %parallel_loop3A_163 = arith.constant 2 : i32
        %parallel_loop3A_164 = arith.index_cast %parallel_loop3A_163 : i32 to index
        %parallel_loop3A_165 = arith.index_cast %parallel_loop3A_162 : i32 to index
        %parallel_loop3A_166 = tpu.vector_load %arg11[%parallel_loop3A_164, %parallel_loop3A_165] {strides = array<i32>} : memref<16x640xf32, #tpu.memory_space<vmem>>, vector<16xf32>,
        %parallel_loop3A_167 = arith.addf %parallel_loop3A_160, %parallel_loop3A_166 : vector<16xf32>
        %parallel_loop3A_168 = arith.constant 16 : i32
        %parallel_loop3A_169 = arith.muli %parallel_loop3A_147, %parallel_loop3A_168 : i32
        %parallel_loop3A_170 = arith.constant 3 : i32
        %parallel_loop3A_171 = arith.index_cast %parallel_loop3A_170 : i32 to index
        %parallel_loop3A_172 = arith.index_cast %parallel_loop3A_169 : i32 to index
        %parallel_loop3A_173 = tpu.vector_load %arg11[%parallel_loop3A_171, %parallel_loop3A_172] {strides = array<i32>} : memref<16x640xf32, #tpu.memory_space<vmem>>, vector<16xf32>,
        %parallel_loop3A_174 = arith.addf %parallel_loop3A_167, %parallel_loop3A_173 : vector<16xf32>
        %parallel_loop3A_175 = arith.constant 16 : i32
        %parallel_loop3A_176 = arith.muli %parallel_loop3A_147, %parallel_loop3A_175 : i32
        %parallel_loop3A_177 = arith.constant 4 : i32
        %parallel_loop3A_178 = arith.index_cast %parallel_loop3A_177 : i32 to index
        %parallel_loop3A_179 = arith.index_cast %parallel_loop3A_176 : i32 to index
        %parallel_loop3A_180 = tpu.vector_load %arg11[%parallel_loop3A_178, %parallel_loop3A_179] {strides = array<i32>} : memref<16x640xf32, #tpu.memory_space<vmem>>, vector<16xf32>,
        %parallel_loop3A_181 = arith.addf %parallel_loop3A_174, %parallel_loop3A_180 : vector<16xf32>
        %parallel_loop3A_182 = arith.constant 16 : i32
        %parallel_loop3A_183 = arith.muli %parallel_loop3A_147, %parallel_loop3A_182 : i32
        %parallel_loop3A_184 = arith.constant 5 : i32
        %parallel_loop3A_185 = arith.index_cast %parallel_loop3A_184 : i32 to index
        %parallel_loop3A_186 = arith.index_cast %parallel_loop3A_183 : i32 to index
        %parallel_loop3A_187 = tpu.vector_load %arg11[%parallel_loop3A_185, %parallel_loop3A_186] {strides = array<i32>} : memref<16x640xf32, #tpu.memory_space<vmem>>, vector<16xf32>,
        %parallel_loop3A_188 = arith.addf %parallel_loop3A_181, %parallel_loop3A_187 : vector<16xf32>
        %parallel_loop3A_189 = arith.constant 16 : i32
        %parallel_loop3A_190 = arith.muli %parallel_loop3A_147, %parallel_loop3A_189 : i32
        %parallel_loop3A_191 = arith.constant 6 : i32
        %parallel_loop3A_192 = arith.index_cast %parallel_loop3A_191 : i32 to index
        %parallel_loop3A_193 = arith.index_cast %parallel_loop3A_190 : i32 to index
        %parallel_loop3A_194 = tpu.vector_load %arg11[%parallel_loop3A_192, %parallel_loop3A_193] {strides = array<i32>} : memref<16x640xf32, #tpu.memory_space<vmem>>, vector<16xf32>,
        %parallel_loop3A_195 = arith.addf %parallel_loop3A_188, %parallel_loop3A_194 : vector<16xf32>
        %parallel_loop3A_196 = arith.constant 16 : i32
        %parallel_loop3A_197 = arith.muli %parallel_loop3A_147, %parallel_loop3A_196 : i32
        %parallel_loop3A_198 = arith.constant 7 : i32
        %parallel_loop3A_199 = arith.index_cast %parallel_loop3A_198 : i32 to index
        %parallel_loop3A_200 = arith.index_cast %parallel_loop3A_197 : i32 to index
        %parallel_loop3A_201 = tpu.vector_load %arg11[%parallel_loop3A_199, %parallel_loop3A_200] {strides = array<i32>} : memref<16x640xf32, #tpu.memory_space<vmem>>, vector<16xf32>,
        %parallel_loop3A_202 = arith.addf %parallel_loop3A_195, %parallel_loop3A_201 : vector<16xf32>
        %parallel_loop3A_203 = arith.constant 16 : i32
        %parallel_loop3A_204 = arith.muli %parallel_loop3A_147, %parallel_loop3A_203 : i32
        %parallel_loop3A_205 = arith.constant 8 : i32
        %parallel_loop3A_206 = arith.index_cast %parallel_loop3A_205 : i32 to index
        %parallel_loop3A_207 = arith.index_cast %parallel_loop3A_204 : i32 to index
        %parallel_loop3A_208 = tpu.vector_load %arg11[%parallel_loop3A_206, %parallel_loop3A_207] {strides = array<i32>} : memref<16x640xf32, #tpu.memory_space<vmem>>, vector<16xf32>,
        %parallel_loop3A_209 = arith.addf %parallel_loop3A_202, %parallel_loop3A_208 : vector<16xf32>
        %parallel_loop3A_210 = arith.constant 16 : i32
        %parallel_loop3A_211 = arith.muli %parallel_loop3A_147, %parallel_loop3A_210 : i32
        %parallel_loop3A_212 = arith.constant 9 : i32
        %parallel_loop3A_213 = arith.index_cast %parallel_loop3A_212 : i32 to index
        %parallel_loop3A_214 = arith.index_cast %parallel_loop3A_211 : i32 to index
        %parallel_loop3A_215 = tpu.vector_load %arg11[%parallel_loop3A_213, %parallel_loop3A_214] {strides = array<i32>} : memref<16x640xf32, #tpu.memory_space<vmem>>, vector<16xf32>,
        %parallel_loop3A_216 = arith.addf %parallel_loop3A_209, %parallel_loop3A_215 : vector<16xf32>
        %parallel_loop3A_217 = arith.constant 16 : i32
        %parallel_loop3A_218 = arith.muli %parallel_loop3A_147, %parallel_loop3A_217 : i32
        %parallel_loop3A_219 = arith.constant 10 : i32
        %parallel_loop3A_220 = arith.index_cast %parallel_loop3A_219 : i32 to index
        %parallel_loop3A_221 = arith.index_cast %parallel_loop3A_218 : i32 to index
        %parallel_loop3A_222 = tpu.vector_load %arg11[%parallel_loop3A_220, %parallel_loop3A_221] {strides = array<i32>} : memref<16x640xf32, #tpu.memory_space<vmem>>, vector<16xf32>,
        %parallel_loop3A_223 = arith.addf %parallel_loop3A_216, %parallel_loop3A_222 : vector<16xf32>
        %parallel_loop3A_224 = arith.constant 16 : i32
        %parallel_loop3A_225 = arith.muli %parallel_loop3A_147, %parallel_loop3A_224 : i32
        %parallel_loop3A_226 = arith.constant 11 : i32
        %parallel_loop3A_227 = arith.index_cast %parallel_loop3A_226 : i32 to index
        %parallel_loop3A_228 = arith.index_cast %parallel_loop3A_225 : i32 to index
        %parallel_loop3A_229 = tpu.vector_load %arg11[%parallel_loop3A_227, %parallel_loop3A_228] {strides = array<i32>} : memref<16x640xf32, #tpu.memory_space<vmem>>, vector<16xf32>,
        %parallel_loop3A_230 = arith.addf %parallel_loop3A_223, %parallel_loop3A_229 : vector<16xf32>
        %parallel_loop3A_231 = arith.constant 16 : i32
        %parallel_loop3A_232 = arith.muli %parallel_loop3A_147, %parallel_loop3A_231 : i32
        %parallel_loop3A_233 = arith.constant 12 : i32
        %parallel_loop3A_234 = arith.index_cast %parallel_loop3A_233 : i32 to index
        %parallel_loop3A_235 = arith.index_cast %parallel_loop3A_232 : i32 to index
        %parallel_loop3A_236 = tpu.vector_load %arg11[%parallel_loop3A_234, %parallel_loop3A_235] {strides = array<i32>} : memref<16x640xf32, #tpu.memory_space<vmem>>, vector<16xf32>,
        %parallel_loop3A_237 = arith.addf %parallel_loop3A_230, %parallel_loop3A_236 : vector<16xf32>
        %parallel_loop3A_238 = arith.constant 16 : i32
        %parallel_loop3A_239 = arith.muli %parallel_loop3A_147, %parallel_loop3A_238 : i32
        %parallel_loop3A_240 = arith.constant 13 : i32
        %parallel_loop3A_241 = arith.index_cast %parallel_loop3A_240 : i32 to index
        %parallel_loop3A_242 = arith.index_cast %parallel_loop3A_239 : i32 to index
        %parallel_loop3A_243 = tpu.vector_load %arg11[%parallel_loop3A_241, %parallel_loop3A_242] {strides = array<i32>} : memref<16x640xf32, #tpu.memory_space<vmem>>, vector<16xf32>,
        %parallel_loop3A_244 = arith.addf %parallel_loop3A_237, %parallel_loop3A_243 : vector<16xf32>
        %parallel_loop3A_245 = arith.constant 16 : i32
        %parallel_loop3A_246 = arith.muli %parallel_loop3A_147, %parallel_loop3A_245 : i32
        %parallel_loop3A_247 = arith.constant 14 : i32
        %parallel_loop3A_248 = arith.index_cast %parallel_loop3A_247 : i32 to index
        %parallel_loop3A_249 = arith.index_cast %parallel_loop3A_246 : i32 to index
        %parallel_loop3A_250 = tpu.vector_load %arg11[%parallel_loop3A_248, %parallel_loop3A_249] {strides = array<i32>} : memref<16x640xf32, #tpu.memory_space<vmem>>, vector<16xf32>,
        %parallel_loop3A_251 = arith.addf %parallel_loop3A_244, %parallel_loop3A_250 : vector<16xf32>
        %parallel_loop3A_252 = arith.constant 16 : i32
        %parallel_loop3A_253 = arith.muli %parallel_loop3A_147, %parallel_loop3A_252 : i32
        %parallel_loop3A_254 = arith.constant 15 : i32
        %parallel_loop3A_255 = arith.index_cast %parallel_loop3A_254 : i32 to index
        %parallel_loop3A_256 = arith.index_cast %parallel_loop3A_253 : i32 to index
        %parallel_loop3A_257 = tpu.vector_load %arg11[%parallel_loop3A_255, %parallel_loop3A_256] {strides = array<i32>} : memref<16x640xf32, #tpu.memory_space<vmem>>, vector<16xf32>,
        %parallel_loop3A_258 = arith.addf %parallel_loop3A_251, %parallel_loop3A_257 : vector<16xf32>
        %parallel_loop3A_259 = arith.constant 16 : i32
        %parallel_loop3A_260 = arith.muli %parallel_loop3A_147, %parallel_loop3A_259 : i32
        %parallel_loop3A_261 = arith.index_cast %parallel_loop3A_260 : i32 to index
        %parallel_loop3A_262 = tpu.vector_load %arg12[%parallel_loop3A_261] {strides = array<i32>} : memref<640xf32, #tpu.memory_space<vmem>>, vector<16xf32>,
        tpu.vector_store %arg12[%parallel_loop3A_261], %parallel_loop3A_258 {strides = array<i32>} : memref<640xf32, #tpu.memory_space<vmem>>, vector<16xf32>,
      } {sc.loop_unroll_factor = 2 : i64, sc.parallel_access}
      %mul3A_126 = arith.constant 640 : i32
      %mul3A_127 = arith.muli %arg1, %mul3A_126 : i32
      "tpu.region"() ({
        %run_scoped3A = tpu.sem_alloc : memref<!tpu.dma_semaphore, #tpu.memory_space<semaphore_mem>>
        %dma_start3A = tpu.memref_slice %arg16[%mul3A_127] : memref<10240xf32, #tpu.memory_space<vmem_shared>> -> memref<640xf32, #tpu.memory_space<vmem_shared>>
        %dma_start3A_147 = tpu.memref_slice %arg16[%mul3A_127] : memref<10240xf32, #tpu.memory_space<vmem_shared>> -> memref<640xf32, #tpu.memory_space<vmem_shared>>
        tpu.enqueue_dma source(%arg12 : memref<640xf32, #tpu.memory_space<vmem>>) target(%dma_start3A_147 : memref<640xf32, #tpu.memory_space<vmem_shared>>) target_semaphore(%run_scoped3A : memref<!tpu.dma_semaphore, #tpu.memory_space<semaphore_mem>>)
        %dma_wait3A = tpu.memref_slice %arg16[%mul3A_127] : memref<10240xf32, #tpu.memory_space<vmem_shared>> -> memref<640xf32, #tpu.memory_space<vmem_shared>>
        %dma_wait3A_148 = tpu.memref_slice %arg16[%mul3A_127] : memref<10240xf32, #tpu.memory_space<vmem_shared>> -> memref<640xf32, #tpu.memory_space<vmem_shared>>
        tpu.wait_dma2 semaphore(%run_scoped3A : memref<!tpu.dma_semaphore, #tpu.memory_space<semaphore_mem>>) src(%arg12 : memref<640xf32, #tpu.memory_space<vmem>>) dst(%dma_wait3A_148 : memref<640xf32, #tpu.memory_space<vmem_shared>>)
        tpu.yield
      }) : () -> ()
      %barrier3A_128 = arith.constant 0 : index
      tpu.barrier barrier_id(%barrier3A_128)
      "tpu.region"() ({
        %run_scoped3A = tpu.sem_alloc : memref<!tpu.dma_semaphore, #tpu.memory_space<semaphore_mem>>
        tpu.enqueue_dma source(%arg16 : memref<10240xf32, #tpu.memory_space<vmem_shared>>) target(%arg8 : memref<10240xf32, #tpu.memory_space<vmem>>) target_semaphore(%run_scoped3A : memref<!tpu.dma_semaphore, #tpu.memory_space<semaphore_mem>>)
        tpu.wait_dma2 semaphore(%run_scoped3A : memref<!tpu.dma_semaphore, #tpu.memory_space<semaphore_mem>>) src(%arg16 : memref<10240xf32, #tpu.memory_space<vmem_shared>>) dst(%arg8 : memref<10240xf32, #tpu.memory_space<vmem>>)
        tpu.yield
      }) : () -> ()
      %broadcast_in_dim3A_129 = arith.constant 0.000000e+00 : f32
      %broadcast_in_dim3A_130 = vector.broadcast %broadcast_in_dim3A_129 : f32 to vector<16xf32>
      %scan3A_131 = arith.constant 0 : i32
      %scan3A_132 = arith.constant 640 : i32
      %scan3A_133 = arith.addi %scan3A_131, %scan3A_132 : i32
      %scan3A_134 = arith.constant 1 : i32
      %scan3A_135 = scf.for %scan3A_147 = %scan3A_131 to %scan3A_133 step %scan3A_134 iter_args(%scan3A_148 = %broadcast_in_dim3A_130) -> (vector<16xf32>)  : i32 {
        %mul3A_149 = arith.constant 16 : i32
        %mul3A_150 = arith.muli %scan3A_147, %mul3A_149 : i32
        %get3A = arith.index_cast %mul3A_150 : i32 to index
        %get3A_151 = tpu.vector_load %arg8[%get3A] {strides = array<i32>} : memref<10240xf32, #tpu.memory_space<vmem>>, vector<16xf32>,
        %max3A = arith.maximumf %scan3A_148, %get3A_151 : vector<16xf32>
        scf.yield %max3A : vector<16xf32>
      }
      %scan3A_136 = arith.constant 640 : i32
      %reduce_max3A = arith.constant true
      %reduce_max3A_137 = vector.broadcast %reduce_max3A : i1 to vector<16xi1>
      %reduce_max3A_138 = tpu.scan <max>, %scan3A_135 masked %reduce_max3A_137 : vector<16xf32>, vector<16xi1> -> vector<16xf32>
      %reduce_max3A_139 = vector.extract %reduce_max3A_138[15] : f32 from vector<16xf32>
      %broadcast_in_dim3A_140 = vector.broadcast %reduce_max3A_139 : f32 to vector<16xf32>
      %add3A = arith.constant 1.000000e-30 : f32
      %add3A_141 = vector.broadcast %add3A : f32 to vector<16xf32>
      %add3A_142 = arith.addf %broadcast_in_dim3A_140, %add3A_141 : vector<16xf32>
      %parallel_loop3A_143 = arith.constant 0 : i32
      %parallel_loop3A_144 = arith.constant 640 : i32
      %parallel_loop3A_145 = arith.constant 1 : i32
      scf.for %parallel_loop3A_147 = %parallel_loop3A_143 to %parallel_loop3A_144 step %parallel_loop3A_145  : i32 {
        %parallel_loop3A_148 = arith.constant 16 : i32
        %parallel_loop3A_149 = arith.muli %parallel_loop3A_147, %parallel_loop3A_148 : i32
        %parallel_loop3A_150 = arith.index_cast %parallel_loop3A_149 : i32 to index
        %parallel_loop3A_151 = tpu.vector_load %arg8[%parallel_loop3A_150] {strides = array<i32>} : memref<10240xf32, #tpu.memory_space<vmem>>, vector<16xf32>,
        %parallel_loop3A_152 = arith.divf %parallel_loop3A_151, %add3A_142 : vector<16xf32>
        %parallel_loop3A_153 = arith.constant 16 : i32
        %parallel_loop3A_154 = arith.muli %parallel_loop3A_147, %parallel_loop3A_153 : i32
        %parallel_loop3A_155 = arith.index_cast %parallel_loop3A_154 : i32 to index
        %parallel_loop3A_156 = tpu.vector_load %arg8[%parallel_loop3A_155] {strides = array<i32>} : memref<10240xf32, #tpu.memory_space<vmem>>, vector<16xf32>,
        tpu.vector_store %arg8[%parallel_loop3A_155], %parallel_loop3A_152 {strides = array<i32>} : memref<10240xf32, #tpu.memory_space<vmem>>, vector<16xf32>,
      } {sc.loop_unroll_factor = 4 : i64, sc.parallel_access}
      %scan3A_146 = arith.constant 0 : i32
      scf.yield %scan3A_146 : i32
    }
    %scan3A_8 = arith.constant 5 : i32
    %parallel_loop3A_9 = arith.constant 0 : i32
    %parallel_loop3A_10 = arith.constant 640 : i32
    %parallel_loop3A_11 = arith.constant 1 : i32
    scf.for %parallel_loop3A_37 = %parallel_loop3A_9 to %parallel_loop3A_10 step %parallel_loop3A_11  : i32 {
      %parallel_loop3A_38 = arith.constant 0.000000e+00 : f32
      %parallel_loop3A_39 = vector.broadcast %parallel_loop3A_38 : f32 to vector<16xf32>
      %parallel_loop3A_40 = arith.constant 16 : i32
      %parallel_loop3A_41 = arith.muli %parallel_loop3A_37, %parallel_loop3A_40 : i32
      %parallel_loop3A_42 = arith.index_cast %parallel_loop3A_41 : i32 to index
      %parallel_loop3A_43 = tpu.vector_load %arg9[%parallel_loop3A_42] {strides = array<i32>} : memref<10240xf32, #tpu.memory_space<vmem>>, vector<16xf32>,
      tpu.vector_store %arg9[%parallel_loop3A_42], %parallel_loop3A_39 {strides = array<i32>} : memref<10240xf32, #tpu.memory_space<vmem>>, vector<16xf32>,
    } {sc.loop_unroll_factor = 4 : i64, sc.parallel_access}
    %parallel_loop3A_12 = arith.constant 0 : i32
    %parallel_loop3A_13 = arith.constant 1264 : i32
    %parallel_loop3A_14 = arith.constant 1 : i32
    scf.for %parallel_loop3A_37 = %parallel_loop3A_12 to %parallel_loop3A_13 step %parallel_loop3A_14  : i32 {
      %parallel_loop3A_38 = arith.constant 16 : i32
      %parallel_loop3A_39 = arith.muli %parallel_loop3A_37, %parallel_loop3A_38 : i32
      %parallel_loop3A_40 = arith.index_cast %parallel_loop3A_39 : i32 to index
      %parallel_loop3A_41 = tpu.vector_load %arg6[%parallel_loop3A_40] {strides = array<i32>} : memref<20224xi32, #tpu.memory_space<vmem>>, vector<16xi32>,
      %parallel_loop3A_42 = arith.constant 16 : i32
      %parallel_loop3A_43 = arith.muli %parallel_loop3A_37, %parallel_loop3A_42 : i32
      %parallel_loop3A_44 = arith.index_cast %parallel_loop3A_43 : i32 to index
      %parallel_loop3A_45 = tpu.vector_load %arg7[%parallel_loop3A_44] {strides = array<i32>} : memref<20224xi32, #tpu.memory_space<vmem>>, vector<16xi32>,
      %parallel_loop3A_46 = tpu.vector_load_idx %arg8[%parallel_loop3A_41] : memref<10240xf32, #tpu.memory_space<vmem>>[vector<16xi32>], vector<16xf32>,
      tpu.vector_store_idx %arg9[%parallel_loop3A_45], %parallel_loop3A_46 {add = true} : memref<10240xf32, #tpu.memory_space<vmem>>[vector<16xi32>], vector<16xf32>,
    } {sc.loop_unroll_factor = 8 : i64, sc.parallel_access}
    "tpu.region"() ({
      %run_scoped3A = tpu.sem_alloc : memref<!tpu.dma_semaphore, #tpu.memory_space<semaphore_mem>>
      %dma_start3A = arith.constant 0 : i32
      %dma_start3A_37 = tpu.memref_slice %arg15[%arg1, %dma_start3A] : memref<16x10240xf32, #tpu.memory_space<vmem_shared>> -> memref<1x10240xf32, #tpu.memory_space<vmem_shared>>
      %dma_start3A_38 = tpu.memref_squeeze %dma_start3A_37 : memref<1x10240xf32, #tpu.memory_space<vmem_shared>> -> memref<10240xf32, #tpu.memory_space<vmem_shared>>
      %dma_start3A_39 = arith.constant 0 : i32
      %dma_start3A_40 = tpu.memref_slice %arg15[%arg1, %dma_start3A_39] : memref<16x10240xf32, #tpu.memory_space<vmem_shared>> -> memref<1x10240xf32, #tpu.memory_space<vmem_shared>>
      %dma_start3A_41 = tpu.memref_squeeze %dma_start3A_40 : memref<1x10240xf32, #tpu.memory_space<vmem_shared>> -> memref<10240xf32, #tpu.memory_space<vmem_shared>>
      tpu.enqueue_dma source(%arg9 : memref<10240xf32, #tpu.memory_space<vmem>>) target(%dma_start3A_41 : memref<10240xf32, #tpu.memory_space<vmem_shared>>) target_semaphore(%run_scoped3A : memref<!tpu.dma_semaphore, #tpu.memory_space<semaphore_mem>>)
      %dma_wait3A = arith.constant 0 : i32
      %dma_wait3A_42 = tpu.memref_slice %arg15[%arg1, %dma_wait3A] : memref<16x10240xf32, #tpu.memory_space<vmem_shared>> -> memref<1x10240xf32, #tpu.memory_space<vmem_shared>>
      %dma_wait3A_43 = tpu.memref_squeeze %dma_wait3A_42 : memref<1x10240xf32, #tpu.memory_space<vmem_shared>> -> memref<10240xf32, #tpu.memory_space<vmem_shared>>
      %dma_wait3A_44 = arith.constant 0 : i32
      %dma_wait3A_45 = tpu.memref_slice %arg15[%arg1, %dma_wait3A_44] : memref<16x10240xf32, #tpu.memory_space<vmem_shared>> -> memref<1x10240xf32, #tpu.memory_space<vmem_shared>>
      %dma_wait3A_46 = tpu.memref_squeeze %dma_wait3A_45 : memref<1x10240xf32, #tpu.memory_space<vmem_shared>> -> memref<10240xf32, #tpu.memory_space<vmem_shared>>
      tpu.wait_dma2 semaphore(%run_scoped3A : memref<!tpu.dma_semaphore, #tpu.memory_space<semaphore_mem>>) src(%arg9 : memref<10240xf32, #tpu.memory_space<vmem>>) dst(%dma_wait3A_46 : memref<10240xf32, #tpu.memory_space<vmem_shared>>)
      tpu.yield
    }) : () -> ()
    %barrier3A = arith.constant 0 : index
    tpu.barrier barrier_id(%barrier3A)
    %mul3A_15 = arith.constant 640 : i32
    %mul3A_16 = arith.muli %arg1, %mul3A_15 : i32
    "tpu.region"() ({
      %run_scoped3A = tpu.sem_alloc : memref<!tpu.dma_semaphore, #tpu.memory_space<semaphore_mem>>
      %dma_start3A = arith.constant 0 : i32
      %dma_start3A_37 = tpu.memref_slice %arg15[%dma_start3A, %mul3A_16] : memref<16x10240xf32, #tpu.memory_space<vmem_shared>> -> memref<16x640xf32, #tpu.memory_space<vmem_shared>>
      %dma_start3A_38 = arith.constant 0 : i32
      %dma_start3A_39 = tpu.memref_slice %arg15[%dma_start3A_38, %mul3A_16] : memref<16x10240xf32, #tpu.memory_space<vmem_shared>> -> memref<16x640xf32, #tpu.memory_space<vmem_shared>>
      tpu.enqueue_dma source(%dma_start3A_39 : memref<16x640xf32, #tpu.memory_space<vmem_shared>>) target(%arg11 : memref<16x640xf32, #tpu.memory_space<vmem>>) target_semaphore(%run_scoped3A : memref<!tpu.dma_semaphore, #tpu.memory_space<semaphore_mem>>)
      %dma_wait3A = arith.constant 0 : i32
      %dma_wait3A_40 = tpu.memref_slice %arg15[%dma_wait3A, %mul3A_16] : memref<16x10240xf32, #tpu.memory_space<vmem_shared>> -> memref<16x640xf32, #tpu.memory_space<vmem_shared>>
      %dma_wait3A_41 = arith.constant 0 : i32
      %dma_wait3A_42 = tpu.memref_slice %arg15[%dma_wait3A_41, %mul3A_16] : memref<16x10240xf32, #tpu.memory_space<vmem_shared>> -> memref<16x640xf32, #tpu.memory_space<vmem_shared>>
      tpu.wait_dma2 semaphore(%run_scoped3A : memref<!tpu.dma_semaphore, #tpu.memory_space<semaphore_mem>>) src(%dma_wait3A_42 : memref<16x640xf32, #tpu.memory_space<vmem_shared>>) dst(%arg11 : memref<16x640xf32, #tpu.memory_space<vmem>>)
      tpu.yield
    }) : () -> ()
    %parallel_loop3A_17 = arith.constant 0 : i32
    %parallel_loop3A_18 = arith.constant 40 : i32
    %parallel_loop3A_19 = arith.constant 1 : i32
    scf.for %parallel_loop3A_37 = %parallel_loop3A_17 to %parallel_loop3A_18 step %parallel_loop3A_19  : i32 {
      %parallel_loop3A_38 = arith.constant 16 : i32
      %parallel_loop3A_39 = arith.muli %parallel_loop3A_37, %parallel_loop3A_38 : i32
      %parallel_loop3A_40 = arith.constant 0 : i32
      %parallel_loop3A_41 = arith.index_cast %parallel_loop3A_40 : i32 to index
      %parallel_loop3A_42 = arith.index_cast %parallel_loop3A_39 : i32 to index
      %parallel_loop3A_43 = tpu.vector_load %arg11[%parallel_loop3A_41, %parallel_loop3A_42] {strides = array<i32>} : memref<16x640xf32, #tpu.memory_space<vmem>>, vector<16xf32>,
      %parallel_loop3A_44 = arith.constant 16 : i32
      %parallel_loop3A_45 = arith.muli %parallel_loop3A_37, %parallel_loop3A_44 : i32
      %parallel_loop3A_46 = arith.constant 1 : i32
      %parallel_loop3A_47 = arith.index_cast %parallel_loop3A_46 : i32 to index
      %parallel_loop3A_48 = arith.index_cast %parallel_loop3A_45 : i32 to index
      %parallel_loop3A_49 = tpu.vector_load %arg11[%parallel_loop3A_47, %parallel_loop3A_48] {strides = array<i32>} : memref<16x640xf32, #tpu.memory_space<vmem>>, vector<16xf32>,
      %parallel_loop3A_50 = arith.addf %parallel_loop3A_43, %parallel_loop3A_49 : vector<16xf32>
      %parallel_loop3A_51 = arith.constant 16 : i32
      %parallel_loop3A_52 = arith.muli %parallel_loop3A_37, %parallel_loop3A_51 : i32
      %parallel_loop3A_53 = arith.constant 2 : i32
      %parallel_loop3A_54 = arith.index_cast %parallel_loop3A_53 : i32 to index
      %parallel_loop3A_55 = arith.index_cast %parallel_loop3A_52 : i32 to index
      %parallel_loop3A_56 = tpu.vector_load %arg11[%parallel_loop3A_54, %parallel_loop3A_55] {strides = array<i32>} : memref<16x640xf32, #tpu.memory_space<vmem>>, vector<16xf32>,
      %parallel_loop3A_57 = arith.addf %parallel_loop3A_50, %parallel_loop3A_56 : vector<16xf32>
      %parallel_loop3A_58 = arith.constant 16 : i32
      %parallel_loop3A_59 = arith.muli %parallel_loop3A_37, %parallel_loop3A_58 : i32
      %parallel_loop3A_60 = arith.constant 3 : i32
      %parallel_loop3A_61 = arith.index_cast %parallel_loop3A_60 : i32 to index
      %parallel_loop3A_62 = arith.index_cast %parallel_loop3A_59 : i32 to index
      %parallel_loop3A_63 = tpu.vector_load %arg11[%parallel_loop3A_61, %parallel_loop3A_62] {strides = array<i32>} : memref<16x640xf32, #tpu.memory_space<vmem>>, vector<16xf32>,
      %parallel_loop3A_64 = arith.addf %parallel_loop3A_57, %parallel_loop3A_63 : vector<16xf32>
      %parallel_loop3A_65 = arith.constant 16 : i32
      %parallel_loop3A_66 = arith.muli %parallel_loop3A_37, %parallel_loop3A_65 : i32
      %parallel_loop3A_67 = arith.constant 4 : i32
      %parallel_loop3A_68 = arith.index_cast %parallel_loop3A_67 : i32 to index
      %parallel_loop3A_69 = arith.index_cast %parallel_loop3A_66 : i32 to index
      %parallel_loop3A_70 = tpu.vector_load %arg11[%parallel_loop3A_68, %parallel_loop3A_69] {strides = array<i32>} : memref<16x640xf32, #tpu.memory_space<vmem>>, vector<16xf32>,
      %parallel_loop3A_71 = arith.addf %parallel_loop3A_64, %parallel_loop3A_70 : vector<16xf32>
      %parallel_loop3A_72 = arith.constant 16 : i32
      %parallel_loop3A_73 = arith.muli %parallel_loop3A_37, %parallel_loop3A_72 : i32
      %parallel_loop3A_74 = arith.constant 5 : i32
      %parallel_loop3A_75 = arith.index_cast %parallel_loop3A_74 : i32 to index
      %parallel_loop3A_76 = arith.index_cast %parallel_loop3A_73 : i32 to index
      %parallel_loop3A_77 = tpu.vector_load %arg11[%parallel_loop3A_75, %parallel_loop3A_76] {strides = array<i32>} : memref<16x640xf32, #tpu.memory_space<vmem>>, vector<16xf32>,
      %parallel_loop3A_78 = arith.addf %parallel_loop3A_71, %parallel_loop3A_77 : vector<16xf32>
      %parallel_loop3A_79 = arith.constant 16 : i32
      %parallel_loop3A_80 = arith.muli %parallel_loop3A_37, %parallel_loop3A_79 : i32
      %parallel_loop3A_81 = arith.constant 6 : i32
      %parallel_loop3A_82 = arith.index_cast %parallel_loop3A_81 : i32 to index
      %parallel_loop3A_83 = arith.index_cast %parallel_loop3A_80 : i32 to index
      %parallel_loop3A_84 = tpu.vector_load %arg11[%parallel_loop3A_82, %parallel_loop3A_83] {strides = array<i32>} : memref<16x640xf32, #tpu.memory_space<vmem>>, vector<16xf32>,
      %parallel_loop3A_85 = arith.addf %parallel_loop3A_78, %parallel_loop3A_84 : vector<16xf32>
      %parallel_loop3A_86 = arith.constant 16 : i32
      %parallel_loop3A_87 = arith.muli %parallel_loop3A_37, %parallel_loop3A_86 : i32
      %parallel_loop3A_88 = arith.constant 7 : i32
      %parallel_loop3A_89 = arith.index_cast %parallel_loop3A_88 : i32 to index
      %parallel_loop3A_90 = arith.index_cast %parallel_loop3A_87 : i32 to index
      %parallel_loop3A_91 = tpu.vector_load %arg11[%parallel_loop3A_89, %parallel_loop3A_90] {strides = array<i32>} : memref<16x640xf32, #tpu.memory_space<vmem>>, vector<16xf32>,
      %parallel_loop3A_92 = arith.addf %parallel_loop3A_85, %parallel_loop3A_91 : vector<16xf32>
      %parallel_loop3A_93 = arith.constant 16 : i32
      %parallel_loop3A_94 = arith.muli %parallel_loop3A_37, %parallel_loop3A_93 : i32
      %parallel_loop3A_95 = arith.constant 8 : i32
      %parallel_loop3A_96 = arith.index_cast %parallel_loop3A_95 : i32 to index
      %parallel_loop3A_97 = arith.index_cast %parallel_loop3A_94 : i32 to index
      %parallel_loop3A_98 = tpu.vector_load %arg11[%parallel_loop3A_96, %parallel_loop3A_97] {strides = array<i32>} : memref<16x640xf32, #tpu.memory_space<vmem>>, vector<16xf32>,
      %parallel_loop3A_99 = arith.addf %parallel_loop3A_92, %parallel_loop3A_98 : vector<16xf32>
      %parallel_loop3A_100 = arith.constant 16 : i32
      %parallel_loop3A_101 = arith.muli %parallel_loop3A_37, %parallel_loop3A_100 : i32
      %parallel_loop3A_102 = arith.constant 9 : i32
      %parallel_loop3A_103 = arith.index_cast %parallel_loop3A_102 : i32 to index
      %parallel_loop3A_104 = arith.index_cast %parallel_loop3A_101 : i32 to index
      %parallel_loop3A_105 = tpu.vector_load %arg11[%parallel_loop3A_103, %parallel_loop3A_104] {strides = array<i32>} : memref<16x640xf32, #tpu.memory_space<vmem>>, vector<16xf32>,
      %parallel_loop3A_106 = arith.addf %parallel_loop3A_99, %parallel_loop3A_105 : vector<16xf32>
      %parallel_loop3A_107 = arith.constant 16 : i32
      %parallel_loop3A_108 = arith.muli %parallel_loop3A_37, %parallel_loop3A_107 : i32
      %parallel_loop3A_109 = arith.constant 10 : i32
      %parallel_loop3A_110 = arith.index_cast %parallel_loop3A_109 : i32 to index
      %parallel_loop3A_111 = arith.index_cast %parallel_loop3A_108 : i32 to index
      %parallel_loop3A_112 = tpu.vector_load %arg11[%parallel_loop3A_110, %parallel_loop3A_111] {strides = array<i32>} : memref<16x640xf32, #tpu.memory_space<vmem>>, vector<16xf32>,
      %parallel_loop3A_113 = arith.addf %parallel_loop3A_106, %parallel_loop3A_112 : vector<16xf32>
      %parallel_loop3A_114 = arith.constant 16 : i32
      %parallel_loop3A_115 = arith.muli %parallel_loop3A_37, %parallel_loop3A_114 : i32
      %parallel_loop3A_116 = arith.constant 11 : i32
      %parallel_loop3A_117 = arith.index_cast %parallel_loop3A_116 : i32 to index
      %parallel_loop3A_118 = arith.index_cast %parallel_loop3A_115 : i32 to index
      %parallel_loop3A_119 = tpu.vector_load %arg11[%parallel_loop3A_117, %parallel_loop3A_118] {strides = array<i32>} : memref<16x640xf32, #tpu.memory_space<vmem>>, vector<16xf32>,
      %parallel_loop3A_120 = arith.addf %parallel_loop3A_113, %parallel_loop3A_119 : vector<16xf32>
      %parallel_loop3A_121 = arith.constant 16 : i32
      %parallel_loop3A_122 = arith.muli %parallel_loop3A_37, %parallel_loop3A_121 : i32
      %parallel_loop3A_123 = arith.constant 12 : i32
      %parallel_loop3A_124 = arith.index_cast %parallel_loop3A_123 : i32 to index
      %parallel_loop3A_125 = arith.index_cast %parallel_loop3A_122 : i32 to index
      %parallel_loop3A_126 = tpu.vector_load %arg11[%parallel_loop3A_124, %parallel_loop3A_125] {strides = array<i32>} : memref<16x640xf32, #tpu.memory_space<vmem>>, vector<16xf32>,
      %parallel_loop3A_127 = arith.addf %parallel_loop3A_120, %parallel_loop3A_126 : vector<16xf32>
      %parallel_loop3A_128 = arith.constant 16 : i32
      %parallel_loop3A_129 = arith.muli %parallel_loop3A_37, %parallel_loop3A_128 : i32
      %parallel_loop3A_130 = arith.constant 13 : i32
      %parallel_loop3A_131 = arith.index_cast %parallel_loop3A_130 : i32 to index
      %parallel_loop3A_132 = arith.index_cast %parallel_loop3A_129 : i32 to index
      %parallel_loop3A_133 = tpu.vector_load %arg11[%parallel_loop3A_131, %parallel_loop3A_132] {strides = array<i32>} : memref<16x640xf32, #tpu.memory_space<vmem>>, vector<16xf32>,
      %parallel_loop3A_134 = arith.addf %parallel_loop3A_127, %parallel_loop3A_133 : vector<16xf32>
      %parallel_loop3A_135 = arith.constant 16 : i32
      %parallel_loop3A_136 = arith.muli %parallel_loop3A_37, %parallel_loop3A_135 : i32
      %parallel_loop3A_137 = arith.constant 14 : i32
      %parallel_loop3A_138 = arith.index_cast %parallel_loop3A_137 : i32 to index
      %parallel_loop3A_139 = arith.index_cast %parallel_loop3A_136 : i32 to index
      %parallel_loop3A_140 = tpu.vector_load %arg11[%parallel_loop3A_138, %parallel_loop3A_139] {strides = array<i32>} : memref<16x640xf32, #tpu.memory_space<vmem>>, vector<16xf32>,
      %parallel_loop3A_141 = arith.addf %parallel_loop3A_134, %parallel_loop3A_140 : vector<16xf32>
      %parallel_loop3A_142 = arith.constant 16 : i32
      %parallel_loop3A_143 = arith.muli %parallel_loop3A_37, %parallel_loop3A_142 : i32
      %parallel_loop3A_144 = arith.constant 15 : i32
      %parallel_loop3A_145 = arith.index_cast %parallel_loop3A_144 : i32 to index
      %parallel_loop3A_146 = arith.index_cast %parallel_loop3A_143 : i32 to index
      %parallel_loop3A_147 = tpu.vector_load %arg11[%parallel_loop3A_145, %parallel_loop3A_146] {strides = array<i32>} : memref<16x640xf32, #tpu.memory_space<vmem>>, vector<16xf32>,
      %parallel_loop3A_148 = arith.addf %parallel_loop3A_141, %parallel_loop3A_147 : vector<16xf32>
      %parallel_loop3A_149 = arith.constant 16 : i32
      %parallel_loop3A_150 = arith.muli %parallel_loop3A_37, %parallel_loop3A_149 : i32
      %parallel_loop3A_151 = arith.index_cast %parallel_loop3A_150 : i32 to index
      %parallel_loop3A_152 = tpu.vector_load %arg12[%parallel_loop3A_151] {strides = array<i32>} : memref<640xf32, #tpu.memory_space<vmem>>, vector<16xf32>,
      tpu.vector_store %arg12[%parallel_loop3A_151], %parallel_loop3A_148 {strides = array<i32>} : memref<640xf32, #tpu.memory_space<vmem>>, vector<16xf32>,
    } {sc.loop_unroll_factor = 2 : i64, sc.parallel_access}
    %mul3A_20 = arith.constant 640 : i32
    %mul3A_21 = arith.muli %arg1, %mul3A_20 : i32
    "tpu.region"() ({
      %run_scoped3A = tpu.sem_alloc : memref<!tpu.dma_semaphore, #tpu.memory_space<semaphore_mem>>
      %dma_start3A = tpu.memref_slice %arg16[%mul3A_21] : memref<10240xf32, #tpu.memory_space<vmem_shared>> -> memref<640xf32, #tpu.memory_space<vmem_shared>>
      %dma_start3A_37 = tpu.memref_slice %arg16[%mul3A_21] : memref<10240xf32, #tpu.memory_space<vmem_shared>> -> memref<640xf32, #tpu.memory_space<vmem_shared>>
      tpu.enqueue_dma source(%arg12 : memref<640xf32, #tpu.memory_space<vmem>>) target(%dma_start3A_37 : memref<640xf32, #tpu.memory_space<vmem_shared>>) target_semaphore(%run_scoped3A : memref<!tpu.dma_semaphore, #tpu.memory_space<semaphore_mem>>)
      %dma_wait3A = tpu.memref_slice %arg16[%mul3A_21] : memref<10240xf32, #tpu.memory_space<vmem_shared>> -> memref<640xf32, #tpu.memory_space<vmem_shared>>
      %dma_wait3A_38 = tpu.memref_slice %arg16[%mul3A_21] : memref<10240xf32, #tpu.memory_space<vmem_shared>> -> memref<640xf32, #tpu.memory_space<vmem_shared>>
      tpu.wait_dma2 semaphore(%run_scoped3A : memref<!tpu.dma_semaphore, #tpu.memory_space<semaphore_mem>>) src(%arg12 : memref<640xf32, #tpu.memory_space<vmem>>) dst(%dma_wait3A_38 : memref<640xf32, #tpu.memory_space<vmem_shared>>)
      tpu.yield
    }) : () -> ()
    %barrier3A_22 = arith.constant 0 : index
    tpu.barrier barrier_id(%barrier3A_22)
    "tpu.region"() ({
      %run_scoped3A = tpu.sem_alloc : memref<!tpu.dma_semaphore, #tpu.memory_space<semaphore_mem>>
      tpu.enqueue_dma source(%arg16 : memref<10240xf32, #tpu.memory_space<vmem_shared>>) target(%arg10 : memref<10240xf32, #tpu.memory_space<vmem>>) target_semaphore(%run_scoped3A : memref<!tpu.dma_semaphore, #tpu.memory_space<semaphore_mem>>)
      tpu.wait_dma2 semaphore(%run_scoped3A : memref<!tpu.dma_semaphore, #tpu.memory_space<semaphore_mem>>) src(%arg16 : memref<10240xf32, #tpu.memory_space<vmem_shared>>) dst(%arg10 : memref<10240xf32, #tpu.memory_space<vmem>>)
      tpu.yield
    }) : () -> ()
    %broadcast_in_dim3A = arith.constant 0.000000e+00 : f32
    %broadcast_in_dim3A_23 = vector.broadcast %broadcast_in_dim3A : f32 to vector<16xf32>
    %scan3A_24 = arith.constant 0 : i32
    %scan3A_25 = arith.constant 625 : i32
    %scan3A_26 = arith.addi %scan3A_24, %scan3A_25 : i32
    %scan3A_27 = arith.constant 1 : i32
    %scan3A_28:2 = scf.for %scan3A_37 = %scan3A_24 to %scan3A_26 step %scan3A_27 iter_args(%scan3A_38 = %broadcast_in_dim3A_23, %scan3A_39 = %broadcast_in_dim3A_23) -> (vector<16xf32>, vector<16xf32>)  : i32 {
      %mul3A_40 = arith.constant 16 : i32
      %mul3A_41 = arith.muli %scan3A_37, %mul3A_40 : i32
      %get3A = arith.index_cast %mul3A_41 : i32 to index
      %get3A_42 = tpu.vector_load %arg8[%get3A] {strides = array<i32>} : memref<10240xf32, #tpu.memory_space<vmem>>, vector<16xf32>,
      %mul3A_43 = arith.constant 16 : i32
      %mul3A_44 = arith.muli %scan3A_37, %mul3A_43 : i32
      %get3A_45 = arith.index_cast %mul3A_44 : i32 to index
      %get3A_46 = tpu.vector_load %arg10[%get3A_45] {strides = array<i32>} : memref<10240xf32, #tpu.memory_space<vmem>>, vector<16xf32>,
      %mul3A_47 = arith.mulf %get3A_42, %get3A_46 : vector<16xf32>
      %add3A = arith.addf %scan3A_38, %mul3A_47 : vector<16xf32>
      %mul3A_48 = arith.mulf %get3A_42, %get3A_42 : vector<16xf32>
      %add3A_49 = arith.addf %scan3A_39, %mul3A_48 : vector<16xf32>
      scf.yield %add3A, %add3A_49 : vector<16xf32>, vector<16xf32>
    }
    %scan3A_29 = arith.constant 625 : i32
    %swap3A = arith.constant 0 : index
    %swap3A_30 = tpu.vector_load %arg13[%swap3A] {strides = array<i32>} : memref<16xf32, #tpu.memory_space<vmem>>, vector<16xf32>,
    tpu.vector_store %arg13[%swap3A], %scan3A_28#0 {strides = array<i32>} : memref<16xf32, #tpu.memory_space<vmem>>, vector<16xf32>,
    %swap3A_31 = arith.constant 0 : index
    %swap3A_32 = tpu.vector_load %arg14[%swap3A_31] {strides = array<i32>} : memref<16xf32, #tpu.memory_space<vmem>>, vector<16xf32>,
    tpu.vector_store %arg14[%swap3A_31], %scan3A_28#1 {strides = array<i32>} : memref<16xf32, #tpu.memory_space<vmem>>, vector<16xf32>,
    %eq3A = arith.constant 0 : i32
    %eq3A_33 = arith.cmpi eq, %arg0, %eq3A : i32
    %eq3A_34 = arith.constant 0 : i32
    %eq3A_35 = arith.cmpi eq, %arg1, %eq3A_34 : i32
    %and3A = arith.andi %eq3A_33, %eq3A_35 : i1
    %convert_element_type3A = arith.extui %and3A : i1 to i32
    %cond3A = arith.constant 0 : i32
    %cond3A_36 = arith.cmpi ne, %convert_element_type3A, %cond3A : i32
    scf.if %cond3A_36 {
      "tpu.region"() ({
        %run_scoped3A = tpu.sem_alloc : memref<!tpu.dma_semaphore, #tpu.memory_space<semaphore_mem>>
        tpu.enqueue_dma source(%arg13 : memref<16xf32, #tpu.memory_space<vmem>>) target(%arg4 : memref<16xf32, #tpu.memory_space<hbm>>) target_semaphore(%run_scoped3A : memref<!tpu.dma_semaphore, #tpu.memory_space<semaphore_mem>>)
        tpu.wait_dma2 semaphore(%run_scoped3A : memref<!tpu.dma_semaphore, #tpu.memory_space<semaphore_mem>>) src(%arg13 : memref<16xf32, #tpu.memory_space<vmem>>) dst(%arg4 : memref<16xf32, #tpu.memory_space<hbm>>)
        tpu.yield
      }) : () -> ()
      "tpu.region"() ({
        %run_scoped3A = tpu.sem_alloc : memref<!tpu.dma_semaphore, #tpu.memory_space<semaphore_mem>>
        tpu.enqueue_dma source(%arg14 : memref<16xf32, #tpu.memory_space<vmem>>) target(%arg5 : memref<16xf32, #tpu.memory_space<hbm>>) target_semaphore(%run_scoped3A : memref<!tpu.dma_semaphore, #tpu.memory_space<semaphore_mem>>)
        tpu.wait_dma2 semaphore(%run_scoped3A : memref<!tpu.dma_semaphore, #tpu.memory_space<semaphore_mem>>) src(%arg14 : memref<16xf32, #tpu.memory_space<vmem>>) dst(%arg5 : memref<16xf32, #tpu.memory_space<hbm>>)
        tpu.yield
      }) : () -> ()
    } else {
    }
    return
  }
}

module attributes {stable_mosaic.version = 14 : i64} {
  func.func @_bias_body(%arg0: i32, %arg1: memref<2000x128xf32, #tpu.memory_space<vmem>>, %arg2: memref<128x128xf32, #tpu.memory_space<vmem>>, %arg3: memref<1x128xf32, #tpu.memory_space<vmem>>, %arg4: memref<2000x128xf32, #tpu.memory_space<vmem>>) attributes {dimension_semantics = [#tpu.dimension_semantics<arbitrary>], iteration_bounds = array<i64: 5>, scalar_prefetch = 0 : i64, scratch_operands = 0 : i64, tpu.core_type = #tpu.core_type<tc>, window_params = [{transform_indices = @transform_0, window_bounds = array<i64: 2000, 128>}, {pipeline_mode = #tpu.pipeline_mode<synchronous>, transform_indices = @transform_1, window_bounds = array<i64: 128, 128>}, {pipeline_mode = #tpu.pipeline_mode<synchronous>, transform_indices = @transform_2, window_bounds = array<i64: 1, 128>}, {transform_indices = @transform_3, window_bounds = array<i64: 2000, 128>}]} {
    %get3A = arith.constant 0 : index
    %get3A_0 = arith.constant 0 : index
    %get3A_1 = vector.load %arg1[%get3A, %get3A_0] : memref<2000x128xf32, #tpu.memory_space<vmem>>, vector<2000x128xf32>
    %get3A_2 = arith.constant 0 : index
    %get3A_3 = arith.constant 0 : index
    %get3A_4 = vector.load %arg2[%get3A_2, %get3A_3] : memref<128x128xf32, #tpu.memory_space<vmem>>, vector<128x128xf32>
    %dot_general3A = arith.constant dense<0.000000e+00> : vector<2000x128xf32>
    %dot_general3A_5 = tpu.matmul %get3A_1, %get3A_4, %dot_general3A {dimension_numbers = #tpu.dot_dimension_numbers<[1], [0], [0], [1], [0, 0, 1, 1], [], []>, transpose_lhs_hint = false} : vector<2000x128xf32>, vector<128x128xf32>, vector<2000x128xf32> -> vector<2000x128xf32>
    %get3A_6 = arith.constant 0 : index
    %get3A_7 = arith.constant 0 : index
    %get3A_8 = vector.load %arg3[%get3A_6, %get3A_7] : memref<1x128xf32, #tpu.memory_space<vmem>>, vector<1x128xf32>
    %add3A = vector.broadcast %get3A_8 : vector<1x128xf32> to vector<2000x128xf32>
    %add3A_9 = arith.addf %dot_general3A_5, %add3A : vector<2000x128xf32>
    %swap3A = arith.constant 0 : index
    %swap3A_10 = arith.constant 0 : index
    %swap3A_11 = vector.load %arg4[%swap3A, %swap3A_10] : memref<2000x128xf32, #tpu.memory_space<vmem>>, vector<2000x128xf32>
    tpu.vector_store %arg4[%swap3A, %swap3A_10], %add3A_9 {strides = array<i32>} : memref<2000x128xf32, #tpu.memory_space<vmem>>, vector<2000x128xf32>,
    return
  }
  func.func @transform_0(%arg0: i32) -> (i32, i32) {
    %c0_i32 = arith.constant 0 : i32
    %c0_i32_0 = arith.constant 0 : i32
    return %arg0, %c0_i32 : i32, i32
  }
  func.func @transform_1(%arg0: i32) -> (i32, i32) {
    %c0_i32 = arith.constant 0 : i32
    %c0_i32_0 = arith.constant 0 : i32
    %c0_i32_1 = arith.constant 0 : i32
    return %c0_i32, %c0_i32_0 : i32, i32
  }
  func.func @transform_2(%arg0: i32) -> (i32, i32) {
    %c0_i32 = arith.constant 0 : i32
    %c0_i32_0 = arith.constant 0 : i32
    %c0_i32_1 = arith.constant 0 : i32
    return %c0_i32, %c0_i32_0 : i32, i32
  }
  func.func @transform_3(%arg0: i32) -> (i32, i32) {
    %c0_i32 = arith.constant 0 : i32
    %c0_i32_0 = arith.constant 0 : i32
    return %arg0, %c0_i32 : i32, i32
  }
}

module attributes {stable_mosaic.version = 14 : i64} {
  func.func @_update_body(%arg0: i32, %arg1: memref<2000x128xf32, #tpu.memory_space<vmem>>, %arg2: memref<2000x128xf32, #tpu.memory_space<vmem>>, %arg3: memref<128x128xf32, #tpu.memory_space<vmem>>, %arg4: memref<2000x128xf32, #tpu.memory_space<vmem>>, %arg5: memref<2000x128xf32, #tpu.memory_space<vmem>>) attributes {dimension_semantics = [#tpu.dimension_semantics<arbitrary>], iteration_bounds = array<i64: 5>, scalar_prefetch = 0 : i64, scratch_operands = 0 : i64, tpu.core_type = #tpu.core_type<tc>, window_params = [{transform_indices = @transform_0, window_bounds = array<i64: 2000, 128>}, {transform_indices = @transform_1, window_bounds = array<i64: 2000, 128>}, {pipeline_mode = #tpu.pipeline_mode<synchronous>, transform_indices = @transform_2, window_bounds = array<i64: 128, 128>}, {transform_indices = @transform_3, window_bounds = array<i64: 2000, 128>}, {transform_indices = @transform_4, window_bounds = array<i64: 2000, 128>}]} {
    %get3A = arith.constant 0 : index
    %get3A_0 = arith.constant 0 : index
    %get3A_1 = vector.load %arg1[%get3A, %get3A_0] : memref<2000x128xf32, #tpu.memory_space<vmem>>, vector<2000x128xf32>
    %get3A_2 = arith.constant 0 : index
    %get3A_3 = arith.constant 0 : index
    %get3A_4 = vector.load %arg2[%get3A_2, %get3A_3] : memref<2000x128xf32, #tpu.memory_space<vmem>>, vector<2000x128xf32>
    %add3A = arith.addf %get3A_1, %get3A_4 : vector<2000x128xf32>
    %get3A_5 = arith.constant 0 : index
    %get3A_6 = arith.constant 0 : index
    %get3A_7 = vector.load %arg3[%get3A_5, %get3A_6] : memref<128x128xf32, #tpu.memory_space<vmem>>, vector<128x128xf32>
    %dot_general3A = arith.constant dense<0.000000e+00> : vector<2000x128xf32>
    %dot_general3A_8 = tpu.matmul %add3A, %get3A_7, %dot_general3A {dimension_numbers = #tpu.dot_dimension_numbers<[1], [0], [0], [1], [0, 0, 1, 1], [], []>, transpose_lhs_hint = false} : vector<2000x128xf32>, vector<128x128xf32>, vector<2000x128xf32> -> vector<2000x128xf32>
    %get3A_9 = arith.constant 0 : index
    %get3A_10 = arith.constant 0 : index
    %get3A_11 = vector.load %arg4[%get3A_9, %get3A_10] : memref<2000x128xf32, #tpu.memory_space<vmem>>, vector<2000x128xf32>
    %add3A_12 = arith.addf %dot_general3A_8, %get3A_11 : vector<2000x128xf32>
    %max3A = arith.constant 0.000000e+00 : f32
    %max3A_13 = vector.broadcast %max3A : f32 to vector<2000x128xf32>
    %max3A_14 = arith.maximumf %add3A_12, %max3A_13 : vector<2000x128xf32>
    %swap3A = arith.constant 0 : index
    %swap3A_15 = arith.constant 0 : index
    %swap3A_16 = vector.load %arg5[%swap3A, %swap3A_15] : memref<2000x128xf32, #tpu.memory_space<vmem>>, vector<2000x128xf32>
    tpu.vector_store %arg5[%swap3A, %swap3A_15], %max3A_14 {strides = array<i32>} : memref<2000x128xf32, #tpu.memory_space<vmem>>, vector<2000x128xf32>,
    return
  }
  func.func @transform_0(%arg0: i32) -> (i32, i32) {
    %c0_i32 = arith.constant 0 : i32
    %c0_i32_0 = arith.constant 0 : i32
    return %arg0, %c0_i32 : i32, i32
  }
  func.func @transform_1(%arg0: i32) -> (i32, i32) {
    %c0_i32 = arith.constant 0 : i32
    %c0_i32_0 = arith.constant 0 : i32
    return %arg0, %c0_i32 : i32, i32
  }
  func.func @transform_2(%arg0: i32) -> (i32, i32) {
    %c0_i32 = arith.constant 0 : i32
    %c0_i32_0 = arith.constant 0 : i32
    %c0_i32_1 = arith.constant 0 : i32
    return %c0_i32, %c0_i32_0 : i32, i32
  }
  func.func @transform_3(%arg0: i32) -> (i32, i32) {
    %c0_i32 = arith.constant 0 : i32
    %c0_i32_0 = arith.constant 0 : i32
    return %arg0, %c0_i32 : i32, i32
  }
  func.func @transform_4(%arg0: i32) -> (i32, i32) {
    %c0_i32 = arith.constant 0 : i32
    %c0_i32_0 = arith.constant 0 : i32
    return %arg0, %c0_i32 : i32, i32
  }
}

module attributes {stable_mosaic.version = 14 : i64} {
  func.func @_final_body(%arg0: i32, %arg1: memref<2000x128xf32, #tpu.memory_space<vmem>>, %arg2: memref<128x64xf32, #tpu.memory_space<vmem>>, %arg3: memref<1x64xf32, #tpu.memory_space<vmem>>, %arg4: memref<2000x64xf32, #tpu.memory_space<vmem>>) attributes {dimension_semantics = [#tpu.dimension_semantics<arbitrary>], iteration_bounds = array<i64: 5>, scalar_prefetch = 0 : i64, scratch_operands = 0 : i64, tpu.core_type = #tpu.core_type<tc>, window_params = [{transform_indices = @transform_0, window_bounds = array<i64: 2000, 128>}, {pipeline_mode = #tpu.pipeline_mode<synchronous>, transform_indices = @transform_1, window_bounds = array<i64: 128, 64>}, {pipeline_mode = #tpu.pipeline_mode<synchronous>, transform_indices = @transform_2, window_bounds = array<i64: 1, 64>}, {transform_indices = @transform_3, window_bounds = array<i64: 2000, 64>}]} {
    %get3A = arith.constant 0 : index
    %get3A_0 = arith.constant 0 : index
    %get3A_1 = vector.load %arg1[%get3A, %get3A_0] : memref<2000x128xf32, #tpu.memory_space<vmem>>, vector<2000x128xf32>
    %get3A_2 = arith.constant 0 : index
    %get3A_3 = arith.constant 0 : index
    %get3A_4 = vector.load %arg2[%get3A_2, %get3A_3] : memref<128x64xf32, #tpu.memory_space<vmem>>, vector<128x64xf32>
    %dot_general3A = arith.constant dense<0.000000e+00> : vector<2000x64xf32>
    %dot_general3A_5 = tpu.matmul %get3A_1, %get3A_4, %dot_general3A {dimension_numbers = #tpu.dot_dimension_numbers<[1], [0], [0], [1], [0, 0, 1, 1], [], []>, transpose_lhs_hint = false} : vector<2000x128xf32>, vector<128x64xf32>, vector<2000x64xf32> -> vector<2000x64xf32>
    %get3A_6 = arith.constant 0 : index
    %get3A_7 = arith.constant 0 : index
    %get3A_8 = vector.load %arg3[%get3A_6, %get3A_7] : memref<1x64xf32, #tpu.memory_space<vmem>>, vector<1x64xf32>
    %add3A = vector.broadcast %get3A_8 : vector<1x64xf32> to vector<2000x64xf32>
    %add3A_9 = arith.addf %dot_general3A_5, %add3A : vector<2000x64xf32>
    %swap3A = arith.constant 0 : index
    %swap3A_10 = arith.constant 0 : index
    %swap3A_11 = vector.load %arg4[%swap3A, %swap3A_10] : memref<2000x64xf32, #tpu.memory_space<vmem>>, vector<2000x64xf32>
    tpu.vector_store %arg4[%swap3A, %swap3A_10], %add3A_9 {strides = array<i32>} : memref<2000x64xf32, #tpu.memory_space<vmem>>, vector<2000x64xf32>,
    return
  }
  func.func @transform_0(%arg0: i32) -> (i32, i32) {
    %c0_i32 = arith.constant 0 : i32
    %c0_i32_0 = arith.constant 0 : i32
    return %arg0, %c0_i32 : i32, i32
  }
  func.func @transform_1(%arg0: i32) -> (i32, i32) {
    %c0_i32 = arith.constant 0 : i32
    %c0_i32_0 = arith.constant 0 : i32
    %c0_i32_1 = arith.constant 0 : i32
    return %c0_i32, %c0_i32_0 : i32, i32
  }
  func.func @transform_2(%arg0: i32) -> (i32, i32) {
    %c0_i32 = arith.constant 0 : i32
    %c0_i32_0 = arith.constant 0 : i32
    %c0_i32_1 = arith.constant 0 : i32
    return %c0_i32, %c0_i32_0 : i32, i32
  }
  func.func @transform_3(%arg0: i32) -> (i32, i32) {
    %c0_i32 = arith.constant 0 : i32
    %c0_i32_0 = arith.constant 0 : i32
    return %arg0, %c0_i32 : i32, i32
  }
}

</mosaic_0001>

<sc_bundles>
// kernel: closed_call.9.cloned.1.call-start
scs
__scs_entry_jumppad:
0x0: {  	(pc) =	sbr.rel $0x88, $3  }
0x1: {  	(tag) =	ssettag $0x0;
	lr =	simm.s32 $0x1  }
0x2: {  	[smem:$0x3F99] =	sst lr;
	_ =	strace $0xD0000000  }
0x3: {  	_ = 	snop  }
0x4: {  	_ = 	snop  }
0x5: {  	_ = 	snop  }
0x6: {  	_ = 	snop  }
0x7: {  	_ = 	snop  }
__scs_overlays_trampoline_lowered:
0x8: {  	[smem:$0x3FA8] =	sst s0  }
0x9: {  	[smem:$0x3FA9] =	sst s1  }
0xa: {  	[smem:$0x3FAA] =	sst s2  }
0xb: {  	[smem:$0x3FAB] =	sst s3  }
0xc: {  	[smem:$0x3FAC] =	sst s4  }
0xd: {  	[smem:$0x3FAD] =	sst s5  }
0xe: {  	[smem:$0x3FAE] =	sst s6  }
0xf: {  	[smem:$0x3FAF] =	sst s7  }
0x10: {  	[smem:$0x3FB0] =	sst s8  }
0x11: {  	[smem:$0x3FB1] =	sst s9;
	s0 =	simm.s32 @!p0 $0x0  }
0x12: {  	s1 =	sld [smem:$0x3F97];
	s0 =	simm.s32 @p0 $0x1  }
0x13: {  	[smem:$0x3FB2] =	sst s0;
	s0 =	simm.s32 @!p1 $0x0  }
0x14: {  	s2 =	sld [smem:$0x3F96];
	s0 =	simm.s32 @p1 $0x1  }
0x15: {  	[smem:$0x3FB3] =	sst s0;
	s0 =	simm.s32 @!p2 $0x0  }
0x16: {  	s3 =	sld [smem:$0x3FDB];
	s0 =	simm.s32 @p2 $0x1  }
0x17: {  	s4 =	simm.s32 $0x1BF5;
	[smem:$0x3FB5] =	sst s0  }
0x18: {  	s0 =	sld [smem:$0x3F98];
	_ =	swait.ge [sflag:s4], $0x0  }
0x19: {  	s7 =	sld [smem:$0x3F99]  }
0x1a: {  	s8 =	sadd.s32 $0xFFFFE003, lr  }
0x1b: {  	s9 =	sadd.s32 $0xFFFFFEF7, lr;
	s5 =	simm.s32 $0xFFFFFFFF;
	p2 =	slt.u32 s8, $0xFFFFF086  }
0x1c: {  	p1 =	slt.u32 s9, $0xF7A;
	s5 =	simm.s32 @!p2 $0x0  }
0x1d: {  	s5 =	simm.s32 @p1 $0x1;
	p0 =	seq.s32 s7, s2  }
0x1e: {  	s7 =	smul.u32 @!p0 $0xF7A, s2;
	p2 =	seq.s32 @!p0 s5, $0x0  }
0x1f: {  	s9 =	smul.u32 $0xF7A, s1;
	s8 =	simm.s32 @!p0 $0x1BF5;
	p2 =	por !p2, p0  }
0x20: {  	[sflag:s8] =	ssyncset.s32 @!p0 $0xFFFFF086;
	s6 =	sadd.s32 @!p0 s3, s7;
	s7 =	simm.s32 @!p0 $0x108  }
0x21: {  	s3 =	sadd.s32 s3, s9;
	s6 =	sadd.s32 @!p0 $0x88, s6;
	s7 =	simm.s32 @p2 $0x1082  }
0x22: {  	[simem:s7], [sflag:s8] =	dma.local @!p0 [hbm:s6], $0xF7A  }
0x23: {  	s9 =	sor.u32 $0xD0000000, s2;
	s6 =	simm.s32 $0x108;
	_ =	swait.ge @!p0 [sflag:s8], $0x0  }
0x24: {  	s3 =	sadd.s32 $0x88, s3;
	s6 =	simm.s32 @!p1 $0x1082;
	[sflag:s4] =	ssyncset.s32 $0xFFFFF086  }
0x25: {  	[simem:s6], [sflag:s4] =	dma.local [hbm:s3], $0xF7A  }
0x26: {  	[smem:$0x3F99] =	sst s1;
	(tag) =	ssettag s2;
	_ =	strace s9  }
0x27: {  	s1 =	sld [smem:$0x3FA9]  }
0x28: {  	s2 =	sld [smem:$0x3FAA]  }
0x29: {  	s4 =	sld [smem:$0x3FAC]  }
0x2a: {  	p0 =	seq.s32 s5, $0x0;
	s5 =	sld [smem:$0x3FAD]  }
0x2b: {  	s6 =	sld [smem:$0x3FAE]  }
0x2c: {  	s7 =	sld [smem:$0x3FAF]  }
0x2d: {  	s3 =	simm.s32 $0x108;
	s8 =	sld [smem:$0x3FB0]  }
0x2e: {  	s3 =	simm.s32 @!p0 $0x1082;
	s9 =	sld [smem:$0x3FB1]  }
0x2f: {  	lr =	sadd.s32 s0, s3;
	s0 =	sld [smem:$0x3FA8]  }
0x30: {  	s3 =	sld [smem:$0x3FAB]  }
0x31: {  	[smem:$0x3FB4] =	sst s10  }
0x32: {  	s10 =	sld [smem:$0x3FB2];
	_ =	sdelay $0x3  }
0x33: {  	p0 =	seq.s32 s10, $0x1;
	s10 =	sld [smem:$0x3FB4];
	_ =	sdelay $0x3  }
0x34: {  	[smem:$0x3FB4] =	sst s10  }
0x35: {  	s10 =	sld [smem:$0x3FB3];
	_ =	sdelay $0x3  }
0x36: {  	p1 =	seq.s32 s10, $0x1;
	s10 =	sld [smem:$0x3FB4];
	_ =	sdelay $0x3  }
0x37: {  	[smem:$0x3FB4] =	sst s10  }
0x38: {  	s10 =	sld [smem:$0x3FB5]  }
0x39: {  	_ = 	snop;
	(pc) =	sbr.ind lr, $3  }
0x3a: {  	_ = 	snop  }
0x3b: {  	_ = 	snop  }
0x3c: {  	p2 =	seq.s32 s10, $0x1;
	s10 =	sld [smem:$0x3FB4]  }
0x3d: {  	_ =	shalt  }
0x3e: {  	_ =	shalt  }
0x3f: {  	_ =	shalt  }
0x40: {  	_ =	shalt  }
0x41: {  	_ =	shalt  }
0x42: {  	_ =	shalt  }
0x43: {  	_ =	shalt  }
0x44: {  	_ =	shalt  }
0x45: {  	_ =	shalt  }
0x46: {  	_ =	shalt  }
0x47: {  	_ =	shalt  }
0x48: {  	_ =	shalt  }
0x49: {  	_ =	shalt  }
0x4a: {  	_ =	shalt  }
0x4b: {  	_ =	shalt  }
0x4c: {  	_ =	shalt  }
0x4d: {  	_ =	shalt  }
0x4e: {  	_ =	shalt  }
0x4f: {  	_ =	shalt  }
0x50: {  	_ =	shalt  }
0x51: {  	_ =	shalt  }
0x52: {  	_ =	shalt  }
0x53: {  	_ =	shalt  }
0x54: {  	_ =	shalt  }
0x55: {  	_ =	shalt  }
0x56: {  	_ =	shalt  }
0x57: {  	_ =	shalt  }
0x58: {  	_ =	shalt  }
0x59: {  	_ =	shalt  }
0x5a: {  	_ =	shalt  }
0x5b: {  	_ =	shalt  }
0x5c: {  	_ =	shalt  }
0x5d: {  	_ =	shalt  }
0x5e: {  	_ =	shalt  }
0x5f: {  	_ =	shalt  }
0x60: {  	_ =	shalt  }
0x61: {  	_ =	shalt  }
0x62: {  	_ =	shalt  }
0x63: {  	_ =	shalt  }
0x64: {  	_ =	shalt  }
0x65: {  	_ =	shalt  }
0x66: {  	_ =	shalt  }
0x67: {  	_ =	shalt  }
0x68: {  	_ =	shalt  }
0x69: {  	_ =	shalt  }
0x6a: {  	_ =	shalt  }
0x6b: {  	_ =	shalt  }
0x6c: {  	_ =	shalt  }
0x6d: {  	_ =	shalt  }
0x6e: {  	_ =	shalt  }
0x6f: {  	_ =	shalt  }
0x70: {  	_ =	shalt  }
0x71: {  	_ =	shalt  }
0x72: {  	_ =	shalt  }
0x73: {  	_ =	shalt  }
0x74: {  	_ =	shalt  }
0x75: {  	_ =	shalt  }
0x76: {  	_ =	shalt  }
0x77: {  	_ =	shalt  }
0x78: {  	_ =	shalt  }
0x79: {  	_ =	shalt  }
0x7a: {  	_ =	shalt  }
0x7b: {  	_ =	shalt  }
0x7c: {  	_ =	shalt  }
0x7d: {  	_ =	shalt  }
0x7e: {  	_ =	shalt  }
0x7f: {  	_ =	shalt  }
0x80: {  	_ =	shalt  }
0x81: {  	_ =	shalt  }
0x82: {  	_ =	shalt  }
0x83: {  	_ =	shalt  }
0x84: {  	_ =	shalt  }
0x85: {  	_ =	shalt  }
0x86: {  	_ =	shalt  }
0x87: {  	_ =	shalt  }
.Lfunc_end0:
.L_simem_size_0:
called_computation_lowered:
.L_overlay_start_0:
0x88: {  	s2 =	sld [smem:$0x3FD9]  }
0x89: {  	s3 =	sld [smem:$0x3FFE];
	_ =	sdelay $0x1  }
0x8a: {  	s1 =	srdreg.scid  }
0x8b: {  	s0 =	sand.u32 $0x1, s1  }
0x8c: {  	s17 =	sshll.u32 s0, $0xA;
	s2 =	sadd.s32 s3, s2  }
0x8d: {  	s2 =	sadd.s32 s2, s17  }
0x8e: {  	[smem:$0x3FC0] =	sst s2  }
0x8f: {  	_ = 	snop  }
0x90: {  	s2 =	sld [smem:$0x3FD0];
	(tm) =	ssettm $0x1  }
0x91: {  	s18 =	sld [smem:$0x3FFB];
	_ =	sdelay $0x3  }
0x92: {  	_ =	strace s18  }
0x93: {  	s3 =	sld [smem:$0x3FFC];
	_ =	sdelay $0x3  }
0x94: {  	_ =	strace s3  }
0x95: {  	s3 =	sld [smem:$0x3FFD];
	_ =	sdelay $0x3  }
0x96: {  	_ =	strace s3  }
0x97: {  	_ =	strace $0x8FFFFFFF  }
0x98: {  	s19 =	sld [smem:$0x3FDB];
	_ =	sdelay $0x1  }
0x99: {  	s4 =	simm.s32 $_scs_section_size  }
0x9a: {  	s5 =	simm.s32 $_size__tile_overlayer_lowered;
	s6 =	simm.s32 $_tile_overlayer_lowered  }
0x9b: {  	s22 =	simm.s32 $0x1BFF;
	s21 =	sshll.u32 s6, $0x1;
	s3 =	sadd.s32 s4, s19  }
0x9c: {  	s7 =	simm.s32 $0x0;
	s20 =	sshll.u32 s5, $0x1;
	s5 =	sadd.s32 s21, s3  }
0x9d: {  	[timem:s7], [sflag:s22] =	dma.local [hbm:s5], s20  }
0x9e: {  	_ =	swait.ge [sflag:s22], s20  }
0x9f: {  	s4 =	ssub.s32 $0x0, s20;
	[sflag:s22] =	ssyncset.done $0x0  }
0xa0: {  	[sflag:s22] =	ssyncadd.s32 s4;
	_ =	sdelay $0x1  }
0xa1: {  	s23 =	simm.s32 $0x1B8B  }
0xa2: {  	_ =	swait.ge [sflag:s23], $0x1  }
0xa3: {  	[sflag:s23] =	ssyncset.done $0x0  }
0xa4: {  	s25 =	simm.s32 $0x1B8E;
	s24 =	sld [smem:$0x3FFE];
	[sflag:s23] =	ssyncadd.s32 $0xFFFFFFFF  }
0xa5: {  	s26 =	simm.s32 $execute0_lowered;
	[smem:$0x3FD2] =	sst s25  }
0xa6: {  	s5 =	sshll.u32 s26, $0x1;
	_ =	strace $0x80000049;
	[dreg:$0x1] =	wrdreg $0xFFFFFFFF  }
0xa7: {  	s28 =	simm.s32 $_size_execute0_lowered;
	s3 =	sadd.s32 s3, s5;
	[dreg:$0x0] =	wrdreg $0x0  }
0xa8: {  	s5 =	sshll.u32 s28, $0x1;
	[dreg:$0x2] =	wrdreg s3  }
0xa9: {  	[dreg:$0x3] =	wrdreg s5  }
0xaa: {  	[dreg:$0x4] =	wrdreg $0xC0  }
0xab: {  	_ =	task [dreg:s7], $0x5FFFF  }
0xac: {  	[dreg:$0x1] =	wrdreg $0xFFFFFFFF  }
0xad: {  	[dreg:$0x0] =	wrdreg $0x60  }
0xae: {  	[dreg:$0x2] =	wrdreg s24  }
0xaf: {  	[dreg:$0x3] =	wrdreg s2  }
0xb0: {  	[dreg:$0x4] =	wrdreg $0xB7800  }
0xb1: {  	[dreg:$0x5] =	wrdreg $0x9  }
0xb2: {  	_ =	task.clear_ibuf [dreg:s7], $0x6FFFF;
	_ =	strace $0x90000049  }
0xb3: {  	s29 =	simm.s32 $0x9;
	_ =	strace $0x8000004B  }
0xb4: {  	_ =	swait.ge [sflag:s29], $0x1  }
0xb5: {  	[sflag:s29] =	ssyncadd.s32 $0xFFFFFFFF  }
0xb6: {  	_ =	strace $0x9000004B  }
0xb7: {  	_ =	sfence  }
0xb8: {  	s30 =	sld [smem:$0x0];
	_ =	sdelay $0x2  }
0xb9: {  	s31 =	sshll.u32 s1, $0xD;
	s1 =	sshrl.u32 s1, $0x2  }
0xba: {  	s3 =	sand.u32 $0x4000, s31;
	s1 =	sadd.s32 s1, s30  }
0xbb: {  	s0 =	sor.u32 s3, s0;
	s1 =	sshll.u32 s1, $0x11  }
0xbc: {  	s0 =	sor.u32 s1, s0  }
0xbd: {  	s0 =	sadd.s32 $0x8F2B, s0  }
0xbe: {  	[sflag:s0] =	ssyncadd.remote.s32 $0x1  }
0xbf: {  	_ =	sfence.sel $0xFFFF  }
0xc0: {  	[dreg:$0x0] =	wrdreg $0xFFFFFFFF;
	(pc) =	sbr.abs _section_cstart, $3  }
0xc1: {  	[dreg:$0x1] =	wrdreg $0xFFFFFFFF  }
0xc2: {  	_ =	task.clear_ibuf [dreg:s7], $0x2FFFF;
	_ =	strace $0x9FFFFFFF  }
0xc3: {  	(tm) =	ssettm $0x7FFFFFFF  }
tec
execute0_lowered:
.L_overlay_start_1:
0x0: {  	(tag) =	ssettag $0x1  }
0x1: {  	s0 =	rddreg [dreg:$0x0]  }
0x2: {  	s2 =	rddreg [dreg:$0x1]  }
0x3: {  	s1 =	rddreg [dreg:$0x2];
	s3 =	srdreg.scid  }
0x4: {  	s17 =	stileid.u32;
	s19 =	simm.s32 $0x40;
	s20 =	simm.s32 $0x7780  }
0x5: {  	s28 =	simm.s32 $0x1;
	s29 =	simm.s32 $0x2;
	s9 =	sand.u32 $0x1, s3  }
0x6: {  	s3 =	simm.s32 $0x0;
	s7 =	smul.u32 $0x2780, s17;
	s10 =	sshll.u32 s17, $0x7  }
0x7: {  	s11 =	smul.u32 $0x4F000, s17;
	s24 =	sadd.s32 $0x138400, s1;
	s13 =	sadd.s32 $0x94080, s0  }
0x8: {  	p0 =	seq.s32 s17, $0xF;
	s4 =	sshll.u32 s9, $0x4;
	[smem:$0x7FF] =	sst s3  }
0x9: {  	s10 =	sand.u32 $0x380, s10;
	s26 =	ssub.s32 $0x2, s9;
	p4 =	seq.s32 s9, $0x1  }
0xa: {  	s24 =	sshrl.u32 @p0 s24, $0x3;
	s5 =	sor.u32 s17, s4;
	_ =	strace $0x8000004A  }
0xb: {  	s4 =	sadd.s32 $0xCC00, s0;
	s12 =	sadd.s32 s7, s0;
	s30 =	sshrl.u32 s26, $0x1  }
0xc: {  	s11 =	sshrl.u32 s11, $0x2;
	s17 =	simm.s32 $0x3;
	p1 =	por !p4, !p0  }
0xd: {  	p2 =	por p4, !p0;
	p3 =	por !p4, p0;
	p4 =	por p4, p0  }
0xe: {  	s6 =	smul.u32 $0xA00, s5;
	s5 =	sshrl.u32 s5, $0x3;
	s14 =	ssub.s32 s26, s30  }
0xf: {  	s7 =	sadd.s32 s11, s1;
	s9 =	sadd.s32 $0x47E00, s12;
	s11 =	sadd.s32 $0x128400, s1  }
0x10: {  	s26 =	simm.s32 $0x9780;
	s25 =	smul.u32 $0x13C00, s5;
	s5 =	sadd.s32 $0x2800, s0  }
0x11: {  	s31 =	sadd.s32 $0x4000, s7;
	s15 =	sadd.s32 $0x8000, s7;
	s16 =	sadd.s32 $0xC000, s7  }
0x12: {  	s18 =	sadd.s32 $0x10000, s7;
	s14 =	smax.u32 s14, $0x1;
	s8 =	sadd.s32 s6, s0  }
0x13: {  	s21 =	sshrl.u32 s31, $0x3;
	s22 =	sshrl.u32 s15, $0x3;
	s23 =	sshrl.u32 s16, $0x3  }
0x14: {  	s6 =	sor.u32 s10, s25;
	s8 =	sadd.s32 $0x33E00, s8;
	s10 =	sadd.s32 $0x6F000, s12  }
0x15: {  	s12 =	sadd.s32 $0x6CE80, s0;
	s25 =	sshrl.u32 @!p0 s18, $0x3;
	s6 =	sshrl.u32 s6, $0x3  }
0x16: {  	s0 =	simm.s32 $0x7600;
	s6 =	sadd.s32 s2, s6;
	s2 =	simm.s32 $0x0  }
.LBB2_1:
0x17: {  	s15 =	simm.s32 $0x80;
	s16 =	simm.s32 $0x400  }
0x18: {  	[tilespmem:s3], [sflag:$0x3] =	stream.strided.gather [hbm4b:s6+s15], $0x2780, s16, s15, $0x38;
	[tilespmem:$0x1F080] =	vst v63  }
0x19: {  	_ =	swait.ge [sflag:s17], $0x2780  }
0x1a: {  	[sflag:s17] =	ssyncset.done $0x0  }
0x1b: {  	s18 =	simm.s32 $0x2780;
	[sflag:s17] =	ssyncadd.s32 $0xFFFFD880  }
0x1c: {  	[tilespmem:s18], [sflag:$0x3] =	stream.linear.gather [hbm4b:s8+s3], $0x4F00, $0x38;
	[tilespmem:$0x1F080] =	vst v63  }
0x1d: {  	s30 =	stileid.u32;
	_ =	swait.ge [sflag:s17], $0x4F00  }
0x1e: {  	s15 =	sshll.u32 s30, $0x6;
	[sflag:s17] =	ssyncset.done $0x0  }
0x1f: {  	s31 =	sshrl.u32 s7, $0x3;
	s15 =	sor.u32 $0x1C03, s15;
	[sflag:s17] =	ssyncadd.s32 $0xFFFFB100  }
0x20: {  	[tilespmem:s20], [sflag:$0x1] =	stream.indirect.gather [hbm4b:s4+s19], $0x80, s3, s19, $0xb8;
	[tilespmem:$0x1F080] =	vst v63  }
0x21: {  	[spmem:s31], [sflag:s15] =	dma.local [hbm:s5], $0x800  }
0x22: {  	_ =	swait.ge [sflag:s17], $0x800  }
0x23: {  	[sflag:s17] =	ssyncset.done $0x0  }
0x24: {  	[sflag:s17] =	ssyncadd.s32 $0xFFFFF800  }
0x25: {  	[spmem:s21], [sflag:s15] =	dma.local [hbm:s5], $0x800  }
0x26: {  	_ =	swait.ge [sflag:s17], $0x800  }
0x27: {  	[sflag:s17] =	ssyncset.done $0x0  }
0x28: {  	[sflag:s17] =	ssyncadd.s32 $0xFFFFF800  }
0x29: {  	[spmem:s22], [sflag:s15] =	dma.local [hbm:s5], $0x800  }
0x2a: {  	_ =	swait.ge [sflag:s17], $0x800  }
0x2b: {  	[sflag:s17] =	ssyncset.done $0x0  }
0x2c: {  	[sflag:s17] =	ssyncadd.s32 $0xFFFFF800  }
0x2d: {  	[spmem:s23], [sflag:s15] =	dma.local [hbm:s5], $0x800  }
0x2e: {  	_ =	swait.ge [sflag:s17], $0x800  }
0x2f: {  	[sflag:s17] =	ssyncset.done $0x0  }
0x30: {  	s16 =	simm.s32 @p0 $0x3;
	[sflag:s17] =	ssyncadd.s32 $0xFFFFF800  }
0x31: {  	[spmem:s24], [sflag:s15] =	dma.local @p0 [hbm:s5], $0x180  }
0x32: {  	_ =	swait.ge @p0 [sflag:s16], $0x180  }
0x33: {  	[sflag:s16] =	ssyncset.done @p0 $0x0  }
0x34: {  	[sflag:s16] =	ssyncadd.s32 @p0 $0xFFFFFE80;
	s16 =	simm.s32 @!p0 $0x3  }
0x35: {  	[spmem:s25], [sflag:s15] =	dma.local @!p0 [hbm:s5], $0x780  }
0x36: {  	_ =	swait.ge @!p0 [sflag:s16], $0x780  }
0x37: {  	[sflag:s16] =	ssyncset.done @!p0 $0x0  }
0x38: {  	[sflag:s16] =	ssyncadd.s32 @!p0 $0xFFFFF880  }
0x39: {  	[bflag:$0x0] =	sbarrier.arrive $0xFFFF  }
0x3a: {  	[tilespmem:s26], [sflag:$0x2] =	stream.indirect.gather [hbm4b:s4+s19], $0x80, s19, s19, $0xb8;
	[tilespmem:$0x1F080] =	vst v63  }
0x3b: {  	_ =	swait.ge [sflag:s28], $0x2000  }
0x3c: {  	[sflag:s28] =	ssyncset.done $0x0  }
0x3d: {  	s18 =	simm.s32 $0x2780;
	[sflag:s28] =	ssyncadd.s32 $0xFFFFE000  }
0x3e: {  	[spmem:s1] =	stream.indirect.scatter.add.f32 [tilespmem:s20], [sflag:$0x3], $0x80, s18, s19, $0xb8;
	[tilespmem:$0x1F080] =	vst v63  }
0x3f: {  	_ =	swait.ge [sflag:s17], $0x2000  }
0x40: {  	[sflag:s17] =	ssyncset.done $0x0  }
0x41: {  	s30 =	simm.s32 $0x80;
	[sflag:s17] =	ssyncadd.s32 $0xFFFFE000  }
0x42: {  	[tilespmem:s20], [sflag:$0x1] =	stream.indirect.gather [hbm4b:s4+s19], $0x80, s30, s19, $0xb8;
	[tilespmem:$0x1F080] =	vst v63  }
0x43: {  	_ =	swait.ge [sflag:s29], $0x2000  }
0x44: {  	[sflag:s29] =	ssyncset.done $0x0  }
0x45: {  	s31 =	simm.s32 $0x2800;
	[sflag:s29] =	ssyncadd.s32 $0xFFFFE000  }
0x46: {  	[spmem:s1] =	stream.indirect.scatter.add.f32 [tilespmem:s26], [sflag:$0x3], $0x80, s31, s19, $0xb8;
	[tilespmem:$0x1F080] =	vst v63  }
0x47: {  	_ =	swait.ge [sflag:s17], $0x2000  }
0x48: {  	s16 =	simm.s32 $0x400;
	s18 =	simm.s32 $0x40;
	[sflag:s17] =	ssyncset.done $0x0  }
.LBB2_2:
0x49: {  	p5 =	sne.s32 s16, $0x13400;
	[sflag:s17] =	ssyncadd.s32 $0xFFFFE000;
	s18 =	sadd.s32 $0x80, s18  }
0x4a: {  	[tilespmem:s26], [sflag:$0x2] =	stream.indirect.gather [hbm4b:s4+s19], $0x80, s18, s19, $0xb8;
	[tilespmem:$0x1F080] =	vst v63  }
0x4b: {  	s30 =	smov.u32 s16;
	s16 =	sadd.s32 $0x400, s16;
	_ =	swait.ge [sflag:s28], $0x2000  }
0x4c: {  	s30 =	sshra.s32 s30, $0x2;
	[sflag:s28] =	ssyncset.done $0x0  }
0x4d: {  	s31 =	sadd.s32 $0x2780, s30;
	[sflag:s28] =	ssyncadd.s32 $0xFFFFE000  }
0x4e: {  	[spmem:s1] =	stream.indirect.scatter.add.f32 [tilespmem:s20], [sflag:$0x3], $0x80, s31, s19, $0xb8;
	[tilespmem:$0x1F080] =	vst v63  }
0x4f: {  	_ =	swait.ge [sflag:s17], $0x2000  }
0x50: {  	[sflag:s17] =	ssyncset.done $0x0  }
0x51: {  	s31 =	sadd.s32 $0x40, s18;
	[sflag:s17] =	ssyncadd.s32 $0xFFFFE000  }
0x52: {  	[tilespmem:s20], [sflag:$0x1] =	stream.indirect.gather [hbm4b:s4+s19], $0x80, s31, s19, $0xb8;
	[tilespmem:$0x1F080] =	vst v63  }
0x53: {  	_ =	swait.ge [sflag:s29], $0x2000  }
.Ltmp0:
0x54: {  	[sflag:s29] =	ssyncset.done $0x0;
	(pc) =	sbr.rel @p5 .LBB2_2-.Ltmp0, $4  }
0x55: {  	s30 =	sadd.s32 $0x2800, s30;
	[sflag:s29] =	ssyncadd.s32 $0xFFFFE000  }
0x56: {  	[spmem:s1] =	stream.indirect.scatter.add.f32 [tilespmem:s26], [sflag:$0x3], $0x80, s30, s19, $0xb8;
	[tilespmem:$0x1F080] =	vst v63  }
0x57: {  	_ =	swait.ge [sflag:s17], $0x2000  }
0x58: {  	[sflag:s17] =	ssyncset.done $0x0  }
0x59: {  	[sflag:s17] =	ssyncadd.s32 $0xFFFFE000;
	s16 =	simm.s32 $0x2740  }
0x5a: {  	[tilespmem:s26], [sflag:$0x2] =	stream.indirect.gather [hbm4b:s4+s19], $0x80, s16, s19, $0xb8;
	[tilespmem:$0x1F080] =	vst v63  }
0x5b: {  	_ =	swait.ge [sflag:s28], $0x2000  }
0x5c: {  	[sflag:s28] =	ssyncset.done $0x0  }
0x5d: {  	s31 =	simm.s32 $0x7580;
	[sflag:s28] =	ssyncadd.s32 $0xFFFFE000  }
0x5e: {  	[spmem:s1] =	stream.indirect.scatter.add.f32 [tilespmem:s20], [sflag:$0x3], $0x80, s31, s19, $0xb8;
	[tilespmem:$0x1F080] =	vst v63  }
0x5f: {  	_ =	swait.ge [sflag:s17], $0x2000  }
0x60: {  	[sflag:s17] =	ssyncset.done $0x0  }
0x61: {  	[sflag:s17] =	ssyncadd.s32 $0xFFFFE000  }
0x62: {  	_ =	swait.ge [sflag:s29], $0x2000  }
0x63: {  	[sflag:s29] =	ssyncset.done $0x0  }
0x64: {  	[sflag:s29] =	ssyncadd.s32 $0xFFFFE000  }
0x65: {  	[spmem:s1] =	stream.indirect.scatter.add.f32 [tilespmem:s26], [sflag:$0x3], $0x80, s0, s19, $0xb8;
	[tilespmem:$0x1F080] =	vst v63  }
0x66: {  	_ =	swait.ge [sflag:s17], $0x2000  }
0x67: {  	[sflag:s17] =	ssyncset.done $0x0  }
0x68: {  	[sflag:s17] =	ssyncadd.s32 $0xFFFFE000  }
0x69: {  	s16 =	sshrl.u32 @!p1 s11, $0x3;
	[bflag:$0x0] =	sbarrier.arrive $0xFFFF  }
0x6a: {  	[hbm:s13], [sflag:s15] =	dma.local @!p1 [spmem:s16], $0x2080  }
0x6b: {  	s16 =	simm.s32 @!p1 $0x3  }
0x6c: {  	_ =	swait.ge @!p1 [sflag:s16], $0x2080  }
0x6d: {  	[sflag:s16] =	ssyncset.done @!p1 $0x0  }
0x6e: {  	[sflag:s16] =	ssyncadd.s32 @!p1 $0xFFFFDF80;
	s16 =	sshrl.u32 @!p2 s11, $0x3  }
0x6f: {  	[hbm:s12], [sflag:s15] =	dma.local @!p2 [spmem:s16], $0x2080  }
0x70: {  	s16 =	simm.s32 @!p2 $0x3  }
0x71: {  	_ =	swait.ge @!p2 [sflag:s16], $0x2080  }
0x72: {  	[sflag:s16] =	ssyncset.done @!p2 $0x0  }
0x73: {  	[sflag:s16] =	ssyncadd.s32 @!p2 $0xFFFFDF80;
	s16 =	sshrl.u32 @!p3 s7, $0x3  }
0x74: {  	[hbm:s10], [sflag:s15] =	dma.local @!p3 [spmem:s16], $0x2780  }
0x75: {  	s16 =	simm.s32 @!p3 $0x3  }
0x76: {  	_ =	swait.ge @!p3 [sflag:s16], $0x2780  }
0x77: {  	s2 =	sadd.s32 $0x1, s2;
	[sflag:s16] =	ssyncset.done @!p3 $0x0  }
0x78: {  	p5 =	sne.s32 s2, s14;
	[sflag:s16] =	ssyncadd.s32 @!p3 $0xFFFFD880;
	s16 =	sshrl.u32 @!p4 s7, $0x3  }
0x79: {  	[hbm:s9], [sflag:s15] =	dma.local @!p4 [spmem:s16], $0x2780  }
.Ltmp1:
0x7a: {  	_ = 	snop;
	(pc) =	sbr.rel @p5 .LBB2_1-.Ltmp1, $4  }
0x7b: {  	s15 =	simm.s32 @!p4 $0x3  }
0x7c: {  	_ =	swait.ge @!p4 [sflag:s15], $0x2780  }
0x7d: {  	[sflag:s15] =	ssyncset.done @!p4 $0x0  }
0x7e: {  	[sflag:s15] =	ssyncadd.s32 @!p4 $0xFFFFD880  }
0x7f: {  	_ =	sfence.sel $0x180000  }
0x80: {  	[bflag:$0x0] =	sbarrier.arrive $0xFFFF  }
0x81: {  	_ =	strace $0x9000004A  }
0x82: {  	s0 =	stileid.u32;
	[bflag:$0x2] =	sbarrier.arrive $0xFFFF  }
0x83: {  	p0 =	sne.s32 s0, $0x0;
	s0 =	rddreg [dreg:$0x3]  }
0x84: {  	s0 =	sadd.s32 @!p0 $0x100000, s0  }
0x85: {  	[sflag:s0] =	ssyncadd.tile.s32 @!p0 $0x1;
	_ =	shalt  }
.Lfunc_end2:
_tile_overlayer_lowered:
.L_overlay_start_2:
0x86: {  	(tag) =	ssettag $0x2  }
0x87: {  	s0 =	rddreg [dreg:$0x0];
	s2 =	stileid.u32  }
0x88: {  	s1 =	rddreg [dreg:$0x1];
	p0 =	sne.s32 s2, $0x0  }
0x89: {  	s3 =	rddreg [dreg:$0x2];
	[bflag:$0x3] =	sbarrier.arrive $0xFFFF;
	s2 =	simm.s32 @!p0 $0x1C03  }
0x8a: {  	[timem:s3], [sflag:s2] =	dma.local @!p0 [hbm:s0], s1  }
0x8b: {  	s0 =	simm.s32 @!p0 $0x3  }
0x8c: {  	_ =	swait.ge @!p0 [sflag:s0], s1  }
0x8d: {  	s1 =	ssub.s32 @!p0 $0x0, s1;
	[sflag:s0] =	ssyncset.done @!p0 $0x0  }
0x8e: {  	[sflag:s0] =	ssyncadd.s32 @!p0 s1  }
0x8f: {  	[bflag:$0x3] =	sbarrier.arrive $0xFFFF  }
0x90: {  	_ =	shalt  }

// kernel: kernel.5.cloned.1.call-start
scs
__scs_entry_jumppad:
0x0: {  	(pc) =	sbr.rel $0x88, $3  }
0x1: {  	(tag) =	ssettag $0x0;
	lr =	simm.s32 $0x1  }
0x2: {  	[smem:$0x3F99] =	sst lr;
	_ =	strace $0xD0000000  }
0x3: {  	_ = 	snop  }
0x4: {  	_ = 	snop  }
0x5: {  	_ = 	snop  }
0x6: {  	_ = 	snop  }
0x7: {  	_ = 	snop  }
__scs_overlays_trampoline_lowered:
0x8: {  	[smem:$0x3FA8] =	sst s0  }
0x9: {  	[smem:$0x3FA9] =	sst s1  }
0xa: {  	[smem:$0x3FAA] =	sst s2  }
0xb: {  	[smem:$0x3FAB] =	sst s3  }
0xc: {  	[smem:$0x3FAC] =	sst s4  }
0xd: {  	[smem:$0x3FAD] =	sst s5  }
0xe: {  	[smem:$0x3FAE] =	sst s6  }
0xf: {  	[smem:$0x3FAF] =	sst s7  }
0x10: {  	[smem:$0x3FB0] =	sst s8  }
0x11: {  	[smem:$0x3FB1] =	sst s9;
	s0 =	simm.s32 @!p0 $0x0  }
0x12: {  	s1 =	sld [smem:$0x3F97];
	s0 =	simm.s32 @p0 $0x1  }
0x13: {  	[smem:$0x3FB2] =	sst s0;
	s0 =	simm.s32 @!p1 $0x0  }
0x14: {  	s2 =	sld [smem:$0x3F96];
	s0 =	simm.s32 @p1 $0x1  }
0x15: {  	[smem:$0x3FB3] =	sst s0;
	s0 =	simm.s32 @!p2 $0x0  }
0x16: {  	s3 =	sld [smem:$0x3FDB];
	s0 =	simm.s32 @p2 $0x1  }
0x17: {  	s4 =	simm.s32 $0x1BF5;
	[smem:$0x3FB5] =	sst s0  }
0x18: {  	s0 =	sld [smem:$0x3F98];
	_ =	swait.ge [sflag:s4], $0x0  }
0x19: {  	s7 =	sld [smem:$0x3F99]  }
0x1a: {  	s8 =	sadd.s32 $0xFFFFE003, lr  }
0x1b: {  	s9 =	sadd.s32 $0xFFFFFEF7, lr;
	s5 =	simm.s32 $0xFFFFFFFF;
	p2 =	slt.u32 s8, $0xFFFFF086  }
0x1c: {  	p1 =	slt.u32 s9, $0xF7A;
	s5 =	simm.s32 @!p2 $0x0  }
0x1d: {  	s5 =	simm.s32 @p1 $0x1;
	p0 =	seq.s32 s7, s2  }
0x1e: {  	s7 =	smul.u32 @!p0 $0xF7A, s2;
	p2 =	seq.s32 @!p0 s5, $0x0  }
0x1f: {  	s9 =	smul.u32 $0xF7A, s1;
	s8 =	simm.s32 @!p0 $0x1BF5;
	p2 =	por !p2, p0  }
0x20: {  	[sflag:s8] =	ssyncset.s32 @!p0 $0xFFFFF086;
	s6 =	sadd.s32 @!p0 s3, s7;
	s7 =	simm.s32 @!p0 $0x108  }
0x21: {  	s3 =	sadd.s32 s3, s9;
	s6 =	sadd.s32 @!p0 $0x88, s6;
	s7 =	simm.s32 @p2 $0x1082  }
0x22: {  	[simem:s7], [sflag:s8] =	dma.local @!p0 [hbm:s6], $0xF7A  }
0x23: {  	s9 =	sor.u32 $0xD0000000, s2;
	s6 =	simm.s32 $0x108;
	_ =	swait.ge @!p0 [sflag:s8], $0x0  }
0x24: {  	s3 =	sadd.s32 $0x88, s3;
	s6 =	simm.s32 @!p1 $0x1082;
	[sflag:s4] =	ssyncset.s32 $0xFFFFF086  }
0x25: {  	[simem:s6], [sflag:s4] =	dma.local [hbm:s3], $0xF7A  }
0x26: {  	[smem:$0x3F99] =	sst s1;
	(tag) =	ssettag s2;
	_ =	strace s9  }
0x27: {  	s1 =	sld [smem:$0x3FA9]  }
0x28: {  	s2 =	sld [smem:$0x3FAA]  }
0x29: {  	s4 =	sld [smem:$0x3FAC]  }
0x2a: {  	p0 =	seq.s32 s5, $0x0;
	s5 =	sld [smem:$0x3FAD]  }
0x2b: {  	s6 =	sld [smem:$0x3FAE]  }
0x2c: {  	s7 =	sld [smem:$0x3FAF]  }
0x2d: {  	s3 =	simm.s32 $0x108;
	s8 =	sld [smem:$0x3FB0]  }
0x2e: {  	s3 =	simm.s32 @!p0 $0x1082;
	s9 =	sld [smem:$0x3FB1]  }
0x2f: {  	lr =	sadd.s32 s0, s3;
	s0 =	sld [smem:$0x3FA8]  }
0x30: {  	s3 =	sld [smem:$0x3FAB]  }
0x31: {  	[smem:$0x3FB4] =	sst s10  }
0x32: {  	s10 =	sld [smem:$0x3FB2];
	_ =	sdelay $0x3  }
0x33: {  	p0 =	seq.s32 s10, $0x1;
	s10 =	sld [smem:$0x3FB4];
	_ =	sdelay $0x3  }
0x34: {  	[smem:$0x3FB4] =	sst s10  }
0x35: {  	s10 =	sld [smem:$0x3FB3];
	_ =	sdelay $0x3  }
0x36: {  	p1 =	seq.s32 s10, $0x1;
	s10 =	sld [smem:$0x3FB4];
	_ =	sdelay $0x3  }
0x37: {  	[smem:$0x3FB4] =	sst s10  }
0x38: {  	s10 =	sld [smem:$0x3FB5]  }
0x39: {  	_ = 	snop;
	(pc) =	sbr.ind lr, $3  }
0x3a: {  	_ = 	snop  }
0x3b: {  	_ = 	snop  }
0x3c: {  	p2 =	seq.s32 s10, $0x1;
	s10 =	sld [smem:$0x3FB4]  }
0x3d: {  	_ =	shalt  }
0x3e: {  	_ =	shalt  }
0x3f: {  	_ =	shalt  }
0x40: {  	_ =	shalt  }
0x41: {  	_ =	shalt  }
0x42: {  	_ =	shalt  }
0x43: {  	_ =	shalt  }
0x44: {  	_ =	shalt  }
0x45: {  	_ =	shalt  }
0x46: {  	_ =	shalt  }
0x47: {  	_ =	shalt  }
0x48: {  	_ =	shalt  }
0x49: {  	_ =	shalt  }
0x4a: {  	_ =	shalt  }
0x4b: {  	_ =	shalt  }
0x4c: {  	_ =	shalt  }
0x4d: {  	_ =	shalt  }
0x4e: {  	_ =	shalt  }
0x4f: {  	_ =	shalt  }
0x50: {  	_ =	shalt  }
0x51: {  	_ =	shalt  }
0x52: {  	_ =	shalt  }
0x53: {  	_ =	shalt  }
0x54: {  	_ =	shalt  }
0x55: {  	_ =	shalt  }
0x56: {  	_ =	shalt  }
0x57: {  	_ =	shalt  }
0x58: {  	_ =	shalt  }
0x59: {  	_ =	shalt  }
0x5a: {  	_ =	shalt  }
0x5b: {  	_ =	shalt  }
0x5c: {  	_ =	shalt  }
0x5d: {  	_ =	shalt  }
0x5e: {  	_ =	shalt  }
0x5f: {  	_ =	shalt  }
0x60: {  	_ =	shalt  }
0x61: {  	_ =	shalt  }
0x62: {  	_ =	shalt  }
0x63: {  	_ =	shalt  }
0x64: {  	_ =	shalt  }
0x65: {  	_ =	shalt  }
0x66: {  	_ =	shalt  }
0x67: {  	_ =	shalt  }
0x68: {  	_ =	shalt  }
0x69: {  	_ =	shalt  }
0x6a: {  	_ =	shalt  }
0x6b: {  	_ =	shalt  }
0x6c: {  	_ =	shalt  }
0x6d: {  	_ =	shalt  }
0x6e: {  	_ =	shalt  }
0x6f: {  	_ =	shalt  }
0x70: {  	_ =	shalt  }
0x71: {  	_ =	shalt  }
0x72: {  	_ =	shalt  }
0x73: {  	_ =	shalt  }
0x74: {  	_ =	shalt  }
0x75: {  	_ =	shalt  }
0x76: {  	_ =	shalt  }
0x77: {  	_ =	shalt  }
0x78: {  	_ =	shalt  }
0x79: {  	_ =	shalt  }
0x7a: {  	_ =	shalt  }
0x7b: {  	_ =	shalt  }
0x7c: {  	_ =	shalt  }
0x7d: {  	_ =	shalt  }
0x7e: {  	_ =	shalt  }
0x7f: {  	_ =	shalt  }
0x80: {  	_ =	shalt  }
0x81: {  	_ =	shalt  }
0x82: {  	_ =	shalt  }
0x83: {  	_ =	shalt  }
0x84: {  	_ =	shalt  }
0x85: {  	_ =	shalt  }
0x86: {  	_ =	shalt  }
0x87: {  	_ =	shalt  }
.Lfunc_end0:
.L_simem_size_0:
called_computation.1_lowered:
.L_overlay_start_0:
0x88: {  	s2 =	sld [smem:$0x3FD9]  }
0x89: {  	s3 =	sld [smem:$0x3FFE];
	_ =	sdelay $0x1  }
0x8a: {  	s1 =	srdreg.scid  }
0x8b: {  	s0 =	sand.u32 $0x1, s1  }
0x8c: {  	s17 =	sshll.u32 s0, $0xA;
	s2 =	sadd.s32 s3, s2  }
0x8d: {  	s2 =	sadd.s32 s2, s17  }
0x8e: {  	[smem:$0x3FC0] =	sst s2  }
0x8f: {  	_ = 	snop  }
0x90: {  	s2 =	sld [smem:$0x3FD0];
	(tm) =	ssettm $0x1  }
0x91: {  	s18 =	sld [smem:$0x3FFB];
	_ =	sdelay $0x3  }
0x92: {  	_ =	strace s18  }
0x93: {  	s3 =	sld [smem:$0x3FFC];
	_ =	sdelay $0x3  }
0x94: {  	_ =	strace s3  }
0x95: {  	s3 =	sld [smem:$0x3FFD];
	_ =	sdelay $0x3  }
0x96: {  	_ =	strace s3  }
0x97: {  	_ =	strace $0x8FFFFFFF  }
0x98: {  	s19 =	sld [smem:$0x3FDB];
	_ =	sdelay $0x1  }
0x99: {  	s4 =	simm.s32 $_scs_section_size  }
0x9a: {  	s5 =	simm.s32 $_size__tile_overlayer_lowered;
	s6 =	simm.s32 $_tile_overlayer_lowered  }
0x9b: {  	s22 =	simm.s32 $0x1BFF;
	s21 =	sshll.u32 s6, $0x1;
	s3 =	sadd.s32 s4, s19  }
0x9c: {  	s7 =	simm.s32 $0x0;
	s20 =	sshll.u32 s5, $0x1;
	s5 =	sadd.s32 s21, s3  }
0x9d: {  	[timem:s7], [sflag:s22] =	dma.local [hbm:s5], s20  }
0x9e: {  	_ =	swait.ge [sflag:s22], s20  }
0x9f: {  	s4 =	ssub.s32 $0x0, s20;
	[sflag:s22] =	ssyncset.done $0x0  }
0xa0: {  	[sflag:s22] =	ssyncadd.s32 s4;
	_ =	sdelay $0x1  }
0xa1: {  	s23 =	simm.s32 $0x1B8B  }
0xa2: {  	_ =	swait.ge [sflag:s23], $0x1  }
0xa3: {  	[sflag:s23] =	ssyncset.done $0x0  }
0xa4: {  	s25 =	simm.s32 $0x1B8E;
	s24 =	sld [smem:$0x3FFE];
	[sflag:s23] =	ssyncadd.s32 $0xFFFFFFFF  }
0xa5: {  	s26 =	simm.s32 $execute0_lowered;
	[smem:$0x3FD2] =	sst s25  }
0xa6: {  	s5 =	sshll.u32 s26, $0x1;
	_ =	strace $0x80000046;
	[dreg:$0x1] =	wrdreg $0xFFFFFFFF  }
0xa7: {  	s28 =	simm.s32 $_size_execute0_lowered;
	s3 =	sadd.s32 s3, s5;
	[dreg:$0x0] =	wrdreg $0x0  }
0xa8: {  	s5 =	sshll.u32 s28, $0x1;
	[dreg:$0x2] =	wrdreg s3  }
0xa9: {  	[dreg:$0x3] =	wrdreg s5  }
0xaa: {  	[dreg:$0x4] =	wrdreg $0xC0  }
0xab: {  	_ =	task [dreg:s7], $0x5FFFF  }
0xac: {  	[dreg:$0x1] =	wrdreg $0xFFFFFFFF  }
0xad: {  	[dreg:$0x0] =	wrdreg $0x60  }
0xae: {  	[dreg:$0x2] =	wrdreg s2  }
0xaf: {  	[dreg:$0x3] =	wrdreg s24  }
0xb0: {  	[dreg:$0x4] =	wrdreg $0x141800  }
0xb1: {  	[dreg:$0x5] =	wrdreg $0x169800  }
0xb2: {  	[dreg:$0x6] =	wrdreg $0x9  }
0xb3: {  	_ =	task.clear_ibuf [dreg:s7], $0x7FFFF;
	_ =	strace $0x90000046  }
0xb4: {  	s29 =	simm.s32 $0x9;
	_ =	strace $0x80000048  }
0xb5: {  	_ =	swait.ge [sflag:s29], $0x1  }
0xb6: {  	[sflag:s29] =	ssyncadd.s32 $0xFFFFFFFF  }
0xb7: {  	_ =	strace $0x90000048  }
0xb8: {  	_ =	sfence  }
0xb9: {  	s30 =	sld [smem:$0x0];
	_ =	sdelay $0x2  }
0xba: {  	s31 =	sshll.u32 s1, $0xD;
	s1 =	sshrl.u32 s1, $0x2  }
0xbb: {  	s3 =	sand.u32 $0x4000, s31;
	s1 =	sadd.s32 s1, s30  }
0xbc: {  	s0 =	sor.u32 s3, s0;
	s1 =	sshll.u32 s1, $0x11  }
0xbd: {  	s0 =	sor.u32 s1, s0  }
0xbe: {  	s0 =	sadd.s32 $0x8F2B, s0  }
0xbf: {  	[sflag:s0] =	ssyncadd.remote.s32 $0x1  }
0xc0: {  	_ =	sfence.sel $0xFFFF  }
0xc1: {  	[dreg:$0x0] =	wrdreg $0xFFFFFFFF;
	(pc) =	sbr.abs _section_cstart, $3  }
0xc2: {  	[dreg:$0x1] =	wrdreg $0xFFFFFFFF  }
0xc3: {  	_ =	task.clear_ibuf [dreg:s7], $0x2FFFF;
	_ =	strace $0x9FFFFFFF  }
0xc4: {  	(tm) =	ssettm $0x7FFFFFFF  }
0xc5: {  	_ =	shalt  }
tec
execute0_lowered:
.L_overlay_start_1:
0x0: {  	(tag) =	ssettag $0x1  }
0x1: {  	s0 =	rddreg [dreg:$0x0]  }
0x2: {  	s1 =	rddreg [dreg:$0x1]  }
0x3: {  	s3 =	rddreg [dreg:$0x2]  }
0x4: {  	s2 =	rddreg [dreg:$0x3]  }
0x5: {  	s4 =	simm.s32 $0x0;
	s12 =	stileid.u32;
	s5 =	srdreg.scid  }
0x6: {  	s14 =	simm.s32 $0x9E00;
	s15 =	simm.s32 $0xC600;
	s16 =	simm.s32 $0x80  }
0x7: {  	s17 =	simm.s32 $0x400;
	s18 =	simm.s32 $0x1400;
	s19 =	simm.s32 $0x14000  }
0x8: {  	s20 =	simm.s32 $0x11600;
	s21 =	simm.s32 $0x13E00;
	s22 =	simm.s32 $0xEE00  }
0x9: {  	[smem:$0x7FF] =	sst s4;
	s23 =	smul.u32 $0x9E0, s12;
	s11 =	sand.u32 $0x1, s5  }
0xa: {  	s24 =	sshrl.u32 s12, $0x3;
	s8 =	sadd.s32 $0xC800, s1;
	s28 =	smul.u32 $0x5000, s12  }
0xb: {  	s29 =	sshll.u32 s12, $0x7;
	s30 =	smul.u32 $0xA00, s12;
	_ =	strace $0x80000047  }
0xc: {  	s6 =	ssub.s32 $0x2, s11;
	[dreg:$0x5] =	wrdreg s8;
	s9 =	smul.u32 $0x50000, s24  }
0xd: {  	s31 =	sor.u32 s12, s11;
	s12 =	simm.s32 $0x1;
	s7 =	sadd.s32 s23, s1  }
0xe: {  	s25 =	sshrl.u32 s6, $0x1;
	s1 =	sadd.s32 $0xC600, s1;
	s0 =	sadd.s32 s0, s23  }
0xf: {  	s10 =	sshrl.u32 s28, $0x2;
	s4 =	sshrl.u32 s30, $0x2;
	p0 =	sne.s32 s31, $0x0  }
0x10: {  	s23 =	simm.s32 $0x0;
	[dreg:$0x6] =	wrdreg s1;
	s26 =	ssub.s32 s6, s25  }
0x11: {  	[dreg:$0x7] =	wrdreg s0;
	s7 =	sadd.s32 $0x2800, s7;
	s9 =	sshrl.u32 s9, $0x2  }
0x12: {  	s0 =	sand.u32 $0x380, s29;
	s9 =	sadd.s32 s9, s3;
	s11 =	smax.u32 s26, $0x1  }
0x13: {  	v0 =	vimm.f32 $9.999999770e-03;
	v1 =	vimm.f32 $0.0e+00;
	s8 =	sadd.s32 s0, s9;
	s9 =	sadd.s32 s10, s3;
	s10 =	sadd.s32 s4, s2  }
.LBB2_1:
0x14: {  	s0 =	simm.s32 $0x0;
	s1 =	rddreg [dreg:$0x7]  }
0x15: {  	[tilespmem:s0], [sflag:$0x1] =	stream.linear.gather [hbm4b:s1+s0], $0x4F00, $0x38;
	[tilespmem:$0x16C00] =	vst v63  }
0x16: {  	_ =	swait.ge [sflag:s12], $0x4F00  }
0x17: {  	[sflag:s12] =	ssyncset.done $0x0  }
0x18: {  	s31 =	simm.s32 $0x4F00;
	[sflag:s12] =	ssyncadd.s32 $0xFFFFB100  }
0x19: {  	[tilespmem:s31], [sflag:$0x1] =	stream.linear.gather [hbm4b:s7+s0], $0x4F00, $0x38;
	[tilespmem:$0x16C00] =	vst v63  }
0x1a: {  	_ =	swait.ge [sflag:s12], $0x4F00  }
0x1b: {  	[sflag:s12] =	ssyncset.done $0x0  }
0x1c: {  	s0 =	simm.s32 $0x9E20;
	[sflag:s12] =	ssyncadd.s32 $0xFFFFB100  }
0x1d: {  	[tilespmem:s0+$0xFFFFFFE0] =	vst v0  }
0x1e: {  	[tilespmem:s0+$0x10] =	vst v0  }
0x1f: {  	s1 =	simm.s32 $0x0;
	[tilespmem:s0+$0x0] =	vst v0  }
.LBB2_2:
0x20: {  	s1 =	sadd.s32 $0x4, s1  }
0x21: {  	[tilespmem:s0+$0xFFFFFFF0] =	vst v0;
	s0 =	sadd.s32 $0x40, s0;
	p1 =	slt.u32 s1, $0x27C  }
.Ltmp0:
0x22: {  	[tilespmem:s0+$0xFFFFFFE0] =	vst v0;
	(pc) =	sbr.rel @p1 .LBB2_2-.Ltmp0, $3  }
0x23: {  	_ =	sdelay $0x1  }
0x24: {  	[tilespmem:s0+$0x10] =	vst v0  }
0x25: {  	[tilespmem:s0+$0x0] =	vst v0  }
0x26: {  	[tilespmem:s0+$0xFFFFFFF0] =	vst v0;
	s24 =	simm.s32 $0x0  }
.LBB2_4:
0x27: {  	s3 =	simm.s32 $0xC620  }
0x28: {  	[tilespmem:s3+$0xFFFFFFE0] =	vst v1  }
0x29: {  	[tilespmem:s3+$0x10] =	vst v1  }
0x2a: {  	s13 =	simm.s32 $0x0;
	s1 =	simm.s32 $0x40;
	s0 =	simm.s32 $0x4F40;
	[tilespmem:s3+$0x0] =	vst v1  }
.LBB2_5:
0x2b: {  	s13 =	sadd.s32 $0x4, s13  }
0x2c: {  	[tilespmem:s3+$0xFFFFFFF0] =	vst v1;
	s3 =	sadd.s32 $0x40, s3;
	p1 =	slt.u32 s13, $0x27C  }
.Ltmp1:
0x2d: {  	[tilespmem:s3+$0xFFFFFFE0] =	vst v1;
	(pc) =	sbr.rel @p1 .LBB2_5-.Ltmp1, $3  }
0x2e: {  	_ =	sdelay $0x1  }
0x2f: {  	[tilespmem:s3+$0x10] =	vst v1  }
0x30: {  	[tilespmem:s3+$0x0] =	vst v1  }
0x31: {  	[tilespmem:s3+$0xFFFFFFF0] =	vst v1  }
0x32: {  	v2 =	vld [tilespmem:s1+$0x30]  }
0x33: {  	v3 =	vld [tilespmem:s1+$0xFFFFFFD0]  }
0x34: {  	v4 =	vld [tilespmem:s1+$0xFFFFFFE0]  }
0x35: {  	v5 =	vld [tilespmem:s1+$0xFFFFFFF0]  }
0x36: {  	v6 =	vld [tilespmem:s1+$0x0]  }
0x37: {  	v7 =	vld [tilespmem:s1+$0x10]  }
0x38: {  	v8 =	vld [tilespmem:s0+$0x30]  }
0x39: {  	v9 =	vld [tilespmem:s1+$0x20]  }
0x3a: {  	v10 =	vld [tilespmem:s1+$0xFFFFFFC0]  }
0x3b: {  	v63 =	vld [tilespmem:s0+$0xFFFFFFC0]  }
0x3c: {  	v12 =	vld [tilespmem:s0+$0xFFFFFFD0]  }
0x3d: {  	v13 =	vld [tilespmem:s0+$0xFFFFFFE0]  }
0x3e: {  	v14 =	vld [tilespmem:s0+$0xFFFFFFF0]  }
0x3f: {  	v15 =	vld [tilespmem:s0+$0x0]  }
0x40: {  	v16 =	vld [tilespmem:s0+$0x10]  }
0x41: {  	v2 =	vld.idx.msk [tilespmem:v2+s14+$0x0], $0xffff  }
0x42: {  	v11 =	vld.idx.msk [tilespmem:v3+s14+$0x0], $0xffff  }
0x43: {  	v4 =	vld.idx.msk [tilespmem:v4+s14+$0x0], $0xffff  }
0x44: {  	v5 =	vld.idx.msk [tilespmem:v5+s14+$0x0], $0xffff  }
0x45: {  	v6 =	vld.idx.msk [tilespmem:v6+s14+$0x0], $0xffff  }
0x46: {  	v62 =	vld.idx.msk [tilespmem:v10+s14+$0x0], $0xffff  }
0x47: {  	v7 =	vld.idx.msk [tilespmem:v7+s14+$0x0], $0xffff  }
0x48: {  	v3 =	vld [tilespmem:s0+$0x20]  }
0x49: {  	[tilespmem:v8+s15+$0x0] =	vst.idx.add.f32.msk $0xffff, v2  }
0x4a: {  	v2 =	vld.idx.msk [tilespmem:v9+s14+$0x0], $0xffff  }
0x4b: {  	[tilespmem:v63+s15+$0x0] =	vst.idx.add.f32.msk $0xffff, v62  }
0x4c: {  	[tilespmem:v12+s15+$0x0] =	vst.idx.add.f32.msk $0xffff, v11  }
0x4d: {  	[tilespmem:v13+s15+$0x0] =	vst.idx.add.f32.msk $0xffff, v4  }
0x4e: {  	[tilespmem:v14+s15+$0x0] =	vst.idx.add.f32.msk $0xffff, v5  }
0x4f: {  	[tilespmem:v15+s15+$0x0] =	vst.idx.add.f32.msk $0xffff, v6  }
0x50: {  	s25 =	simm.s32 $0xC0;
	s1 =	simm.s32 $0x0;
	[tilespmem:v16+s15+$0x0] =	vst.idx.add.f32.msk $0xffff, v7  }
.LBB2_7:
0x51: {  	v4 =	vld [tilespmem:s25+$0x30];
	s1 =	sadd.s32 $0x8, s1  }
0x52: {  	v5 =	vld [tilespmem:s25+$0xFFFFFFD0];
	p1 =	slt.u32 s1, $0x4E8  }
0x53: {  	v6 =	vld [tilespmem:s25+$0xFFFFFFE0]  }
0x54: {  	v7 =	vld [tilespmem:s25+$0xFFFFFFF0]  }
0x55: {  	v8 =	vld [tilespmem:s25+$0x0]  }
0x56: {  	s0 =	sadd.s32 $0x80, s0;
	v9 =	vld [tilespmem:s25+$0x10]  }
0x57: {  	v10 =	vld [tilespmem:s0+$0x30]  }
0x58: {  	v11 =	vld [tilespmem:s25+$0x20]  }
0x59: {  	v4 =	vld.idx.msk [tilespmem:v4+s14+$0x0], $0xffff  }
0x5a: {  	v12 =	vld [tilespmem:s25+$0xFFFFFFC0]  }
0x5b: {  	v5 =	vld.idx.msk [tilespmem:v5+s14+$0x0], $0xffff  }
0x5c: {  	v6 =	vld.idx.msk [tilespmem:v6+s14+$0x0], $0xffff  }
0x5d: {  	v7 =	vld.idx.msk [tilespmem:v7+s14+$0x0], $0xffff  }
0x5e: {  	v8 =	vld.idx.msk [tilespmem:v8+s14+$0x0], $0xffff  }
0x5f: {  	[tilespmem:v10+s15+$0x0] =	vst.idx.add.f32.msk $0xffff, v4  }
0x60: {  	v4 =	vld.idx.msk [tilespmem:v9+s14+$0x0], $0xffff  }
0x61: {  	v9 =	vld.idx.msk [tilespmem:v11+s14+$0x0], $0xffff  }
0x62: {  	v10 =	vld.idx.msk [tilespmem:v12+s14+$0x0], $0xffff  }
0x63: {  	v11 =	vld [tilespmem:s0+$0xFFFFFFC0]  }
0x64: {  	v12 =	vld [tilespmem:s0+$0xFFFFFFD0]  }
0x65: {  	v13 =	vld [tilespmem:s0+$0xFFFFFFE0]  }
0x66: {  	v14 =	vld [tilespmem:s0+$0xFFFFFFF0]  }
0x67: {  	v15 =	vld [tilespmem:s0+$0x0]  }
0x68: {  	v16 =	vld [tilespmem:s0+$0x10]  }
0x69: {  	v17 =	vld [tilespmem:s0+$0x20]  }
0x6a: {  	[tilespmem:v3+s15+$0x0] =	vst.idx.add.f32.msk $0xffff, v2;
	v2 =	vmov v9  }
0x6b: {  	[tilespmem:v11+s15+$0x0] =	vst.idx.add.f32.msk $0xffff, v10  }
.Ltmp2:
0x6c: {  	[tilespmem:v12+s15+$0x0] =	vst.idx.add.f32.msk $0xffff, v5;
	(pc) =	sbr.rel @p1 .LBB2_7-.Ltmp2, $4  }
0x6d: {  	[tilespmem:v13+s15+$0x0] =	vst.idx.add.f32.msk $0xffff, v6  }
0x6e: {  	[tilespmem:v14+s15+$0x0] =	vst.idx.add.f32.msk $0xffff, v7;
	v3 =	vmov v17  }
0x6f: {  	[tilespmem:v15+s15+$0x0] =	vst.idx.add.f32.msk $0xffff, v8  }
0x70: {  	s25 =	sadd.s32 $0x80, s25;
	[tilespmem:v16+s15+$0x0] =	vst.idx.add.f32.msk $0xffff, v4  }
0x71: {  	_ =	sdelay $0x3  }
0x72: {  	[tilespmem:v3+s15+$0x0] =	vst.idx.add.f32.msk $0xffff, v2  }
0x73: {  	[spmem:s8] =	stream.strided.scatter [tilespmem:s15], [sflag:$0x1], $0x2800, s17, s16, $0x38;
	[tilespmem:$0x16C00] =	vst v63  }
0x74: {  	_ =	swait.ge [sflag:s12], $0x2800  }
0x75: {  	[sflag:s12] =	ssyncset.done $0x0  }
0x76: {  	[sflag:s12] =	ssyncadd.s32 $0xFFFFD800  }
0x77: {  	s31 =	simm.s32 $0x0;
	[bflag:$0x0] =	sbarrier.arrive $0xFFFF  }
0x78: {  	[tilespmem:s20], [sflag:$0x1] =	stream.strided.gather [spmem:s9], $0x2800, s19, s18, $0x38;
	[tilespmem:$0x16C00] =	vst v63  }
0x79: {  	s1 =	sand.u32 $0x60, s31;
	s0 =	sand.u32 $0x1C00, s31;
	_ =	swait.ge [sflag:s12], $0x2800  }
0x7a: {  	s3 =	sadd.s32 $0x11600, s0;
	s30 =	sor.u32 $0x10, s1;
	[sflag:s12] =	ssyncset.done $0x0  }
0x7b: {  	s4 =	sor.u32 s30, s3;
	[sflag:s12] =	ssyncadd.s32 $0xFFFFD800  }
0x7c: {  	v2 =	vld [tilespmem:s4+$0x0]  }
0x7d: {  	s3 =	sor.u32 s1, s3;
	v3 =	vld [tilespmem:s4+$0x80]  }
0x7e: {  	v4 =	vld [tilespmem:s3+$0x0]  }
0x7f: {  	v5 =	vld [tilespmem:s4+$0x100]  }
0x80: {  	v6 =	vld [tilespmem:s3+$0x80]  }
0x81: {  	v7 =	vld [tilespmem:s4+$0x180]  }
0x82: {  	v8 =	vld [tilespmem:s3+$0x100]  }
0x83: {  	v9 =	vld [tilespmem:s4+$0x200]  }
0x84: {  	v10 =	vld [tilespmem:s3+$0x180]  }
0x85: {  	v11 =	vld [tilespmem:s4+$0x280]  }
0x86: {  	v12 =	vld [tilespmem:s3+$0x200]  }
0x87: {  	v13 =	vld [tilespmem:s4+$0x300]  }
0x88: {  	v14 =	vld [tilespmem:s3+$0x280]  }
0x89: {  	s13 =	sadd.s32 $0x12A00, s0;
	v15 =	vld [tilespmem:s4+$0x380]  }
0x8a: {  	s5 =	sor.u32 s30, s13;
	v16 =	vld [tilespmem:s3+$0x300]  }
0x8b: {  	s25 =	sadd.s32 $0x12A80, s0;
	v17 =	vld [tilespmem:s5+$0x0]  }
0x8c: {  	s6 =	sor.u32 s30, s25;
	v18 =	vld [tilespmem:s3+$0x380]  }
0x8d: {  	s26 =	sadd.s32 $0x12B00, s0;
	s13 =	sor.u32 s1, s13;
	v19 =	vld [tilespmem:s6+$0x0]  }
0x8e: {  	v20 =	vld [tilespmem:s13+$0x0];
	s4 =	sor.u32 s30, s26  }
0x8f: {  	s5 =	sor.u32 s1, s25;
	v21 =	vld [tilespmem:s4+$0x0]  }
0x90: {  	s25 =	sadd.s32 $0x12B80, s0;
	s26 =	sor.u32 s1, s26;
	v22 =	vld [tilespmem:s5+$0x0]  }
0x91: {  	s6 =	sor.u32 s30, s25;
	v24 =	vld [tilespmem:s26+$0x0]  }
0x92: {  	s5 =	sadd.s32 $0x12C00, s0;
	s25 =	sor.u32 s1, s25;
	v23 =	vld [tilespmem:s6+$0x0]  }
0x93: {  	s26 =	sadd.s32 $0x12C80, s0;
	s6 =	sor.u32 s30, s5;
	v26 =	vld [tilespmem:s25+$0x0]  }
0x94: {  	s4 =	sor.u32 s30, s26;
	v25 =	vld [tilespmem:s6+$0x0]  }
0x95: {  	s5 =	sor.u32 s1, s5;
	v27 =	vld [tilespmem:s4+$0x0]  }
0x96: {  	s13 =	sadd.s32 $0x12D00, s0;
	s25 =	sor.u32 s1, s26;
	v28 =	vld [tilespmem:s5+$0x0]  }
0x97: {  	s26 =	sadd.s32 $0x12D80, s0;
	s6 =	sor.u32 s30, s13;
	v30 =	vld [tilespmem:s25+$0x0]  }
0x98: {  	s4 =	sor.u32 s30, s26;
	s5 =	simm.s32 $0x100;
	s25 =	simm.s32 $0x20;
	v29 =	vld [tilespmem:s6+$0x0];
	v2 =	vadd.f32 v3, v2  }
0x99: {  	s6 =	sor.u32 s1, s13;
	s28 =	sand.u32 $0x60, s25;
	s0 =	sand.u32 $0x1C00, s5;
	v3 =	vadd.f32 v6, v4;
	v4 =	vld [tilespmem:s4+$0x0]  }
0x9a: {  	s1 =	sor.u32 s1, s26;
	s13 =	sadd.s32 $0x11600, s0;
	s26 =	sor.u32 $0x10, s28;
	v6 =	vld [tilespmem:s6+$0x0];
	v2 =	vadd.f32 v5, v2  }
0x9b: {  	s5 =	sor.u32 s26, s13;
	v3 =	vadd.f32 v8, v3;
	v5 =	vld [tilespmem:s1+$0x0]  }
0x9c: {  	v8 =	vld [tilespmem:s5+$0x0];
	v2 =	vadd.f32 v7, v2  }
0x9d: {  	s6 =	sor.u32 s28, s13;
	v3 =	vadd.f32 v10, v3;
	v7 =	vld [tilespmem:s5+$0x80]  }
0x9e: {  	v53 =	vld [tilespmem:s6+$0x80];
	v2 =	vadd.f32 v9, v2  }
0x9f: {  	v3 =	vadd.f32 v12, v3;
	v9 =	vld [tilespmem:s5+$0x100]  }
0xa0: {  	v10 =	vld [tilespmem:s6+$0x0];
	v2 =	vadd.f32 v11, v2  }
0xa1: {  	v3 =	vadd.f32 v14, v3;
	v11 =	vld [tilespmem:s5+$0x180]  }
0xa2: {  	v7 =	vadd.f32 v7, v8;
	v8 =	vld [tilespmem:s6+$0x100];
	v2 =	vadd.f32 v13, v2  }
0xa3: {  	v54 =	vld [tilespmem:s5+$0x200];
	v3 =	vadd.f32 v16, v3  }
0xa4: {  	v7 =	vadd.f32 v9, v7;
	v9 =	vld [tilespmem:s6+$0x180];
	v2 =	vadd.f32 v15, v2  }
0xa5: {  	v55 =	vld [tilespmem:s5+$0x280];
	v10 =	vadd.f32 v53, v10;
	v3 =	vadd.f32 v18, v3  }
0xa6: {  	v7 =	vadd.f32 v11, v7;
	v11 =	vld [tilespmem:s6+$0x200];
	v2 =	vadd.f32 v17, v2  }
0xa7: {  	v56 =	vld [tilespmem:s5+$0x300];
	v3 =	vadd.f32 v20, v3;
	v8 =	vadd.f32 v8, v10  }
0xa8: {  	v10 =	vld [tilespmem:s6+$0x280];
	v7 =	vadd.f32 v54, v7;
	v2 =	vadd.f32 v19, v2  }
0xa9: {  	s3 =	sadd.s32 $0x12A00, s0;
	v57 =	vld [tilespmem:s5+$0x380];
	v3 =	vadd.f32 v22, v3;
	v8 =	vadd.f32 v9, v8  }
0xaa: {  	s5 =	sor.u32 s26, s3;
	v9 =	vld [tilespmem:s6+$0x300];
	v7 =	vadd.f32 v55, v7;
	v2 =	vadd.f32 v21, v2  }
0xab: {  	s13 =	sadd.s32 $0x12A80, s0;
	v58 =	vld [tilespmem:s5+$0x0];
	v3 =	vadd.f32 v24, v3;
	v8 =	vadd.f32 v11, v8  }
0xac: {  	v11 =	vld [tilespmem:s6+$0x380];
	s6 =	sor.u32 s26, s13;
	v7 =	vadd.f32 v56, v7;
	v2 =	vadd.f32 v23, v2  }
0xad: {  	s4 =	sadd.s32 $0x12B00, s0;
	s3 =	sor.u32 s28, s3;
	v59 =	vld [tilespmem:s6+$0x0];
	v3 =	vadd.f32 v26, v3;
	v8 =	vadd.f32 v10, v8  }
0xae: {  	s5 =	sor.u32 s26, s4;
	v10 =	vld [tilespmem:s3+$0x0];
	v7 =	vadd.f32 v57, v7;
	v2 =	vadd.f32 v25, v2  }
0xaf: {  	v60 =	vld [tilespmem:s5+$0x0];
	s6 =	sor.u32 s28, s13;
	s13 =	sadd.s32 $0x12B80, s0;
	v3 =	vadd.f32 v28, v3;
	v8 =	vadd.f32 v9, v8  }
0xb0: {  	s5 =	sor.u32 s26, s13;
	v9 =	vld [tilespmem:s6+$0x0];
	v7 =	vadd.f32 v58, v7;
	v2 =	vadd.f32 v27, v2  }
0xb1: {  	v61 =	vld [tilespmem:s5+$0x0];
	s6 =	sor.u32 s28, s4;
	s4 =	sadd.s32 $0x12C00, s0;
	v3 =	vadd.f32 v30, v3;
	v8 =	vadd.f32 v11, v8  }
0xb2: {  	s5 =	sor.u32 s26, s4;
	v11 =	vld [tilespmem:s6+$0x0];
	v7 =	vadd.f32 v59, v7;
	v62 =	vadd.f32 v29, v2  }
0xb3: {  	s6 =	sor.u32 s28, s13;
	s13 =	sadd.s32 $0x12C80, s0;
	v63 =	vld [tilespmem:s5+$0x0];
	v3 =	vadd.f32 v6, v3;
	v6 =	vadd.f32 v10, v8  }
0xb4: {  	s29 =	simm.s32 $0x13E00;
	s3 =	sor.u32 s26, s13;
	v2 =	vld [tilespmem:s6+$0x0];
	v7 =	vadd.f32 v60, v7;
	v8 =	vadd.f32 v4, v62  }
0xb5: {  	s4 =	sor.u32 s28, s4;
	s5 =	sadd.s32 $0x12D00, s0;
	s6 =	sand.u32 $0x380, s31;
	v10 =	vadd.f32 v5, v3;
	v3 =	vld [tilespmem:s3+$0x0];
	v6 =	vadd.f32 v9, v6  }
0xb6: {  	s31 =	simm.s32 $0x2;
	s3 =	sor.u32 s30, s6;
	v4 =	vld [tilespmem:s4+$0x0];
	s4 =	sor.u32 s26, s5;
	v7 =	vadd.f32 v61, v7  }
0xb7: {  	s6 =	sor.u32 s28, s13;
	s13 =	sor.u32 s28, s5;
	v5 =	vld [tilespmem:s4+$0x0];
	[tilespmem:s3+$0x13E00] =	vst v8;
	s3 =	sadd.s32 $0x12D80, s0;
	v8 =	vadd.f32 v11, v6  }
0xb8: {  	s30 =	simm.s32 $0x200;
	[tilespmem:s29+$0x0] =	vst v10;
	v6 =	vld [tilespmem:s6+$0x0];
	s0 =	simm.s32 $0x40;
	v7 =	vadd.f32 v63, v7;
	s4 =	sor.u32 s26, s3  }
.LBB2_9:
0xb9: {  	s1 =	sand.u32 $0x1C00, s30;
	v2 =	vadd.f32 v2, v8;
	s3 =	sor.u32 s28, s3;
	s28 =	sand.u32 $0x60, s0;
	v8 =	vld [tilespmem:s4+$0x0]  }
0xba: {  	s31 =	sadd.s32 $0x2, s31;
	s4 =	sadd.s32 $0x11600, s1;
	s5 =	sor.u32 $0x10, s28;
	v9 =	vld [tilespmem:s13+$0x0];
	v3 =	vadd.f32 v3, v7  }
0xbb: {  	p1 =	slt.u32 s31, $0x26;
	s13 =	sor.u32 s28, s4;
	s4 =	sor.u32 s5, s4;
	v2 =	vadd.f32 v4, v2;
	v4 =	vld [tilespmem:s3+$0x0]  }
0xbc: {  	v7 =	vld [tilespmem:s4+$0x0];
	v3 =	vadd.f32 v5, v3  }
0xbd: {  	v5 =	vld [tilespmem:s4+$0x80];
	v2 =	vadd.f32 v6, v2  }
0xbe: {  	s3 =	sand.u32 $0x380, s25;
	s25 =	smov.u32 s0;
	v6 =	vld [tilespmem:s13+$0x0];
	v3 =	vadd.f32 v8, v3  }
0xbf: {  	s3 =	sor.u32 s26, s3;
	s26 =	smov.u32 s5;
	v8 =	vld [tilespmem:s4+$0x100];
	v2 =	vadd.f32 v9, v2  }
0xc0: {  	v9 =	vld [tilespmem:s13+$0x80];
	[tilespmem:s3+$0x13E00] =	vst v3  }
0xc1: {  	v3 =	vld [tilespmem:s4+$0x180];
	v2 =	vadd.f32 v4, v2  }
0xc2: {  	s29 =	sadd.s32 $0x20, s29;
	v4 =	vld [tilespmem:s13+$0x100];
	v5 =	vadd.f32 v5, v7  }
0xc3: {  	v7 =	vld [tilespmem:s4+$0x200];
	[tilespmem:s29+$0x0] =	vst v2  }
0xc4: {  	v2 =	vld [tilespmem:s13+$0x180];
	v5 =	vadd.f32 v8, v5  }
0xc5: {  	v6 =	vadd.f32 v9, v6;
	v8 =	vld [tilespmem:s4+$0x280]  }
0xc6: {  	v9 =	vld [tilespmem:s13+$0x200];
	v3 =	vadd.f32 v3, v5  }
0xc7: {  	v4 =	vadd.f32 v4, v6;
	v5 =	vld [tilespmem:s4+$0x300]  }
0xc8: {  	v6 =	vld [tilespmem:s13+$0x280];
	v3 =	vadd.f32 v7, v3  }
0xc9: {  	s3 =	sadd.s32 $0x12A00, s1;
	v2 =	vadd.f32 v2, v4;
	v4 =	vld [tilespmem:s4+$0x380]  }
0xca: {  	s4 =	sor.u32 s28, s3;
	s3 =	sor.u32 s26, s3;
	v7 =	vld [tilespmem:s13+$0x300];
	v3 =	vadd.f32 v8, v3  }
0xcb: {  	s5 =	sadd.s32 $0x12A80, s1;
	v2 =	vadd.f32 v9, v2;
	v8 =	vld [tilespmem:s3+$0x0]  }
0xcc: {  	s3 =	sor.u32 s28, s5;
	s5 =	sor.u32 s26, s5;
	v9 =	vld [tilespmem:s13+$0x380];
	v3 =	vadd.f32 v5, v3  }
0xcd: {  	s13 =	sadd.s32 $0x12B00, s1;
	v2 =	vadd.f32 v6, v2;
	v5 =	vld [tilespmem:s5+$0x0]  }
0xce: {  	s5 =	sor.u32 s26, s13;
	v6 =	vld [tilespmem:s4+$0x0];
	s4 =	sor.u32 s28, s13;
	v3 =	vadd.f32 v4, v3  }
0xcf: {  	s13 =	sadd.s32 $0x12B80, s1;
	v2 =	vadd.f32 v7, v2;
	v4 =	vld [tilespmem:s5+$0x0]  }
0xd0: {  	s5 =	sor.u32 s26, s13;
	v7 =	vld [tilespmem:s3+$0x0];
	s3 =	sor.u32 s28, s13;
	v3 =	vadd.f32 v8, v3  }
0xd1: {  	s13 =	sadd.s32 $0x12C00, s1;
	v2 =	vadd.f32 v9, v2;
	v8 =	vld [tilespmem:s5+$0x0]  }
0xd2: {  	s5 =	sor.u32 s26, s13;
	v9 =	vld [tilespmem:s4+$0x0];
	s4 =	sor.u32 s28, s13;
	v3 =	vadd.f32 v5, v3  }
0xd3: {  	s13 =	sadd.s32 $0x12C80, s1;
	v5 =	vadd.f32 v6, v2;
	v10 =	vld [tilespmem:s5+$0x0]  }
.Ltmp3:
0xd4: {  	s5 =	sor.u32 s28, s13;
	v2 =	vld [tilespmem:s3+$0x0];
	v6 =	vadd.f32 v4, v3;
	s3 =	sor.u32 s26, s13;
	(pc) =	sbr.rel @p1 .LBB2_9-.Ltmp3, $4  }
0xd5: {  	s6 =	sadd.s32 $0x12D00, s1;
	v5 =	vadd.f32 v7, v5;
	v3 =	vld [tilespmem:s3+$0x0]  }
0xd6: {  	s13 =	sor.u32 s28, s6;
	v4 =	vld [tilespmem:s4+$0x0];
	v7 =	vadd.f32 v8, v6;
	s4 =	sor.u32 s26, s6  }
0xd7: {  	s3 =	sadd.s32 $0x12D80, s1;
	v8 =	vadd.f32 v9, v5;
	v5 =	vld [tilespmem:s4+$0x0]  }
0xd8: {  	s30 =	sadd.s32 $0x100, s30;
	s0 =	sadd.s32 $0x20, s0;
	s4 =	sor.u32 s26, s3;
	v6 =	vld [tilespmem:s5+$0x0];
	v7 =	vadd.f32 v10, v7  }
0xd9: {  	v2 =	vadd.f32 v2, v8  }
0xda: {  	v62 =	vld [tilespmem:s13+$0x0]  }
0xdb: {  	s0 =	sor.u32 s28, s3;
	v9 =	vld [tilespmem:s4+$0x0];
	v2 =	vadd.f32 v4, v2  }
0xdc: {  	v3 =	vadd.f32 v3, v7;
	v63 =	vld [tilespmem:s0+$0x0]  }
0xdd: {  	v2 =	vadd.f32 v6, v2  }
0xde: {  	v3 =	vadd.f32 v5, v3  }
0xdf: {  	v2 =	vadd.f32 v62, v2  }
0xe0: {  	s30 =	sand.u32 $0x380, s25;
	v3 =	vadd.f32 v9, v3  }
0xe1: {  	s0 =	sor.u32 s26, s30;
	v2 =	vadd.f32 v63, v2  }
0xe2: {  	s31 =	sadd.s32 $0x20, s29;
	[tilespmem:s0+$0x13E00] =	vst v3  }
0xe3: {  	[tilespmem:s31+$0x0] =	vst v2  }
0xe4: {  	[spmem:s10] =	stream.linear.scatter [tilespmem:s21], [sflag:$0x1], $0x280, $0x38;
	[tilespmem:$0x16C00] =	vst v63  }
0xe5: {  	_ =	swait.ge [sflag:s12], $0x280  }
0xe6: {  	[sflag:s12] =	ssyncset.done $0x0  }
0xe7: {  	[sflag:s12] =	ssyncadd.s32 $0xFFFFFD80  }
0xe8: {  	[bflag:$0x0] =	sbarrier.arrive $0xFFFF  }
0xe9: {  	[tilespmem:s22], [sflag:$0x1] =	stream.linear.gather [spmem:s2], $0x2800, $0x38;
	[tilespmem:$0x16C00] =	vst v63  }
0xea: {  	_ =	swait.ge [sflag:s12], $0x2800  }
0xeb: {  	[sflag:s12] =	ssyncset.done $0x0  }
0xec: {  	s1 =	simm.s32 $0xC620;
	[sflag:s12] =	ssyncadd.s32 $0xFFFFD800  }
0xed: {  	[tilespmem:s1+$0xFFFFFFE0] =	vst v1  }
0xee: {  	[tilespmem:s1+$0x10] =	vst v1  }
0xef: {  	s3 =	simm.s32 $0x0;
	[tilespmem:s1+$0x0] =	vst v1  }
.LBB2_11:
0xf0: {  	s3 =	sadd.s32 $0x4, s3  }
0xf1: {  	[tilespmem:s1+$0xFFFFFFF0] =	vst v1;
	s1 =	sadd.s32 $0x40, s1;
	p1 =	slt.u32 s3, $0x27C  }
.Ltmp4:
0xf2: {  	[tilespmem:s1+$0xFFFFFFE0] =	vst v1;
	(pc) =	sbr.rel @p1 .LBB2_11-.Ltmp4, $3  }
0xf3: {  	_ =	sdelay $0x1  }
0xf4: {  	[tilespmem:s1+$0x10] =	vst v1  }
0xf5: {  	s4 =	simm.s32 $0x40;
	s0 =	simm.s32 $0x4F40;
	[tilespmem:s1+$0x0] =	vst v1  }
0xf6: {  	[tilespmem:s1+$0xFFFFFFF0] =	vst v1  }
0xf7: {  	v2 =	vld [tilespmem:s4+$0x30]  }
0xf8: {  	v3 =	vld [tilespmem:s4+$0xFFFFFFD0]  }
0xf9: {  	v4 =	vld [tilespmem:s4+$0xFFFFFFE0]  }
0xfa: {  	v5 =	vld [tilespmem:s4+$0xFFFFFFF0]  }
0xfb: {  	v6 =	vld [tilespmem:s4+$0x0]  }
0xfc: {  	v7 =	vld [tilespmem:s4+$0x10]  }
0xfd: {  	v8 =	vld [tilespmem:s0+$0x30]  }
0xfe: {  	v9 =	vld [tilespmem:s4+$0x20]  }
0xff: {  	v10 =	vld [tilespmem:s4+$0xFFFFFFC0]  }
0x100: {  	v63 =	vld [tilespmem:s0+$0xFFFFFFC0]  }
0x101: {  	v12 =	vld [tilespmem:s0+$0xFFFFFFD0]  }
0x102: {  	v13 =	vld [tilespmem:s0+$0xFFFFFFE0]  }
0x103: {  	v14 =	vld [tilespmem:s0+$0xFFFFFFF0]  }
0x104: {  	v15 =	vld [tilespmem:s0+$0x0]  }
0x105: {  	v16 =	vld [tilespmem:s0+$0x10]  }
0x106: {  	v2 =	vld.idx.msk [tilespmem:v2+s22+$0x0], $0xffff  }
0x107: {  	v11 =	vld.idx.msk [tilespmem:v3+s22+$0x0], $0xffff  }
0x108: {  	v4 =	vld.idx.msk [tilespmem:v4+s22+$0x0], $0xffff  }
0x109: {  	v5 =	vld.idx.msk [tilespmem:v5+s22+$0x0], $0xffff  }
0x10a: {  	v6 =	vld.idx.msk [tilespmem:v6+s22+$0x0], $0xffff  }
0x10b: {  	v62 =	vld.idx.msk [tilespmem:v10+s22+$0x0], $0xffff  }
0x10c: {  	v7 =	vld.idx.msk [tilespmem:v7+s22+$0x0], $0xffff  }
0x10d: {  	v3 =	vld [tilespmem:s0+$0x20]  }
0x10e: {  	[tilespmem:v8+s15+$0x0] =	vst.idx.add.f32.msk $0xffff, v2  }
0x10f: {  	v2 =	vld.idx.msk [tilespmem:v9+s22+$0x0], $0xffff  }
0x110: {  	[tilespmem:v63+s15+$0x0] =	vst.idx.add.f32.msk $0xffff, v62  }
0x111: {  	[tilespmem:v12+s15+$0x0] =	vst.idx.add.f32.msk $0xffff, v11  }
0x112: {  	[tilespmem:v13+s15+$0x0] =	vst.idx.add.f32.msk $0xffff, v4  }
0x113: {  	[tilespmem:v14+s15+$0x0] =	vst.idx.add.f32.msk $0xffff, v5  }
0x114: {  	[tilespmem:v15+s15+$0x0] =	vst.idx.add.f32.msk $0xffff, v6  }
0x115: {  	s1 =	simm.s32 $0x0;
	s25 =	simm.s32 $0xC0;
	[tilespmem:v16+s15+$0x0] =	vst.idx.add.f32.msk $0xffff, v7  }
.LBB2_13:
0x116: {  	v4 =	vld [tilespmem:s25+$0x30];
	s1 =	sadd.s32 $0x8, s1  }
0x117: {  	v5 =	vld [tilespmem:s25+$0xFFFFFFD0];
	p1 =	slt.u32 s1, $0x4E8  }
0x118: {  	v6 =	vld [tilespmem:s25+$0xFFFFFFE0]  }
0x119: {  	v7 =	vld [tilespmem:s25+$0xFFFFFFF0]  }
0x11a: {  	v8 =	vld [tilespmem:s25+$0x0]  }
0x11b: {  	s0 =	sadd.s32 $0x80, s0;
	v9 =	vld [tilespmem:s25+$0x10]  }
0x11c: {  	v10 =	vld [tilespmem:s0+$0x30]  }
0x11d: {  	v11 =	vld [tilespmem:s25+$0x20]  }
0x11e: {  	v4 =	vld.idx.msk [tilespmem:v4+s22+$0x0], $0xffff  }
0x11f: {  	v12 =	vld [tilespmem:s25+$0xFFFFFFC0]  }
0x120: {  	v5 =	vld.idx.msk [tilespmem:v5+s22+$0x0], $0xffff  }
0x121: {  	v6 =	vld.idx.msk [tilespmem:v6+s22+$0x0], $0xffff  }
0x122: {  	v7 =	vld.idx.msk [tilespmem:v7+s22+$0x0], $0xffff  }
0x123: {  	v8 =	vld.idx.msk [tilespmem:v8+s22+$0x0], $0xffff  }
0x124: {  	[tilespmem:v10+s15+$0x0] =	vst.idx.add.f32.msk $0xffff, v4  }
0x125: {  	v4 =	vld.idx.msk [tilespmem:v9+s22+$0x0], $0xffff  }
0x126: {  	v9 =	vld.idx.msk [tilespmem:v11+s22+$0x0], $0xffff  }
0x127: {  	v10 =	vld.idx.msk [tilespmem:v12+s22+$0x0], $0xffff  }
0x128: {  	v11 =	vld [tilespmem:s0+$0xFFFFFFC0]  }
0x129: {  	v12 =	vld [tilespmem:s0+$0xFFFFFFD0]  }
0x12a: {  	v13 =	vld [tilespmem:s0+$0xFFFFFFE0]  }
0x12b: {  	v14 =	vld [tilespmem:s0+$0xFFFFFFF0]  }
0x12c: {  	v15 =	vld [tilespmem:s0+$0x0]  }
0x12d: {  	v16 =	vld [tilespmem:s0+$0x10]  }
0x12e: {  	v17 =	vld [tilespmem:s0+$0x20]  }
0x12f: {  	[tilespmem:v3+s15+$0x0] =	vst.idx.add.f32.msk $0xffff, v2;
	v2 =	vmov v9  }
0x130: {  	[tilespmem:v11+s15+$0x0] =	vst.idx.add.f32.msk $0xffff, v10  }
.Ltmp5:
0x131: {  	[tilespmem:v12+s15+$0x0] =	vst.idx.add.f32.msk $0xffff, v5;
	(pc) =	sbr.rel @p1 .LBB2_13-.Ltmp5, $4  }
0x132: {  	[tilespmem:v13+s15+$0x0] =	vst.idx.add.f32.msk $0xffff, v6  }
0x133: {  	[tilespmem:v14+s15+$0x0] =	vst.idx.add.f32.msk $0xffff, v7;
	v3 =	vmov v17  }
0x134: {  	[tilespmem:v15+s15+$0x0] =	vst.idx.add.f32.msk $0xffff, v8  }
0x135: {  	s25 =	sadd.s32 $0x80, s25;
	[tilespmem:v16+s15+$0x0] =	vst.idx.add.f32.msk $0xffff, v4  }
0x136: {  	_ =	sdelay $0x3  }
0x137: {  	[tilespmem:v3+s15+$0x0] =	vst.idx.add.f32.msk $0xffff, v2  }
0x138: {  	[spmem:s8] =	stream.strided.scatter [tilespmem:s15], [sflag:$0x1], $0x2800, s17, s16, $0x38;
	[tilespmem:$0x16C00] =	vst v63  }
0x139: {  	_ =	swait.ge [sflag:s12], $0x2800  }
0x13a: {  	[sflag:s12] =	ssyncset.done $0x0  }
0x13b: {  	[sflag:s12] =	ssyncadd.s32 $0xFFFFD800  }
0x13c: {  	s31 =	simm.s32 $0x0;
	[bflag:$0x0] =	sbarrier.arrive $0xFFFF  }
0x13d: {  	[tilespmem:s20], [sflag:$0x1] =	stream.strided.gather [spmem:s9], $0x2800, s19, s18, $0x38;
	[tilespmem:$0x16C00] =	vst v63  }
0x13e: {  	s1 =	sand.u32 $0x60, s31;
	s0 =	sand.u32 $0x1C00, s31;
	_ =	swait.ge [sflag:s12], $0x2800  }
0x13f: {  	s3 =	sadd.s32 $0x11600, s0;
	s30 =	sor.u32 $0x10, s1;
	[sflag:s12] =	ssyncset.done $0x0  }
0x140: {  	s4 =	sor.u32 s30, s3;
	[sflag:s12] =	ssyncadd.s32 $0xFFFFD800  }
0x141: {  	v2 =	vld [tilespmem:s4+$0x0]  }
0x142: {  	s3 =	sor.u32 s1, s3;
	v3 =	vld [tilespmem:s4+$0x80]  }
0x143: {  	v4 =	vld [tilespmem:s3+$0x0]  }
0x144: {  	v5 =	vld [tilespmem:s4+$0x100]  }
0x145: {  	v6 =	vld [tilespmem:s3+$0x80]  }
0x146: {  	v7 =	vld [tilespmem:s4+$0x180]  }
0x147: {  	v8 =	vld [tilespmem:s3+$0x100]  }
0x148: {  	v9 =	vld [tilespmem:s4+$0x200]  }
0x149: {  	v10 =	vld [tilespmem:s3+$0x180]  }
0x14a: {  	v11 =	vld [tilespmem:s4+$0x280]  }
0x14b: {  	v12 =	vld [tilespmem:s3+$0x200]  }
0x14c: {  	v13 =	vld [tilespmem:s4+$0x300]  }
0x14d: {  	v14 =	vld [tilespmem:s3+$0x280]  }
0x14e: {  	s5 =	sadd.s32 $0x12A00, s0;
	v15 =	vld [tilespmem:s4+$0x380]  }
0x14f: {  	s26 =	sor.u32 s30, s5;
	v16 =	vld [tilespmem:s3+$0x300]  }
0x150: {  	v17 =	vld [tilespmem:s26+$0x0]  }
0x151: {  	s13 =	sor.u32 s1, s5;
	s5 =	sadd.s32 $0x12B00, s0;
	v18 =	vld [tilespmem:s3+$0x380]  }
0x152: {  	s6 =	sadd.s32 $0x12A80, s0;
	s25 =	sor.u32 s30, s5;
	v20 =	vld [tilespmem:s13+$0x0]  }
0x153: {  	s4 =	sor.u32 s30, s6;
	v21 =	vld [tilespmem:s25+$0x0]  }
0x154: {  	s26 =	sor.u32 s1, s6;
	v19 =	vld [tilespmem:s4+$0x0]  }
0x155: {  	s6 =	sadd.s32 $0x12B80, s0;
	s25 =	sor.u32 s1, s5;
	v22 =	vld [tilespmem:s26+$0x0]  }
0x156: {  	s13 =	sor.u32 s30, s6;
	s26 =	sadd.s32 $0x12C00, s0;
	v24 =	vld [tilespmem:s25+$0x0]  }
0x157: {  	v23 =	vld [tilespmem:s13+$0x0];
	s4 =	sor.u32 s30, s26  }
0x158: {  	s13 =	sor.u32 s1, s6;
	v25 =	vld [tilespmem:s4+$0x0]  }
0x159: {  	s6 =	sadd.s32 $0x12C80, s0;
	s26 =	sor.u32 s1, s26;
	v26 =	vld [tilespmem:s13+$0x0]  }
0x15a: {  	s5 =	sadd.s32 $0x12D00, s0;
	s25 =	sor.u32 s30, s6;
	v28 =	vld [tilespmem:s26+$0x0]  }
0x15b: {  	s13 =	sor.u32 s30, s5;
	v27 =	vld [tilespmem:s25+$0x0]  }
0x15c: {  	s4 =	simm.s32 $0x100;
	s25 =	sor.u32 s1, s6;
	v29 =	vld [tilespmem:s13+$0x0]  }
0x15d: {  	s6 =	sadd.s32 $0x12D80, s0;
	s13 =	sor.u32 s1, s5;
	v30 =	vld [tilespmem:s25+$0x0];
	s25 =	simm.s32 $0x20;
	v2 =	vadd.f32 v3, v2  }
0x15e: {  	s0 =	sand.u32 $0x1C00, s4;
	s26 =	sor.u32 s30, s6;
	v3 =	vadd.f32 v6, v4;
	v6 =	vld [tilespmem:s13+$0x0];
	s28 =	sand.u32 $0x60, s25  }
0x15f: {  	s1 =	sor.u32 s1, s6;
	s5 =	sadd.s32 $0x11600, s0;
	v4 =	vld [tilespmem:s26+$0x0];
	s26 =	sor.u32 $0x10, s28;
	v2 =	vadd.f32 v5, v2  }
0x160: {  	v3 =	vadd.f32 v8, v3;
	v5 =	vld [tilespmem:s1+$0x0];
	s6 =	sor.u32 s26, s5  }
0x161: {  	v8 =	vld [tilespmem:s6+$0x0];
	v2 =	vadd.f32 v7, v2  }
0x162: {  	s13 =	sor.u32 s28, s5;
	v3 =	vadd.f32 v10, v3;
	v7 =	vld [tilespmem:s6+$0x80]  }
0x163: {  	v53 =	vld [tilespmem:s13+$0x80];
	v2 =	vadd.f32 v9, v2  }
0x164: {  	v3 =	vadd.f32 v12, v3;
	v9 =	vld [tilespmem:s6+$0x100]  }
0x165: {  	v10 =	vld [tilespmem:s13+$0x0];
	v2 =	vadd.f32 v11, v2  }
0x166: {  	v3 =	vadd.f32 v14, v3;
	v11 =	vld [tilespmem:s6+$0x180]  }
0x167: {  	v7 =	vadd.f32 v7, v8;
	v8 =	vld [tilespmem:s13+$0x100];
	v2 =	vadd.f32 v13, v2  }
0x168: {  	v54 =	vld [tilespmem:s6+$0x200];
	v3 =	vadd.f32 v16, v3  }
0x169: {  	v7 =	vadd.f32 v9, v7;
	v9 =	vld [tilespmem:s13+$0x180];
	v2 =	vadd.f32 v15, v2  }
0x16a: {  	v55 =	vld [tilespmem:s6+$0x280];
	v10 =	vadd.f32 v53, v10;
	v3 =	vadd.f32 v18, v3  }
0x16b: {  	v7 =	vadd.f32 v11, v7;
	v11 =	vld [tilespmem:s13+$0x200];
	v2 =	vadd.f32 v17, v2  }
0x16c: {  	v56 =	vld [tilespmem:s6+$0x300];
	v3 =	vadd.f32 v20, v3;
	v8 =	vadd.f32 v8, v10  }
0x16d: {  	v10 =	vld [tilespmem:s13+$0x280];
	v7 =	vadd.f32 v54, v7;
	v2 =	vadd.f32 v19, v2  }
0x16e: {  	s3 =	sadd.s32 $0x12A00, s0;
	v57 =	vld [tilespmem:s6+$0x380];
	v3 =	vadd.f32 v22, v3;
	v8 =	vadd.f32 v9, v8  }
0x16f: {  	s6 =	sor.u32 s26, s3;
	v9 =	vld [tilespmem:s13+$0x300];
	v7 =	vadd.f32 v55, v7;
	v2 =	vadd.f32 v21, v2  }
0x170: {  	s5 =	sadd.s32 $0x12A80, s0;
	v58 =	vld [tilespmem:s6+$0x0];
	v3 =	vadd.f32 v24, v3;
	v8 =	vadd.f32 v11, v8  }
0x171: {  	v11 =	vld [tilespmem:s13+$0x380];
	s13 =	sor.u32 s26, s5;
	v7 =	vadd.f32 v56, v7;
	v2 =	vadd.f32 v23, v2  }
0x172: {  	s4 =	sadd.s32 $0x12B00, s0;
	s3 =	sor.u32 s28, s3;
	v59 =	vld [tilespmem:s13+$0x0];
	v3 =	vadd.f32 v26, v3;
	v8 =	vadd.f32 v10, v8  }
0x173: {  	s6 =	sor.u32 s26, s4;
	v10 =	vld [tilespmem:s3+$0x0];
	v7 =	vadd.f32 v57, v7;
	v2 =	vadd.f32 v25, v2  }
0x174: {  	v60 =	vld [tilespmem:s6+$0x0];
	s13 =	sor.u32 s28, s5;
	s5 =	sadd.s32 $0x12B80, s0;
	v3 =	vadd.f32 v28, v3;
	v8 =	vadd.f32 v9, v8  }
0x175: {  	s6 =	sor.u32 s26, s5;
	v9 =	vld [tilespmem:s13+$0x0];
	v7 =	vadd.f32 v58, v7;
	v2 =	vadd.f32 v27, v2  }
0x176: {  	v61 =	vld [tilespmem:s6+$0x0];
	s13 =	sor.u32 s28, s4;
	s4 =	sadd.s32 $0x12C00, s0;
	v3 =	vadd.f32 v30, v3;
	v8 =	vadd.f32 v11, v8  }
0x177: {  	s6 =	sor.u32 s26, s4;
	v11 =	vld [tilespmem:s13+$0x0];
	v7 =	vadd.f32 v59, v7;
	v62 =	vadd.f32 v29, v2  }
0x178: {  	s13 =	sor.u32 s28, s5;
	s5 =	sadd.s32 $0x12C80, s0;
	v63 =	vld [tilespmem:s6+$0x0];
	v3 =	vadd.f32 v6, v3;
	v6 =	vadd.f32 v10, v8  }
0x179: {  	s29 =	simm.s32 $0x13E00;
	s3 =	sor.u32 s26, s5;
	v2 =	vld [tilespmem:s13+$0x0];
	v7 =	vadd.f32 v60, v7;
	v8 =	vadd.f32 v4, v62  }
0x17a: {  	s4 =	sor.u32 s28, s4;
	s6 =	sand.u32 $0x380, s31;
	s13 =	sadd.s32 $0x12D00, s0;
	v10 =	vadd.f32 v5, v3;
	v3 =	vld [tilespmem:s3+$0x0];
	v6 =	vadd.f32 v9, v6  }
0x17b: {  	s31 =	simm.s32 $0x2;
	s3 =	sor.u32 s30, s6;
	v4 =	vld [tilespmem:s4+$0x0];
	s4 =	sor.u32 s26, s13;
	v7 =	vadd.f32 v61, v7  }
0x17c: {  	s5 =	sor.u32 s28, s5;
	s13 =	sor.u32 s28, s13;
	v5 =	vld [tilespmem:s4+$0x0];
	[tilespmem:s3+$0x13E00] =	vst v8;
	s3 =	sadd.s32 $0x12D80, s0;
	v8 =	vadd.f32 v11, v6  }
0x17d: {  	s30 =	simm.s32 $0x200;
	[tilespmem:s29+$0x0] =	vst v10;
	v6 =	vld [tilespmem:s5+$0x0];
	s0 =	simm.s32 $0x40;
	v7 =	vadd.f32 v63, v7;
	s4 =	sor.u32 s26, s3  }
.LBB2_15:
0x17e: {  	s1 =	sand.u32 $0x1C00, s30;
	v2 =	vadd.f32 v2, v8;
	s3 =	sor.u32 s28, s3;
	s28 =	sand.u32 $0x60, s0;
	v8 =	vld [tilespmem:s4+$0x0]  }
0x17f: {  	s31 =	sadd.s32 $0x2, s31;
	s4 =	sadd.s32 $0x11600, s1;
	s5 =	sor.u32 $0x10, s28;
	v9 =	vld [tilespmem:s13+$0x0];
	v3 =	vadd.f32 v3, v7  }
0x180: {  	p1 =	slt.u32 s31, $0x26;
	s13 =	sor.u32 s28, s4;
	s4 =	sor.u32 s5, s4;
	v2 =	vadd.f32 v4, v2;
	v4 =	vld [tilespmem:s3+$0x0]  }
0x181: {  	v7 =	vld [tilespmem:s4+$0x0];
	v3 =	vadd.f32 v5, v3  }
0x182: {  	v5 =	vld [tilespmem:s4+$0x80];
	v2 =	vadd.f32 v6, v2  }
0x183: {  	s3 =	sand.u32 $0x380, s25;
	s25 =	smov.u32 s0;
	v6 =	vld [tilespmem:s13+$0x0];
	v3 =	vadd.f32 v8, v3  }
0x184: {  	s3 =	sor.u32 s26, s3;
	s26 =	smov.u32 s5;
	v8 =	vld [tilespmem:s4+$0x100];
	v2 =	vadd.f32 v9, v2  }
0x185: {  	v9 =	vld [tilespmem:s13+$0x80];
	[tilespmem:s3+$0x13E00] =	vst v3  }
0x186: {  	v3 =	vld [tilespmem:s4+$0x180];
	v2 =	vadd.f32 v4, v2  }
0x187: {  	s29 =	sadd.s32 $0x20, s29;
	v4 =	vld [tilespmem:s13+$0x100];
	v5 =	vadd.f32 v5, v7  }
0x188: {  	v7 =	vld [tilespmem:s4+$0x200];
	[tilespmem:s29+$0x0] =	vst v2  }
0x189: {  	v2 =	vld [tilespmem:s13+$0x180];
	v5 =	vadd.f32 v8, v5  }
0x18a: {  	v6 =	vadd.f32 v9, v6;
	v8 =	vld [tilespmem:s4+$0x280]  }
0x18b: {  	v9 =	vld [tilespmem:s13+$0x200];
	v3 =	vadd.f32 v3, v5  }
0x18c: {  	v4 =	vadd.f32 v4, v6;
	v5 =	vld [tilespmem:s4+$0x300]  }
0x18d: {  	v6 =	vld [tilespmem:s13+$0x280];
	v3 =	vadd.f32 v7, v3  }
0x18e: {  	s3 =	sadd.s32 $0x12A00, s1;
	v2 =	vadd.f32 v2, v4;
	v4 =	vld [tilespmem:s4+$0x380]  }
0x18f: {  	s4 =	sor.u32 s28, s3;
	s3 =	sor.u32 s26, s3;
	v7 =	vld [tilespmem:s13+$0x300];
	v3 =	vadd.f32 v8, v3  }
0x190: {  	s5 =	sadd.s32 $0x12A80, s1;
	v2 =	vadd.f32 v9, v2;
	v8 =	vld [tilespmem:s3+$0x0]  }
0x191: {  	s3 =	sor.u32 s28, s5;
	s5 =	sor.u32 s26, s5;
	v9 =	vld [tilespmem:s13+$0x380];
	v3 =	vadd.f32 v5, v3  }
0x192: {  	s6 =	sadd.s32 $0x12B00, s1;
	v2 =	vadd.f32 v6, v2;
	v5 =	vld [tilespmem:s5+$0x0]  }
0x193: {  	s5 =	sor.u32 s26, s6;
	v6 =	vld [tilespmem:s4+$0x0];
	s4 =	sor.u32 s28, s6;
	v3 =	vadd.f32 v4, v3  }
0x194: {  	s6 =	sadd.s32 $0x12B80, s1;
	v2 =	vadd.f32 v7, v2;
	v4 =	vld [tilespmem:s5+$0x0]  }
0x195: {  	s5 =	sor.u32 s26, s6;
	v7 =	vld [tilespmem:s3+$0x0];
	s3 =	sor.u32 s28, s6;
	v3 =	vadd.f32 v8, v3  }
0x196: {  	s6 =	sadd.s32 $0x12C00, s1;
	v2 =	vadd.f32 v9, v2;
	v8 =	vld [tilespmem:s5+$0x0]  }
0x197: {  	s5 =	sor.u32 s26, s6;
	v9 =	vld [tilespmem:s4+$0x0];
	s4 =	sor.u32 s28, s6;
	v3 =	vadd.f32 v5, v3  }
0x198: {  	s6 =	sadd.s32 $0x12C80, s1;
	v5 =	vadd.f32 v6, v2;
	v10 =	vld [tilespmem:s5+$0x0]  }
.Ltmp6:
0x199: {  	s5 =	sor.u32 s28, s6;
	v2 =	vld [tilespmem:s3+$0x0];
	v6 =	vadd.f32 v4, v3;
	s3 =	sor.u32 s26, s6;
	(pc) =	sbr.rel @p1 .LBB2_15-.Ltmp6, $4  }
0x19a: {  	s6 =	sadd.s32 $0x12D00, s1;
	v5 =	vadd.f32 v7, v5;
	v3 =	vld [tilespmem:s3+$0x0]  }
0x19b: {  	s13 =	sor.u32 s28, s6;
	v4 =	vld [tilespmem:s4+$0x0];
	v7 =	vadd.f32 v8, v6;
	s4 =	sor.u32 s26, s6  }
0x19c: {  	s3 =	sadd.s32 $0x12D80, s1;
	v8 =	vadd.f32 v9, v5;
	v5 =	vld [tilespmem:s4+$0x0]  }
0x19d: {  	s30 =	sadd.s32 $0x100, s30;
	s0 =	sadd.s32 $0x20, s0;
	s4 =	sor.u32 s26, s3;
	v6 =	vld [tilespmem:s5+$0x0];
	v7 =	vadd.f32 v10, v7  }
0x19e: {  	v2 =	vadd.f32 v2, v8  }
0x19f: {  	v62 =	vld [tilespmem:s13+$0x0]  }
0x1a0: {  	s0 =	sor.u32 s28, s3;
	v9 =	vld [tilespmem:s4+$0x0];
	v2 =	vadd.f32 v4, v2  }
0x1a1: {  	v3 =	vadd.f32 v3, v7;
	v63 =	vld [tilespmem:s0+$0x0]  }
0x1a2: {  	v2 =	vadd.f32 v6, v2  }
0x1a3: {  	v3 =	vadd.f32 v5, v3  }
0x1a4: {  	v2 =	vadd.f32 v62, v2  }
0x1a5: {  	s30 =	sand.u32 $0x380, s25;
	v3 =	vadd.f32 v9, v3  }
0x1a6: {  	s0 =	sor.u32 s26, s30;
	v2 =	vadd.f32 v63, v2  }
0x1a7: {  	s31 =	sadd.s32 $0x20, s29;
	[tilespmem:s0+$0x13E00] =	vst v3  }
0x1a8: {  	[tilespmem:s31+$0x0] =	vst v2  }
0x1a9: {  	[spmem:s10] =	stream.linear.scatter [tilespmem:s21], [sflag:$0x1], $0x280, $0x38;
	[tilespmem:$0x16C00] =	vst v63  }
0x1aa: {  	_ =	swait.ge [sflag:s12], $0x280  }
0x1ab: {  	[sflag:s12] =	ssyncset.done $0x0  }
0x1ac: {  	[sflag:s12] =	ssyncadd.s32 $0xFFFFFD80  }
0x1ad: {  	[bflag:$0x0] =	sbarrier.arrive $0xFFFF  }
0x1ae: {  	[tilespmem:s14], [sflag:$0x1] =	stream.linear.gather [spmem:s2], $0x2800, $0x38;
	[tilespmem:$0x16C00] =	vst v63  }
0x1af: {  	_ =	swait.ge [sflag:s12], $0x2800  }
0x1b0: {  	[sflag:s12] =	ssyncset.done $0x0  }
0x1b1: {  	s1 =	simm.s32 $0xC620;
	[sflag:s12] =	ssyncadd.s32 $0xFFFFD800  }
0x1b2: {  	[tilespmem:s1+$0xFFFFFFE0] =	vst v1  }
0x1b3: {  	[tilespmem:s1+$0x10] =	vst v1  }
0x1b4: {  	s3 =	simm.s32 $0x0;
	[tilespmem:s1+$0x0] =	vst v1  }
.LBB2_17:
0x1b5: {  	s3 =	sadd.s32 $0x4, s3  }
0x1b6: {  	[tilespmem:s1+$0xFFFFFFF0] =	vst v1;
	s1 =	sadd.s32 $0x40, s1;
	p1 =	slt.u32 s3, $0x27C  }
.Ltmp7:
0x1b7: {  	[tilespmem:s1+$0xFFFFFFE0] =	vst v1;
	(pc) =	sbr.rel @p1 .LBB2_17-.Ltmp7, $3  }
0x1b8: {  	_ =	sdelay $0x1  }
0x1b9: {  	[tilespmem:s1+$0x10] =	vst v1  }
0x1ba: {  	s4 =	simm.s32 $0x40;
	s0 =	simm.s32 $0x4F40;
	[tilespmem:s1+$0x0] =	vst v1  }
0x1bb: {  	[tilespmem:s1+$0xFFFFFFF0] =	vst v1  }
0x1bc: {  	v2 =	vld [tilespmem:s4+$0x30]  }
0x1bd: {  	v3 =	vld [tilespmem:s4+$0xFFFFFFD0]  }
0x1be: {  	v4 =	vld [tilespmem:s4+$0xFFFFFFE0]  }
0x1bf: {  	v5 =	vld [tilespmem:s4+$0xFFFFFFF0]  }
0x1c0: {  	v6 =	vld [tilespmem:s4+$0x0]  }
0x1c1: {  	v7 =	vld [tilespmem:s4+$0x10]  }
0x1c2: {  	v8 =	vld [tilespmem:s0+$0x30]  }
0x1c3: {  	v9 =	vld [tilespmem:s4+$0x20]  }
0x1c4: {  	v10 =	vld [tilespmem:s4+$0xFFFFFFC0]  }
0x1c5: {  	v63 =	vld [tilespmem:s0+$0xFFFFFFC0]  }
0x1c6: {  	v12 =	vld [tilespmem:s0+$0xFFFFFFD0]  }
0x1c7: {  	v13 =	vld [tilespmem:s0+$0xFFFFFFE0]  }
0x1c8: {  	v14 =	vld [tilespmem:s0+$0xFFFFFFF0]  }
0x1c9: {  	v15 =	vld [tilespmem:s0+$0x0]  }
0x1ca: {  	v16 =	vld [tilespmem:s0+$0x10]  }
0x1cb: {  	v2 =	vld.idx.msk [tilespmem:v2+s14+$0x0], $0xffff  }
0x1cc: {  	v11 =	vld.idx.msk [tilespmem:v3+s14+$0x0], $0xffff  }
0x1cd: {  	v4 =	vld.idx.msk [tilespmem:v4+s14+$0x0], $0xffff  }
0x1ce: {  	v5 =	vld.idx.msk [tilespmem:v5+s14+$0x0], $0xffff  }
0x1cf: {  	v6 =	vld.idx.msk [tilespmem:v6+s14+$0x0], $0xffff  }
0x1d0: {  	v62 =	vld.idx.msk [tilespmem:v10+s14+$0x0], $0xffff  }
0x1d1: {  	v7 =	vld.idx.msk [tilespmem:v7+s14+$0x0], $0xffff  }
0x1d2: {  	v3 =	vld [tilespmem:s0+$0x20]  }
0x1d3: {  	[tilespmem:v8+s15+$0x0] =	vst.idx.add.f32.msk $0xffff, v2  }
0x1d4: {  	v2 =	vld.idx.msk [tilespmem:v9+s14+$0x0], $0xffff  }
0x1d5: {  	[tilespmem:v63+s15+$0x0] =	vst.idx.add.f32.msk $0xffff, v62  }
0x1d6: {  	[tilespmem:v12+s15+$0x0] =	vst.idx.add.f32.msk $0xffff, v11  }
0x1d7: {  	[tilespmem:v13+s15+$0x0] =	vst.idx.add.f32.msk $0xffff, v4  }
0x1d8: {  	[tilespmem:v14+s15+$0x0] =	vst.idx.add.f32.msk $0xffff, v5  }
0x1d9: {  	[tilespmem:v15+s15+$0x0] =	vst.idx.add.f32.msk $0xffff, v6  }
0x1da: {  	s1 =	simm.s32 $0x0;
	s25 =	simm.s32 $0xC0;
	[tilespmem:v16+s15+$0x0] =	vst.idx.add.f32.msk $0xffff, v7  }
.LBB2_19:
0x1db: {  	v4 =	vld [tilespmem:s25+$0x30];
	s1 =	sadd.s32 $0x8, s1  }
0x1dc: {  	v5 =	vld [tilespmem:s25+$0xFFFFFFD0];
	p1 =	slt.u32 s1, $0x4E8  }
0x1dd: {  	v6 =	vld [tilespmem:s25+$0xFFFFFFE0]  }
0x1de: {  	v7 =	vld [tilespmem:s25+$0xFFFFFFF0]  }
0x1df: {  	v8 =	vld [tilespmem:s25+$0x0]  }
0x1e0: {  	s0 =	sadd.s32 $0x80, s0;
	v9 =	vld [tilespmem:s25+$0x10]  }
0x1e1: {  	v10 =	vld [tilespmem:s0+$0x30]  }
0x1e2: {  	v11 =	vld [tilespmem:s25+$0x20]  }
0x1e3: {  	v4 =	vld.idx.msk [tilespmem:v4+s14+$0x0], $0xffff  }
0x1e4: {  	v12 =	vld [tilespmem:s25+$0xFFFFFFC0]  }
0x1e5: {  	v5 =	vld.idx.msk [tilespmem:v5+s14+$0x0], $0xffff  }
0x1e6: {  	v6 =	vld.idx.msk [tilespmem:v6+s14+$0x0], $0xffff  }
0x1e7: {  	v7 =	vld.idx.msk [tilespmem:v7+s14+$0x0], $0xffff  }
0x1e8: {  	v8 =	vld.idx.msk [tilespmem:v8+s14+$0x0], $0xffff  }
0x1e9: {  	[tilespmem:v10+s15+$0x0] =	vst.idx.add.f32.msk $0xffff, v4  }
0x1ea: {  	v4 =	vld.idx.msk [tilespmem:v9+s14+$0x0], $0xffff  }
0x1eb: {  	v9 =	vld.idx.msk [tilespmem:v11+s14+$0x0], $0xffff  }
0x1ec: {  	v10 =	vld.idx.msk [tilespmem:v12+s14+$0x0], $0xffff  }
0x1ed: {  	v11 =	vld [tilespmem:s0+$0xFFFFFFC0]  }
0x1ee: {  	v12 =	vld [tilespmem:s0+$0xFFFFFFD0]  }
0x1ef: {  	v13 =	vld [tilespmem:s0+$0xFFFFFFE0]  }
0x1f0: {  	v14 =	vld [tilespmem:s0+$0xFFFFFFF0]  }
0x1f1: {  	v15 =	vld [tilespmem:s0+$0x0]  }
0x1f2: {  	v16 =	vld [tilespmem:s0+$0x10]  }
0x1f3: {  	v17 =	vld [tilespmem:s0+$0x20]  }
0x1f4: {  	[tilespmem:v3+s15+$0x0] =	vst.idx.add.f32.msk $0xffff, v2;
	v2 =	vmov v9  }
0x1f5: {  	[tilespmem:v11+s15+$0x0] =	vst.idx.add.f32.msk $0xffff, v10  }
.Ltmp8:
0x1f6: {  	[tilespmem:v12+s15+$0x0] =	vst.idx.add.f32.msk $0xffff, v5;
	(pc) =	sbr.rel @p1 .LBB2_19-.Ltmp8, $4  }
0x1f7: {  	[tilespmem:v13+s15+$0x0] =	vst.idx.add.f32.msk $0xffff, v6  }
0x1f8: {  	[tilespmem:v14+s15+$0x0] =	vst.idx.add.f32.msk $0xffff, v7;
	v3 =	vmov v17  }
0x1f9: {  	[tilespmem:v15+s15+$0x0] =	vst.idx.add.f32.msk $0xffff, v8  }
0x1fa: {  	s25 =	sadd.s32 $0x80, s25;
	[tilespmem:v16+s15+$0x0] =	vst.idx.add.f32.msk $0xffff, v4  }
0x1fb: {  	_ =	sdelay $0x3  }
0x1fc: {  	[tilespmem:v3+s15+$0x0] =	vst.idx.add.f32.msk $0xffff, v2  }
0x1fd: {  	[spmem:s8] =	stream.strided.scatter [tilespmem:s15], [sflag:$0x1], $0x2800, s17, s16, $0x38;
	[tilespmem:$0x16C00] =	vst v63  }
0x1fe: {  	_ =	swait.ge [sflag:s12], $0x2800  }
0x1ff: {  	[sflag:s12] =	ssyncset.done $0x0  }
0x200: {  	[sflag:s12] =	ssyncadd.s32 $0xFFFFD800  }
0x201: {  	s31 =	simm.s32 $0x0;
	[bflag:$0x0] =	sbarrier.arrive $0xFFFF  }
0x202: {  	[tilespmem:s20], [sflag:$0x1] =	stream.strided.gather [spmem:s9], $0x2800, s19, s18, $0x38;
	[tilespmem:$0x16C00] =	vst v63  }
0x203: {  	s1 =	sand.u32 $0x60, s31;
	s0 =	sand.u32 $0x1C00, s31;
	_ =	swait.ge [sflag:s12], $0x2800  }
0x204: {  	s3 =	sadd.s32 $0x11600, s0;
	s30 =	sor.u32 $0x10, s1;
	[sflag:s12] =	ssyncset.done $0x0  }
0x205: {  	s4 =	sor.u32 s30, s3;
	[sflag:s12] =	ssyncadd.s32 $0xFFFFD800  }
0x206: {  	v2 =	vld [tilespmem:s4+$0x0]  }
0x207: {  	s3 =	sor.u32 s1, s3;
	v3 =	vld [tilespmem:s4+$0x80]  }
0x208: {  	v4 =	vld [tilespmem:s3+$0x0]  }
0x209: {  	v5 =	vld [tilespmem:s4+$0x100]  }
0x20a: {  	v6 =	vld [tilespmem:s3+$0x80]  }
0x20b: {  	v7 =	vld [tilespmem:s4+$0x180]  }
0x20c: {  	v8 =	vld [tilespmem:s3+$0x100]  }
0x20d: {  	v9 =	vld [tilespmem:s4+$0x200]  }
0x20e: {  	v10 =	vld [tilespmem:s3+$0x180]  }
0x20f: {  	v11 =	vld [tilespmem:s4+$0x280]  }
0x210: {  	v12 =	vld [tilespmem:s3+$0x200]  }
0x211: {  	v13 =	vld [tilespmem:s4+$0x300]  }
0x212: {  	v14 =	vld [tilespmem:s3+$0x280]  }
0x213: {  	s5 =	sadd.s32 $0x12A00, s0;
	v15 =	vld [tilespmem:s4+$0x380]  }
0x214: {  	s26 =	sor.u32 s30, s5;
	v16 =	vld [tilespmem:s3+$0x300]  }
0x215: {  	v17 =	vld [tilespmem:s26+$0x0]  }
0x216: {  	s13 =	sor.u32 s1, s5;
	s5 =	sadd.s32 $0x12B00, s0;
	v18 =	vld [tilespmem:s3+$0x380]  }
0x217: {  	s6 =	sadd.s32 $0x12A80, s0;
	s25 =	sor.u32 s30, s5;
	v20 =	vld [tilespmem:s13+$0x0]  }
0x218: {  	s4 =	sor.u32 s30, s6;
	v21 =	vld [tilespmem:s25+$0x0]  }
0x219: {  	s26 =	sor.u32 s1, s6;
	v19 =	vld [tilespmem:s4+$0x0]  }
0x21a: {  	s6 =	sadd.s32 $0x12B80, s0;
	s25 =	sor.u32 s1, s5;
	v22 =	vld [tilespmem:s26+$0x0]  }
0x21b: {  	s13 =	sor.u32 s30, s6;
	s26 =	sadd.s32 $0x12C00, s0;
	v24 =	vld [tilespmem:s25+$0x0]  }
0x21c: {  	v23 =	vld [tilespmem:s13+$0x0];
	s4 =	sor.u32 s30, s26  }
0x21d: {  	s13 =	sor.u32 s1, s6;
	v25 =	vld [tilespmem:s4+$0x0]  }
0x21e: {  	s6 =	sadd.s32 $0x12C80, s0;
	s26 =	sor.u32 s1, s26;
	v26 =	vld [tilespmem:s13+$0x0]  }
0x21f: {  	s5 =	sadd.s32 $0x12D00, s0;
	s25 =	sor.u32 s30, s6;
	v28 =	vld [tilespmem:s26+$0x0]  }
0x220: {  	s13 =	sor.u32 s30, s5;
	v27 =	vld [tilespmem:s25+$0x0]  }
0x221: {  	s4 =	simm.s32 $0x100;
	s25 =	sor.u32 s1, s6;
	v29 =	vld [tilespmem:s13+$0x0]  }
0x222: {  	s6 =	sadd.s32 $0x12D80, s0;
	s13 =	sor.u32 s1, s5;
	v30 =	vld [tilespmem:s25+$0x0];
	s25 =	simm.s32 $0x20;
	v2 =	vadd.f32 v3, v2  }
0x223: {  	s0 =	sand.u32 $0x1C00, s4;
	s26 =	sor.u32 s30, s6;
	v3 =	vadd.f32 v6, v4;
	v6 =	vld [tilespmem:s13+$0x0];
	s28 =	sand.u32 $0x60, s25  }
0x224: {  	s1 =	sor.u32 s1, s6;
	s5 =	sadd.s32 $0x11600, s0;
	v4 =	vld [tilespmem:s26+$0x0];
	s26 =	sor.u32 $0x10, s28;
	v2 =	vadd.f32 v5, v2  }
0x225: {  	v3 =	vadd.f32 v8, v3;
	v5 =	vld [tilespmem:s1+$0x0];
	s6 =	sor.u32 s26, s5  }
0x226: {  	v8 =	vld [tilespmem:s6+$0x0];
	v2 =	vadd.f32 v7, v2  }
0x227: {  	s13 =	sor.u32 s28, s5;
	v3 =	vadd.f32 v10, v3;
	v7 =	vld [tilespmem:s6+$0x80]  }
0x228: {  	v53 =	vld [tilespmem:s13+$0x80];
	v2 =	vadd.f32 v9, v2  }
0x229: {  	v3 =	vadd.f32 v12, v3;
	v9 =	vld [tilespmem:s6+$0x100]  }
0x22a: {  	v10 =	vld [tilespmem:s13+$0x0];
	v2 =	vadd.f32 v11, v2  }
0x22b: {  	v3 =	vadd.f32 v14, v3;
	v11 =	vld [tilespmem:s6+$0x180]  }
0x22c: {  	v7 =	vadd.f32 v7, v8;
	v8 =	vld [tilespmem:s13+$0x100];
	v2 =	vadd.f32 v13, v2  }
0x22d: {  	v54 =	vld [tilespmem:s6+$0x200];
	v3 =	vadd.f32 v16, v3  }
0x22e: {  	v7 =	vadd.f32 v9, v7;
	v9 =	vld [tilespmem:s13+$0x180];
	v2 =	vadd.f32 v15, v2  }
0x22f: {  	v55 =	vld [tilespmem:s6+$0x280];
	v10 =	vadd.f32 v53, v10;
	v3 =	vadd.f32 v18, v3  }
0x230: {  	v7 =	vadd.f32 v11, v7;
	v11 =	vld [tilespmem:s13+$0x200];
	v2 =	vadd.f32 v17, v2  }
0x231: {  	v56 =	vld [tilespmem:s6+$0x300];
	v3 =	vadd.f32 v20, v3;
	v8 =	vadd.f32 v8, v10  }
0x232: {  	v10 =	vld [tilespmem:s13+$0x280];
	v7 =	vadd.f32 v54, v7;
	v2 =	vadd.f32 v19, v2  }
0x233: {  	s3 =	sadd.s32 $0x12A00, s0;
	v57 =	vld [tilespmem:s6+$0x380];
	v3 =	vadd.f32 v22, v3;
	v8 =	vadd.f32 v9, v8  }
0x234: {  	s6 =	sor.u32 s26, s3;
	v9 =	vld [tilespmem:s13+$0x300];
	v7 =	vadd.f32 v55, v7;
	v2 =	vadd.f32 v21, v2  }
0x235: {  	s5 =	sadd.s32 $0x12A80, s0;
	v58 =	vld [tilespmem:s6+$0x0];
	v3 =	vadd.f32 v24, v3;
	v8 =	vadd.f32 v11, v8  }
0x236: {  	v11 =	vld [tilespmem:s13+$0x380];
	s13 =	sor.u32 s26, s5;
	v7 =	vadd.f32 v56, v7;
	v2 =	vadd.f32 v23, v2  }
0x237: {  	s4 =	sadd.s32 $0x12B00, s0;
	s3 =	sor.u32 s28, s3;
	v59 =	vld [tilespmem:s13+$0x0];
	v3 =	vadd.f32 v26, v3;
	v8 =	vadd.f32 v10, v8  }
0x238: {  	s6 =	sor.u32 s26, s4;
	v10 =	vld [tilespmem:s3+$0x0];
	v7 =	vadd.f32 v57, v7;
	v2 =	vadd.f32 v25, v2  }
0x239: {  	v60 =	vld [tilespmem:s6+$0x0];
	s13 =	sor.u32 s28, s5;
	s5 =	sadd.s32 $0x12B80, s0;
	v3 =	vadd.f32 v28, v3;
	v8 =	vadd.f32 v9, v8  }
0x23a: {  	s6 =	sor.u32 s26, s5;
	v9 =	vld [tilespmem:s13+$0x0];
	v7 =	vadd.f32 v58, v7;
	v2 =	vadd.f32 v27, v2  }
0x23b: {  	v61 =	vld [tilespmem:s6+$0x0];
	s13 =	sor.u32 s28, s4;
	s4 =	sadd.s32 $0x12C00, s0;
	v3 =	vadd.f32 v30, v3;
	v8 =	vadd.f32 v11, v8  }
0x23c: {  	s6 =	sor.u32 s26, s4;
	v11 =	vld [tilespmem:s13+$0x0];
	v7 =	vadd.f32 v59, v7;
	v62 =	vadd.f32 v29, v2  }
0x23d: {  	s13 =	sor.u32 s28, s5;
	s5 =	sadd.s32 $0x12C80, s0;
	v63 =	vld [tilespmem:s6+$0x0];
	v3 =	vadd.f32 v6, v3;
	v6 =	vadd.f32 v10, v8  }
0x23e: {  	s29 =	simm.s32 $0x13E00;
	s3 =	sor.u32 s26, s5;
	v2 =	vld [tilespmem:s13+$0x0];
	v7 =	vadd.f32 v60, v7;
	v8 =	vadd.f32 v4, v62  }
0x23f: {  	s4 =	sor.u32 s28, s4;
	s6 =	sand.u32 $0x380, s31;
	s13 =	sadd.s32 $0x12D00, s0;
	v10 =	vadd.f32 v5, v3;
	v3 =	vld [tilespmem:s3+$0x0];
	v6 =	vadd.f32 v9, v6  }
0x240: {  	s31 =	simm.s32 $0x2;
	s3 =	sor.u32 s30, s6;
	v4 =	vld [tilespmem:s4+$0x0];
	s4 =	sor.u32 s26, s13;
	v7 =	vadd.f32 v61, v7  }
0x241: {  	s5 =	sor.u32 s28, s5;
	s13 =	sor.u32 s28, s13;
	v5 =	vld [tilespmem:s4+$0x0];
	[tilespmem:s3+$0x13E00] =	vst v8;
	s3 =	sadd.s32 $0x12D80, s0;
	v8 =	vadd.f32 v11, v6  }
0x242: {  	s30 =	simm.s32 $0x200;
	[tilespmem:s29+$0x0] =	vst v10;
	v6 =	vld [tilespmem:s5+$0x0];
	s0 =	simm.s32 $0x40;
	v7 =	vadd.f32 v63, v7;
	s4 =	sor.u32 s26, s3  }
.LBB2_21:
0x243: {  	s1 =	sand.u32 $0x1C00, s30;
	v2 =	vadd.f32 v2, v8;
	s3 =	sor.u32 s28, s3;
	s28 =	sand.u32 $0x60, s0;
	v8 =	vld [tilespmem:s4+$0x0]  }
0x244: {  	s31 =	sadd.s32 $0x2, s31;
	s4 =	sadd.s32 $0x11600, s1;
	s5 =	sor.u32 $0x10, s28;
	v9 =	vld [tilespmem:s13+$0x0];
	v3 =	vadd.f32 v3, v7  }
0x245: {  	p1 =	slt.u32 s31, $0x26;
	s13 =	sor.u32 s28, s4;
	s4 =	sor.u32 s5, s4;
	v2 =	vadd.f32 v4, v2;
	v4 =	vld [tilespmem:s3+$0x0]  }
0x246: {  	v7 =	vld [tilespmem:s4+$0x0];
	v3 =	vadd.f32 v5, v3  }
0x247: {  	v5 =	vld [tilespmem:s4+$0x80];
	v2 =	vadd.f32 v6, v2  }
0x248: {  	s3 =	sand.u32 $0x380, s25;
	s25 =	smov.u32 s0;
	v6 =	vld [tilespmem:s13+$0x0];
	v3 =	vadd.f32 v8, v3  }
0x249: {  	s3 =	sor.u32 s26, s3;
	s26 =	smov.u32 s5;
	v8 =	vld [tilespmem:s4+$0x100];
	v2 =	vadd.f32 v9, v2  }
0x24a: {  	v9 =	vld [tilespmem:s13+$0x80];
	[tilespmem:s3+$0x13E00] =	vst v3  }
0x24b: {  	v3 =	vld [tilespmem:s4+$0x180];
	v2 =	vadd.f32 v4, v2  }
0x24c: {  	s29 =	sadd.s32 $0x20, s29;
	v4 =	vld [tilespmem:s13+$0x100];
	v5 =	vadd.f32 v5, v7  }
0x24d: {  	v7 =	vld [tilespmem:s4+$0x200];
	[tilespmem:s29+$0x0] =	vst v2  }
0x24e: {  	v2 =	vld [tilespmem:s13+$0x180];
	v5 =	vadd.f32 v8, v5  }
0x24f: {  	v6 =	vadd.f32 v9, v6;
	v8 =	vld [tilespmem:s4+$0x280]  }
0x250: {  	v9 =	vld [tilespmem:s13+$0x200];
	v3 =	vadd.f32 v3, v5  }
0x251: {  	v4 =	vadd.f32 v4, v6;
	v5 =	vld [tilespmem:s4+$0x300]  }
0x252: {  	v6 =	vld [tilespmem:s13+$0x280];
	v3 =	vadd.f32 v7, v3  }
0x253: {  	s3 =	sadd.s32 $0x12A00, s1;
	v2 =	vadd.f32 v2, v4;
	v4 =	vld [tilespmem:s4+$0x380]  }
0x254: {  	s4 =	sor.u32 s28, s3;
	s3 =	sor.u32 s26, s3;
	v7 =	vld [tilespmem:s13+$0x300];
	v3 =	vadd.f32 v8, v3  }
0x255: {  	s5 =	sadd.s32 $0x12A80, s1;
	v2 =	vadd.f32 v9, v2;
	v8 =	vld [tilespmem:s3+$0x0]  }
0x256: {  	s3 =	sor.u32 s28, s5;
	s5 =	sor.u32 s26, s5;
	v9 =	vld [tilespmem:s13+$0x380];
	v3 =	vadd.f32 v5, v3  }
0x257: {  	s6 =	sadd.s32 $0x12B00, s1;
	v2 =	vadd.f32 v6, v2;
	v5 =	vld [tilespmem:s5+$0x0]  }
0x258: {  	s5 =	sor.u32 s26, s6;
	v6 =	vld [tilespmem:s4+$0x0];
	s4 =	sor.u32 s28, s6;
	v3 =	vadd.f32 v4, v3  }
0x259: {  	s6 =	sadd.s32 $0x12B80, s1;
	v2 =	vadd.f32 v7, v2;
	v4 =	vld [tilespmem:s5+$0x0]  }
0x25a: {  	s5 =	sor.u32 s26, s6;
	v7 =	vld [tilespmem:s3+$0x0];
	s3 =	sor.u32 s28, s6;
	v3 =	vadd.f32 v8, v3  }
0x25b: {  	s6 =	sadd.s32 $0x12C00, s1;
	v2 =	vadd.f32 v9, v2;
	v8 =	vld [tilespmem:s5+$0x0]  }
0x25c: {  	s5 =	sor.u32 s26, s6;
	v9 =	vld [tilespmem:s4+$0x0];
	s4 =	sor.u32 s28, s6;
	v3 =	vadd.f32 v5, v3  }
0x25d: {  	s6 =	sadd.s32 $0x12C80, s1;
	v5 =	vadd.f32 v6, v2;
	v10 =	vld [tilespmem:s5+$0x0]  }
.Ltmp9:
0x25e: {  	s5 =	sor.u32 s28, s6;
	v2 =	vld [tilespmem:s3+$0x0];
	v6 =	vadd.f32 v4, v3;
	s3 =	sor.u32 s26, s6;
	(pc) =	sbr.rel @p1 .LBB2_21-.Ltmp9, $4  }
0x25f: {  	s6 =	sadd.s32 $0x12D00, s1;
	v5 =	vadd.f32 v7, v5;
	v3 =	vld [tilespmem:s3+$0x0]  }
0x260: {  	s13 =	sor.u32 s28, s6;
	v4 =	vld [tilespmem:s4+$0x0];
	v7 =	vadd.f32 v8, v6;
	s4 =	sor.u32 s26, s6  }
0x261: {  	s3 =	sadd.s32 $0x12D80, s1;
	v8 =	vadd.f32 v9, v5;
	v5 =	vld [tilespmem:s4+$0x0]  }
0x262: {  	s30 =	sadd.s32 $0x100, s30;
	s0 =	sadd.s32 $0x20, s0;
	s4 =	sor.u32 s26, s3;
	v6 =	vld [tilespmem:s5+$0x0];
	v7 =	vadd.f32 v10, v7  }
0x263: {  	v2 =	vadd.f32 v2, v8  }
0x264: {  	v62 =	vld [tilespmem:s13+$0x0]  }
0x265: {  	s0 =	sor.u32 s28, s3;
	v9 =	vld [tilespmem:s4+$0x0];
	v2 =	vadd.f32 v4, v2  }
0x266: {  	v3 =	vadd.f32 v3, v7;
	v63 =	vld [tilespmem:s0+$0x0]  }
0x267: {  	v2 =	vadd.f32 v6, v2  }
0x268: {  	v3 =	vadd.f32 v5, v3  }
0x269: {  	v2 =	vadd.f32 v62, v2  }
0x26a: {  	s30 =	sand.u32 $0x380, s25;
	v3 =	vadd.f32 v9, v3  }
0x26b: {  	s0 =	sor.u32 s26, s30;
	v2 =	vadd.f32 v63, v2  }
0x26c: {  	s31 =	sadd.s32 $0x20, s29;
	[tilespmem:s0+$0x13E00] =	vst v3  }
0x26d: {  	[tilespmem:s31+$0x0] =	vst v2  }
0x26e: {  	[spmem:s10] =	stream.linear.scatter [tilespmem:s21], [sflag:$0x1], $0x280, $0x38;
	[tilespmem:$0x16C00] =	vst v63  }
0x26f: {  	_ =	swait.ge [sflag:s12], $0x280  }
0x270: {  	[sflag:s12] =	ssyncset.done $0x0  }
0x271: {  	[sflag:s12] =	ssyncadd.s32 $0xFFFFFD80  }
0x272: {  	[bflag:$0x0] =	sbarrier.arrive $0xFFFF  }
0x273: {  	[tilespmem:s22], [sflag:$0x1] =	stream.linear.gather [spmem:s2], $0x2800, $0x38;
	[tilespmem:$0x16C00] =	vst v63  }
0x274: {  	_ =	swait.ge [sflag:s12], $0x2800  }
0x275: {  	[sflag:s12] =	ssyncset.done $0x0  }
0x276: {  	s1 =	simm.s32 $0xC620;
	[sflag:s12] =	ssyncadd.s32 $0xFFFFD800  }
0x277: {  	[tilespmem:s1+$0xFFFFFFE0] =	vst v1  }
0x278: {  	[tilespmem:s1+$0x10] =	vst v1  }
0x279: {  	s3 =	simm.s32 $0x0;
	[tilespmem:s1+$0x0] =	vst v1  }
.LBB2_23:
0x27a: {  	s3 =	sadd.s32 $0x4, s3  }
0x27b: {  	[tilespmem:s1+$0xFFFFFFF0] =	vst v1;
	s1 =	sadd.s32 $0x40, s1;
	p1 =	slt.u32 s3, $0x27C  }
.Ltmp10:
0x27c: {  	[tilespmem:s1+$0xFFFFFFE0] =	vst v1;
	(pc) =	sbr.rel @p1 .LBB2_23-.Ltmp10, $3  }
0x27d: {  	_ =	sdelay $0x1  }
0x27e: {  	[tilespmem:s1+$0x10] =	vst v1  }
0x27f: {  	s4 =	simm.s32 $0x40;
	s0 =	simm.s32 $0x4F40;
	[tilespmem:s1+$0x0] =	vst v1  }
0x280: {  	[tilespmem:s1+$0xFFFFFFF0] =	vst v1  }
0x281: {  	v2 =	vld [tilespmem:s4+$0x30]  }
0x282: {  	v3 =	vld [tilespmem:s4+$0xFFFFFFD0]  }
0x283: {  	v4 =	vld [tilespmem:s4+$0xFFFFFFE0]  }
0x284: {  	v5 =	vld [tilespmem:s4+$0xFFFFFFF0]  }
0x285: {  	v6 =	vld [tilespmem:s4+$0x0]  }
0x286: {  	v7 =	vld [tilespmem:s4+$0x10]  }
0x287: {  	v8 =	vld [tilespmem:s0+$0x30]  }
0x288: {  	v9 =	vld [tilespmem:s4+$0x20]  }
0x289: {  	v10 =	vld [tilespmem:s4+$0xFFFFFFC0]  }
0x28a: {  	v63 =	vld [tilespmem:s0+$0xFFFFFFC0]  }
0x28b: {  	v12 =	vld [tilespmem:s0+$0xFFFFFFD0]  }
0x28c: {  	v13 =	vld [tilespmem:s0+$0xFFFFFFE0]  }
0x28d: {  	v14 =	vld [tilespmem:s0+$0xFFFFFFF0]  }
0x28e: {  	v15 =	vld [tilespmem:s0+$0x0]  }
0x28f: {  	v16 =	vld [tilespmem:s0+$0x10]  }
0x290: {  	v2 =	vld.idx.msk [tilespmem:v2+s22+$0x0], $0xffff  }
0x291: {  	v11 =	vld.idx.msk [tilespmem:v3+s22+$0x0], $0xffff  }
0x292: {  	v4 =	vld.idx.msk [tilespmem:v4+s22+$0x0], $0xffff  }
0x293: {  	v5 =	vld.idx.msk [tilespmem:v5+s22+$0x0], $0xffff  }
0x294: {  	v6 =	vld.idx.msk [tilespmem:v6+s22+$0x0], $0xffff  }
0x295: {  	v62 =	vld.idx.msk [tilespmem:v10+s22+$0x0], $0xffff  }
0x296: {  	v7 =	vld.idx.msk [tilespmem:v7+s22+$0x0], $0xffff  }
0x297: {  	v3 =	vld [tilespmem:s0+$0x20]  }
0x298: {  	[tilespmem:v8+s15+$0x0] =	vst.idx.add.f32.msk $0xffff, v2  }
0x299: {  	v2 =	vld.idx.msk [tilespmem:v9+s22+$0x0], $0xffff  }
0x29a: {  	[tilespmem:v63+s15+$0x0] =	vst.idx.add.f32.msk $0xffff, v62  }
0x29b: {  	[tilespmem:v12+s15+$0x0] =	vst.idx.add.f32.msk $0xffff, v11  }
0x29c: {  	[tilespmem:v13+s15+$0x0] =	vst.idx.add.f32.msk $0xffff, v4  }
0x29d: {  	[tilespmem:v14+s15+$0x0] =	vst.idx.add.f32.msk $0xffff, v5  }
0x29e: {  	[tilespmem:v15+s15+$0x0] =	vst.idx.add.f32.msk $0xffff, v6  }
0x29f: {  	s1 =	simm.s32 $0x0;
	s25 =	simm.s32 $0xC0;
	[tilespmem:v16+s15+$0x0] =	vst.idx.add.f32.msk $0xffff, v7  }
.LBB2_25:
0x2a0: {  	v4 =	vld [tilespmem:s25+$0x30];
	s1 =	sadd.s32 $0x8, s1  }
0x2a1: {  	v5 =	vld [tilespmem:s25+$0xFFFFFFD0];
	p1 =	slt.u32 s1, $0x4E8  }
0x2a2: {  	v6 =	vld [tilespmem:s25+$0xFFFFFFE0]  }
0x2a3: {  	v7 =	vld [tilespmem:s25+$0xFFFFFFF0]  }
0x2a4: {  	v8 =	vld [tilespmem:s25+$0x0]  }
0x2a5: {  	s0 =	sadd.s32 $0x80, s0;
	v9 =	vld [tilespmem:s25+$0x10]  }
0x2a6: {  	v10 =	vld [tilespmem:s0+$0x30]  }
0x2a7: {  	v11 =	vld [tilespmem:s25+$0x20]  }
0x2a8: {  	v4 =	vld.idx.msk [tilespmem:v4+s22+$0x0], $0xffff  }
0x2a9: {  	v12 =	vld [tilespmem:s25+$0xFFFFFFC0]  }
0x2aa: {  	v5 =	vld.idx.msk [tilespmem:v5+s22+$0x0], $0xffff  }
0x2ab: {  	v6 =	vld.idx.msk [tilespmem:v6+s22+$0x0], $0xffff  }
0x2ac: {  	v7 =	vld.idx.msk [tilespmem:v7+s22+$0x0], $0xffff  }
0x2ad: {  	v8 =	vld.idx.msk [tilespmem:v8+s22+$0x0], $0xffff  }
0x2ae: {  	[tilespmem:v10+s15+$0x0] =	vst.idx.add.f32.msk $0xffff, v4  }
0x2af: {  	v4 =	vld.idx.msk [tilespmem:v9+s22+$0x0], $0xffff  }
0x2b0: {  	v9 =	vld.idx.msk [tilespmem:v11+s22+$0x0], $0xffff  }
0x2b1: {  	v10 =	vld.idx.msk [tilespmem:v12+s22+$0x0], $0xffff  }
0x2b2: {  	v11 =	vld [tilespmem:s0+$0xFFFFFFC0]  }
0x2b3: {  	v12 =	vld [tilespmem:s0+$0xFFFFFFD0]  }
0x2b4: {  	v13 =	vld [tilespmem:s0+$0xFFFFFFE0]  }
0x2b5: {  	v14 =	vld [tilespmem:s0+$0xFFFFFFF0]  }
0x2b6: {  	v15 =	vld [tilespmem:s0+$0x0]  }
0x2b7: {  	v16 =	vld [tilespmem:s0+$0x10]  }
0x2b8: {  	v17 =	vld [tilespmem:s0+$0x20]  }
0x2b9: {  	[tilespmem:v3+s15+$0x0] =	vst.idx.add.f32.msk $0xffff, v2;
	v2 =	vmov v9  }
0x2ba: {  	[tilespmem:v11+s15+$0x0] =	vst.idx.add.f32.msk $0xffff, v10  }
.Ltmp11:
0x2bb: {  	[tilespmem:v12+s15+$0x0] =	vst.idx.add.f32.msk $0xffff, v5;
	(pc) =	sbr.rel @p1 .LBB2_25-.Ltmp11, $4  }
0x2bc: {  	[tilespmem:v13+s15+$0x0] =	vst.idx.add.f32.msk $0xffff, v6  }
0x2bd: {  	[tilespmem:v14+s15+$0x0] =	vst.idx.add.f32.msk $0xffff, v7;
	v3 =	vmov v17  }
0x2be: {  	[tilespmem:v15+s15+$0x0] =	vst.idx.add.f32.msk $0xffff, v8  }
0x2bf: {  	s25 =	sadd.s32 $0x80, s25;
	[tilespmem:v16+s15+$0x0] =	vst.idx.add.f32.msk $0xffff, v4  }
0x2c0: {  	_ =	sdelay $0x3  }
0x2c1: {  	[tilespmem:v3+s15+$0x0] =	vst.idx.add.f32.msk $0xffff, v2  }
0x2c2: {  	[spmem:s8] =	stream.strided.scatter [tilespmem:s15], [sflag:$0x1], $0x2800, s17, s16, $0x38;
	[tilespmem:$0x16C00] =	vst v63  }
0x2c3: {  	_ =	swait.ge [sflag:s12], $0x2800  }
0x2c4: {  	[sflag:s12] =	ssyncset.done $0x0  }
0x2c5: {  	[sflag:s12] =	ssyncadd.s32 $0xFFFFD800  }
0x2c6: {  	s31 =	simm.s32 $0x0;
	[bflag:$0x0] =	sbarrier.arrive $0xFFFF  }
0x2c7: {  	[tilespmem:s20], [sflag:$0x1] =	stream.strided.gather [spmem:s9], $0x2800, s19, s18, $0x38;
	[tilespmem:$0x16C00] =	vst v63  }
0x2c8: {  	s1 =	sand.u32 $0x60, s31;
	s0 =	sand.u32 $0x1C00, s31;
	_ =	swait.ge [sflag:s12], $0x2800  }
0x2c9: {  	s3 =	sadd.s32 $0x11600, s0;
	s30 =	sor.u32 $0x10, s1;
	[sflag:s12] =	ssyncset.done $0x0  }
0x2ca: {  	s4 =	sor.u32 s30, s3;
	[sflag:s12] =	ssyncadd.s32 $0xFFFFD800  }
0x2cb: {  	v2 =	vld [tilespmem:s4+$0x0]  }
0x2cc: {  	s3 =	sor.u32 s1, s3;
	v3 =	vld [tilespmem:s4+$0x80]  }
0x2cd: {  	v4 =	vld [tilespmem:s3+$0x0]  }
0x2ce: {  	v5 =	vld [tilespmem:s4+$0x100]  }
0x2cf: {  	v6 =	vld [tilespmem:s3+$0x80]  }
0x2d0: {  	v7 =	vld [tilespmem:s4+$0x180]  }
0x2d1: {  	v8 =	vld [tilespmem:s3+$0x100]  }
0x2d2: {  	v9 =	vld [tilespmem:s4+$0x200]  }
0x2d3: {  	v10 =	vld [tilespmem:s3+$0x180]  }
0x2d4: {  	v11 =	vld [tilespmem:s4+$0x280]  }
0x2d5: {  	v12 =	vld [tilespmem:s3+$0x200]  }
0x2d6: {  	v13 =	vld [tilespmem:s4+$0x300]  }
0x2d7: {  	v14 =	vld [tilespmem:s3+$0x280]  }
0x2d8: {  	s5 =	sadd.s32 $0x12A00, s0;
	v15 =	vld [tilespmem:s4+$0x380]  }
0x2d9: {  	s26 =	sor.u32 s30, s5;
	v16 =	vld [tilespmem:s3+$0x300]  }
0x2da: {  	v17 =	vld [tilespmem:s26+$0x0]  }
0x2db: {  	s13 =	sor.u32 s1, s5;
	s5 =	sadd.s32 $0x12B00, s0;
	v18 =	vld [tilespmem:s3+$0x380]  }
0x2dc: {  	s6 =	sadd.s32 $0x12A80, s0;
	s25 =	sor.u32 s30, s5;
	v20 =	vld [tilespmem:s13+$0x0]  }
0x2dd: {  	s4 =	sor.u32 s30, s6;
	v21 =	vld [tilespmem:s25+$0x0]  }
0x2de: {  	s26 =	sor.u32 s1, s6;
	v19 =	vld [tilespmem:s4+$0x0]  }
0x2df: {  	s6 =	sadd.s32 $0x12B80, s0;
	s25 =	sor.u32 s1, s5;
	v22 =	vld [tilespmem:s26+$0x0]  }
0x2e0: {  	s13 =	sor.u32 s30, s6;
	s26 =	sadd.s32 $0x12C00, s0;
	v24 =	vld [tilespmem:s25+$0x0]  }
0x2e1: {  	v23 =	vld [tilespmem:s13+$0x0];
	s4 =	sor.u32 s30, s26  }
0x2e2: {  	s13 =	sor.u32 s1, s6;
	v25 =	vld [tilespmem:s4+$0x0]  }
0x2e3: {  	s6 =	sadd.s32 $0x12C80, s0;
	s26 =	sor.u32 s1, s26;
	v26 =	vld [tilespmem:s13+$0x0]  }
0x2e4: {  	s5 =	sadd.s32 $0x12D00, s0;
	s25 =	sor.u32 s30, s6;
	v28 =	vld [tilespmem:s26+$0x0]  }
0x2e5: {  	s13 =	sor.u32 s30, s5;
	v27 =	vld [tilespmem:s25+$0x0]  }
0x2e6: {  	s4 =	simm.s32 $0x100;
	s25 =	sor.u32 s1, s6;
	v29 =	vld [tilespmem:s13+$0x0]  }
0x2e7: {  	s6 =	sadd.s32 $0x12D80, s0;
	s13 =	sor.u32 s1, s5;
	v30 =	vld [tilespmem:s25+$0x0];
	s25 =	simm.s32 $0x20;
	v2 =	vadd.f32 v3, v2  }
0x2e8: {  	s0 =	sand.u32 $0x1C00, s4;
	s26 =	sor.u32 s30, s6;
	v3 =	vadd.f32 v6, v4;
	v6 =	vld [tilespmem:s13+$0x0];
	s28 =	sand.u32 $0x60, s25  }
0x2e9: {  	s1 =	sor.u32 s1, s6;
	s5 =	sadd.s32 $0x11600, s0;
	v4 =	vld [tilespmem:s26+$0x0];
	s26 =	sor.u32 $0x10, s28;
	v2 =	vadd.f32 v5, v2  }
0x2ea: {  	v3 =	vadd.f32 v8, v3;
	v5 =	vld [tilespmem:s1+$0x0];
	s6 =	sor.u32 s26, s5  }
0x2eb: {  	v8 =	vld [tilespmem:s6+$0x0];
	v2 =	vadd.f32 v7, v2  }
0x2ec: {  	s13 =	sor.u32 s28, s5;
	v3 =	vadd.f32 v10, v3;
	v7 =	vld [tilespmem:s6+$0x80]  }
0x2ed: {  	v53 =	vld [tilespmem:s13+$0x80];
	v2 =	vadd.f32 v9, v2  }
0x2ee: {  	v3 =	vadd.f32 v12, v3;
	v9 =	vld [tilespmem:s6+$0x100]  }
0x2ef: {  	v10 =	vld [tilespmem:s13+$0x0];
	v2 =	vadd.f32 v11, v2  }
0x2f0: {  	v3 =	vadd.f32 v14, v3;
	v11 =	vld [tilespmem:s6+$0x180]  }
0x2f1: {  	v7 =	vadd.f32 v7, v8;
	v8 =	vld [tilespmem:s13+$0x100];
	v2 =	vadd.f32 v13, v2  }
0x2f2: {  	v54 =	vld [tilespmem:s6+$0x200];
	v3 =	vadd.f32 v16, v3  }
0x2f3: {  	v7 =	vadd.f32 v9, v7;
	v9 =	vld [tilespmem:s13+$0x180];
	v2 =	vadd.f32 v15, v2  }
0x2f4: {  	v55 =	vld [tilespmem:s6+$0x280];
	v10 =	vadd.f32 v53, v10;
	v3 =	vadd.f32 v18, v3  }
0x2f5: {  	v7 =	vadd.f32 v11, v7;
	v11 =	vld [tilespmem:s13+$0x200];
	v2 =	vadd.f32 v17, v2  }
0x2f6: {  	v56 =	vld [tilespmem:s6+$0x300];
	v3 =	vadd.f32 v20, v3;
	v8 =	vadd.f32 v8, v10  }
0x2f7: {  	v10 =	vld [tilespmem:s13+$0x280];
	v7 =	vadd.f32 v54, v7;
	v2 =	vadd.f32 v19, v2  }
0x2f8: {  	s3 =	sadd.s32 $0x12A00, s0;
	v57 =	vld [tilespmem:s6+$0x380];
	v3 =	vadd.f32 v22, v3;
	v8 =	vadd.f32 v9, v8  }
0x2f9: {  	s6 =	sor.u32 s26, s3;
	v9 =	vld [tilespmem:s13+$0x300];
	v7 =	vadd.f32 v55, v7;
	v2 =	vadd.f32 v21, v2  }
0x2fa: {  	s5 =	sadd.s32 $0x12A80, s0;
	v58 =	vld [tilespmem:s6+$0x0];
	v3 =	vadd.f32 v24, v3;
	v8 =	vadd.f32 v11, v8  }
0x2fb: {  	v11 =	vld [tilespmem:s13+$0x380];
	s13 =	sor.u32 s26, s5;
	v7 =	vadd.f32 v56, v7;
	v2 =	vadd.f32 v23, v2  }
0x2fc: {  	s4 =	sadd.s32 $0x12B00, s0;
	s3 =	sor.u32 s28, s3;
	v59 =	vld [tilespmem:s13+$0x0];
	v3 =	vadd.f32 v26, v3;
	v8 =	vadd.f32 v10, v8  }
0x2fd: {  	s6 =	sor.u32 s26, s4;
	v10 =	vld [tilespmem:s3+$0x0];
	v7 =	vadd.f32 v57, v7;
	v2 =	vadd.f32 v25, v2  }
0x2fe: {  	v60 =	vld [tilespmem:s6+$0x0];
	s13 =	sor.u32 s28, s5;
	s5 =	sadd.s32 $0x12B80, s0;
	v3 =	vadd.f32 v28, v3;
	v8 =	vadd.f32 v9, v8  }
0x2ff: {  	s6 =	sor.u32 s26, s5;
	v9 =	vld [tilespmem:s13+$0x0];
	v7 =	vadd.f32 v58, v7;
	v2 =	vadd.f32 v27, v2  }
0x300: {  	v61 =	vld [tilespmem:s6+$0x0];
	s13 =	sor.u32 s28, s4;
	s4 =	sadd.s32 $0x12C00, s0;
	v3 =	vadd.f32 v30, v3;
	v8 =	vadd.f32 v11, v8  }
0x301: {  	s6 =	sor.u32 s26, s4;
	v11 =	vld [tilespmem:s13+$0x0];
	v7 =	vadd.f32 v59, v7;
	v62 =	vadd.f32 v29, v2  }
0x302: {  	s13 =	sor.u32 s28, s5;
	s5 =	sadd.s32 $0x12C80, s0;
	v63 =	vld [tilespmem:s6+$0x0];
	v3 =	vadd.f32 v6, v3;
	v6 =	vadd.f32 v10, v8  }
0x303: {  	s29 =	simm.s32 $0x13E00;
	s3 =	sor.u32 s26, s5;
	v2 =	vld [tilespmem:s13+$0x0];
	v7 =	vadd.f32 v60, v7;
	v8 =	vadd.f32 v4, v62  }
0x304: {  	s4 =	sor.u32 s28, s4;
	s6 =	sand.u32 $0x380, s31;
	s13 =	sadd.s32 $0x12D00, s0;
	v10 =	vadd.f32 v5, v3;
	v3 =	vld [tilespmem:s3+$0x0];
	v6 =	vadd.f32 v9, v6  }
0x305: {  	s31 =	simm.s32 $0x2;
	s3 =	sor.u32 s30, s6;
	v4 =	vld [tilespmem:s4+$0x0];
	s4 =	sor.u32 s26, s13;
	v7 =	vadd.f32 v61, v7  }
0x306: {  	s5 =	sor.u32 s28, s5;
	s13 =	sor.u32 s28, s13;
	v5 =	vld [tilespmem:s4+$0x0];
	[tilespmem:s3+$0x13E00] =	vst v8;
	s3 =	sadd.s32 $0x12D80, s0;
	v8 =	vadd.f32 v11, v6  }
0x307: {  	s30 =	simm.s32 $0x200;
	[tilespmem:s29+$0x0] =	vst v10;
	v6 =	vld [tilespmem:s5+$0x0];
	s0 =	simm.s32 $0x40;
	v7 =	vadd.f32 v63, v7;
	s4 =	sor.u32 s26, s3  }
.LBB2_27:
0x308: {  	s1 =	sand.u32 $0x1C00, s30;
	v2 =	vadd.f32 v2, v8;
	s3 =	sor.u32 s28, s3;
	s28 =	sand.u32 $0x60, s0;
	v8 =	vld [tilespmem:s4+$0x0]  }
0x309: {  	s31 =	sadd.s32 $0x2, s31;
	s4 =	sadd.s32 $0x11600, s1;
	s5 =	sor.u32 $0x10, s28;
	v9 =	vld [tilespmem:s13+$0x0];
	v3 =	vadd.f32 v3, v7  }
0x30a: {  	p1 =	slt.u32 s31, $0x26;
	s13 =	sor.u32 s28, s4;
	s4 =	sor.u32 s5, s4;
	v2 =	vadd.f32 v4, v2;
	v4 =	vld [tilespmem:s3+$0x0]  }
0x30b: {  	v7 =	vld [tilespmem:s4+$0x0];
	v3 =	vadd.f32 v5, v3  }
0x30c: {  	v5 =	vld [tilespmem:s4+$0x80];
	v2 =	vadd.f32 v6, v2  }
0x30d: {  	s3 =	sand.u32 $0x380, s25;
	s25 =	smov.u32 s0;
	v6 =	vld [tilespmem:s13+$0x0];
	v3 =	vadd.f32 v8, v3  }
0x30e: {  	s3 =	sor.u32 s26, s3;
	s26 =	smov.u32 s5;
	v8 =	vld [tilespmem:s4+$0x100];
	v2 =	vadd.f32 v9, v2  }
0x30f: {  	v9 =	vld [tilespmem:s13+$0x80];
	[tilespmem:s3+$0x13E00] =	vst v3  }
0x310: {  	v3 =	vld [tilespmem:s4+$0x180];
	v2 =	vadd.f32 v4, v2  }
0x311: {  	s29 =	sadd.s32 $0x20, s29;
	v4 =	vld [tilespmem:s13+$0x100];
	v5 =	vadd.f32 v5, v7  }
0x312: {  	v7 =	vld [tilespmem:s4+$0x200];
	[tilespmem:s29+$0x0] =	vst v2  }
0x313: {  	v2 =	vld [tilespmem:s13+$0x180];
	v5 =	vadd.f32 v8, v5  }
0x314: {  	v6 =	vadd.f32 v9, v6;
	v8 =	vld [tilespmem:s4+$0x280]  }
0x315: {  	v9 =	vld [tilespmem:s13+$0x200];
	v3 =	vadd.f32 v3, v5  }
0x316: {  	v4 =	vadd.f32 v4, v6;
	v5 =	vld [tilespmem:s4+$0x300]  }
0x317: {  	v6 =	vld [tilespmem:s13+$0x280];
	v3 =	vadd.f32 v7, v3  }
0x318: {  	s3 =	sadd.s32 $0x12A00, s1;
	v2 =	vadd.f32 v2, v4;
	v4 =	vld [tilespmem:s4+$0x380]  }
0x319: {  	s4 =	sor.u32 s28, s3;
	s3 =	sor.u32 s26, s3;
	v7 =	vld [tilespmem:s13+$0x300];
	v3 =	vadd.f32 v8, v3  }
0x31a: {  	s5 =	sadd.s32 $0x12A80, s1;
	v2 =	vadd.f32 v9, v2;
	v8 =	vld [tilespmem:s3+$0x0]  }
0x31b: {  	s3 =	sor.u32 s28, s5;
	s5 =	sor.u32 s26, s5;
	v9 =	vld [tilespmem:s13+$0x380];
	v3 =	vadd.f32 v5, v3  }
0x31c: {  	s6 =	sadd.s32 $0x12B00, s1;
	v2 =	vadd.f32 v6, v2;
	v5 =	vld [tilespmem:s5+$0x0]  }
0x31d: {  	s5 =	sor.u32 s26, s6;
	v6 =	vld [tilespmem:s4+$0x0];
	s4 =	sor.u32 s28, s6;
	v3 =	vadd.f32 v4, v3  }
0x31e: {  	s6 =	sadd.s32 $0x12B80, s1;
	v2 =	vadd.f32 v7, v2;
	v4 =	vld [tilespmem:s5+$0x0]  }
0x31f: {  	s5 =	sor.u32 s26, s6;
	v7 =	vld [tilespmem:s3+$0x0];
	s3 =	sor.u32 s28, s6;
	v3 =	vadd.f32 v8, v3  }
0x320: {  	s6 =	sadd.s32 $0x12C00, s1;
	v2 =	vadd.f32 v9, v2;
	v8 =	vld [tilespmem:s5+$0x0]  }
0x321: {  	s5 =	sor.u32 s26, s6;
	v9 =	vld [tilespmem:s4+$0x0];
	s4 =	sor.u32 s28, s6;
	v3 =	vadd.f32 v5, v3  }
0x322: {  	s6 =	sadd.s32 $0x12C80, s1;
	v5 =	vadd.f32 v6, v2;
	v10 =	vld [tilespmem:s5+$0x0]  }
.Ltmp12:
0x323: {  	s5 =	sor.u32 s28, s6;
	v2 =	vld [tilespmem:s3+$0x0];
	v6 =	vadd.f32 v4, v3;
	s3 =	sor.u32 s26, s6;
	(pc) =	sbr.rel @p1 .LBB2_27-.Ltmp12, $4  }
0x324: {  	s6 =	sadd.s32 $0x12D00, s1;
	v5 =	vadd.f32 v7, v5;
	v3 =	vld [tilespmem:s3+$0x0]  }
0x325: {  	s13 =	sor.u32 s28, s6;
	v4 =	vld [tilespmem:s4+$0x0];
	v7 =	vadd.f32 v8, v6;
	s4 =	sor.u32 s26, s6  }
0x326: {  	s3 =	sadd.s32 $0x12D80, s1;
	v8 =	vadd.f32 v9, v5;
	v5 =	vld [tilespmem:s4+$0x0]  }
0x327: {  	s30 =	sadd.s32 $0x100, s30;
	s0 =	sadd.s32 $0x20, s0;
	s4 =	sor.u32 s26, s3;
	v6 =	vld [tilespmem:s5+$0x0];
	v7 =	vadd.f32 v10, v7  }
0x328: {  	v2 =	vadd.f32 v2, v8  }
0x329: {  	v62 =	vld [tilespmem:s13+$0x0]  }
0x32a: {  	s0 =	sor.u32 s28, s3;
	v9 =	vld [tilespmem:s4+$0x0];
	v2 =	vadd.f32 v4, v2  }
0x32b: {  	v3 =	vadd.f32 v3, v7;
	v63 =	vld [tilespmem:s0+$0x0]  }
0x32c: {  	v2 =	vadd.f32 v6, v2  }
0x32d: {  	v3 =	vadd.f32 v5, v3  }
0x32e: {  	v2 =	vadd.f32 v62, v2  }
0x32f: {  	s30 =	sand.u32 $0x380, s25;
	v3 =	vadd.f32 v9, v3  }
0x330: {  	s0 =	sor.u32 s26, s30;
	v2 =	vadd.f32 v63, v2  }
0x331: {  	s31 =	sadd.s32 $0x20, s29;
	[tilespmem:s0+$0x13E00] =	vst v3  }
0x332: {  	[tilespmem:s31+$0x0] =	vst v2  }
0x333: {  	[spmem:s10] =	stream.linear.scatter [tilespmem:s21], [sflag:$0x1], $0x280, $0x38;
	[tilespmem:$0x16C00] =	vst v63  }
0x334: {  	_ =	swait.ge [sflag:s12], $0x280  }
0x335: {  	[sflag:s12] =	ssyncset.done $0x0  }
0x336: {  	[sflag:s12] =	ssyncadd.s32 $0xFFFFFD80  }
0x337: {  	[bflag:$0x0] =	sbarrier.arrive $0xFFFF  }
0x338: {  	[tilespmem:s14], [sflag:$0x1] =	stream.linear.gather [spmem:s2], $0x2800, $0x38;
	[tilespmem:$0x16C00] =	vst v63  }
0x339: {  	_ =	swait.ge [sflag:s12], $0x2800  }
0x33a: {  	[sflag:s12] =	ssyncset.done $0x0  }
0x33b: {  	s1 =	simm.s32 $0xC620;
	[sflag:s12] =	ssyncadd.s32 $0xFFFFD800  }
0x33c: {  	[tilespmem:s1+$0xFFFFFFE0] =	vst v1  }
0x33d: {  	[tilespmem:s1+$0x10] =	vst v1  }
0x33e: {  	s3 =	simm.s32 $0x0;
	[tilespmem:s1+$0x0] =	vst v1  }
.LBB2_29:
0x33f: {  	s3 =	sadd.s32 $0x4, s3  }
0x340: {  	[tilespmem:s1+$0xFFFFFFF0] =	vst v1;
	s1 =	sadd.s32 $0x40, s1;
	p1 =	slt.u32 s3, $0x27C  }
.Ltmp13:
0x341: {  	[tilespmem:s1+$0xFFFFFFE0] =	vst v1;
	(pc) =	sbr.rel @p1 .LBB2_29-.Ltmp13, $3  }
0x342: {  	_ =	sdelay $0x1  }
0x343: {  	[tilespmem:s1+$0x10] =	vst v1  }
0x344: {  	s4 =	simm.s32 $0x40;
	s0 =	simm.s32 $0x4F40;
	[tilespmem:s1+$0x0] =	vst v1  }
0x345: {  	[tilespmem:s1+$0xFFFFFFF0] =	vst v1  }
0x346: {  	v2 =	vld [tilespmem:s4+$0x30]  }
0x347: {  	v3 =	vld [tilespmem:s4+$0xFFFFFFD0]  }
0x348: {  	v4 =	vld [tilespmem:s4+$0xFFFFFFE0]  }
0x349: {  	v5 =	vld [tilespmem:s4+$0xFFFFFFF0]  }
0x34a: {  	v6 =	vld [tilespmem:s4+$0x0]  }
0x34b: {  	v7 =	vld [tilespmem:s4+$0x10]  }
0x34c: {  	v8 =	vld [tilespmem:s0+$0x30]  }
0x34d: {  	v9 =	vld [tilespmem:s4+$0x20]  }
0x34e: {  	v10 =	vld [tilespmem:s4+$0xFFFFFFC0]  }
0x34f: {  	v63 =	vld [tilespmem:s0+$0xFFFFFFC0]  }
0x350: {  	v12 =	vld [tilespmem:s0+$0xFFFFFFD0]  }
0x351: {  	v13 =	vld [tilespmem:s0+$0xFFFFFFE0]  }
0x352: {  	v14 =	vld [tilespmem:s0+$0xFFFFFFF0]  }
0x353: {  	v15 =	vld [tilespmem:s0+$0x0]  }
0x354: {  	v16 =	vld [tilespmem:s0+$0x10]  }
0x355: {  	v2 =	vld.idx.msk [tilespmem:v2+s14+$0x0], $0xffff  }
0x356: {  	v11 =	vld.idx.msk [tilespmem:v3+s14+$0x0], $0xffff  }
0x357: {  	v4 =	vld.idx.msk [tilespmem:v4+s14+$0x0], $0xffff  }
0x358: {  	v5 =	vld.idx.msk [tilespmem:v5+s14+$0x0], $0xffff  }
0x359: {  	v6 =	vld.idx.msk [tilespmem:v6+s14+$0x0], $0xffff  }
0x35a: {  	v62 =	vld.idx.msk [tilespmem:v10+s14+$0x0], $0xffff  }
0x35b: {  	v7 =	vld.idx.msk [tilespmem:v7+s14+$0x0], $0xffff  }
0x35c: {  	v3 =	vld [tilespmem:s0+$0x20]  }
0x35d: {  	[tilespmem:v8+s15+$0x0] =	vst.idx.add.f32.msk $0xffff, v2  }
0x35e: {  	v2 =	vld.idx.msk [tilespmem:v9+s14+$0x0], $0xffff  }
0x35f: {  	[tilespmem:v63+s15+$0x0] =	vst.idx.add.f32.msk $0xffff, v62  }
0x360: {  	[tilespmem:v12+s15+$0x0] =	vst.idx.add.f32.msk $0xffff, v11  }
0x361: {  	[tilespmem:v13+s15+$0x0] =	vst.idx.add.f32.msk $0xffff, v4  }
0x362: {  	[tilespmem:v14+s15+$0x0] =	vst.idx.add.f32.msk $0xffff, v5  }
0x363: {  	[tilespmem:v15+s15+$0x0] =	vst.idx.add.f32.msk $0xffff, v6  }
0x364: {  	s1 =	simm.s32 $0x0;
	s25 =	simm.s32 $0xC0;
	[tilespmem:v16+s15+$0x0] =	vst.idx.add.f32.msk $0xffff, v7  }
.LBB2_31:
0x365: {  	v4 =	vld [tilespmem:s25+$0x30];
	s1 =	sadd.s32 $0x8, s1  }
0x366: {  	v5 =	vld [tilespmem:s25+$0xFFFFFFD0];
	p1 =	slt.u32 s1, $0x4E8  }
0x367: {  	v6 =	vld [tilespmem:s25+$0xFFFFFFE0]  }
0x368: {  	v7 =	vld [tilespmem:s25+$0xFFFFFFF0]  }
0x369: {  	v8 =	vld [tilespmem:s25+$0x0]  }
0x36a: {  	s0 =	sadd.s32 $0x80, s0;
	v9 =	vld [tilespmem:s25+$0x10]  }
0x36b: {  	v10 =	vld [tilespmem:s0+$0x30]  }
0x36c: {  	v11 =	vld [tilespmem:s25+$0x20]  }
0x36d: {  	v4 =	vld.idx.msk [tilespmem:v4+s14+$0x0], $0xffff  }
0x36e: {  	v12 =	vld [tilespmem:s25+$0xFFFFFFC0]  }
0x36f: {  	v5 =	vld.idx.msk [tilespmem:v5+s14+$0x0], $0xffff  }
0x370: {  	v6 =	vld.idx.msk [tilespmem:v6+s14+$0x0], $0xffff  }
0x371: {  	v7 =	vld.idx.msk [tilespmem:v7+s14+$0x0], $0xffff  }
0x372: {  	v8 =	vld.idx.msk [tilespmem:v8+s14+$0x0], $0xffff  }
0x373: {  	[tilespmem:v10+s15+$0x0] =	vst.idx.add.f32.msk $0xffff, v4  }
0x374: {  	v4 =	vld.idx.msk [tilespmem:v9+s14+$0x0], $0xffff  }
0x375: {  	v9 =	vld.idx.msk [tilespmem:v11+s14+$0x0], $0xffff  }
0x376: {  	v10 =	vld.idx.msk [tilespmem:v12+s14+$0x0], $0xffff  }
0x377: {  	v11 =	vld [tilespmem:s0+$0xFFFFFFC0]  }
0x378: {  	v12 =	vld [tilespmem:s0+$0xFFFFFFD0]  }
0x379: {  	v13 =	vld [tilespmem:s0+$0xFFFFFFE0]  }
0x37a: {  	v14 =	vld [tilespmem:s0+$0xFFFFFFF0]  }
0x37b: {  	v15 =	vld [tilespmem:s0+$0x0]  }
0x37c: {  	v16 =	vld [tilespmem:s0+$0x10]  }
0x37d: {  	v17 =	vld [tilespmem:s0+$0x20]  }
0x37e: {  	[tilespmem:v3+s15+$0x0] =	vst.idx.add.f32.msk $0xffff, v2;
	v2 =	vmov v9  }
0x37f: {  	[tilespmem:v11+s15+$0x0] =	vst.idx.add.f32.msk $0xffff, v10  }
.Ltmp14:
0x380: {  	[tilespmem:v12+s15+$0x0] =	vst.idx.add.f32.msk $0xffff, v5;
	(pc) =	sbr.rel @p1 .LBB2_31-.Ltmp14, $4  }
0x381: {  	[tilespmem:v13+s15+$0x0] =	vst.idx.add.f32.msk $0xffff, v6  }
0x382: {  	[tilespmem:v14+s15+$0x0] =	vst.idx.add.f32.msk $0xffff, v7;
	v3 =	vmov v17  }
0x383: {  	[tilespmem:v15+s15+$0x0] =	vst.idx.add.f32.msk $0xffff, v8  }
0x384: {  	s25 =	sadd.s32 $0x80, s25;
	[tilespmem:v16+s15+$0x0] =	vst.idx.add.f32.msk $0xffff, v4  }
0x385: {  	_ =	sdelay $0x3  }
0x386: {  	[tilespmem:v3+s15+$0x0] =	vst.idx.add.f32.msk $0xffff, v2  }
0x387: {  	[spmem:s8] =	stream.strided.scatter [tilespmem:s15], [sflag:$0x1], $0x2800, s17, s16, $0x38;
	[tilespmem:$0x16C00] =	vst v63  }
0x388: {  	_ =	swait.ge [sflag:s12], $0x2800  }
0x389: {  	[sflag:s12] =	ssyncset.done $0x0  }
0x38a: {  	[sflag:s12] =	ssyncadd.s32 $0xFFFFD800  }
0x38b: {  	s31 =	simm.s32 $0x0;
	[bflag:$0x0] =	sbarrier.arrive $0xFFFF  }
0x38c: {  	[tilespmem:s20], [sflag:$0x1] =	stream.strided.gather [spmem:s9], $0x2800, s19, s18, $0x38;
	[tilespmem:$0x16C00] =	vst v63  }
0x38d: {  	s1 =	sand.u32 $0x60, s31;
	s0 =	sand.u32 $0x1C00, s31;
	_ =	swait.ge [sflag:s12], $0x2800  }
0x38e: {  	s3 =	sadd.s32 $0x11600, s0;
	s30 =	sor.u32 $0x10, s1;
	[sflag:s12] =	ssyncset.done $0x0  }
0x38f: {  	s4 =	sor.u32 s30, s3;
	[sflag:s12] =	ssyncadd.s32 $0xFFFFD800  }
0x390: {  	v2 =	vld [tilespmem:s4+$0x0]  }
0x391: {  	s3 =	sor.u32 s1, s3;
	v3 =	vld [tilespmem:s4+$0x80]  }
0x392: {  	v4 =	vld [tilespmem:s3+$0x0]  }
0x393: {  	v5 =	vld [tilespmem:s4+$0x100]  }
0x394: {  	v6 =	vld [tilespmem:s3+$0x80]  }
0x395: {  	v7 =	vld [tilespmem:s4+$0x180]  }
0x396: {  	v8 =	vld [tilespmem:s3+$0x100]  }
0x397: {  	v9 =	vld [tilespmem:s4+$0x200]  }
0x398: {  	v10 =	vld [tilespmem:s3+$0x180]  }
0x399: {  	v11 =	vld [tilespmem:s4+$0x280]  }
0x39a: {  	v12 =	vld [tilespmem:s3+$0x200]  }
0x39b: {  	v13 =	vld [tilespmem:s4+$0x300]  }
0x39c: {  	v14 =	vld [tilespmem:s3+$0x280]  }
0x39d: {  	s5 =	sadd.s32 $0x12A00, s0;
	v15 =	vld [tilespmem:s4+$0x380]  }
0x39e: {  	s26 =	sor.u32 s30, s5;
	v16 =	vld [tilespmem:s3+$0x300]  }
0x39f: {  	v17 =	vld [tilespmem:s26+$0x0]  }
0x3a0: {  	s13 =	sor.u32 s1, s5;
	s5 =	sadd.s32 $0x12B00, s0;
	v18 =	vld [tilespmem:s3+$0x380]  }
0x3a1: {  	s6 =	sadd.s32 $0x12A80, s0;
	s25 =	sor.u32 s30, s5;
	v20 =	vld [tilespmem:s13+$0x0]  }
0x3a2: {  	s4 =	sor.u32 s30, s6;
	v21 =	vld [tilespmem:s25+$0x0]  }
0x3a3: {  	s26 =	sor.u32 s1, s6;
	v19 =	vld [tilespmem:s4+$0x0]  }
0x3a4: {  	s6 =	sadd.s32 $0x12B80, s0;
	s25 =	sor.u32 s1, s5;
	v22 =	vld [tilespmem:s26+$0x0]  }
0x3a5: {  	s13 =	sor.u32 s30, s6;
	s26 =	sadd.s32 $0x12C00, s0;
	v24 =	vld [tilespmem:s25+$0x0]  }
0x3a6: {  	v23 =	vld [tilespmem:s13+$0x0];
	s4 =	sor.u32 s30, s26  }
0x3a7: {  	s13 =	sor.u32 s1, s6;
	v25 =	vld [tilespmem:s4+$0x0]  }
0x3a8: {  	s6 =	sadd.s32 $0x12C80, s0;
	s26 =	sor.u32 s1, s26;
	v26 =	vld [tilespmem:s13+$0x0]  }
0x3a9: {  	s5 =	sadd.s32 $0x12D00, s0;
	s25 =	sor.u32 s30, s6;
	v28 =	vld [tilespmem:s26+$0x0]  }
0x3aa: {  	s13 =	sor.u32 s30, s5;
	v27 =	vld [tilespmem:s25+$0x0]  }
0x3ab: {  	s4 =	simm.s32 $0x100;
	s25 =	sor.u32 s1, s6;
	v29 =	vld [tilespmem:s13+$0x0]  }
0x3ac: {  	s6 =	sadd.s32 $0x12D80, s0;
	s13 =	sor.u32 s1, s5;
	v30 =	vld [tilespmem:s25+$0x0];
	s25 =	simm.s32 $0x20;
	v2 =	vadd.f32 v3, v2  }
0x3ad: {  	s0 =	sand.u32 $0x1C00, s4;
	s26 =	sor.u32 s30, s6;
	v3 =	vadd.f32 v6, v4;
	v6 =	vld [tilespmem:s13+$0x0];
	s28 =	sand.u32 $0x60, s25  }
0x3ae: {  	s1 =	sor.u32 s1, s6;
	s5 =	sadd.s32 $0x11600, s0;
	v4 =	vld [tilespmem:s26+$0x0];
	s26 =	sor.u32 $0x10, s28;
	v2 =	vadd.f32 v5, v2  }
0x3af: {  	v3 =	vadd.f32 v8, v3;
	v5 =	vld [tilespmem:s1+$0x0];
	s6 =	sor.u32 s26, s5  }
0x3b0: {  	v8 =	vld [tilespmem:s6+$0x0];
	v2 =	vadd.f32 v7, v2  }
0x3b1: {  	s13 =	sor.u32 s28, s5;
	v3 =	vadd.f32 v10, v3;
	v7 =	vld [tilespmem:s6+$0x80]  }
0x3b2: {  	v53 =	vld [tilespmem:s13+$0x80];
	v2 =	vadd.f32 v9, v2  }
0x3b3: {  	v3 =	vadd.f32 v12, v3;
	v9 =	vld [tilespmem:s6+$0x100]  }
0x3b4: {  	v10 =	vld [tilespmem:s13+$0x0];
	v2 =	vadd.f32 v11, v2  }
0x3b5: {  	v3 =	vadd.f32 v14, v3;
	v11 =	vld [tilespmem:s6+$0x180]  }
0x3b6: {  	v7 =	vadd.f32 v7, v8;
	v8 =	vld [tilespmem:s13+$0x100];
	v2 =	vadd.f32 v13, v2  }
0x3b7: {  	v54 =	vld [tilespmem:s6+$0x200];
	v3 =	vadd.f32 v16, v3  }
0x3b8: {  	v7 =	vadd.f32 v9, v7;
	v9 =	vld [tilespmem:s13+$0x180];
	v2 =	vadd.f32 v15, v2  }
0x3b9: {  	v55 =	vld [tilespmem:s6+$0x280];
	v10 =	vadd.f32 v53, v10;
	v3 =	vadd.f32 v18, v3  }
0x3ba: {  	v7 =	vadd.f32 v11, v7;
	v11 =	vld [tilespmem:s13+$0x200];
	v2 =	vadd.f32 v17, v2  }
0x3bb: {  	v56 =	vld [tilespmem:s6+$0x300];
	v3 =	vadd.f32 v20, v3;
	v8 =	vadd.f32 v8, v10  }
0x3bc: {  	v10 =	vld [tilespmem:s13+$0x280];
	v7 =	vadd.f32 v54, v7;
	v2 =	vadd.f32 v19, v2  }
0x3bd: {  	s3 =	sadd.s32 $0x12A00, s0;
	v57 =	vld [tilespmem:s6+$0x380];
	v3 =	vadd.f32 v22, v3;
	v8 =	vadd.f32 v9, v8  }
0x3be: {  	s6 =	sor.u32 s26, s3;
	v9 =	vld [tilespmem:s13+$0x300];
	v7 =	vadd.f32 v55, v7;
	v2 =	vadd.f32 v21, v2  }
0x3bf: {  	s5 =	sadd.s32 $0x12A80, s0;
	v58 =	vld [tilespmem:s6+$0x0];
	v3 =	vadd.f32 v24, v3;
	v8 =	vadd.f32 v11, v8  }
0x3c0: {  	v11 =	vld [tilespmem:s13+$0x380];
	s13 =	sor.u32 s26, s5;
	v7 =	vadd.f32 v56, v7;
	v2 =	vadd.f32 v23, v2  }
0x3c1: {  	s4 =	sadd.s32 $0x12B00, s0;
	s3 =	sor.u32 s28, s3;
	v59 =	vld [tilespmem:s13+$0x0];
	v3 =	vadd.f32 v26, v3;
	v8 =	vadd.f32 v10, v8  }
0x3c2: {  	s6 =	sor.u32 s26, s4;
	v10 =	vld [tilespmem:s3+$0x0];
	v7 =	vadd.f32 v57, v7;
	v2 =	vadd.f32 v25, v2  }
0x3c3: {  	v60 =	vld [tilespmem:s6+$0x0];
	s13 =	sor.u32 s28, s5;
	s5 =	sadd.s32 $0x12B80, s0;
	v3 =	vadd.f32 v28, v3;
	v8 =	vadd.f32 v9, v8  }
0x3c4: {  	s6 =	sor.u32 s26, s5;
	v9 =	vld [tilespmem:s13+$0x0];
	v7 =	vadd.f32 v58, v7;
	v2 =	vadd.f32 v27, v2  }
0x3c5: {  	v61 =	vld [tilespmem:s6+$0x0];
	s13 =	sor.u32 s28, s4;
	s4 =	sadd.s32 $0x12C00, s0;
	v3 =	vadd.f32 v30, v3;
	v8 =	vadd.f32 v11, v8  }
0x3c6: {  	s6 =	sor.u32 s26, s4;
	v11 =	vld [tilespmem:s13+$0x0];
	v7 =	vadd.f32 v59, v7;
	v62 =	vadd.f32 v29, v2  }
0x3c7: {  	s13 =	sor.u32 s28, s5;
	s5 =	sadd.s32 $0x12C80, s0;
	v63 =	vld [tilespmem:s6+$0x0];
	v3 =	vadd.f32 v6, v3;
	v6 =	vadd.f32 v10, v8  }
0x3c8: {  	s29 =	simm.s32 $0x13E00;
	s3 =	sor.u32 s26, s5;
	v2 =	vld [tilespmem:s13+$0x0];
	v7 =	vadd.f32 v60, v7;
	v8 =	vadd.f32 v4, v62  }
0x3c9: {  	s4 =	sor.u32 s28, s4;
	s6 =	sand.u32 $0x380, s31;
	s13 =	sadd.s32 $0x12D00, s0;
	v10 =	vadd.f32 v5, v3;
	v3 =	vld [tilespmem:s3+$0x0];
	v6 =	vadd.f32 v9, v6  }
0x3ca: {  	s31 =	simm.s32 $0x2;
	s3 =	sor.u32 s30, s6;
	v4 =	vld [tilespmem:s4+$0x0];
	s4 =	sor.u32 s26, s13;
	v7 =	vadd.f32 v61, v7  }
0x3cb: {  	s5 =	sor.u32 s28, s5;
	s13 =	sor.u32 s28, s13;
	v5 =	vld [tilespmem:s4+$0x0];
	[tilespmem:s3+$0x13E00] =	vst v8;
	s3 =	sadd.s32 $0x12D80, s0;
	v8 =	vadd.f32 v11, v6  }
0x3cc: {  	s30 =	simm.s32 $0x200;
	[tilespmem:s29+$0x0] =	vst v10;
	v6 =	vld [tilespmem:s5+$0x0];
	s0 =	simm.s32 $0x40;
	v7 =	vadd.f32 v63, v7;
	s4 =	sor.u32 s26, s3  }
.LBB2_33:
0x3cd: {  	s1 =	sand.u32 $0x1C00, s30;
	v2 =	vadd.f32 v2, v8;
	s3 =	sor.u32 s28, s3;
	s28 =	sand.u32 $0x60, s0;
	v8 =	vld [tilespmem:s4+$0x0]  }
0x3ce: {  	s31 =	sadd.s32 $0x2, s31;
	s4 =	sadd.s32 $0x11600, s1;
	s5 =	sor.u32 $0x10, s28;
	v9 =	vld [tilespmem:s13+$0x0];
	v3 =	vadd.f32 v3, v7  }
0x3cf: {  	p1 =	slt.u32 s31, $0x26;
	s13 =	sor.u32 s28, s4;
	s4 =	sor.u32 s5, s4;
	v2 =	vadd.f32 v4, v2;
	v4 =	vld [tilespmem:s3+$0x0]  }
0x3d0: {  	v7 =	vld [tilespmem:s4+$0x0];
	v3 =	vadd.f32 v5, v3  }
0x3d1: {  	v5 =	vld [tilespmem:s4+$0x80];
	v2 =	vadd.f32 v6, v2  }
0x3d2: {  	s3 =	sand.u32 $0x380, s25;
	s25 =	smov.u32 s0;
	v6 =	vld [tilespmem:s13+$0x0];
	v3 =	vadd.f32 v8, v3  }
0x3d3: {  	s3 =	sor.u32 s26, s3;
	s26 =	smov.u32 s5;
	v8 =	vld [tilespmem:s4+$0x100];
	v2 =	vadd.f32 v9, v2  }
0x3d4: {  	v9 =	vld [tilespmem:s13+$0x80];
	[tilespmem:s3+$0x13E00] =	vst v3  }
0x3d5: {  	v3 =	vld [tilespmem:s4+$0x180];
	v2 =	vadd.f32 v4, v2  }
0x3d6: {  	s29 =	sadd.s32 $0x20, s29;
	v4 =	vld [tilespmem:s13+$0x100];
	v5 =	vadd.f32 v5, v7  }
0x3d7: {  	v7 =	vld [tilespmem:s4+$0x200];
	[tilespmem:s29+$0x0] =	vst v2  }
0x3d8: {  	v2 =	vld [tilespmem:s13+$0x180];
	v5 =	vadd.f32 v8, v5  }
0x3d9: {  	v6 =	vadd.f32 v9, v6;
	v8 =	vld [tilespmem:s4+$0x280]  }
0x3da: {  	v9 =	vld [tilespmem:s13+$0x200];
	v3 =	vadd.f32 v3, v5  }
0x3db: {  	v4 =	vadd.f32 v4, v6;
	v5 =	vld [tilespmem:s4+$0x300]  }
0x3dc: {  	v6 =	vld [tilespmem:s13+$0x280];
	v3 =	vadd.f32 v7, v3  }
0x3dd: {  	s3 =	sadd.s32 $0x12A00, s1;
	v2 =	vadd.f32 v2, v4;
	v4 =	vld [tilespmem:s4+$0x380]  }
0x3de: {  	s4 =	sor.u32 s28, s3;
	s3 =	sor.u32 s26, s3;
	v7 =	vld [tilespmem:s13+$0x300];
	v3 =	vadd.f32 v8, v3  }
0x3df: {  	s5 =	sadd.s32 $0x12A80, s1;
	v2 =	vadd.f32 v9, v2;
	v8 =	vld [tilespmem:s3+$0x0]  }
0x3e0: {  	s3 =	sor.u32 s28, s5;
	s5 =	sor.u32 s26, s5;
	v9 =	vld [tilespmem:s13+$0x380];
	v3 =	vadd.f32 v5, v3  }
0x3e1: {  	s6 =	sadd.s32 $0x12B00, s1;
	v2 =	vadd.f32 v6, v2;
	v5 =	vld [tilespmem:s5+$0x0]  }
0x3e2: {  	s5 =	sor.u32 s26, s6;
	v6 =	vld [tilespmem:s4+$0x0];
	s4 =	sor.u32 s28, s6;
	v3 =	vadd.f32 v4, v3  }
0x3e3: {  	s6 =	sadd.s32 $0x12B80, s1;
	v2 =	vadd.f32 v7, v2;
	v4 =	vld [tilespmem:s5+$0x0]  }
0x3e4: {  	s5 =	sor.u32 s26, s6;
	v7 =	vld [tilespmem:s3+$0x0];
	s3 =	sor.u32 s28, s6;
	v3 =	vadd.f32 v8, v3  }
0x3e5: {  	s6 =	sadd.s32 $0x12C00, s1;
	v2 =	vadd.f32 v9, v2;
	v8 =	vld [tilespmem:s5+$0x0]  }
0x3e6: {  	s5 =	sor.u32 s26, s6;
	v9 =	vld [tilespmem:s4+$0x0];
	s4 =	sor.u32 s28, s6;
	v3 =	vadd.f32 v5, v3  }
0x3e7: {  	s6 =	sadd.s32 $0x12C80, s1;
	v5 =	vadd.f32 v6, v2;
	v10 =	vld [tilespmem:s5+$0x0]  }
.Ltmp15:
0x3e8: {  	s5 =	sor.u32 s28, s6;
	v2 =	vld [tilespmem:s3+$0x0];
	v6 =	vadd.f32 v4, v3;
	s3 =	sor.u32 s26, s6;
	(pc) =	sbr.rel @p1 .LBB2_33-.Ltmp15, $4  }
0x3e9: {  	s6 =	sadd.s32 $0x12D00, s1;
	v5 =	vadd.f32 v7, v5;
	v3 =	vld [tilespmem:s3+$0x0]  }
0x3ea: {  	s13 =	sor.u32 s28, s6;
	v4 =	vld [tilespmem:s4+$0x0];
	v7 =	vadd.f32 v8, v6;
	s4 =	sor.u32 s26, s6  }
0x3eb: {  	s3 =	sadd.s32 $0x12D80, s1;
	v8 =	vadd.f32 v9, v5;
	v5 =	vld [tilespmem:s4+$0x0]  }
0x3ec: {  	s30 =	sadd.s32 $0x100, s30;
	s0 =	sadd.s32 $0x20, s0;
	s4 =	sor.u32 s26, s3;
	v6 =	vld [tilespmem:s5+$0x0];
	v7 =	vadd.f32 v10, v7  }
0x3ed: {  	v2 =	vadd.f32 v2, v8  }
0x3ee: {  	v62 =	vld [tilespmem:s13+$0x0]  }
0x3ef: {  	s0 =	sor.u32 s28, s3;
	v9 =	vld [tilespmem:s4+$0x0];
	v2 =	vadd.f32 v4, v2  }
0x3f0: {  	v3 =	vadd.f32 v3, v7;
	v63 =	vld [tilespmem:s0+$0x0]  }
0x3f1: {  	v2 =	vadd.f32 v6, v2  }
0x3f2: {  	v3 =	vadd.f32 v5, v3  }
0x3f3: {  	v2 =	vadd.f32 v62, v2  }
0x3f4: {  	s30 =	sand.u32 $0x380, s25;
	v3 =	vadd.f32 v9, v3  }
0x3f5: {  	s0 =	sor.u32 s26, s30;
	v2 =	vadd.f32 v63, v2  }
0x3f6: {  	s31 =	sadd.s32 $0x20, s29;
	[tilespmem:s0+$0x13E00] =	vst v3  }
0x3f7: {  	[tilespmem:s31+$0x0] =	vst v2  }
0x3f8: {  	[spmem:s10] =	stream.linear.scatter [tilespmem:s21], [sflag:$0x1], $0x280, $0x38;
	[tilespmem:$0x16C00] =	vst v63  }
0x3f9: {  	_ =	swait.ge [sflag:s12], $0x280  }
0x3fa: {  	[sflag:s12] =	ssyncset.done $0x0  }
0x3fb: {  	[sflag:s12] =	ssyncadd.s32 $0xFFFFFD80  }
0x3fc: {  	[bflag:$0x0] =	sbarrier.arrive $0xFFFF  }
0x3fd: {  	[tilespmem:s22], [sflag:$0x1] =	stream.linear.gather [spmem:s2], $0x2800, $0x38;
	[tilespmem:$0x16C00] =	vst v63  }
0x3fe: {  	_ =	swait.ge [sflag:s12], $0x2800  }
0x3ff: {  	[sflag:s12] =	ssyncset.done $0x0  }
0x400: {  	s1 =	simm.s32 $0xC620;
	[sflag:s12] =	ssyncadd.s32 $0xFFFFD800  }
0x401: {  	[tilespmem:s1+$0xFFFFFFE0] =	vst v1  }
0x402: {  	[tilespmem:s1+$0x10] =	vst v1  }
0x403: {  	s3 =	simm.s32 $0x0;
	[tilespmem:s1+$0x0] =	vst v1  }
.LBB2_35:
0x404: {  	s3 =	sadd.s32 $0x4, s3  }
0x405: {  	[tilespmem:s1+$0xFFFFFFF0] =	vst v1;
	s1 =	sadd.s32 $0x40, s1;
	p1 =	slt.u32 s3, $0x27C  }
.Ltmp16:
0x406: {  	[tilespmem:s1+$0xFFFFFFE0] =	vst v1;
	(pc) =	sbr.rel @p1 .LBB2_35-.Ltmp16, $3  }
0x407: {  	_ =	sdelay $0x1  }
0x408: {  	[tilespmem:s1+$0x10] =	vst v1  }
0x409: {  	s4 =	simm.s32 $0x40;
	s0 =	simm.s32 $0x4F40;
	[tilespmem:s1+$0x0] =	vst v1  }
0x40a: {  	[tilespmem:s1+$0xFFFFFFF0] =	vst v1  }
0x40b: {  	v2 =	vld [tilespmem:s4+$0x30]  }
0x40c: {  	v3 =	vld [tilespmem:s4+$0xFFFFFFD0]  }
0x40d: {  	v4 =	vld [tilespmem:s4+$0xFFFFFFE0]  }
0x40e: {  	v5 =	vld [tilespmem:s4+$0xFFFFFFF0]  }
0x40f: {  	v6 =	vld [tilespmem:s4+$0x0]  }
0x410: {  	v7 =	vld [tilespmem:s4+$0x10]  }
0x411: {  	v8 =	vld [tilespmem:s0+$0x30]  }
0x412: {  	v9 =	vld [tilespmem:s4+$0x20]  }
0x413: {  	v10 =	vld [tilespmem:s4+$0xFFFFFFC0]  }
0x414: {  	v63 =	vld [tilespmem:s0+$0xFFFFFFC0]  }
0x415: {  	v12 =	vld [tilespmem:s0+$0xFFFFFFD0]  }
0x416: {  	v13 =	vld [tilespmem:s0+$0xFFFFFFE0]  }
0x417: {  	v14 =	vld [tilespmem:s0+$0xFFFFFFF0]  }
0x418: {  	v15 =	vld [tilespmem:s0+$0x0]  }
0x419: {  	v16 =	vld [tilespmem:s0+$0x10]  }
0x41a: {  	v2 =	vld.idx.msk [tilespmem:v2+s22+$0x0], $0xffff  }
0x41b: {  	v11 =	vld.idx.msk [tilespmem:v3+s22+$0x0], $0xffff  }
0x41c: {  	v4 =	vld.idx.msk [tilespmem:v4+s22+$0x0], $0xffff  }
0x41d: {  	v5 =	vld.idx.msk [tilespmem:v5+s22+$0x0], $0xffff  }
0x41e: {  	v6 =	vld.idx.msk [tilespmem:v6+s22+$0x0], $0xffff  }
0x41f: {  	v62 =	vld.idx.msk [tilespmem:v10+s22+$0x0], $0xffff  }
0x420: {  	v7 =	vld.idx.msk [tilespmem:v7+s22+$0x0], $0xffff  }
0x421: {  	v3 =	vld [tilespmem:s0+$0x20]  }
0x422: {  	[tilespmem:v8+s15+$0x0] =	vst.idx.add.f32.msk $0xffff, v2  }
0x423: {  	v2 =	vld.idx.msk [tilespmem:v9+s22+$0x0], $0xffff  }
0x424: {  	[tilespmem:v63+s15+$0x0] =	vst.idx.add.f32.msk $0xffff, v62  }
0x425: {  	[tilespmem:v12+s15+$0x0] =	vst.idx.add.f32.msk $0xffff, v11  }
0x426: {  	[tilespmem:v13+s15+$0x0] =	vst.idx.add.f32.msk $0xffff, v4  }
0x427: {  	[tilespmem:v14+s15+$0x0] =	vst.idx.add.f32.msk $0xffff, v5  }
0x428: {  	[tilespmem:v15+s15+$0x0] =	vst.idx.add.f32.msk $0xffff, v6  }
0x429: {  	s1 =	simm.s32 $0x0;
	s25 =	simm.s32 $0xC0;
	[tilespmem:v16+s15+$0x0] =	vst.idx.add.f32.msk $0xffff, v7  }
.LBB2_37:
0x42a: {  	v4 =	vld [tilespmem:s25+$0x30];
	s1 =	sadd.s32 $0x8, s1  }
0x42b: {  	v5 =	vld [tilespmem:s25+$0xFFFFFFD0];
	p1 =	slt.u32 s1, $0x4E8  }
0x42c: {  	v6 =	vld [tilespmem:s25+$0xFFFFFFE0]  }
0x42d: {  	v7 =	vld [tilespmem:s25+$0xFFFFFFF0]  }
0x42e: {  	v8 =	vld [tilespmem:s25+$0x0]  }
0x42f: {  	s0 =	sadd.s32 $0x80, s0;
	v9 =	vld [tilespmem:s25+$0x10]  }
0x430: {  	v10 =	vld [tilespmem:s0+$0x30]  }
0x431: {  	v11 =	vld [tilespmem:s25+$0x20]  }
0x432: {  	v4 =	vld.idx.msk [tilespmem:v4+s22+$0x0], $0xffff  }
0x433: {  	v12 =	vld [tilespmem:s25+$0xFFFFFFC0]  }
0x434: {  	v5 =	vld.idx.msk [tilespmem:v5+s22+$0x0], $0xffff  }
0x435: {  	v6 =	vld.idx.msk [tilespmem:v6+s22+$0x0], $0xffff  }
0x436: {  	v7 =	vld.idx.msk [tilespmem:v7+s22+$0x0], $0xffff  }
0x437: {  	v8 =	vld.idx.msk [tilespmem:v8+s22+$0x0], $0xffff  }
0x438: {  	[tilespmem:v10+s15+$0x0] =	vst.idx.add.f32.msk $0xffff, v4  }
0x439: {  	v4 =	vld.idx.msk [tilespmem:v9+s22+$0x0], $0xffff  }
0x43a: {  	v9 =	vld.idx.msk [tilespmem:v11+s22+$0x0], $0xffff  }
0x43b: {  	v10 =	vld.idx.msk [tilespmem:v12+s22+$0x0], $0xffff  }
0x43c: {  	v11 =	vld [tilespmem:s0+$0xFFFFFFC0]  }
0x43d: {  	v12 =	vld [tilespmem:s0+$0xFFFFFFD0]  }
0x43e: {  	v13 =	vld [tilespmem:s0+$0xFFFFFFE0]  }
0x43f: {  	v14 =	vld [tilespmem:s0+$0xFFFFFFF0]  }
0x440: {  	v15 =	vld [tilespmem:s0+$0x0]  }
0x441: {  	v16 =	vld [tilespmem:s0+$0x10]  }
0x442: {  	v17 =	vld [tilespmem:s0+$0x20]  }
0x443: {  	[tilespmem:v3+s15+$0x0] =	vst.idx.add.f32.msk $0xffff, v2;
	v2 =	vmov v9  }
0x444: {  	[tilespmem:v11+s15+$0x0] =	vst.idx.add.f32.msk $0xffff, v10  }
.Ltmp17:
0x445: {  	[tilespmem:v12+s15+$0x0] =	vst.idx.add.f32.msk $0xffff, v5;
	(pc) =	sbr.rel @p1 .LBB2_37-.Ltmp17, $4  }
0x446: {  	[tilespmem:v13+s15+$0x0] =	vst.idx.add.f32.msk $0xffff, v6  }
0x447: {  	[tilespmem:v14+s15+$0x0] =	vst.idx.add.f32.msk $0xffff, v7;
	v3 =	vmov v17  }
0x448: {  	[tilespmem:v15+s15+$0x0] =	vst.idx.add.f32.msk $0xffff, v8  }
0x449: {  	s25 =	sadd.s32 $0x80, s25;
	[tilespmem:v16+s15+$0x0] =	vst.idx.add.f32.msk $0xffff, v4  }
0x44a: {  	_ =	sdelay $0x3  }
0x44b: {  	[tilespmem:v3+s15+$0x0] =	vst.idx.add.f32.msk $0xffff, v2  }
0x44c: {  	[spmem:s8] =	stream.strided.scatter [tilespmem:s15], [sflag:$0x1], $0x2800, s17, s16, $0x38;
	[tilespmem:$0x16C00] =	vst v63  }
0x44d: {  	_ =	swait.ge [sflag:s12], $0x2800  }
0x44e: {  	[sflag:s12] =	ssyncset.done $0x0  }
0x44f: {  	[sflag:s12] =	ssyncadd.s32 $0xFFFFD800  }
0x450: {  	s31 =	simm.s32 $0x0;
	[bflag:$0x0] =	sbarrier.arrive $0xFFFF  }
0x451: {  	[tilespmem:s20], [sflag:$0x1] =	stream.strided.gather [spmem:s9], $0x2800, s19, s18, $0x38;
	[tilespmem:$0x16C00] =	vst v63  }
0x452: {  	s1 =	sand.u32 $0x60, s31;
	s0 =	sand.u32 $0x1C00, s31;
	_ =	swait.ge [sflag:s12], $0x2800  }
0x453: {  	s3 =	sadd.s32 $0x11600, s0;
	s30 =	sor.u32 $0x10, s1;
	[sflag:s12] =	ssyncset.done $0x0  }
0x454: {  	s4 =	sor.u32 s30, s3;
	[sflag:s12] =	ssyncadd.s32 $0xFFFFD800  }
0x455: {  	v2 =	vld [tilespmem:s4+$0x0]  }
0x456: {  	s3 =	sor.u32 s1, s3;
	v3 =	vld [tilespmem:s4+$0x80]  }
0x457: {  	v4 =	vld [tilespmem:s3+$0x0]  }
0x458: {  	v5 =	vld [tilespmem:s4+$0x100]  }
0x459: {  	v6 =	vld [tilespmem:s3+$0x80]  }
0x45a: {  	v7 =	vld [tilespmem:s4+$0x180]  }
0x45b: {  	v8 =	vld [tilespmem:s3+$0x100]  }
0x45c: {  	v9 =	vld [tilespmem:s4+$0x200]  }
0x45d: {  	v10 =	vld [tilespmem:s3+$0x180]  }
0x45e: {  	v11 =	vld [tilespmem:s4+$0x280]  }
0x45f: {  	v12 =	vld [tilespmem:s3+$0x200]  }
0x460: {  	v13 =	vld [tilespmem:s4+$0x300]  }
0x461: {  	v14 =	vld [tilespmem:s3+$0x280]  }
0x462: {  	s5 =	sadd.s32 $0x12A00, s0;
	v15 =	vld [tilespmem:s4+$0x380]  }
0x463: {  	s26 =	sor.u32 s30, s5;
	v16 =	vld [tilespmem:s3+$0x300]  }
0x464: {  	v17 =	vld [tilespmem:s26+$0x0]  }
0x465: {  	s13 =	sor.u32 s1, s5;
	s5 =	sadd.s32 $0x12B00, s0;
	v18 =	vld [tilespmem:s3+$0x380]  }
0x466: {  	s6 =	sadd.s32 $0x12A80, s0;
	s25 =	sor.u32 s30, s5;
	v20 =	vld [tilespmem:s13+$0x0]  }
0x467: {  	s4 =	sor.u32 s30, s6;
	v21 =	vld [tilespmem:s25+$0x0]  }
0x468: {  	s26 =	sor.u32 s1, s6;
	v19 =	vld [tilespmem:s4+$0x0]  }
0x469: {  	s6 =	sadd.s32 $0x12B80, s0;
	s25 =	sor.u32 s1, s5;
	v22 =	vld [tilespmem:s26+$0x0]  }
0x46a: {  	s13 =	sor.u32 s30, s6;
	s26 =	sadd.s32 $0x12C00, s0;
	v24 =	vld [tilespmem:s25+$0x0]  }
0x46b: {  	v23 =	vld [tilespmem:s13+$0x0];
	s4 =	sor.u32 s30, s26  }
0x46c: {  	s13 =	sor.u32 s1, s6;
	v25 =	vld [tilespmem:s4+$0x0]  }
0x46d: {  	s6 =	sadd.s32 $0x12C80, s0;
	s26 =	sor.u32 s1, s26;
	v26 =	vld [tilespmem:s13+$0x0]  }
0x46e: {  	s5 =	sadd.s32 $0x12D00, s0;
	s25 =	sor.u32 s30, s6;
	v28 =	vld [tilespmem:s26+$0x0]  }
0x46f: {  	s13 =	sor.u32 s30, s5;
	v27 =	vld [tilespmem:s25+$0x0]  }
0x470: {  	s4 =	simm.s32 $0x100;
	s25 =	sor.u32 s1, s6;
	v29 =	vld [tilespmem:s13+$0x0]  }
0x471: {  	s6 =	sadd.s32 $0x12D80, s0;
	s13 =	sor.u32 s1, s5;
	v30 =	vld [tilespmem:s25+$0x0];
	s25 =	simm.s32 $0x20;
	v2 =	vadd.f32 v3, v2  }
0x472: {  	s0 =	sand.u32 $0x1C00, s4;
	s26 =	sor.u32 s30, s6;
	v3 =	vadd.f32 v6, v4;
	v6 =	vld [tilespmem:s13+$0x0];
	s28 =	sand.u32 $0x60, s25  }
0x473: {  	s1 =	sor.u32 s1, s6;
	s5 =	sadd.s32 $0x11600, s0;
	v4 =	vld [tilespmem:s26+$0x0];
	s26 =	sor.u32 $0x10, s28;
	v2 =	vadd.f32 v5, v2  }
0x474: {  	v3 =	vadd.f32 v8, v3;
	v5 =	vld [tilespmem:s1+$0x0];
	s6 =	sor.u32 s26, s5  }
0x475: {  	v8 =	vld [tilespmem:s6+$0x0];
	v2 =	vadd.f32 v7, v2  }
0x476: {  	s13 =	sor.u32 s28, s5;
	v3 =	vadd.f32 v10, v3;
	v7 =	vld [tilespmem:s6+$0x80]  }
0x477: {  	v53 =	vld [tilespmem:s13+$0x80];
	v2 =	vadd.f32 v9, v2  }
0x478: {  	v3 =	vadd.f32 v12, v3;
	v9 =	vld [tilespmem:s6+$0x100]  }
0x479: {  	v10 =	vld [tilespmem:s13+$0x0];
	v2 =	vadd.f32 v11, v2  }
0x47a: {  	v3 =	vadd.f32 v14, v3;
	v11 =	vld [tilespmem:s6+$0x180]  }
0x47b: {  	v7 =	vadd.f32 v7, v8;
	v8 =	vld [tilespmem:s13+$0x100];
	v2 =	vadd.f32 v13, v2  }
0x47c: {  	v54 =	vld [tilespmem:s6+$0x200];
	v3 =	vadd.f32 v16, v3  }
0x47d: {  	v7 =	vadd.f32 v9, v7;
	v9 =	vld [tilespmem:s13+$0x180];
	v2 =	vadd.f32 v15, v2  }
0x47e: {  	v55 =	vld [tilespmem:s6+$0x280];
	v10 =	vadd.f32 v53, v10;
	v3 =	vadd.f32 v18, v3  }
0x47f: {  	v7 =	vadd.f32 v11, v7;
	v11 =	vld [tilespmem:s13+$0x200];
	v2 =	vadd.f32 v17, v2  }
0x480: {  	v56 =	vld [tilespmem:s6+$0x300];
	v3 =	vadd.f32 v20, v3;
	v8 =	vadd.f32 v8, v10  }
0x481: {  	v10 =	vld [tilespmem:s13+$0x280];
	v7 =	vadd.f32 v54, v7;
	v2 =	vadd.f32 v19, v2  }
0x482: {  	s3 =	sadd.s32 $0x12A00, s0;
	v57 =	vld [tilespmem:s6+$0x380];
	v3 =	vadd.f32 v22, v3;
	v8 =	vadd.f32 v9, v8  }
0x483: {  	s6 =	sor.u32 s26, s3;
	v9 =	vld [tilespmem:s13+$0x300];
	v7 =	vadd.f32 v55, v7;
	v2 =	vadd.f32 v21, v2  }
0x484: {  	s5 =	sadd.s32 $0x12A80, s0;
	v58 =	vld [tilespmem:s6+$0x0];
	v3 =	vadd.f32 v24, v3;
	v8 =	vadd.f32 v11, v8  }
0x485: {  	v11 =	vld [tilespmem:s13+$0x380];
	s13 =	sor.u32 s26, s5;
	v7 =	vadd.f32 v56, v7;
	v2 =	vadd.f32 v23, v2  }
0x486: {  	s4 =	sadd.s32 $0x12B00, s0;
	s3 =	sor.u32 s28, s3;
	v59 =	vld [tilespmem:s13+$0x0];
	v3 =	vadd.f32 v26, v3;
	v8 =	vadd.f32 v10, v8  }
0x487: {  	s6 =	sor.u32 s26, s4;
	v10 =	vld [tilespmem:s3+$0x0];
	v7 =	vadd.f32 v57, v7;
	v2 =	vadd.f32 v25, v2  }
0x488: {  	v60 =	vld [tilespmem:s6+$0x0];
	s13 =	sor.u32 s28, s5;
	s5 =	sadd.s32 $0x12B80, s0;
	v3 =	vadd.f32 v28, v3;
	v8 =	vadd.f32 v9, v8  }
0x489: {  	s6 =	sor.u32 s26, s5;
	v9 =	vld [tilespmem:s13+$0x0];
	v7 =	vadd.f32 v58, v7;
	v2 =	vadd.f32 v27, v2  }
0x48a: {  	v61 =	vld [tilespmem:s6+$0x0];
	s13 =	sor.u32 s28, s4;
	s4 =	sadd.s32 $0x12C00, s0;
	v3 =	vadd.f32 v30, v3;
	v8 =	vadd.f32 v11, v8  }
0x48b: {  	s6 =	sor.u32 s26, s4;
	v11 =	vld [tilespmem:s13+$0x0];
	v7 =	vadd.f32 v59, v7;
	v62 =	vadd.f32 v29, v2  }
0x48c: {  	s13 =	sor.u32 s28, s5;
	s5 =	sadd.s32 $0x12C80, s0;
	v63 =	vld [tilespmem:s6+$0x0];
	v3 =	vadd.f32 v6, v3;
	v6 =	vadd.f32 v10, v8  }
0x48d: {  	s29 =	simm.s32 $0x13E00;
	s3 =	sor.u32 s26, s5;
	v2 =	vld [tilespmem:s13+$0x0];
	v7 =	vadd.f32 v60, v7;
	v8 =	vadd.f32 v4, v62  }
0x48e: {  	s4 =	sor.u32 s28, s4;
	s6 =	sand.u32 $0x380, s31;
	s13 =	sadd.s32 $0x12D00, s0;
	v10 =	vadd.f32 v5, v3;
	v3 =	vld [tilespmem:s3+$0x0];
	v6 =	vadd.f32 v9, v6  }
0x48f: {  	s31 =	simm.s32 $0x2;
	s3 =	sor.u32 s30, s6;
	v4 =	vld [tilespmem:s4+$0x0];
	s4 =	sor.u32 s26, s13;
	v7 =	vadd.f32 v61, v7  }
0x490: {  	s5 =	sor.u32 s28, s5;
	s13 =	sor.u32 s28, s13;
	v5 =	vld [tilespmem:s4+$0x0];
	[tilespmem:s3+$0x13E00] =	vst v8;
	s3 =	sadd.s32 $0x12D80, s0;
	v8 =	vadd.f32 v11, v6  }
0x491: {  	s30 =	simm.s32 $0x200;
	[tilespmem:s29+$0x0] =	vst v10;
	v6 =	vld [tilespmem:s5+$0x0];
	s0 =	simm.s32 $0x40;
	v7 =	vadd.f32 v63, v7;
	s4 =	sor.u32 s26, s3  }
.LBB2_39:
0x492: {  	s1 =	sand.u32 $0x1C00, s30;
	v2 =	vadd.f32 v2, v8;
	s3 =	sor.u32 s28, s3;
	s28 =	sand.u32 $0x60, s0;
	v8 =	vld [tilespmem:s4+$0x0]  }
0x493: {  	s31 =	sadd.s32 $0x2, s31;
	s4 =	sadd.s32 $0x11600, s1;
	s5 =	sor.u32 $0x10, s28;
	v9 =	vld [tilespmem:s13+$0x0];
	v3 =	vadd.f32 v3, v7  }
0x494: {  	p1 =	slt.u32 s31, $0x26;
	s13 =	sor.u32 s28, s4;
	s4 =	sor.u32 s5, s4;
	v2 =	vadd.f32 v4, v2;
	v4 =	vld [tilespmem:s3+$0x0]  }
0x495: {  	v7 =	vld [tilespmem:s4+$0x0];
	v3 =	vadd.f32 v5, v3  }
0x496: {  	v5 =	vld [tilespmem:s4+$0x80];
	v2 =	vadd.f32 v6, v2  }
0x497: {  	s3 =	sand.u32 $0x380, s25;
	s25 =	smov.u32 s0;
	v6 =	vld [tilespmem:s13+$0x0];
	v3 =	vadd.f32 v8, v3  }
0x498: {  	s3 =	sor.u32 s26, s3;
	s26 =	smov.u32 s5;
	v8 =	vld [tilespmem:s4+$0x100];
	v2 =	vadd.f32 v9, v2  }
0x499: {  	v9 =	vld [tilespmem:s13+$0x80];
	[tilespmem:s3+$0x13E00] =	vst v3  }
0x49a: {  	v3 =	vld [tilespmem:s4+$0x180];
	v2 =	vadd.f32 v4, v2  }
0x49b: {  	s29 =	sadd.s32 $0x20, s29;
	v4 =	vld [tilespmem:s13+$0x100];
	v5 =	vadd.f32 v5, v7  }
0x49c: {  	v7 =	vld [tilespmem:s4+$0x200];
	[tilespmem:s29+$0x0] =	vst v2  }
0x49d: {  	v2 =	vld [tilespmem:s13+$0x180];
	v5 =	vadd.f32 v8, v5  }
0x49e: {  	v6 =	vadd.f32 v9, v6;
	v8 =	vld [tilespmem:s4+$0x280]  }
0x49f: {  	v9 =	vld [tilespmem:s13+$0x200];
	v3 =	vadd.f32 v3, v5  }
0x4a0: {  	v4 =	vadd.f32 v4, v6;
	v5 =	vld [tilespmem:s4+$0x300]  }
0x4a1: {  	v6 =	vld [tilespmem:s13+$0x280];
	v3 =	vadd.f32 v7, v3  }
0x4a2: {  	s3 =	sadd.s32 $0x12A00, s1;
	v2 =	vadd.f32 v2, v4;
	v4 =	vld [tilespmem:s4+$0x380]  }
0x4a3: {  	s4 =	sor.u32 s28, s3;
	s3 =	sor.u32 s26, s3;
	v7 =	vld [tilespmem:s13+$0x300];
	v3 =	vadd.f32 v8, v3  }
0x4a4: {  	s5 =	sadd.s32 $0x12A80, s1;
	v2 =	vadd.f32 v9, v2;
	v8 =	vld [tilespmem:s3+$0x0]  }
0x4a5: {  	s3 =	sor.u32 s28, s5;
	s5 =	sor.u32 s26, s5;
	v9 =	vld [tilespmem:s13+$0x380];
	v3 =	vadd.f32 v5, v3  }
0x4a6: {  	s6 =	sadd.s32 $0x12B00, s1;
	v2 =	vadd.f32 v6, v2;
	v5 =	vld [tilespmem:s5+$0x0]  }
0x4a7: {  	s5 =	sor.u32 s26, s6;
	v6 =	vld [tilespmem:s4+$0x0];
	s4 =	sor.u32 s28, s6;
	v3 =	vadd.f32 v4, v3  }
0x4a8: {  	s6 =	sadd.s32 $0x12B80, s1;
	v2 =	vadd.f32 v7, v2;
	v4 =	vld [tilespmem:s5+$0x0]  }
0x4a9: {  	s5 =	sor.u32 s26, s6;
	v7 =	vld [tilespmem:s3+$0x0];
	s3 =	sor.u32 s28, s6;
	v3 =	vadd.f32 v8, v3  }
0x4aa: {  	s6 =	sadd.s32 $0x12C00, s1;
	v2 =	vadd.f32 v9, v2;
	v8 =	vld [tilespmem:s5+$0x0]  }
0x4ab: {  	s5 =	sor.u32 s26, s6;
	v9 =	vld [tilespmem:s4+$0x0];
	s4 =	sor.u32 s28, s6;
	v3 =	vadd.f32 v5, v3  }
0x4ac: {  	s6 =	sadd.s32 $0x12C80, s1;
	v5 =	vadd.f32 v6, v2;
	v10 =	vld [tilespmem:s5+$0x0]  }
.Ltmp18:
0x4ad: {  	s5 =	sor.u32 s28, s6;
	v2 =	vld [tilespmem:s3+$0x0];
	v6 =	vadd.f32 v4, v3;
	s3 =	sor.u32 s26, s6;
	(pc) =	sbr.rel @p1 .LBB2_39-.Ltmp18, $4  }
0x4ae: {  	s6 =	sadd.s32 $0x12D00, s1;
	v5 =	vadd.f32 v7, v5;
	v3 =	vld [tilespmem:s3+$0x0]  }
0x4af: {  	s13 =	sor.u32 s28, s6;
	v4 =	vld [tilespmem:s4+$0x0];
	v7 =	vadd.f32 v8, v6;
	s4 =	sor.u32 s26, s6  }
0x4b0: {  	s3 =	sadd.s32 $0x12D80, s1;
	v8 =	vadd.f32 v9, v5;
	v5 =	vld [tilespmem:s4+$0x0]  }
0x4b1: {  	s30 =	sadd.s32 $0x100, s30;
	s0 =	sadd.s32 $0x20, s0;
	s4 =	sor.u32 s26, s3;
	v6 =	vld [tilespmem:s5+$0x0];
	v7 =	vadd.f32 v10, v7  }
0x4b2: {  	v2 =	vadd.f32 v2, v8  }
0x4b3: {  	v63 =	vld [tilespmem:s13+$0x0]  }
0x4b4: {  	s0 =	sor.u32 s28, s3;
	v9 =	vld [tilespmem:s4+$0x0];
	v2 =	vadd.f32 v4, v2  }
0x4b5: {  	v3 =	vadd.f32 v3, v7;
	v4 =	vld [tilespmem:s0+$0x0]  }
0x4b6: {  	v2 =	vadd.f32 v6, v2  }
0x4b7: {  	v3 =	vadd.f32 v5, v3  }
0x4b8: {  	v2 =	vadd.f32 v63, v2  }
0x4b9: {  	s30 =	sand.u32 $0x380, s25;
	v3 =	vadd.f32 v9, v3  }
0x4ba: {  	s0 =	sor.u32 s26, s30;
	v2 =	vadd.f32 v4, v2  }
0x4bb: {  	s31 =	sadd.s32 $0x20, s29;
	[tilespmem:s0+$0x13E00] =	vst v3  }
0x4bc: {  	[tilespmem:s31+$0x0] =	vst v2  }
0x4bd: {  	[spmem:s10] =	stream.linear.scatter [tilespmem:s21], [sflag:$0x1], $0x280, $0x38;
	[tilespmem:$0x16C00] =	vst v63  }
0x4be: {  	_ =	swait.ge [sflag:s12], $0x280  }
0x4bf: {  	[sflag:s12] =	ssyncset.done $0x0  }
0x4c0: {  	[sflag:s12] =	ssyncadd.s32 $0xFFFFFD80  }
0x4c1: {  	[bflag:$0x0] =	sbarrier.arrive $0xFFFF  }
0x4c2: {  	[tilespmem:s14], [sflag:$0x1] =	stream.linear.gather [spmem:s2], $0x2800, $0x38;
	[tilespmem:$0x16C00] =	vst v63  }
0x4c3: {  	_ =	swait.ge [sflag:s12], $0x2800  }
0x4c4: {  	[sflag:s12] =	ssyncset.done $0x0  }
0x4c5: {  	s1 =	simm.s32 $0x0;
	[sflag:s12] =	ssyncadd.s32 $0xFFFFD800  }
0x4c6: {  	s0 =	simm.s32 $0x40;
	v2 =	vimm.f32 $0.0e+00;
	v3 =	vld [tilespmem:s1+$0x9E00]  }
.LBB2_41:
0x4c7: {  	p1 =	sne.s32 s0, $0x9FC0  }
.Ltmp19:
0x4c8: {  	_ = 	snop;
	(pc) =	sbr.rel @p1 .LBB2_41-.Ltmp19, $3  }
0x4c9: {  	_ =	sdelay $0x1  }
0x4ca: {  	s1 =	sshra.s32 s0, $0x2;
	s0 =	sadd.s32 $0x40, s0;
	v2 =	vmax.f32 v2, v3  }
0x4cb: {  	v3 =	vld [tilespmem:s1+$0x9E00]  }
0x4cc: {  	_ =	sdelay $0x3  }
0x4cd: {  	v2 =	vmax.f32 v2, v3  }
0x4ce: {  	(xrf0) =	vmax.scan.msk.f32 $0xffff, v2;
	_ =	sdelay $0x5  }
0x4cf: {  	v2, _, _ =	vpop (xrf0)  }
0x4d0: {  	v2 =	vadd.f32 $1.000000000e-30, v2;
	_ =	sdelay $0x1  }
0x4d1: {  	v2 =	vbroadcast v2, $0xF;
	_ =	sdelay $0x1  }
0x4d2: {  	(erf) = vrcp.f32 v2;
	_ =	sdelay $0x3  }
0x4d3: {  	s1 =	simm.s32 $0x9E20  }
0x4d4: {  	v3 =	vld [tilespmem:s1+$0xFFFFFFE0]  }
0x4d5: {  	v5 =	vld [tilespmem:s1+$0x10]  }
0x4d6: {  	v6 =	vld [tilespmem:s1+$0x0];
	_ =	sdelay $0x1  }
0x4d7: {  	v7 =	vld [tilespmem:s1+$0xFFFFFFF0];
	v2 =	vpop (erf)  }
0x4d8: {  	s0 =	simm.s32 $0x9E60;
	v8 =	vmul.f32 v3, v2  }
0x4d9: {  	v4 =	vld [tilespmem:s0+$0xFFFFFFE0];
	v9 =	vmul.f32 v5, v2  }
0x4da: {  	v3 =	vld [tilespmem:s0+$0x10];
	[tilespmem:s1+$0xFFFFFFE0] =	vst v8;
	v8 =	vmul.f32 v6, v2  }
0x4db: {  	v5 =	vld [tilespmem:s0+$0x0];
	[tilespmem:s1+$0x10] =	vst v9  }
0x4dc: {  	s13 =	simm.s32 $0x4;
	v7 =	vmul.f32 v7, v2;
	v6 =	vld [tilespmem:s0+$0xFFFFFFF0];
	[tilespmem:s1+$0x0] =	vst v8  }
.LBB2_43:
0x4dd: {  	s13 =	sadd.s32 $0x4, s13  }
0x4de: {  	[tilespmem:s1+$0xFFFFFFF0] =	vst v7;
	s1 =	smov.u32 s0;
	p1 =	slt.u32 s13, $0x27C  }
.Ltmp20:
0x4df: {  	s0 =	sadd.s32 $0x40, s0;
	v7 =	vmul.f32 v4, v2;
	(pc) =	sbr.rel @p1 .LBB2_43-.Ltmp20, $4  }
0x4e0: {  	v4 =	vld [tilespmem:s0+$0xFFFFFFE0];
	v8 =	vmul.f32 v3, v2  }
0x4e1: {  	v3 =	vld [tilespmem:s0+$0x10];
	[tilespmem:s1+$0xFFFFFFE0] =	vst v7;
	v9 =	vmul.f32 v5, v2  }
0x4e2: {  	v5 =	vld [tilespmem:s0+$0x0];
	v7 =	vmul.f32 v6, v2;
	[tilespmem:s1+$0x10] =	vst v8  }
0x4e3: {  	v6 =	vld [tilespmem:s0+$0xFFFFFFF0];
	[tilespmem:s1+$0x0] =	vst v9  }
0x4e4: {  	s24 =	sadd.s32 $0x1, s24  }
0x4e5: {  	v4 =	vmul.f32 v4, v2;
	p1 =	sne.s32 s24, $0x5  }
.Ltmp21:
0x4e6: {  	[tilespmem:s1+$0xFFFFFFF0] =	vst v7;
	v3 =	vmul.f32 v3, v2;
	(pc) =	sbr.rel @p1 .LBB2_4-.Ltmp21, $4  }
0x4e7: {  	[tilespmem:s0+$0xFFFFFFE0] =	vst v4;
	v63 =	vmul.f32 v5, v2  }
0x4e8: {  	v2 =	vmul.f32 v6, v2;
	[tilespmem:s0+$0x10] =	vst v3  }
0x4e9: {  	[tilespmem:s0+$0x0] =	vst v63  }
0x4ea: {  	[tilespmem:s0+$0xFFFFFFF0] =	vst v2  }
0x4eb: {  	s1 =	simm.s32 $0xC620  }
0x4ec: {  	[tilespmem:s1+$0xFFFFFFE0] =	vst v1  }
0x4ed: {  	[tilespmem:s1+$0x10] =	vst v1  }
0x4ee: {  	s3 =	simm.s32 $0x0;
	[tilespmem:s1+$0x0] =	vst v1  }
.LBB2_46:
0x4ef: {  	s3 =	sadd.s32 $0x4, s3  }
0x4f0: {  	[tilespmem:s1+$0xFFFFFFF0] =	vst v1;
	s1 =	sadd.s32 $0x40, s1;
	p1 =	slt.u32 s3, $0x27C  }
.Ltmp22:
0x4f1: {  	[tilespmem:s1+$0xFFFFFFE0] =	vst v1;
	(pc) =	sbr.rel @p1 .LBB2_46-.Ltmp22, $3  }
0x4f2: {  	_ =	sdelay $0x1  }
0x4f3: {  	[tilespmem:s1+$0x10] =	vst v1  }
0x4f4: {  	s4 =	simm.s32 $0x40;
	s0 =	simm.s32 $0x4F40;
	[tilespmem:s1+$0x0] =	vst v1  }
0x4f5: {  	[tilespmem:s1+$0xFFFFFFF0] =	vst v1  }
0x4f6: {  	v2 =	vld [tilespmem:s4+$0x30]  }
0x4f7: {  	v3 =	vld [tilespmem:s4+$0xFFFFFFD0]  }
0x4f8: {  	v4 =	vld [tilespmem:s4+$0xFFFFFFE0]  }
0x4f9: {  	v5 =	vld [tilespmem:s4+$0xFFFFFFF0]  }
0x4fa: {  	v6 =	vld [tilespmem:s4+$0x0]  }
0x4fb: {  	v7 =	vld [tilespmem:s4+$0x10]  }
0x4fc: {  	v8 =	vld [tilespmem:s0+$0x30]  }
0x4fd: {  	v9 =	vld [tilespmem:s4+$0x20]  }
0x4fe: {  	v10 =	vld [tilespmem:s4+$0xFFFFFFC0]  }
0x4ff: {  	v63 =	vld [tilespmem:s0+$0xFFFFFFC0]  }
0x500: {  	v12 =	vld [tilespmem:s0+$0xFFFFFFD0]  }
0x501: {  	v13 =	vld [tilespmem:s0+$0xFFFFFFE0]  }
0x502: {  	v14 =	vld [tilespmem:s0+$0xFFFFFFF0]  }
0x503: {  	v15 =	vld [tilespmem:s0+$0x0]  }
0x504: {  	v16 =	vld [tilespmem:s0+$0x10]  }
0x505: {  	v2 =	vld.idx.msk [tilespmem:v2+s14+$0x0], $0xffff  }
0x506: {  	v11 =	vld.idx.msk [tilespmem:v3+s14+$0x0], $0xffff  }
0x507: {  	v4 =	vld.idx.msk [tilespmem:v4+s14+$0x0], $0xffff  }
0x508: {  	v5 =	vld.idx.msk [tilespmem:v5+s14+$0x0], $0xffff  }
0x509: {  	v6 =	vld.idx.msk [tilespmem:v6+s14+$0x0], $0xffff  }
0x50a: {  	v62 =	vld.idx.msk [tilespmem:v10+s14+$0x0], $0xffff  }
0x50b: {  	v7 =	vld.idx.msk [tilespmem:v7+s14+$0x0], $0xffff  }
0x50c: {  	v3 =	vld [tilespmem:s0+$0x20]  }
0x50d: {  	[tilespmem:v8+s15+$0x0] =	vst.idx.add.f32.msk $0xffff, v2  }
0x50e: {  	v2 =	vld.idx.msk [tilespmem:v9+s14+$0x0], $0xffff  }
0x50f: {  	[tilespmem:v63+s15+$0x0] =	vst.idx.add.f32.msk $0xffff, v62  }
0x510: {  	[tilespmem:v12+s15+$0x0] =	vst.idx.add.f32.msk $0xffff, v11  }
0x511: {  	[tilespmem:v13+s15+$0x0] =	vst.idx.add.f32.msk $0xffff, v4  }
0x512: {  	[tilespmem:v14+s15+$0x0] =	vst.idx.add.f32.msk $0xffff, v5  }
0x513: {  	[tilespmem:v15+s15+$0x0] =	vst.idx.add.f32.msk $0xffff, v6  }
0x514: {  	s1 =	simm.s32 $0x0;
	s24 =	simm.s32 $0xC0;
	[tilespmem:v16+s15+$0x0] =	vst.idx.add.f32.msk $0xffff, v7  }
.LBB2_48:
0x515: {  	v4 =	vld [tilespmem:s24+$0x30];
	s1 =	sadd.s32 $0x8, s1  }
0x516: {  	v5 =	vld [tilespmem:s24+$0xFFFFFFD0];
	p1 =	slt.u32 s1, $0x4E8  }
0x517: {  	v6 =	vld [tilespmem:s24+$0xFFFFFFE0]  }
0x518: {  	v7 =	vld [tilespmem:s24+$0xFFFFFFF0]  }
0x519: {  	v8 =	vld [tilespmem:s24+$0x0]  }
0x51a: {  	s0 =	sadd.s32 $0x80, s0;
	v9 =	vld [tilespmem:s24+$0x10]  }
0x51b: {  	v10 =	vld [tilespmem:s0+$0x30]  }
0x51c: {  	v11 =	vld [tilespmem:s24+$0x20]  }
0x51d: {  	v4 =	vld.idx.msk [tilespmem:v4+s14+$0x0], $0xffff  }
0x51e: {  	v12 =	vld [tilespmem:s24+$0xFFFFFFC0]  }
0x51f: {  	v5 =	vld.idx.msk [tilespmem:v5+s14+$0x0], $0xffff  }
0x520: {  	v6 =	vld.idx.msk [tilespmem:v6+s14+$0x0], $0xffff  }
0x521: {  	v7 =	vld.idx.msk [tilespmem:v7+s14+$0x0], $0xffff  }
0x522: {  	v8 =	vld.idx.msk [tilespmem:v8+s14+$0x0], $0xffff  }
0x523: {  	[tilespmem:v10+s15+$0x0] =	vst.idx.add.f32.msk $0xffff, v4  }
0x524: {  	v4 =	vld.idx.msk [tilespmem:v9+s14+$0x0], $0xffff  }
0x525: {  	v9 =	vld.idx.msk [tilespmem:v11+s14+$0x0], $0xffff  }
0x526: {  	v10 =	vld.idx.msk [tilespmem:v12+s14+$0x0], $0xffff  }
0x527: {  	v11 =	vld [tilespmem:s0+$0xFFFFFFC0]  }
0x528: {  	v12 =	vld [tilespmem:s0+$0xFFFFFFD0]  }
0x529: {  	v13 =	vld [tilespmem:s0+$0xFFFFFFE0]  }
0x52a: {  	v14 =	vld [tilespmem:s0+$0xFFFFFFF0]  }
0x52b: {  	v15 =	vld [tilespmem:s0+$0x0]  }
0x52c: {  	v16 =	vld [tilespmem:s0+$0x10]  }
0x52d: {  	v17 =	vld [tilespmem:s0+$0x20]  }
0x52e: {  	[tilespmem:v3+s15+$0x0] =	vst.idx.add.f32.msk $0xffff, v2;
	v2 =	vmov v9  }
0x52f: {  	[tilespmem:v11+s15+$0x0] =	vst.idx.add.f32.msk $0xffff, v10  }
.Ltmp23:
0x530: {  	[tilespmem:v12+s15+$0x0] =	vst.idx.add.f32.msk $0xffff, v5;
	(pc) =	sbr.rel @p1 .LBB2_48-.Ltmp23, $4  }
0x531: {  	[tilespmem:v13+s15+$0x0] =	vst.idx.add.f32.msk $0xffff, v6  }
0x532: {  	[tilespmem:v14+s15+$0x0] =	vst.idx.add.f32.msk $0xffff, v7;
	v3 =	vmov v17  }
0x533: {  	[tilespmem:v15+s15+$0x0] =	vst.idx.add.f32.msk $0xffff, v8  }
0x534: {  	s24 =	sadd.s32 $0x80, s24;
	[tilespmem:v16+s15+$0x0] =	vst.idx.add.f32.msk $0xffff, v4  }
0x535: {  	_ =	sdelay $0x3  }
0x536: {  	[tilespmem:v3+s15+$0x0] =	vst.idx.add.f32.msk $0xffff, v2  }
0x537: {  	[spmem:s8] =	stream.strided.scatter [tilespmem:s15], [sflag:$0x1], $0x2800, s17, s16, $0x38;
	[tilespmem:$0x16C00] =	vst v63  }
0x538: {  	_ =	swait.ge [sflag:s12], $0x2800  }
0x539: {  	[sflag:s12] =	ssyncset.done $0x0  }
0x53a: {  	[sflag:s12] =	ssyncadd.s32 $0xFFFFD800  }
0x53b: {  	s30 =	simm.s32 $0x0;
	[bflag:$0x0] =	sbarrier.arrive $0xFFFF  }
0x53c: {  	[tilespmem:s20], [sflag:$0x1] =	stream.strided.gather [spmem:s9], $0x2800, s19, s18, $0x38;
	[tilespmem:$0x16C00] =	vst v63  }
0x53d: {  	s1 =	sand.u32 $0x60, s30;
	s0 =	sand.u32 $0x1C00, s30;
	_ =	swait.ge [sflag:s12], $0x2800  }
0x53e: {  	s3 =	sadd.s32 $0x11600, s0;
	s29 =	sor.u32 $0x10, s1;
	[sflag:s12] =	ssyncset.done $0x0  }
0x53f: {  	s4 =	sor.u32 s29, s3;
	[sflag:s12] =	ssyncadd.s32 $0xFFFFD800  }
0x540: {  	v2 =	vld [tilespmem:s4+$0x0]  }
0x541: {  	s3 =	sor.u32 s1, s3;
	v3 =	vld [tilespmem:s4+$0x80]  }
0x542: {  	v4 =	vld [tilespmem:s3+$0x0]  }
0x543: {  	v5 =	vld [tilespmem:s4+$0x100]  }
0x544: {  	v6 =	vld [tilespmem:s3+$0x80]  }
0x545: {  	v7 =	vld [tilespmem:s4+$0x180]  }
0x546: {  	v8 =	vld [tilespmem:s3+$0x100]  }
0x547: {  	v9 =	vld [tilespmem:s4+$0x200]  }
0x548: {  	v10 =	vld [tilespmem:s3+$0x180]  }
0x549: {  	v11 =	vld [tilespmem:s4+$0x280]  }
0x54a: {  	v12 =	vld [tilespmem:s3+$0x200]  }
0x54b: {  	v13 =	vld [tilespmem:s4+$0x300]  }
0x54c: {  	v14 =	vld [tilespmem:s3+$0x280]  }
0x54d: {  	s5 =	sadd.s32 $0x12A00, s0;
	v15 =	vld [tilespmem:s4+$0x380]  }
0x54e: {  	s24 =	sor.u32 s29, s5;
	v16 =	vld [tilespmem:s3+$0x300]  }
0x54f: {  	s6 =	sadd.s32 $0x12A80, s0;
	v17 =	vld [tilespmem:s24+$0x0]  }
0x550: {  	s25 =	sor.u32 s29, s6;
	v18 =	vld [tilespmem:s3+$0x380]  }
0x551: {  	s26 =	sor.u32 s1, s5;
	v19 =	vld [tilespmem:s25+$0x0]  }
0x552: {  	s31 =	sadd.s32 $0x12B00, s0;
	s13 =	sor.u32 s1, s6;
	v20 =	vld [tilespmem:s26+$0x0]  }
0x553: {  	s4 =	sor.u32 s29, s31;
	v22 =	vld [tilespmem:s13+$0x0]  }
0x554: {  	s24 =	sadd.s32 $0x12B80, s0;
	s26 =	sor.u32 s1, s31;
	v21 =	vld [tilespmem:s4+$0x0]  }
0x555: {  	s31 =	sadd.s32 $0x12C00, s0;
	s25 =	sor.u32 s29, s24;
	v24 =	vld [tilespmem:s26+$0x0]  }
0x556: {  	s4 =	sor.u32 s29, s31;
	v23 =	vld [tilespmem:s25+$0x0]  }
0x557: {  	s13 =	sadd.s32 $0x12C80, s0;
	s6 =	sor.u32 s1, s24;
	v25 =	vld [tilespmem:s4+$0x0]  }
0x558: {  	s5 =	sadd.s32 $0x12D00, s0;
	s24 =	sor.u32 s29, s13;
	v26 =	vld [tilespmem:s6+$0x0]  }
0x559: {  	s26 =	sor.u32 s29, s5;
	v27 =	vld [tilespmem:s24+$0x0]  }
0x55a: {  	s25 =	sor.u32 s1, s31;
	v29 =	vld [tilespmem:s26+$0x0]  }
0x55b: {  	s31 =	sor.u32 s1, s13;
	s6 =	sadd.s32 $0x12D80, s0;
	v28 =	vld [tilespmem:s25+$0x0]  }
0x55c: {  	s24 =	simm.s32 $0x20;
	v30 =	vld [tilespmem:s31+$0x0];
	s13 =	sor.u32 s29, s6;
	s25 =	simm.s32 $0x100;
	v2 =	vadd.f32 v3, v2  }
0x55d: {  	s31 =	sor.u32 s1, s5;
	s26 =	sand.u32 $0x60, s24;
	s0 =	sand.u32 $0x1C00, s25;
	v3 =	vadd.f32 v6, v4;
	v4 =	vld [tilespmem:s13+$0x0]  }
0x55e: {  	s1 =	sor.u32 s1, s6;
	s25 =	sor.u32 $0x10, s26;
	s5 =	sadd.s32 $0x11600, s0;
	v6 =	vld [tilespmem:s31+$0x0];
	v2 =	vadd.f32 v5, v2  }
0x55f: {  	s6 =	sor.u32 s25, s5;
	v3 =	vadd.f32 v8, v3;
	v5 =	vld [tilespmem:s1+$0x0]  }
0x560: {  	v8 =	vld [tilespmem:s6+$0x0];
	v2 =	vadd.f32 v7, v2  }
0x561: {  	s13 =	sor.u32 s26, s5;
	v3 =	vadd.f32 v10, v3;
	v7 =	vld [tilespmem:s6+$0x80]  }
0x562: {  	v53 =	vld [tilespmem:s13+$0x80];
	v2 =	vadd.f32 v9, v2  }
0x563: {  	v3 =	vadd.f32 v12, v3;
	v9 =	vld [tilespmem:s6+$0x100]  }
0x564: {  	v10 =	vld [tilespmem:s13+$0x0];
	v2 =	vadd.f32 v11, v2  }
0x565: {  	v3 =	vadd.f32 v14, v3;
	v11 =	vld [tilespmem:s6+$0x180]  }
0x566: {  	v7 =	vadd.f32 v7, v8;
	v8 =	vld [tilespmem:s13+$0x100];
	v2 =	vadd.f32 v13, v2  }
0x567: {  	v54 =	vld [tilespmem:s6+$0x200];
	v3 =	vadd.f32 v16, v3  }
0x568: {  	v7 =	vadd.f32 v9, v7;
	v9 =	vld [tilespmem:s13+$0x180];
	v2 =	vadd.f32 v15, v2  }
0x569: {  	v55 =	vld [tilespmem:s6+$0x280];
	v10 =	vadd.f32 v53, v10;
	v3 =	vadd.f32 v18, v3  }
0x56a: {  	v7 =	vadd.f32 v11, v7;
	v11 =	vld [tilespmem:s13+$0x200];
	v2 =	vadd.f32 v17, v2  }
0x56b: {  	v56 =	vld [tilespmem:s6+$0x300];
	v3 =	vadd.f32 v20, v3;
	v8 =	vadd.f32 v8, v10  }
0x56c: {  	v10 =	vld [tilespmem:s13+$0x280];
	v7 =	vadd.f32 v54, v7;
	v2 =	vadd.f32 v19, v2  }
0x56d: {  	s31 =	sadd.s32 $0x12A00, s0;
	v57 =	vld [tilespmem:s6+$0x380];
	v3 =	vadd.f32 v22, v3;
	v8 =	vadd.f32 v9, v8  }
0x56e: {  	s5 =	sor.u32 s25, s31;
	v9 =	vld [tilespmem:s13+$0x300];
	v7 =	vadd.f32 v55, v7;
	v2 =	vadd.f32 v21, v2  }
0x56f: {  	v58 =	vld [tilespmem:s5+$0x0];
	s6 =	sadd.s32 $0x12A80, s0;
	v3 =	vadd.f32 v24, v3;
	v8 =	vadd.f32 v11, v8  }
0x570: {  	v11 =	vld [tilespmem:s13+$0x380];
	s13 =	sor.u32 s25, s6;
	v7 =	vadd.f32 v56, v7;
	v2 =	vadd.f32 v23, v2  }
0x571: {  	s3 =	sor.u32 s26, s31;
	s31 =	sadd.s32 $0x12B00, s0;
	v59 =	vld [tilespmem:s13+$0x0];
	v3 =	vadd.f32 v26, v3;
	v8 =	vadd.f32 v10, v8  }
0x572: {  	v10 =	vld [tilespmem:s3+$0x0];
	s3 =	sor.u32 s25, s31;
	v7 =	vadd.f32 v57, v7;
	v2 =	vadd.f32 v25, v2  }
0x573: {  	s5 =	sor.u32 s26, s6;
	s6 =	sadd.s32 $0x12B80, s0;
	v60 =	vld [tilespmem:s3+$0x0];
	v3 =	vadd.f32 v28, v3;
	v8 =	vadd.f32 v9, v8  }
0x574: {  	s13 =	sor.u32 s25, s6;
	v9 =	vld [tilespmem:s5+$0x0];
	v7 =	vadd.f32 v58, v7;
	v2 =	vadd.f32 v27, v2  }
0x575: {  	s4 =	sadd.s32 $0x12C00, s0;
	s31 =	sor.u32 s26, s31;
	v61 =	vld [tilespmem:s13+$0x0];
	v3 =	vadd.f32 v30, v3;
	v8 =	vadd.f32 v11, v8  }
0x576: {  	s3 =	sor.u32 s25, s4;
	v11 =	vld [tilespmem:s31+$0x0];
	v7 =	vadd.f32 v59, v7;
	v62 =	vadd.f32 v29, v2  }
0x577: {  	s6 =	sor.u32 s26, s6;
	s5 =	sadd.s32 $0x12C80, s0;
	v63 =	vld [tilespmem:s3+$0x0];
	v3 =	vadd.f32 v6, v3;
	v6 =	vadd.f32 v10, v8  }
0x578: {  	s28 =	simm.s32 $0x13E00;
	s13 =	sor.u32 s25, s5;
	v2 =	vld [tilespmem:s6+$0x0];
	v7 =	vadd.f32 v60, v7;
	v8 =	vadd.f32 v4, v62  }
0x579: {  	s4 =	sor.u32 s26, s4;
	s31 =	sand.u32 $0x380, s30;
	s6 =	sadd.s32 $0x12D00, s0;
	v10 =	vadd.f32 v5, v3;
	v3 =	vld [tilespmem:s13+$0x0];
	v6 =	vadd.f32 v9, v6  }
0x57a: {  	s3 =	sadd.s32 $0x12D80, s0;
	s13 =	sor.u32 s29, s31;
	v4 =	vld [tilespmem:s4+$0x0];
	s4 =	sor.u32 s25, s6;
	v7 =	vadd.f32 v61, v7  }
0x57b: {  	s30 =	simm.s32 $0x2;
	s0 =	simm.s32 $0x40;
	s31 =	sor.u32 s26, s5;
	v5 =	vld [tilespmem:s4+$0x0];
	[tilespmem:s13+$0x13E00] =	vst v8;
	v8 =	vadd.f32 v11, v6  }
0x57c: {  	s29 =	simm.s32 $0x200;
	s4 =	sor.u32 s25, s3;
	s13 =	sor.u32 s26, s6;
	[tilespmem:s28+$0x0] =	vst v10;
	v6 =	vld [tilespmem:s31+$0x0];
	v7 =	vadd.f32 v63, v7  }
.LBB2_50:
0x57d: {  	s1 =	sand.u32 $0x1C00, s29;
	v2 =	vadd.f32 v2, v8;
	s3 =	sor.u32 s26, s3;
	s26 =	sand.u32 $0x60, s0;
	v8 =	vld [tilespmem:s4+$0x0]  }
0x57e: {  	s30 =	sadd.s32 $0x2, s30;
	s4 =	sadd.s32 $0x11600, s1;
	s5 =	sor.u32 $0x10, s26;
	v9 =	vld [tilespmem:s13+$0x0];
	v3 =	vadd.f32 v3, v7  }
0x57f: {  	p1 =	slt.u32 s30, $0x26;
	s13 =	sor.u32 s26, s4;
	s4 =	sor.u32 s5, s4;
	v2 =	vadd.f32 v4, v2;
	v4 =	vld [tilespmem:s3+$0x0]  }
0x580: {  	v7 =	vld [tilespmem:s4+$0x0];
	v3 =	vadd.f32 v5, v3  }
0x581: {  	v5 =	vld [tilespmem:s4+$0x80];
	v2 =	vadd.f32 v6, v2  }
0x582: {  	s3 =	sand.u32 $0x380, s24;
	s24 =	smov.u32 s0;
	v6 =	vld [tilespmem:s13+$0x0];
	v3 =	vadd.f32 v8, v3  }
0x583: {  	s3 =	sor.u32 s25, s3;
	s25 =	smov.u32 s5;
	v8 =	vld [tilespmem:s4+$0x100];
	v2 =	vadd.f32 v9, v2  }
0x584: {  	v9 =	vld [tilespmem:s13+$0x80];
	[tilespmem:s3+$0x13E00] =	vst v3  }
0x585: {  	v3 =	vld [tilespmem:s4+$0x180];
	v2 =	vadd.f32 v4, v2  }
0x586: {  	s28 =	sadd.s32 $0x20, s28;
	v4 =	vld [tilespmem:s13+$0x100];
	v5 =	vadd.f32 v5, v7  }
0x587: {  	v7 =	vld [tilespmem:s4+$0x200];
	[tilespmem:s28+$0x0] =	vst v2  }
0x588: {  	v2 =	vld [tilespmem:s13+$0x180];
	v5 =	vadd.f32 v8, v5  }
0x589: {  	v6 =	vadd.f32 v9, v6;
	v8 =	vld [tilespmem:s4+$0x280]  }
0x58a: {  	v9 =	vld [tilespmem:s13+$0x200];
	v3 =	vadd.f32 v3, v5  }
0x58b: {  	v4 =	vadd.f32 v4, v6;
	v5 =	vld [tilespmem:s4+$0x300]  }
0x58c: {  	v6 =	vld [tilespmem:s13+$0x280];
	v3 =	vadd.f32 v7, v3  }
0x58d: {  	s3 =	sadd.s32 $0x12A00, s1;
	v2 =	vadd.f32 v2, v4;
	v4 =	vld [tilespmem:s4+$0x380]  }
0x58e: {  	s4 =	sor.u32 s26, s3;
	s3 =	sor.u32 s25, s3;
	v7 =	vld [tilespmem:s13+$0x300];
	v3 =	vadd.f32 v8, v3  }
0x58f: {  	s5 =	sadd.s32 $0x12A80, s1;
	v2 =	vadd.f32 v9, v2;
	v8 =	vld [tilespmem:s3+$0x0]  }
0x590: {  	s3 =	sor.u32 s26, s5;
	s5 =	sor.u32 s25, s5;
	v9 =	vld [tilespmem:s13+$0x380];
	v3 =	vadd.f32 v5, v3  }
0x591: {  	s6 =	sadd.s32 $0x12B00, s1;
	v2 =	vadd.f32 v6, v2;
	v5 =	vld [tilespmem:s5+$0x0]  }
0x592: {  	s5 =	sor.u32 s25, s6;
	v6 =	vld [tilespmem:s4+$0x0];
	s4 =	sor.u32 s26, s6;
	v3 =	vadd.f32 v4, v3  }
0x593: {  	s6 =	sadd.s32 $0x12B80, s1;
	v2 =	vadd.f32 v7, v2;
	v4 =	vld [tilespmem:s5+$0x0]  }
0x594: {  	s5 =	sor.u32 s25, s6;
	v7 =	vld [tilespmem:s3+$0x0];
	s3 =	sor.u32 s26, s6;
	v3 =	vadd.f32 v8, v3  }
0x595: {  	s6 =	sadd.s32 $0x12C00, s1;
	v2 =	vadd.f32 v9, v2;
	v8 =	vld [tilespmem:s5+$0x0]  }
0x596: {  	s5 =	sor.u32 s25, s6;
	v9 =	vld [tilespmem:s4+$0x0];
	s4 =	sor.u32 s26, s6;
	v3 =	vadd.f32 v5, v3  }
0x597: {  	s6 =	sadd.s32 $0x12C80, s1;
	v5 =	vadd.f32 v6, v2;
	v10 =	vld [tilespmem:s5+$0x0]  }
.Ltmp24:
0x598: {  	s5 =	sor.u32 s26, s6;
	v2 =	vld [tilespmem:s3+$0x0];
	v6 =	vadd.f32 v4, v3;
	s3 =	sor.u32 s25, s6;
	(pc) =	sbr.rel @p1 .LBB2_50-.Ltmp24, $4  }
0x599: {  	s6 =	sadd.s32 $0x12D00, s1;
	v5 =	vadd.f32 v7, v5;
	v3 =	vld [tilespmem:s3+$0x0]  }
0x59a: {  	s13 =	sor.u32 s26, s6;
	v4 =	vld [tilespmem:s4+$0x0];
	v7 =	vadd.f32 v8, v6;
	s4 =	sor.u32 s25, s6  }
0x59b: {  	s3 =	sadd.s32 $0x12D80, s1;
	v8 =	vadd.f32 v9, v5;
	v5 =	vld [tilespmem:s4+$0x0]  }
0x59c: {  	s29 =	sadd.s32 $0x100, s29;
	s0 =	sadd.s32 $0x20, s0;
	s4 =	sor.u32 s25, s3;
	v6 =	vld [tilespmem:s5+$0x0];
	v7 =	vadd.f32 v10, v7  }
0x59d: {  	v2 =	vadd.f32 v2, v8  }
0x59e: {  	v63 =	vld [tilespmem:s13+$0x0]  }
0x59f: {  	s0 =	sor.u32 s26, s3;
	v9 =	vld [tilespmem:s4+$0x0];
	v2 =	vadd.f32 v4, v2  }
0x5a0: {  	v3 =	vadd.f32 v3, v7;
	v4 =	vld [tilespmem:s0+$0x0]  }
0x5a1: {  	v2 =	vadd.f32 v6, v2  }
0x5a2: {  	v3 =	vadd.f32 v5, v3  }
0x5a3: {  	v2 =	vadd.f32 v63, v2  }
0x5a4: {  	s30 =	sand.u32 $0x380, s24;
	v3 =	vadd.f32 v9, v3  }
0x5a5: {  	s0 =	sor.u32 s25, s30;
	v2 =	vadd.f32 v4, v2  }
0x5a6: {  	s31 =	sadd.s32 $0x20, s28;
	[tilespmem:s0+$0x13E00] =	vst v3  }
0x5a7: {  	[tilespmem:s31+$0x0] =	vst v2  }
0x5a8: {  	[spmem:s10] =	stream.linear.scatter [tilespmem:s21], [sflag:$0x1], $0x280, $0x38;
	[tilespmem:$0x16C00] =	vst v63  }
0x5a9: {  	_ =	swait.ge [sflag:s12], $0x280  }
0x5aa: {  	[sflag:s12] =	ssyncset.done $0x0  }
0x5ab: {  	[sflag:s12] =	ssyncadd.s32 $0xFFFFFD80  }
0x5ac: {  	[bflag:$0x0] =	sbarrier.arrive $0xFFFF  }
0x5ad: {  	[tilespmem:s22], [sflag:$0x1] =	stream.linear.gather [spmem:s2], $0x2800, $0x38;
	[tilespmem:$0x16C00] =	vst v63  }
0x5ae: {  	_ =	swait.ge [sflag:s12], $0x2800  }
0x5af: {  	[sflag:s12] =	ssyncset.done $0x0  }
0x5b0: {  	s1 =	simm.s32 $0x0;
	[sflag:s12] =	ssyncadd.s32 $0xFFFFD800  }
0x5b1: {  	v3 =	vld [tilespmem:s1+$0x9E00]  }
0x5b2: {  	s0 =	simm.s32 $0x40;
	v4 =	vimm.f32 $0.0e+00;
	v2 =	vimm.f32 $0.0e+00;
	v5 =	vld [tilespmem:s1+$0xEE00]  }
.LBB2_52:
0x5b3: {  	_ = 	snop  }
0x5b4: {  	p1 =	sne.s32 s0, $0x9C00  }
.Ltmp25:
0x5b5: {  	_ = 	snop;
	(pc) =	sbr.rel @p1 .LBB2_52-.Ltmp25, $4  }
0x5b6: {  	_ = 	snop  }
0x5b7: {  	s1 =	sshra.s32 s0, $0x2;
	v6 =	vmul.f32 v3, v3;
	v7 =	vmul.f32 v5, v3  }
0x5b8: {  	v3 =	vld [tilespmem:s1+$0x9E00]  }
0x5b9: {  	s0 =	sadd.s32 $0x40, s0;
	v5 =	vld [tilespmem:s1+$0xEE00];
	v2 =	vadd.f32 v6, v2;
	v4 =	vadd.f32 v7, v4  }
0x5ba: {  	_ =	sdelay $0x3  }
0x5bb: {  	v5 =	vmul.f32 v5, v3  }
0x5bc: {  	v3 =	vmul.f32 v3, v3  }
0x5bd: {  	v4 =	vadd.f32 v5, v4  }
0x5be: {  	v2 =	vadd.f32 v3, v2  }
0x5bf: {  	[tilespmem:$0x14080] =	vst v4  }
0x5c0: {  	s0 =	simm.s32 @!p0 $0x0;
	s1 =	simm.s32 @!p0 $0x14080;
	s3 =	rddreg [dreg:$0x5];
	[tilespmem:$0x14100] =	vst v2  }
0x5c1: {  	[hbm4b:s3+s0] =	stream.linear.scatter @!p0 [tilespmem:s1], [sflag:$0x1], $0x80, $0x38;
	[tilespmem:$0x16C00] =	vst v63  }
0x5c2: {  	s1 =	simm.s32 @!p0 $0x1  }
0x5c3: {  	s23 =	sadd.s32 $0x1, s23;
	_ =	swait.ge @!p0 [sflag:s1], $0x80  }
0x5c4: {  	p1 =	sne.s32 s23, s11;
	s3 =	simm.s32 @!p0 $0x14100;
	[sflag:s1] =	ssyncset.done @!p0 $0x0  }
.Ltmp26:
0x5c5: {  	s4 =	rddreg [dreg:$0x6];
	[sflag:s1] =	ssyncadd.s32 @!p0 $0xFFFFFF80;
	(pc) =	sbr.rel @p1 .LBB2_1-.Ltmp26, $4  }
0x5c6: {  	[hbm4b:s4+s0] =	stream.linear.scatter @!p0 [tilespmem:s3], [sflag:$0x1], $0x80, $0x38;
	[tilespmem:$0x16C00] =	vst v63  }
0x5c7: {  	_ =	swait.ge @!p0 [sflag:s1], $0x80  }
0x5c8: {  	[sflag:s1] =	ssyncset.done @!p0 $0x0  }
0x5c9: {  	[sflag:s1] =	ssyncadd.s32 @!p0 $0xFFFFFF80  }
0x5ca: {  	_ =	sfence.sel $0x180000  }
0x5cb: {  	[bflag:$0x0] =	sbarrier.arrive $0xFFFF  }
0x5cc: {  	_ =	strace $0x90000047  }
0x5cd: {  	s0 =	stileid.u32;
	[bflag:$0x2] =	sbarrier.arrive $0xFFFF  }
0x5ce: {  	p0 =	sne.s32 s0, $0x0;
	s0 =	rddreg [dreg:$0x4]  }
0x5cf: {  	s0 =	sadd.s32 @!p0 $0x100000, s0  }
0x5d0: {  	[sflag:s0] =	ssyncadd.tile.s32 @!p0 $0x1;
	_ =	shalt  }
.Lfunc_end2:
_tile_overlayer_lowered:
.L_overlay_start_2:
0x5d1: {  	(tag) =	ssettag $0x2  }
0x5d2: {  	s0 =	rddreg [dreg:$0x0];
	s2 =	stileid.u32  }
0x5d3: {  	s1 =	rddreg [dreg:$0x1];
	p0 =	sne.s32 s2, $0x0  }
0x5d4: {  	s3 =	rddreg [dreg:$0x2];
	[bflag:$0x3] =	sbarrier.arrive $0xFFFF;
	s2 =	simm.s32 @!p0 $0x1C01  }
0x5d5: {  	[timem:s3], [sflag:s2] =	dma.local @!p0 [hbm:s0], s1  }
0x5d6: {  	s0 =	simm.s32 @!p0 $0x1  }
0x5d7: {  	_ =	swait.ge @!p0 [sflag:s0], s1  }
0x5d8: {  	s1 =	ssub.s32 @!p0 $0x0, s1;
	[sflag:s0] =	ssyncset.done @!p0 $0x0  }
0x5d9: {  	[sflag:s0] =	ssyncadd.s32 @!p0 s1  }
0x5da: {  	[bflag:$0x3] =	sbarrier.arrive $0xFFFF  }
0x5db: {  	_ =	shalt  }

</sc_bundles>
